<compile_context>
chip_gen: v7x
topology: tpu7x:2x2x1
jax: 0.10.2.dev20260603
libtpu: 0.0.44.dev20260713+nightly
codegen_flags: <defaults>
</compile_context>

<pallas_src>
import functools

import jax
import jax.numpy as jnp
import numpy as np
from jax import lax
from jax.experimental import pallas as pl
from jax.experimental.pallas import tpu as pltpu
from jax.experimental.pallas import tpu_sc as plsc

F = 128
F3 = 384
NRBF = 20
CUT = 5.0
N = 10000
E = 160000

NC, NS = 2, 16
P = 3
NW = NC * NS
RT = 112
NOUT = P * NW * RT
SLAB_ROWS = 128
DUMMY = RT
CE = 4000
K = 16
CW = F3 + F
WMW = F3 + 3 * F
WM2 = F3 + F


def _phiv_body(s_ref, w1_ref, b1_ref, w2_ref, b2_ref, vx_ref, vy_ref, vz_ref,
               out_ref):
    x = s_ref[...]
    h = jnp.dot(x, w1_ref[...], preferred_element_type=jnp.float32) + b1_ref[...]
    h = h * jax.nn.sigmoid(h)
    out_ref[:, :F3] = (
        jnp.dot(h, w2_ref[...], preferred_element_type=jnp.float32) + b2_ref[...]
    )
    out_ref[:, F3:F3 + F] = vx_ref[...]
    out_ref[:, F3 + F:F3 + 2 * F] = vy_ref[...]
    out_ref[:, F3 + 2 * F:] = vz_ref[...]


def _compute_phiv(s, W1, b1, W2, b2, vtx, vty, vtz):
    blk = 2000
    return pl.pallas_call(
        _phiv_body,
        grid=(N // blk,),
        in_specs=[
            pl.BlockSpec((blk, F), lambda i: (i, 0)),
            pl.BlockSpec((F, F), lambda i: (0, 0)),
            pl.BlockSpec((1, F), lambda i: (0, 0)),
            pl.BlockSpec((F, F3), lambda i: (0, 0)),
            pl.BlockSpec((1, F3), lambda i: (0, 0)),
            pl.BlockSpec((blk, F), lambda i: (i, 0)),
            pl.BlockSpec((blk, F), lambda i: (i, 0)),
            pl.BlockSpec((blk, F), lambda i: (i, 0)),
        ],
        out_specs=pl.BlockSpec((blk, WMW), lambda i: (i, 0)),
        out_shape=jax.ShapeDtypeStruct((N, WMW), jnp.float32),
    )(s, W1, b1.reshape(1, F), W2, b2.reshape(1, F3), vtx, vty, vtz)


def _wmat_body(en_ref, diff_ref, wr_ref, br_ref, out_ref):
    en = en_ref[0, 0, :]
    nk = (lax.broadcasted_iota(jnp.int32, (1, NRBF), 1) + 1).astype(
        jnp.float32) * (np.pi / CUT)
    inv = 1.0 / en
    rbf = jnp.sin(en[:, None] * nk) * inv[:, None]
    wm = jnp.dot(rbf, wr_ref[...], preferred_element_type=jnp.float32) + br_ref[...]
    fcut = 0.5 * (jnp.cos(en * (np.pi / CUT)) + 1.0)
    wm = wm * fcut[:, None]
    out_ref[:, :F3] = wm
    blk = en.shape[0]
    u3 = diff_ref[...] * inv[:, None]
    out_ref[:, F3:] = jnp.concatenate(
        [u3, jnp.zeros((blk, F - 3), jnp.float32)], axis=1)


def _compute_wmat(edges_norm, edges_diff, Wr, br):
    blk = 2000
    return pl.pallas_call(
        _wmat_body,
        grid=(E // blk,),
        in_specs=[
            pl.BlockSpec((1, 1, blk), lambda i: (i, 0, 0)),
            pl.BlockSpec((blk, 3), lambda i: (i, 0)),
            pl.BlockSpec((NRBF, F3), lambda i: (0, 0)),
            pl.BlockSpec((1, F3), lambda i: (0, 0)),
        ],
        out_specs=pl.BlockSpec((blk, WM2), lambda i: (i, 0)),
        out_shape=jax.ShapeDtypeStruct((E, WM2), jnp.float32),
    )(edges_norm.reshape(E // blk, 1, blk), edges_diff, Wr, br.reshape(1, F3))


def _sc_edges_body(phiv, wmat, it_h, jt_h, out,
                   slab, cbufa, jcbufa, cbufb, jcbufb, sel,
                   pva, pvb, wma, wmb, iloca, ilocb,
                   jidxa, jidxb, eidxa, eidxb, sema, semb, semf,
                   semca, semcb):
    c = lax.axis_index("c")
    s = lax.axis_index("s")
    wid = s * NC + c
    iota16 = lax.broadcasted_iota(jnp.int32, (16,), 0)
    zero16 = jnp.zeros((16,), jnp.float32)

    bufs = ((pva, wma, iloca, jidxa, eidxa, sema),
            (pvb, wmb, ilocb, jidxb, eidxb, semb))

    def _prep(b, cb, lo, bset, cbuf, jcbuf):
        pv, wm, iloc_r, jidx, eidx, sem = bset
        ecand = sel[pl.ds(b, 16)]
        valid = ecand >= 0
        e16 = jnp.where(valid, ecand, 0)
        j16 = plsc.load_gather(jcbuf, [e16])
        i16 = plsc.load_gather(cbuf, [e16])
        jidx[...] = j16
        eidx[...] = e16 + cb
        iloc_r[...] = jnp.where(valid, i16 - lo, DUMMY)

        @pl.when(jnp.any(valid))
        def _():
            pltpu.async_copy(phiv.at[jidx], pv, sem)
            pltpu.async_copy(wmat.at[eidx], wm, sem)

    def _compute(bset):
        pv, wm, iloc_r, jidx, eidx, sem = bset

        @pl.when(jnp.any(iloc_r[...] != DUMMY))
        def _go():
            pltpu.make_async_copy(phiv.at[pl.ds(0, K)], pv, sem).wait()
            pltpu.make_async_copy(wmat.at[pl.ds(0, K)], wm, sem).wait()

            @plsc.parallel_loop(0, K, 1, unroll=1)
            def _edge(q):
                qv = jnp.full((16,), q, jnp.int32)
                rb = plsc.load_gather(iloc_r, [qv])
                uq = [plsc.load_gather(wm, [qv, jnp.full((16,), F3 + d, jnp.int32)])
                      for d in range(3)]
                vals = []
                for t in range(8):
                    vals.append((F3 + 16 * t + iota16,
                                 pv[q, pl.ds(F + 16 * t, 16)]
                                 * wm[q, pl.ds(F + 16 * t, 16)]))
                for t in range(8):
                    fidx = 16 * t + iota16
                    s1t = pv[q, pl.ds(16 * t, 16)] * wm[q, pl.ds(16 * t, 16)]
                    t3 = (pv[q, pl.ds(2 * F + 16 * t, 16)]
                          * wm[q, pl.ds(2 * F + 16 * t, 16)])
                    for d in range(3):
                        vals.append((3 * fidx + d,
                                     s1t * pv[q, pl.ds(F3 + d * F + 16 * t, 16)]
                                     + t3 * uq[d]))
                    if len(vals) >= 20:
                        for cidx, val in vals:
                            plsc.addupdate_scatter(slab, [rb, cidx], val)
                        vals = []
                for cidx, val in vals:
                    plsc.addupdate_scatter(slab, [rb, cidx], val)

    def _drain(bset):
        pv, wm, iloc_r, _, _, sem = bset

        @pl.when(jnp.any(iloc_r[...] != DUMMY))
        def _():
            pltpu.make_async_copy(phiv.at[pl.ds(0, K)], pv, sem).wait()
            pltpu.make_async_copy(wmat.at[pl.ds(0, K)], wm, sem).wait()

    def _pass(p, _0):
        lo = (wid * P + p) * RT

        @plsc.parallel_loop(0, SLAB_ROWS * (CW // 16), 1, unroll=4)
        def _zs(t):
            slab[t // (CW // 16), pl.ds((t % (CW // 16)) * 16, 16)] = zero16

        def _stage(ch, cbuf, jcbuf, semc):
            cb = jnp.minimum(ch, E // CE - 1) * CE
            pltpu.async_copy(it_h.at[pl.ds(cb, CE)], cbuf, semc)
            pltpu.async_copy(jt_h.at[pl.ds(cb, CE)], jcbuf, semc)

        def _stage_wait(cbuf, jcbuf, semc):
            pltpu.make_async_copy(it_h.at[pl.ds(0, CE)], cbuf, semc).wait()
            pltpu.make_async_copy(jt_h.at[pl.ds(0, CE)], jcbuf, semc).wait()

        def _one_chunk(ch, cbuf, jcbuf):
            cb = ch * CE

            @plsc.parallel_loop(0, CE // 16, 1, unroll=4,
                                carry=jnp.zeros((16,), jnp.int32))
            def tot(t, tot_c):
                ii = cbuf[pl.ds(t * 16, 16)]
                m = (ii >= lo) & (ii < lo + RT)
                pref = plsc.cumsum(m.astype(jnp.int32))
                plsc.store_scatter(sel, [tot_c + pref - 1], t * 16 + iota16, mask=m)
                return tot_c + plsc.all_reduce_population_count(m)
            neg1 = jnp.full((16,), -1, jnp.int32)
            for w in range(4):
                plsc.store_scatter(sel, [tot + 16 * w + iota16], neg1)

            _drain(bufs[0])
            _prep(0, cb, lo, bufs[0], cbuf, jcbuf)

            def _batch_cond(carry):
                return carry[1]

            def _batch(carry):
                base, _ = carry
                _prep(base + K, cb, lo, bufs[1], cbuf, jcbuf)
                _compute(bufs[0])
                _prep(base + 2 * K, cb, lo, bufs[0], cbuf, jcbuf)
                _compute(bufs[1])
                cont = (jnp.any(sel[pl.ds(base + 2 * K, 16)] >= 0)
                        | jnp.any(sel[pl.ds(base + 3 * K, 16)] >= 0))
                return base + 2 * K, cont

            lax.while_loop(_batch_cond, _batch, (jnp.int32(0), jnp.bool_(True)))

        def _chunk2(k, _):
            ch = 2 * k
            _stage_wait(cbufa, jcbufa, semca)
            _stage(ch + 1, cbufb, jcbufb, semcb)
            _one_chunk(ch, cbufa, jcbufa)
            _stage_wait(cbufb, jcbufb, semcb)
            _stage(ch + 2, cbufa, jcbufa, semca)
            _one_chunk(ch + 1, cbufb, jcbufb)
            return 0

        jidxa[...] = jnp.zeros((16,), jnp.int32)
        eidxa[...] = jnp.zeros((16,), jnp.int32)
        iloca[...] = jnp.zeros((16,), jnp.int32)
        pltpu.async_copy(phiv.at[jidxa], pva, sema)
        pltpu.async_copy(wmat.at[eidxa], wma, sema)
        _stage(0, cbufa, jcbufa, semca)
        lax.fori_loop(0, E // CE // 2, _chunk2, 0)
        _stage_wait(cbufa, jcbufa, semca)

        cps = []
        for t in range(RT // 16):
            cps.append(pltpu.async_copy(slab.at[pl.ds(t * 16, 16)],
                                        out.at[pl.ds(lo + t * 16, 16)], semf))
        _drain(bufs[0])
        for cp in cps:
            cp.wait()
        return 0

    lax.fori_loop(0, P, _pass, 0)


def _sc_edges(phiv, wmat, it_, jt_):
    f32, i32 = jnp.float32, jnp.int32
    mesh = plsc.VectorSubcoreMesh(core_axis_name="c", subcore_axis_name="s")
    fn = pl.kernel(
        _sc_edges_body,
        out_type=jax.ShapeDtypeStruct((NOUT, CW), f32),
        mesh=mesh,
        compiler_params=pltpu.CompilerParams(needs_layout_passes=False),
        scratch_types=[
            pltpu.VMEM((SLAB_ROWS, CW), f32),
            pltpu.VMEM((CE,), i32),
            pltpu.VMEM((CE,), i32),
            pltpu.VMEM((CE,), i32),
            pltpu.VMEM((CE,), i32),
            pltpu.VMEM((CE + 80,), i32),
            pltpu.VMEM((K, WMW), f32),
            pltpu.VMEM((K, WMW), f32),
            pltpu.VMEM((K, WM2), f32),
            pltpu.VMEM((K, WM2), f32),
            pltpu.VMEM((K,), i32),
            pltpu.VMEM((K,), i32),
            pltpu.VMEM((K,), i32),
            pltpu.VMEM((K,), i32),
            pltpu.VMEM((K,), i32),
            pltpu.VMEM((K,), i32),
            pltpu.SemaphoreType.DMA,
            pltpu.SemaphoreType.DMA,
            pltpu.SemaphoreType.DMA,
            pltpu.SemaphoreType.DMA,
            pltpu.SemaphoreType.DMA,
        ],
    )
    return fn(phiv, wmat, it_, jt_)


def kernel(v, s, edges_indices, edges_diff, edges_norm, W1, b1, W2, b2, Wr, br):
    vt = v.transpose(2, 0, 1)
    phiv = _compute_phiv(s, W1, b1, W2, b2, vt[0], vt[1], vt[2])
    wmat = _compute_wmat(edges_norm, edges_diff, Wr, br)
    it_ = edges_indices[:, 0]
    jt_ = edges_indices[:, 1]
    out = _sc_edges(phiv, wmat, it_, jt_)
    dv = out[:N, :F3].reshape(N, F, 3)
    ds = out[:N, F3:]
    return (dv, ds)

# --- scband reference (transcript-rebuilt; emitter-appended) ---
"""Pipeline reference for scband-pai-nn-10582799417832 (READ-ONLY COPY).

The authoritative reference and input builder live on the scoring server;
editing this copy changes nothing except your own understanding.
"""

import jax, jax.numpy as jnp
import numpy as np

NUM_FEATURES = 128
NUM_RBF = 20
CUTOFF = 5.0
N_NODES = 10000
N_EDGES = 160000


def setup_inputs(seed: int = 0) -> dict:
    key = jax.random.key(seed)
    ks = jax.random.split(key, 12)
    v = jax.random.normal(ks[0], (N_NODES, NUM_FEATURES, 3), dtype=jnp.float32)
    s = jax.random.normal(ks[1], (N_NODES, NUM_FEATURES), dtype=jnp.float32)
    edges_indices = jax.random.randint(ks[2], (N_EDGES, 2), 0, N_NODES, dtype=jnp.int32)
    edges_diff = jax.random.normal(ks[3], (N_EDGES, 3), dtype=jnp.float32)
    edges_norm = jax.random.uniform(ks[4], (N_EDGES,), minval=0.1, maxval=CUTOFF, dtype=jnp.float32)
    # phi_mlp: Linear(F, F) -> SiLU -> Linear(F, 3F); rbf_layer: Linear(NUM_RBF, 3F)
    W1 = jax.random.normal(ks[5], (NUM_FEATURES, NUM_FEATURES), dtype=jnp.float32) / np.sqrt(NUM_FEATURES)
    b1 = jnp.zeros((NUM_FEATURES,), dtype=jnp.float32)
    W2 = jax.random.normal(ks[6], (NUM_FEATURES, 3 * NUM_FEATURES), dtype=jnp.float32) / np.sqrt(NUM_FEATURES)
    b2 = jnp.zeros((3 * NUM_FEATURES,), dtype=jnp.float32)
    Wr = jax.random.normal(ks[7], (NUM_RBF, 3 * NUM_FEATURES), dtype=jnp.float32) / np.sqrt(NUM_RBF)
    br = jnp.zeros((3 * NUM_FEATURES,), dtype=jnp.float32)
    return {"v": v, "s": s, "edges_indices": edges_indices, "edges_diff": edges_diff,
            "edges_norm": edges_norm, "W1": W1, "b1": b1, "W2": W2, "b2": b2, "Wr": Wr, "br": br}


def reference(v, s, edges_indices, edges_diff, edges_norm, W1, b1, W2, b2, Wr, br):
    # phi = phi_mlp(s)
    phi = jax.nn.silu(s @ W1 + b1) @ W2 + b2  # [N, 3F]
    # radial basis functions
    n = jnp.arange(1, NUM_RBF + 1, dtype=jnp.float32) * jnp.pi / CUTOFF
    en = edges_norm[:, None]
    rbf = jnp.sin(en * n) / en  # [E, NUM_RBF]
    rbf_out = rbf @ Wr + br  # [E, 3F]
    # cosine cutoff
    fcut = 0.5 * (jnp.cos(jnp.pi * edges_norm / CUTOFF) + 1.0)  # [E]
    Wmat = rbf_out * fcut[:, None]  # [E, 3F]
    i = edges_indices[:, 0]
    j = edges_indices[:, 1]
    split_input = jnp.take(phi, j, axis=0) * Wmat  # [E, 3F]
    s1 = split_input[:, :NUM_FEATURES]
    s2 = split_input[:, NUM_FEATURES:2 * NUM_FEATURES]
    s3 = split_input[:, 2 * NUM_FEATURES:]
    edges_unit = edges_diff / edges_norm[:, None]  # [E, 3]
    prod_s1 = s1[:, :, None] * jnp.take(v, j, axis=0)  # [E, F, 3]
    prod_s3 = s3[:, :, None] * edges_unit[:, None, :]  # [E, F, 3]
    sum_s1_s3 = prod_s1 + prod_s3
    dv = jnp.zeros_like(v).at[i].add(sum_s1_s3)
    ds = jnp.zeros_like(s).at[i].add(s2)
    return (dv, ds)

if __name__ == "__main__":
    import jax
    _d = setup_inputs()
    print(jax.jit(kernel)(*tuple(_d.values())))

</pallas_src>

<mosaic_0001>
#map = affine_map<(d0, d1) -> (0, 0)>
#map1 = affine_map<(d0, d1) -> (0)>
module attributes {stable_mosaic.version = 14 : i64} {
  func.func @_sc_edges_body(%arg0: i32, %arg1: i32, %arg2: memref<10000x768xf32, #tpu.memory_space<hbm>>, %arg3: memref<160000x512xf32, #tpu.memory_space<hbm>>, %arg4: memref<160000xi32, #tpu.memory_space<hbm>>, %arg5: memref<160000xi32, #tpu.memory_space<hbm>>, %arg6: memref<10752x512xf32, #tpu.memory_space<hbm>>, %arg7: memref<128x512xf32, #tpu.memory_space<vmem>>, %arg8: memref<4000xi32, #tpu.memory_space<vmem>>, %arg9: memref<4000xi32, #tpu.memory_space<vmem>>, %arg10: memref<4000xi32, #tpu.memory_space<vmem>>, %arg11: memref<4000xi32, #tpu.memory_space<vmem>>, %arg12: memref<4080xi32, #tpu.memory_space<vmem>>, %arg13: memref<16x768xf32, #tpu.memory_space<vmem>>, %arg14: memref<16x768xf32, #tpu.memory_space<vmem>>, %arg15: memref<16x512xf32, #tpu.memory_space<vmem>>, %arg16: memref<16x512xf32, #tpu.memory_space<vmem>>, %arg17: memref<16xi32, #tpu.memory_space<vmem>>, %arg18: memref<16xi32, #tpu.memory_space<vmem>>, %arg19: memref<16xi32, #tpu.memory_space<vmem>>, %arg20: memref<16xi32, #tpu.memory_space<vmem>>, %arg21: memref<16xi32, #tpu.memory_space<vmem>>, %arg22: memref<16xi32, #tpu.memory_space<vmem>>, %arg23: memref<!tpu.dma_semaphore, #tpu.memory_space<semaphore_mem>>, %arg24: memref<!tpu.dma_semaphore, #tpu.memory_space<semaphore_mem>>, %arg25: memref<!tpu.dma_semaphore, #tpu.memory_space<semaphore_mem>>, %arg26: memref<!tpu.dma_semaphore, #tpu.memory_space<semaphore_mem>>, %arg27: memref<!tpu.dma_semaphore, #tpu.memory_space<semaphore_mem>>) attributes {dimension_semantics = [#tpu.dimension_semantics<core_parallel>, #tpu.dimension_semantics<subcore_parallel>], iteration_bounds = array<i64: 2, 16>, scalar_prefetch = 0 : i64, scratch_operands = 21 : i64, tpu.core_type = #tpu.core_type<sc_vector_subcore>, window_params = [{transform_indices = #map}, {transform_indices = #map}, {transform_indices = #map1}, {transform_indices = #map1}, {transform_indices = #map}]} {
    %mul3A = arith.constant 2 : i32
    %mul3A_0 = arith.muli %arg1, %mul3A : i32
    %add3A = arith.addi %mul3A_0, %arg0 : i32
    %iota3A = tpu.iota {dimensions = array<i32: 0>} : vector<16xi32>
    %broadcast_in_dim3A = arith.constant 0.000000e+00 : f32
    %broadcast_in_dim3A_1 = vector.broadcast %broadcast_in_dim3A : f32 to vector<16xf32>
    %scan3A = arith.constant 0 : i32
    %scan3A_2 = arith.constant 0 : i32
    %scan3A_3 = arith.constant 3 : i32
    %scan3A_4 = arith.addi %scan3A_2, %scan3A_3 : i32
    %scan3A_5 = arith.constant 1 : i32
    %scan3A_6 = scf.for %scan3A_8 = %scan3A_2 to %scan3A_4 step %scan3A_5 iter_args(%scan3A_9 = %scan3A) -> (i32)  : i32 {
      %mul3A_10 = arith.constant 3 : i32
      %mul3A_11 = arith.muli %add3A, %mul3A_10 : i32
      %add3A_12 = arith.addi %mul3A_11, %scan3A_8 : i32
      %mul3A_13 = arith.constant 112 : i32
      %mul3A_14 = arith.muli %add3A_12, %mul3A_13 : i32
      %parallel_loop3A = arith.constant 0 : i32
      %parallel_loop3A_15 = arith.constant 4096 : i32
      %parallel_loop3A_16 = arith.constant 1 : i32
      scf.for %parallel_loop3A_224 = %parallel_loop3A to %parallel_loop3A_15 step %parallel_loop3A_16  : i32 {
        %parallel_loop3A_225 = arith.constant 32 : i32
        %parallel_loop3A_226 = arith.divsi %parallel_loop3A_224, %parallel_loop3A_225 : i32
        %parallel_loop3A_227 = arith.constant 0 : i32
        %parallel_loop3A_228 = arith.cmpi sgt, %parallel_loop3A_224, %parallel_loop3A_227 : i32
        %parallel_loop3A_229 = arith.extui %parallel_loop3A_228 : i1 to i32
        %parallel_loop3A_230 = arith.constant 0 : i32
        %parallel_loop3A_231 = arith.cmpi slt, %parallel_loop3A_224, %parallel_loop3A_230 : i32
        %parallel_loop3A_232 = arith.extui %parallel_loop3A_231 : i1 to i32
        %parallel_loop3A_233 = arith.subi %parallel_loop3A_229, %parallel_loop3A_232 : i32
        %parallel_loop3A_234 = arith.constant 0 : i32
        %parallel_loop3A_235 = arith.cmpi sgt, %parallel_loop3A_225, %parallel_loop3A_234 : i32
        %parallel_loop3A_236 = arith.extui %parallel_loop3A_235 : i1 to i32
        %parallel_loop3A_237 = arith.constant 0 : i32
        %parallel_loop3A_238 = arith.cmpi slt, %parallel_loop3A_225, %parallel_loop3A_237 : i32
        %parallel_loop3A_239 = arith.extui %parallel_loop3A_238 : i1 to i32
        %parallel_loop3A_240 = arith.subi %parallel_loop3A_236, %parallel_loop3A_239 : i32
        %parallel_loop3A_241 = arith.cmpi ne, %parallel_loop3A_233, %parallel_loop3A_240 : i32
        %parallel_loop3A_242 = arith.remsi %parallel_loop3A_224, %parallel_loop3A_225 : i32
        %parallel_loop3A_243 = arith.constant 0 : i32
        %parallel_loop3A_244 = arith.cmpi ne, %parallel_loop3A_242, %parallel_loop3A_243 : i32
        %parallel_loop3A_245 = arith.andi %parallel_loop3A_241, %parallel_loop3A_244 : i1
        %parallel_loop3A_246 = arith.constant 1 : i32
        %parallel_loop3A_247 = arith.subi %parallel_loop3A_226, %parallel_loop3A_246 : i32
        %parallel_loop3A_248 = arith.select %parallel_loop3A_245, %parallel_loop3A_247, %parallel_loop3A_226 : i32
        %parallel_loop3A_249 = arith.constant 32 : i32
        %parallel_loop3A_250 = arith.constant 0 : i32
        %parallel_loop3A_251 = arith.cmpi eq, %parallel_loop3A_249, %parallel_loop3A_250 : i32
        %parallel_loop3A_252 = arith.constant 1 : i32
        %parallel_loop3A_253 = arith.select %parallel_loop3A_251, %parallel_loop3A_252, %parallel_loop3A_249 : i32
        %parallel_loop3A_254 = arith.remsi %parallel_loop3A_224, %parallel_loop3A_253 : i32
        %parallel_loop3A_255 = arith.constant 0 : i32
        %parallel_loop3A_256 = arith.cmpi ne, %parallel_loop3A_254, %parallel_loop3A_255 : i32
        %parallel_loop3A_257 = arith.constant 0 : i32
        %parallel_loop3A_258 = arith.cmpi slt, %parallel_loop3A_254, %parallel_loop3A_257 : i32
        %parallel_loop3A_259 = arith.constant 0 : i32
        %parallel_loop3A_260 = arith.cmpi slt, %parallel_loop3A_253, %parallel_loop3A_259 : i32
        %parallel_loop3A_261 = arith.xori %parallel_loop3A_258, %parallel_loop3A_260 : i1
        %parallel_loop3A_262 = arith.andi %parallel_loop3A_261, %parallel_loop3A_256 : i1
        %parallel_loop3A_263 = arith.addi %parallel_loop3A_254, %parallel_loop3A_253 : i32
        %parallel_loop3A_264 = arith.select %parallel_loop3A_262, %parallel_loop3A_263, %parallel_loop3A_254 : i32
        %parallel_loop3A_265 = arith.constant 16 : i32
        %parallel_loop3A_266 = arith.muli %parallel_loop3A_264, %parallel_loop3A_265 : i32
        %parallel_loop3A_267 = arith.index_cast %parallel_loop3A_248 : i32 to index
        %parallel_loop3A_268 = arith.index_cast %parallel_loop3A_266 : i32 to index
        %parallel_loop3A_269 = tpu.vector_load %arg7[%parallel_loop3A_267, %parallel_loop3A_268] {strides = array<i32>} : memref<128x512xf32, #tpu.memory_space<vmem>>, vector<16xf32>,
        tpu.vector_store %arg7[%parallel_loop3A_267, %parallel_loop3A_268], %broadcast_in_dim3A_1 {strides = array<i32>} : memref<128x512xf32, #tpu.memory_space<vmem>>, vector<16xf32>,
      } {sc.loop_unroll_factor = 4 : i64, sc.parallel_access}
      %broadcast_in_dim3A_17 = arith.constant 0 : i32
      %broadcast_in_dim3A_18 = vector.broadcast %broadcast_in_dim3A_17 : i32 to vector<16xi32>
      %swap3A = arith.constant 0 : index
      %swap3A_19 = tpu.vector_load %arg19[%swap3A] {strides = array<i32>} : memref<16xi32, #tpu.memory_space<vmem>>, vector<16xi32>,
      tpu.vector_store %arg19[%swap3A], %broadcast_in_dim3A_18 {strides = array<i32>} : memref<16xi32, #tpu.memory_space<vmem>>, vector<16xi32>,
      %broadcast_in_dim3A_20 = arith.constant 0 : i32
      %broadcast_in_dim3A_21 = vector.broadcast %broadcast_in_dim3A_20 : i32 to vector<16xi32>
      %swap3A_22 = arith.constant 0 : index
      %swap3A_23 = tpu.vector_load %arg21[%swap3A_22] {strides = array<i32>} : memref<16xi32, #tpu.memory_space<vmem>>, vector<16xi32>,
      tpu.vector_store %arg21[%swap3A_22], %broadcast_in_dim3A_21 {strides = array<i32>} : memref<16xi32, #tpu.memory_space<vmem>>, vector<16xi32>,
      %broadcast_in_dim3A_24 = arith.constant 0 : i32
      %broadcast_in_dim3A_25 = vector.broadcast %broadcast_in_dim3A_24 : i32 to vector<16xi32>
      %swap3A_26 = arith.constant 0 : index
      %swap3A_27 = tpu.vector_load %arg17[%swap3A_26] {strides = array<i32>} : memref<16xi32, #tpu.memory_space<vmem>>, vector<16xi32>,
      tpu.vector_store %arg17[%swap3A_26], %broadcast_in_dim3A_25 {strides = array<i32>} : memref<16xi32, #tpu.memory_space<vmem>>, vector<16xi32>,
      %dma_start3A = arith.constant 0 : i32
      %dma_start3A_28 = arith.constant 0 : i32
      %dma_start3A_29 = tpu.memref_slice %arg2[%dma_start3A, %dma_start3A_28] : memref<10000x768xf32, #tpu.memory_space<hbm>> -> memref<10000x768xf32, #tpu.memory_space<hbm>>
      tpu.enqueue_indirect_dma source(%dma_start3A_29 : memref<10000x768xf32, #tpu.memory_space<hbm>>) target(%arg13 : memref<16x768xf32, #tpu.memory_space<vmem>>) offsets(%arg19 : memref<16xi32, #tpu.memory_space<vmem>>) semaphore(%arg23 : memref<!tpu.dma_semaphore, #tpu.memory_space<semaphore_mem>>)
      %dma_start3A_30 = arith.constant 0 : i32
      %dma_start3A_31 = arith.constant 0 : i32
      %dma_start3A_32 = tpu.memref_slice %arg3[%dma_start3A_30, %dma_start3A_31] : memref<160000x512xf32, #tpu.memory_space<hbm>> -> memref<160000x512xf32, #tpu.memory_space<hbm>>
      tpu.enqueue_indirect_dma source(%dma_start3A_32 : memref<160000x512xf32, #tpu.memory_space<hbm>>) target(%arg15 : memref<16x512xf32, #tpu.memory_space<vmem>>) offsets(%arg21 : memref<16xi32, #tpu.memory_space<vmem>>) semaphore(%arg23 : memref<!tpu.dma_semaphore, #tpu.memory_space<semaphore_mem>>)
      %min3A = arith.constant 0 : i32
      %min3A_33 = arith.constant 39 : i32
      %min3A_34 = arith.minsi %min3A, %min3A_33 : i32
      %mul3A_35 = arith.constant 4000 : i32
      %mul3A_36 = arith.muli %min3A_34, %mul3A_35 : i32
      %dma_start3A_37 = tpu.memref_slice %arg4[%mul3A_36] : memref<160000xi32, #tpu.memory_space<hbm>> -> memref<4000xi32, #tpu.memory_space<hbm>>
      %dma_start3A_38 = tpu.memref_slice %arg4[%mul3A_36] : memref<160000xi32, #tpu.memory_space<hbm>> -> memref<4000xi32, #tpu.memory_space<hbm>>
      tpu.enqueue_dma source(%dma_start3A_38 : memref<4000xi32, #tpu.memory_space<hbm>>) target(%arg8 : memref<4000xi32, #tpu.memory_space<vmem>>) target_semaphore(%arg26 : memref<!tpu.dma_semaphore, #tpu.memory_space<semaphore_mem>>)
      %dma_start3A_39 = tpu.memref_slice %arg5[%mul3A_36] : memref<160000xi32, #tpu.memory_space<hbm>> -> memref<4000xi32, #tpu.memory_space<hbm>>
      %dma_start3A_40 = tpu.memref_slice %arg5[%mul3A_36] : memref<160000xi32, #tpu.memory_space<hbm>> -> memref<4000xi32, #tpu.memory_space<hbm>>
      tpu.enqueue_dma source(%dma_start3A_40 : memref<4000xi32, #tpu.memory_space<hbm>>) target(%arg9 : memref<4000xi32, #tpu.memory_space<vmem>>) target_semaphore(%arg26 : memref<!tpu.dma_semaphore, #tpu.memory_space<semaphore_mem>>)
      %scan3A_41 = arith.constant 0 : i32
      %scan3A_42 = arith.constant 0 : i32
      %scan3A_43 = arith.constant 20 : i32
      %scan3A_44 = arith.addi %scan3A_42, %scan3A_43 : i32
      %scan3A_45 = arith.constant 1 : i32
      %scan3A_46 = scf.for %scan3A_224 = %scan3A_42 to %scan3A_44 step %scan3A_45 iter_args(%scan3A_225 = %scan3A_41) -> (i32)  : i32 {
        %mul3A_226 = arith.constant 2 : i32
        %mul3A_227 = arith.muli %mul3A_226, %scan3A_224 : i32
        %dma_wait3A_228 = arith.constant 0 : i32
        %dma_wait3A_229 = tpu.memref_slice %arg4[%dma_wait3A_228] : memref<160000xi32, #tpu.memory_space<hbm>> -> memref<4000xi32, #tpu.memory_space<hbm>>
        %dma_wait3A_230 = arith.constant 0 : i32
        %dma_wait3A_231 = tpu.memref_slice %arg4[%dma_wait3A_230] : memref<160000xi32, #tpu.memory_space<hbm>> -> memref<4000xi32, #tpu.memory_space<hbm>>
        tpu.wait_dma2 semaphore(%arg26 : memref<!tpu.dma_semaphore, #tpu.memory_space<semaphore_mem>>) src(%dma_wait3A_231 : memref<4000xi32, #tpu.memory_space<hbm>>) dst(%arg8 : memref<4000xi32, #tpu.memory_space<vmem>>)
        %dma_wait3A_232 = arith.constant 0 : i32
        %dma_wait3A_233 = tpu.memref_slice %arg5[%dma_wait3A_232] : memref<160000xi32, #tpu.memory_space<hbm>> -> memref<4000xi32, #tpu.memory_space<hbm>>
        %dma_wait3A_234 = arith.constant 0 : i32
        %dma_wait3A_235 = tpu.memref_slice %arg5[%dma_wait3A_234] : memref<160000xi32, #tpu.memory_space<hbm>> -> memref<4000xi32, #tpu.memory_space<hbm>>
        tpu.wait_dma2 semaphore(%arg26 : memref<!tpu.dma_semaphore, #tpu.memory_space<semaphore_mem>>) src(%dma_wait3A_235 : memref<4000xi32, #tpu.memory_space<hbm>>) dst(%arg9 : memref<4000xi32, #tpu.memory_space<vmem>>)
        %add3A_236 = arith.constant 1 : i32
        %add3A_237 = arith.addi %mul3A_227, %add3A_236 : i32
        %min3A_238 = arith.constant 39 : i32
        %min3A_239 = arith.minsi %add3A_237, %min3A_238 : i32
        %mul3A_240 = arith.constant 4000 : i32
        %mul3A_241 = arith.muli %min3A_239, %mul3A_240 : i32
        %dma_start3A_242 = tpu.memref_slice %arg4[%mul3A_241] : memref<160000xi32, #tpu.memory_space<hbm>> -> memref<4000xi32, #tpu.memory_space<hbm>>
        %dma_start3A_243 = tpu.memref_slice %arg4[%mul3A_241] : memref<160000xi32, #tpu.memory_space<hbm>> -> memref<4000xi32, #tpu.memory_space<hbm>>
        tpu.enqueue_dma source(%dma_start3A_243 : memref<4000xi32, #tpu.memory_space<hbm>>) target(%arg10 : memref<4000xi32, #tpu.memory_space<vmem>>) target_semaphore(%arg27 : memref<!tpu.dma_semaphore, #tpu.memory_space<semaphore_mem>>)
        %dma_start3A_244 = tpu.memref_slice %arg5[%mul3A_241] : memref<160000xi32, #tpu.memory_space<hbm>> -> memref<4000xi32, #tpu.memory_space<hbm>>
        %dma_start3A_245 = tpu.memref_slice %arg5[%mul3A_241] : memref<160000xi32, #tpu.memory_space<hbm>> -> memref<4000xi32, #tpu.memory_space<hbm>>
        tpu.enqueue_dma source(%dma_start3A_245 : memref<4000xi32, #tpu.memory_space<hbm>>) target(%arg11 : memref<4000xi32, #tpu.memory_space<vmem>>) target_semaphore(%arg27 : memref<!tpu.dma_semaphore, #tpu.memory_space<semaphore_mem>>)
        %mul3A_246 = arith.constant 4000 : i32
        %mul3A_247 = arith.muli %mul3A_227, %mul3A_246 : i32
        %broadcast_in_dim3A_248 = arith.constant 0 : i32
        %broadcast_in_dim3A_249 = vector.broadcast %broadcast_in_dim3A_248 : i32 to vector<16xi32>
        %parallel_loop3A_250 = arith.constant 0 : i32
        %parallel_loop3A_251 = arith.constant 250 : i32
        %parallel_loop3A_252 = arith.constant 1 : i32
        %parallel_loop3A_253 = scf.for %parallel_loop3A_431 = %parallel_loop3A_250 to %parallel_loop3A_251 step %parallel_loop3A_252 iter_args(%parallel_loop3A_432 = %broadcast_in_dim3A_249) -> (vector<16xi32>)  : i32 {
          %parallel_loop3A_433 = arith.constant 16 : i32
          %parallel_loop3A_434 = arith.muli %parallel_loop3A_431, %parallel_loop3A_433 : i32
          %parallel_loop3A_435 = arith.index_cast %parallel_loop3A_434 : i32 to index
          %parallel_loop3A_436 = tpu.vector_load %arg8[%parallel_loop3A_435] {strides = array<i32>} : memref<4000xi32, #tpu.memory_space<vmem>>, vector<16xi32>,
          %parallel_loop3A_437 = vector.broadcast %mul3A_14 : i32 to vector<16xi32>
          %parallel_loop3A_438 = arith.cmpi sge, %parallel_loop3A_436, %parallel_loop3A_437 : vector<16xi32>
          %parallel_loop3A_439 = arith.constant 112 : i32
          %parallel_loop3A_440 = arith.addi %mul3A_14, %parallel_loop3A_439 : i32
          %parallel_loop3A_441 = vector.broadcast %parallel_loop3A_440 : i32 to vector<16xi32>
          %parallel_loop3A_442 = arith.cmpi slt, %parallel_loop3A_436, %parallel_loop3A_441 : vector<16xi32>
          %parallel_loop3A_443 = arith.andi %parallel_loop3A_438, %parallel_loop3A_442 : vector<16xi1>
          %parallel_loop3A_444 = arith.extui %parallel_loop3A_443 : vector<16xi1> to vector<16xi32>
          %parallel_loop3A_445 = arith.constant true
          %parallel_loop3A_446 = vector.broadcast %parallel_loop3A_445 : i1 to vector<16xi1>
          %parallel_loop3A_447 = tpu.scan <sum>, %parallel_loop3A_444 masked %parallel_loop3A_446 : vector<16xi32>, vector<16xi1> -> vector<16xi32>
          %parallel_loop3A_448 = arith.addi %parallel_loop3A_432, %parallel_loop3A_447 : vector<16xi32>
          %parallel_loop3A_449 = arith.constant 1 : i32
          %parallel_loop3A_450 = vector.broadcast %parallel_loop3A_449 : i32 to vector<16xi32>
          %parallel_loop3A_451 = arith.subi %parallel_loop3A_448, %parallel_loop3A_450 : vector<16xi32>
          %parallel_loop3A_452 = arith.constant 16 : i32
          %parallel_loop3A_453 = arith.muli %parallel_loop3A_431, %parallel_loop3A_452 : i32
          %parallel_loop3A_454 = vector.broadcast %parallel_loop3A_453 : i32 to vector<16xi32>
          %parallel_loop3A_455 = arith.addi %parallel_loop3A_454, %iota3A : vector<16xi32>
          tpu.vector_store_idx %arg12[%parallel_loop3A_451], %parallel_loop3A_455 masked %parallel_loop3A_443 : memref<4080xi32, #tpu.memory_space<vmem>>[vector<16xi32>], vector<16xi32>, vector<16xi1>
          %parallel_loop3A_456 = tpu.all_reduce %parallel_loop3A_443 {dim = 0 : i64, kind = #tpu.reduction_kind<sum>} : vector<16xi1> -> vector<16xi32>
          %parallel_loop3A_457 = arith.addi %parallel_loop3A_432, %parallel_loop3A_456 : vector<16xi32>
          scf.yield %parallel_loop3A_457 : vector<16xi32>
        } {sc.loop_unroll_factor = 4 : i64, sc.parallel_access}
        %broadcast_in_dim3A_254 = arith.constant -1 : i32
        %broadcast_in_dim3A_255 = vector.broadcast %broadcast_in_dim3A_254 : i32 to vector<16xi32>
        %add3A_256 = arith.constant 0 : i32
        %add3A_257 = vector.broadcast %add3A_256 : i32 to vector<16xi32>
        %add3A_258 = arith.addi %parallel_loop3A_253, %add3A_257 : vector<16xi32>
        %add3A_259 = arith.addi %add3A_258, %iota3A : vector<16xi32>
        tpu.vector_store_idx %arg12[%add3A_259], %broadcast_in_dim3A_255 : memref<4080xi32, #tpu.memory_space<vmem>>[vector<16xi32>], vector<16xi32>,
        %add3A_260 = arith.constant 16 : i32
        %add3A_261 = vector.broadcast %add3A_260 : i32 to vector<16xi32>
        %add3A_262 = arith.addi %parallel_loop3A_253, %add3A_261 : vector<16xi32>
        %add3A_263 = arith.addi %add3A_262, %iota3A : vector<16xi32>
        tpu.vector_store_idx %arg12[%add3A_263], %broadcast_in_dim3A_255 : memref<4080xi32, #tpu.memory_space<vmem>>[vector<16xi32>], vector<16xi32>,
        %add3A_264 = arith.constant 32 : i32
        %add3A_265 = vector.broadcast %add3A_264 : i32 to vector<16xi32>
        %add3A_266 = arith.addi %parallel_loop3A_253, %add3A_265 : vector<16xi32>
        %add3A_267 = arith.addi %add3A_266, %iota3A : vector<16xi32>
        tpu.vector_store_idx %arg12[%add3A_267], %broadcast_in_dim3A_255 : memref<4080xi32, #tpu.memory_space<vmem>>[vector<16xi32>], vector<16xi32>,
        %add3A_268 = arith.constant 48 : i32
        %add3A_269 = vector.broadcast %add3A_268 : i32 to vector<16xi32>
        %add3A_270 = arith.addi %parallel_loop3A_253, %add3A_269 : vector<16xi32>
        %add3A_271 = arith.addi %add3A_270, %iota3A : vector<16xi32>
        tpu.vector_store_idx %arg12[%add3A_271], %broadcast_in_dim3A_255 : memref<4080xi32, #tpu.memory_space<vmem>>[vector<16xi32>], vector<16xi32>,
        %get3A_272 = arith.constant 0 : index
        %get3A_273 = tpu.vector_load %arg17[%get3A_272] {strides = array<i32>} : memref<16xi32, #tpu.memory_space<vmem>>, vector<16xi32>,
        %ne3A_274 = arith.constant 112 : i32
        %ne3A_275 = vector.broadcast %ne3A_274 : i32 to vector<16xi32>
        %ne3A_276 = arith.cmpi ne, %get3A_273, %ne3A_275 : vector<16xi32>
        %reduce_or3A_277 = arith.constant 1.000000e+00 : f32
        %reduce_or3A_278 = arith.constant 0.000000e+00 : f32
        %reduce_or3A_279 = vector.broadcast %reduce_or3A_277 : f32 to vector<16xf32>
        %reduce_or3A_280 = vector.broadcast %reduce_or3A_278 : f32 to vector<16xf32>
        %reduce_or3A_281 = arith.select %ne3A_276, %reduce_or3A_279, %reduce_or3A_280 : vector<16xi1>, vector<16xf32>
        %reduce_or3A_282 = arith.constant true
        %reduce_or3A_283 = vector.broadcast %reduce_or3A_282 : i1 to vector<16xi1>
        %reduce_or3A_284 = tpu.scan <max>, %reduce_or3A_281 masked %reduce_or3A_283 : vector<16xf32>, vector<16xi1> -> vector<16xf32>
        %reduce_or3A_285 = vector.extract %reduce_or3A_284[15] : f32 from vector<16xf32>
        %reduce_or3A_286 = arith.constant 0.000000e+00 : f32
        %reduce_or3A_287 = arith.cmpf ogt, %reduce_or3A_285, %reduce_or3A_286 : f32
        %convert_element_type3A_288 = arith.extui %reduce_or3A_287 : i1 to i32
        %cond3A_289 = arith.constant 0 : i32
        %cond3A_290 = arith.cmpi ne, %convert_element_type3A_288, %cond3A_289 : i32
        scf.if %cond3A_290 {
          %dma_wait3A_431 = arith.constant 0 : i32
          %dma_wait3A_432 = arith.constant 0 : i32
          %dma_wait3A_433 = tpu.memref_slice %arg2[%dma_wait3A_431, %dma_wait3A_432] : memref<10000x768xf32, #tpu.memory_space<hbm>> -> memref<16x768xf32, #tpu.memory_space<hbm>>
          %dma_wait3A_434 = arith.constant 0 : i32
          %dma_wait3A_435 = arith.constant 0 : i32
          %dma_wait3A_436 = tpu.memref_slice %arg2[%dma_wait3A_434, %dma_wait3A_435] : memref<10000x768xf32, #tpu.memory_space<hbm>> -> memref<16x768xf32, #tpu.memory_space<hbm>>
          tpu.wait_dma2 semaphore(%arg23 : memref<!tpu.dma_semaphore, #tpu.memory_space<semaphore_mem>>) src(%dma_wait3A_436 : memref<16x768xf32, #tpu.memory_space<hbm>>) dst(%arg13 : memref<16x768xf32, #tpu.memory_space<vmem>>)
          %dma_wait3A_437 = arith.constant 0 : i32
          %dma_wait3A_438 = arith.constant 0 : i32
          %dma_wait3A_439 = tpu.memref_slice %arg3[%dma_wait3A_437, %dma_wait3A_438] : memref<160000x512xf32, #tpu.memory_space<hbm>> -> memref<16x512xf32, #tpu.memory_space<hbm>>
          %dma_wait3A_440 = arith.constant 0 : i32
          %dma_wait3A_441 = arith.constant 0 : i32
          %dma_wait3A_442 = tpu.memref_slice %arg3[%dma_wait3A_440, %dma_wait3A_441] : memref<160000x512xf32, #tpu.memory_space<hbm>> -> memref<16x512xf32, #tpu.memory_space<hbm>>
          tpu.wait_dma2 semaphore(%arg23 : memref<!tpu.dma_semaphore, #tpu.memory_space<semaphore_mem>>) src(%dma_wait3A_442 : memref<16x512xf32, #tpu.memory_space<hbm>>) dst(%arg15 : memref<16x512xf32, #tpu.memory_space<vmem>>)
        } else {
        }
        %get3A_291 = arith.constant 0 : index
        %get3A_292 = tpu.vector_load %arg12[%get3A_291] {strides = array<i32>} : memref<4080xi32, #tpu.memory_space<vmem>>, vector<16xi32>,
        %ge3A = arith.constant 0 : i32
        %ge3A_293 = vector.broadcast %ge3A : i32 to vector<16xi32>
        %ge3A_294 = arith.cmpi sge, %get3A_292, %ge3A_293 : vector<16xi32>
        %jit3A = arith.constant 0 : i32
        %broadcast_in_dim3A_295 = vector.broadcast %jit3A : i32 to vector<16xi32>
        %select_n3A = arith.select %ge3A_294, %get3A_292, %broadcast_in_dim3A_295 : vector<16xi1>, vector<16xi32>
        %gather3A = tpu.vector_load_idx %arg9[%select_n3A] : memref<4000xi32, #tpu.memory_space<vmem>>[vector<16xi32>], vector<16xi32>,
        %gather3A_296 = tpu.vector_load_idx %arg8[%select_n3A] : memref<4000xi32, #tpu.memory_space<vmem>>[vector<16xi32>], vector<16xi32>,
        %swap3A_297 = arith.constant 0 : index
        %swap3A_298 = tpu.vector_load %arg19[%swap3A_297] {strides = array<i32>} : memref<16xi32, #tpu.memory_space<vmem>>, vector<16xi32>,
        tpu.vector_store %arg19[%swap3A_297], %gather3A {strides = array<i32>} : memref<16xi32, #tpu.memory_space<vmem>>, vector<16xi32>,
        %add3A_299 = vector.broadcast %mul3A_247 : i32 to vector<16xi32>
        %add3A_300 = arith.addi %select_n3A, %add3A_299 : vector<16xi32>
        %swap3A_301 = arith.constant 0 : index
        %swap3A_302 = tpu.vector_load %arg21[%swap3A_301] {strides = array<i32>} : memref<16xi32, #tpu.memory_space<vmem>>, vector<16xi32>,
        tpu.vector_store %arg21[%swap3A_301], %add3A_300 {strides = array<i32>} : memref<16xi32, #tpu.memory_space<vmem>>, vector<16xi32>,
        %sub3A = vector.broadcast %mul3A_14 : i32 to vector<16xi32>
        %sub3A_303 = arith.subi %gather3A_296, %sub3A : vector<16xi32>
        %jit3A_304 = arith.constant 112 : i32
        %broadcast_in_dim3A_305 = vector.broadcast %jit3A_304 : i32 to vector<16xi32>
        %select_n3A_306 = arith.select %ge3A_294, %sub3A_303, %broadcast_in_dim3A_305 : vector<16xi1>, vector<16xi32>
        %swap3A_307 = arith.constant 0 : index
        %swap3A_308 = tpu.vector_load %arg17[%swap3A_307] {strides = array<i32>} : memref<16xi32, #tpu.memory_space<vmem>>, vector<16xi32>,
        tpu.vector_store %arg17[%swap3A_307], %select_n3A_306 {strides = array<i32>} : memref<16xi32, #tpu.memory_space<vmem>>, vector<16xi32>,
        %reduce_or3A_309 = arith.constant 1.000000e+00 : f32
        %reduce_or3A_310 = arith.constant 0.000000e+00 : f32
        %reduce_or3A_311 = vector.broadcast %reduce_or3A_309 : f32 to vector<16xf32>
        %reduce_or3A_312 = vector.broadcast %reduce_or3A_310 : f32 to vector<16xf32>
        %reduce_or3A_313 = arith.select %ge3A_294, %reduce_or3A_311, %reduce_or3A_312 : vector<16xi1>, vector<16xf32>
        %reduce_or3A_314 = arith.constant true
        %reduce_or3A_315 = vector.broadcast %reduce_or3A_314 : i1 to vector<16xi1>
        %reduce_or3A_316 = tpu.scan <max>, %reduce_or3A_313 masked %reduce_or3A_315 : vector<16xf32>, vector<16xi1> -> vector<16xf32>
        %reduce_or3A_317 = vector.extract %reduce_or3A_316[15] : f32 from vector<16xf32>
        %reduce_or3A_318 = arith.constant 0.000000e+00 : f32
        %reduce_or3A_319 = arith.cmpf ogt, %reduce_or3A_317, %reduce_or3A_318 : f32
        %convert_element_type3A_320 = arith.extui %reduce_or3A_319 : i1 to i32
        %cond3A_321 = arith.constant 0 : i32
        %cond3A_322 = arith.cmpi ne, %convert_element_type3A_320, %cond3A_321 : i32
        scf.if %cond3A_322 {
          %dma_start3A_431 = arith.constant 0 : i32
          %dma_start3A_432 = arith.constant 0 : i32
          %dma_start3A_433 = tpu.memref_slice %arg2[%dma_start3A_431, %dma_start3A_432] : memref<10000x768xf32, #tpu.memory_space<hbm>> -> memref<10000x768xf32, #tpu.memory_space<hbm>>
          tpu.enqueue_indirect_dma source(%dma_start3A_433 : memref<10000x768xf32, #tpu.memory_space<hbm>>) target(%arg13 : memref<16x768xf32, #tpu.memory_space<vmem>>) offsets(%arg19 : memref<16xi32, #tpu.memory_space<vmem>>) semaphore(%arg23 : memref<!tpu.dma_semaphore, #tpu.memory_space<semaphore_mem>>)
          %dma_start3A_434 = arith.constant 0 : i32
          %dma_start3A_435 = arith.constant 0 : i32
          %dma_start3A_436 = tpu.memref_slice %arg3[%dma_start3A_434, %dma_start3A_435] : memref<160000x512xf32, #tpu.memory_space<hbm>> -> memref<160000x512xf32, #tpu.memory_space<hbm>>
          tpu.enqueue_indirect_dma source(%dma_start3A_436 : memref<160000x512xf32, #tpu.memory_space<hbm>>) target(%arg15 : memref<16x512xf32, #tpu.memory_space<vmem>>) offsets(%arg21 : memref<16xi32, #tpu.memory_space<vmem>>) semaphore(%arg23 : memref<!tpu.dma_semaphore, #tpu.memory_space<semaphore_mem>>)
        } else {
        }
        %while3A = arith.constant 0 : i32
        %while3A_323 = arith.constant true
        %while3A_324:2 = scf.while (%while3A_431 = %while3A, %while3A_432 = %while3A_323) : (i32, i1) -> (i32, i1) {
          scf.condition(%while3A_432) %while3A_431, %while3A_432 : i32, i1
        } do {
        ^bb0(%while3A_431: i32, %while3A_432: i1):
          %add3A_433 = arith.constant 16 : i32
          %add3A_434 = arith.addi %while3A_431, %add3A_433 : i32
          %get3A_435 = arith.index_cast %add3A_434 : i32 to index
          %get3A_436 = tpu.vector_load %arg12[%get3A_435] {strides = array<i32>} : memref<4080xi32, #tpu.memory_space<vmem>>, vector<16xi32>,
          %ge3A_437 = arith.constant 0 : i32
          %ge3A_438 = vector.broadcast %ge3A_437 : i32 to vector<16xi32>
          %ge3A_439 = arith.cmpi sge, %get3A_436, %ge3A_438 : vector<16xi32>
          %jit3A_440 = arith.constant 0 : i32
          %broadcast_in_dim3A_441 = vector.broadcast %jit3A_440 : i32 to vector<16xi32>
          %select_n3A_442 = arith.select %ge3A_439, %get3A_436, %broadcast_in_dim3A_441 : vector<16xi1>, vector<16xi32>
          %gather3A_443 = tpu.vector_load_idx %arg9[%select_n3A_442] : memref<4000xi32, #tpu.memory_space<vmem>>[vector<16xi32>], vector<16xi32>,
          %gather3A_444 = tpu.vector_load_idx %arg8[%select_n3A_442] : memref<4000xi32, #tpu.memory_space<vmem>>[vector<16xi32>], vector<16xi32>,
          %swap3A_445 = arith.constant 0 : index
          %swap3A_446 = tpu.vector_load %arg20[%swap3A_445] {strides = array<i32>} : memref<16xi32, #tpu.memory_space<vmem>>, vector<16xi32>,
          tpu.vector_store %arg20[%swap3A_445], %gather3A_443 {strides = array<i32>} : memref<16xi32, #tpu.memory_space<vmem>>, vector<16xi32>,
          %add3A_447 = vector.broadcast %mul3A_247 : i32 to vector<16xi32>
          %add3A_448 = arith.addi %select_n3A_442, %add3A_447 : vector<16xi32>
          %swap3A_449 = arith.constant 0 : index
          %swap3A_450 = tpu.vector_load %arg22[%swap3A_449] {strides = array<i32>} : memref<16xi32, #tpu.memory_space<vmem>>, vector<16xi32>,
          tpu.vector_store %arg22[%swap3A_449], %add3A_448 {strides = array<i32>} : memref<16xi32, #tpu.memory_space<vmem>>, vector<16xi32>,
          %sub3A_451 = vector.broadcast %mul3A_14 : i32 to vector<16xi32>
          %sub3A_452 = arith.subi %gather3A_444, %sub3A_451 : vector<16xi32>
          %jit3A_453 = arith.constant 112 : i32
          %broadcast_in_dim3A_454 = vector.broadcast %jit3A_453 : i32 to vector<16xi32>
          %select_n3A_455 = arith.select %ge3A_439, %sub3A_452, %broadcast_in_dim3A_454 : vector<16xi1>, vector<16xi32>
          %swap3A_456 = arith.constant 0 : index
          %swap3A_457 = tpu.vector_load %arg18[%swap3A_456] {strides = array<i32>} : memref<16xi32, #tpu.memory_space<vmem>>, vector<16xi32>,
          tpu.vector_store %arg18[%swap3A_456], %select_n3A_455 {strides = array<i32>} : memref<16xi32, #tpu.memory_space<vmem>>, vector<16xi32>,
          %reduce_or3A_458 = arith.constant 1.000000e+00 : f32
          %reduce_or3A_459 = arith.constant 0.000000e+00 : f32
          %reduce_or3A_460 = vector.broadcast %reduce_or3A_458 : f32 to vector<16xf32>
          %reduce_or3A_461 = vector.broadcast %reduce_or3A_459 : f32 to vector<16xf32>
          %reduce_or3A_462 = arith.select %ge3A_439, %reduce_or3A_460, %reduce_or3A_461 : vector<16xi1>, vector<16xf32>
          %reduce_or3A_463 = arith.constant true
          %reduce_or3A_464 = vector.broadcast %reduce_or3A_463 : i1 to vector<16xi1>
          %reduce_or3A_465 = tpu.scan <max>, %reduce_or3A_462 masked %reduce_or3A_464 : vector<16xf32>, vector<16xi1> -> vector<16xf32>
          %reduce_or3A_466 = vector.extract %reduce_or3A_465[15] : f32 from vector<16xf32>
          %reduce_or3A_467 = arith.constant 0.000000e+00 : f32
          %reduce_or3A_468 = arith.cmpf ogt, %reduce_or3A_466, %reduce_or3A_467 : f32
          %convert_element_type3A_469 = arith.extui %reduce_or3A_468 : i1 to i32
          %cond3A_470 = arith.constant 0 : i32
          %cond3A_471 = arith.cmpi ne, %convert_element_type3A_469, %cond3A_470 : i32
          scf.if %cond3A_471 {
            %dma_start3A_587 = arith.constant 0 : i32
            %dma_start3A_588 = arith.constant 0 : i32
            %dma_start3A_589 = tpu.memref_slice %arg2[%dma_start3A_587, %dma_start3A_588] : memref<10000x768xf32, #tpu.memory_space<hbm>> -> memref<10000x768xf32, #tpu.memory_space<hbm>>
            tpu.enqueue_indirect_dma source(%dma_start3A_589 : memref<10000x768xf32, #tpu.memory_space<hbm>>) target(%arg14 : memref<16x768xf32, #tpu.memory_space<vmem>>) offsets(%arg20 : memref<16xi32, #tpu.memory_space<vmem>>) semaphore(%arg24 : memref<!tpu.dma_semaphore, #tpu.memory_space<semaphore_mem>>)
            %dma_start3A_590 = arith.constant 0 : i32
            %dma_start3A_591 = arith.constant 0 : i32
            %dma_start3A_592 = tpu.memref_slice %arg3[%dma_start3A_590, %dma_start3A_591] : memref<160000x512xf32, #tpu.memory_space<hbm>> -> memref<160000x512xf32, #tpu.memory_space<hbm>>
            tpu.enqueue_indirect_dma source(%dma_start3A_592 : memref<160000x512xf32, #tpu.memory_space<hbm>>) target(%arg16 : memref<16x512xf32, #tpu.memory_space<vmem>>) offsets(%arg22 : memref<16xi32, #tpu.memory_space<vmem>>) semaphore(%arg24 : memref<!tpu.dma_semaphore, #tpu.memory_space<semaphore_mem>>)
          } else {
          }
          %get3A_472 = arith.constant 0 : index
          %get3A_473 = tpu.vector_load %arg17[%get3A_472] {strides = array<i32>} : memref<16xi32, #tpu.memory_space<vmem>>, vector<16xi32>,
          %ne3A_474 = arith.constant 112 : i32
          %ne3A_475 = vector.broadcast %ne3A_474 : i32 to vector<16xi32>
          %ne3A_476 = arith.cmpi ne, %get3A_473, %ne3A_475 : vector<16xi32>
          %reduce_or3A_477 = arith.constant 1.000000e+00 : f32
          %reduce_or3A_478 = arith.constant 0.000000e+00 : f32
          %reduce_or3A_479 = vector.broadcast %reduce_or3A_477 : f32 to vector<16xf32>
          %reduce_or3A_480 = vector.broadcast %reduce_or3A_478 : f32 to vector<16xf32>
          %reduce_or3A_481 = arith.select %ne3A_476, %reduce_or3A_479, %reduce_or3A_480 : vector<16xi1>, vector<16xf32>
          %reduce_or3A_482 = arith.constant true
          %reduce_or3A_483 = vector.broadcast %reduce_or3A_482 : i1 to vector<16xi1>
          %reduce_or3A_484 = tpu.scan <max>, %reduce_or3A_481 masked %reduce_or3A_483 : vector<16xf32>, vector<16xi1> -> vector<16xf32>
          %reduce_or3A_485 = vector.extract %reduce_or3A_484[15] : f32 from vector<16xf32>
          %reduce_or3A_486 = arith.constant 0.000000e+00 : f32
          %reduce_or3A_487 = arith.cmpf ogt, %reduce_or3A_485, %reduce_or3A_486 : f32
          %convert_element_type3A_488 = arith.extui %reduce_or3A_487 : i1 to i32
          %cond3A_489 = arith.constant 0 : i32
          %cond3A_490 = arith.cmpi ne, %convert_element_type3A_488, %cond3A_489 : i32
          scf.if %cond3A_490 {
            %dma_wait3A_587 = arith.constant 0 : i32
            %dma_wait3A_588 = arith.constant 0 : i32
            %dma_wait3A_589 = tpu.memref_slice %arg2[%dma_wait3A_587, %dma_wait3A_588] : memref<10000x768xf32, #tpu.memory_space<hbm>> -> memref<16x768xf32, #tpu.memory_space<hbm>>
            %dma_wait3A_590 = arith.constant 0 : i32
            %dma_wait3A_591 = arith.constant 0 : i32
            %dma_wait3A_592 = tpu.memref_slice %arg2[%dma_wait3A_590, %dma_wait3A_591] : memref<10000x768xf32, #tpu.memory_space<hbm>> -> memref<16x768xf32, #tpu.memory_space<hbm>>
            tpu.wait_dma2 semaphore(%arg23 : memref<!tpu.dma_semaphore, #tpu.memory_space<semaphore_mem>>) src(%dma_wait3A_592 : memref<16x768xf32, #tpu.memory_space<hbm>>) dst(%arg13 : memref<16x768xf32, #tpu.memory_space<vmem>>)
            %dma_wait3A_593 = arith.constant 0 : i32
            %dma_wait3A_594 = arith.constant 0 : i32
            %dma_wait3A_595 = tpu.memref_slice %arg3[%dma_wait3A_593, %dma_wait3A_594] : memref<160000x512xf32, #tpu.memory_space<hbm>> -> memref<16x512xf32, #tpu.memory_space<hbm>>
            %dma_wait3A_596 = arith.constant 0 : i32
            %dma_wait3A_597 = arith.constant 0 : i32
            %dma_wait3A_598 = tpu.memref_slice %arg3[%dma_wait3A_596, %dma_wait3A_597] : memref<160000x512xf32, #tpu.memory_space<hbm>> -> memref<16x512xf32, #tpu.memory_space<hbm>>
            tpu.wait_dma2 semaphore(%arg23 : memref<!tpu.dma_semaphore, #tpu.memory_space<semaphore_mem>>) src(%dma_wait3A_598 : memref<16x512xf32, #tpu.memory_space<hbm>>) dst(%arg15 : memref<16x512xf32, #tpu.memory_space<vmem>>)
            %parallel_loop3A_599 = arith.constant 0 : i32
            %parallel_loop3A_600 = arith.constant 16 : i32
            %parallel_loop3A_601 = arith.constant 1 : i32
            scf.for %parallel_loop3A_602 = %parallel_loop3A_599 to %parallel_loop3A_600 step %parallel_loop3A_601  : i32 {
              %parallel_loop3A_603 = vector.broadcast %parallel_loop3A_602 : i32 to vector<16xi32>
              %parallel_loop3A_604 = tpu.vector_load_idx %arg17[%parallel_loop3A_603] : memref<16xi32, #tpu.memory_space<vmem>>[vector<16xi32>], vector<16xi32>,
              %parallel_loop3A_605 = arith.constant 384 : i32
              %parallel_loop3A_606 = vector.broadcast %parallel_loop3A_605 : i32 to vector<16xi32>
              %parallel_loop3A_607 = tpu.vector_load_idx %arg15[%parallel_loop3A_603, %parallel_loop3A_606] : memref<16x512xf32, #tpu.memory_space<vmem>>[vector<16xi32>, vector<16xi32>], vector<16xf32>,
              %parallel_loop3A_608 = arith.constant 385 : i32
              %parallel_loop3A_609 = vector.broadcast %parallel_loop3A_608 : i32 to vector<16xi32>
              %parallel_loop3A_610 = tpu.vector_load_idx %arg15[%parallel_loop3A_603, %parallel_loop3A_609] : memref<16x512xf32, #tpu.memory_space<vmem>>[vector<16xi32>, vector<16xi32>], vector<16xf32>,
              %parallel_loop3A_611 = arith.constant 386 : i32
              %parallel_loop3A_612 = vector.broadcast %parallel_loop3A_611 : i32 to vector<16xi32>
              %parallel_loop3A_613 = tpu.vector_load_idx %arg15[%parallel_loop3A_603, %parallel_loop3A_612] : memref<16x512xf32, #tpu.memory_space<vmem>>[vector<16xi32>, vector<16xi32>], vector<16xf32>,
              %parallel_loop3A_614 = arith.constant 384 : i32
              %parallel_loop3A_615 = vector.broadcast %parallel_loop3A_614 : i32 to vector<16xi32>
              %parallel_loop3A_616 = arith.addi %parallel_loop3A_615, %iota3A : vector<16xi32>
              %parallel_loop3A_617 = arith.index_cast %parallel_loop3A_602 : i32 to index
              %parallel_loop3A_618 = arith.constant 128 : index
              %parallel_loop3A_619 = tpu.vector_load %arg13[%parallel_loop3A_617, %parallel_loop3A_618] {strides = array<i32>} : memref<16x768xf32, #tpu.memory_space<vmem>>, vector<16xf32>,
              %parallel_loop3A_620 = arith.index_cast %parallel_loop3A_602 : i32 to index
              %parallel_loop3A_621 = arith.constant 128 : index
              %parallel_loop3A_622 = tpu.vector_load %arg15[%parallel_loop3A_620, %parallel_loop3A_621] {strides = array<i32>} : memref<16x512xf32, #tpu.memory_space<vmem>>, vector<16xf32>,
              %parallel_loop3A_623 = arith.mulf %parallel_loop3A_619, %parallel_loop3A_622 : vector<16xf32>
              %parallel_loop3A_624 = arith.constant 400 : i32
              %parallel_loop3A_625 = vector.broadcast %parallel_loop3A_624 : i32 to vector<16xi32>
              %parallel_loop3A_626 = arith.addi %parallel_loop3A_625, %iota3A : vector<16xi32>
              %parallel_loop3A_627 = arith.index_cast %parallel_loop3A_602 : i32 to index
              %parallel_loop3A_628 = arith.constant 144 : index
              %parallel_loop3A_629 = tpu.vector_load %arg13[%parallel_loop3A_627, %parallel_loop3A_628] {strides = array<i32>} : memref<16x768xf32, #tpu.memory_space<vmem>>, vector<16xf32>,
              %parallel_loop3A_630 = arith.index_cast %parallel_loop3A_602 : i32 to index
              %parallel_loop3A_631 = arith.constant 144 : index
              %parallel_loop3A_632 = tpu.vector_load %arg15[%parallel_loop3A_630, %parallel_loop3A_631] {strides = array<i32>} : memref<16x512xf32, #tpu.memory_space<vmem>>, vector<16xf32>,
              %parallel_loop3A_633 = arith.mulf %parallel_loop3A_629, %parallel_loop3A_632 : vector<16xf32>
              %parallel_loop3A_634 = arith.constant 416 : i32
              %parallel_loop3A_635 = vector.broadcast %parallel_loop3A_634 : i32 to vector<16xi32>
              %parallel_loop3A_636 = arith.addi %parallel_loop3A_635, %iota3A : vector<16xi32>
              %parallel_loop3A_637 = arith.index_cast %parallel_loop3A_602 : i32 to index
              %parallel_loop3A_638 = arith.constant 160 : index
              %parallel_loop3A_639 = tpu.vector_load %arg13[%parallel_loop3A_637, %parallel_loop3A_638] {strides = array<i32>} : memref<16x768xf32, #tpu.memory_space<vmem>>, vector<16xf32>,
              %parallel_loop3A_640 = arith.index_cast %parallel_loop3A_602 : i32 to index
              %parallel_loop3A_641 = arith.constant 160 : index
              %parallel_loop3A_642 = tpu.vector_load %arg15[%parallel_loop3A_640, %parallel_loop3A_641] {strides = array<i32>} : memref<16x512xf32, #tpu.memory_space<vmem>>, vector<16xf32>,
              %parallel_loop3A_643 = arith.mulf %parallel_loop3A_639, %parallel_loop3A_642 : vector<16xf32>
              %parallel_loop3A_644 = arith.constant 432 : i32
              %parallel_loop3A_645 = vector.broadcast %parallel_loop3A_644 : i32 to vector<16xi32>
              %parallel_loop3A_646 = arith.addi %parallel_loop3A_645, %iota3A : vector<16xi32>
              %parallel_loop3A_647 = arith.index_cast %parallel_loop3A_602 : i32 to index
              %parallel_loop3A_648 = arith.constant 176 : index
              %parallel_loop3A_649 = tpu.vector_load %arg13[%parallel_loop3A_647, %parallel_loop3A_648] {strides = array<i32>} : memref<16x768xf32, #tpu.memory_space<vmem>>, vector<16xf32>,
              %parallel_loop3A_650 = arith.index_cast %parallel_loop3A_602 : i32 to index
              %parallel_loop3A_651 = arith.constant 176 : index
              %parallel_loop3A_652 = tpu.vector_load %arg15[%parallel_loop3A_650, %parallel_loop3A_651] {strides = array<i32>} : memref<16x512xf32, #tpu.memory_space<vmem>>, vector<16xf32>,
              %parallel_loop3A_653 = arith.mulf %parallel_loop3A_649, %parallel_loop3A_652 : vector<16xf32>
              %parallel_loop3A_654 = arith.constant 448 : i32
              %parallel_loop3A_655 = vector.broadcast %parallel_loop3A_654 : i32 to vector<16xi32>
              %parallel_loop3A_656 = arith.addi %parallel_loop3A_655, %iota3A : vector<16xi32>
              %parallel_loop3A_657 = arith.index_cast %parallel_loop3A_602 : i32 to index
              %parallel_loop3A_658 = arith.constant 192 : index
              %parallel_loop3A_659 = tpu.vector_load %arg13[%parallel_loop3A_657, %parallel_loop3A_658] {strides = array<i32>} : memref<16x768xf32, #tpu.memory_space<vmem>>, vector<16xf32>,
              %parallel_loop3A_660 = arith.index_cast %parallel_loop3A_602 : i32 to index
              %parallel_loop3A_661 = arith.constant 192 : index
              %parallel_loop3A_662 = tpu.vector_load %arg15[%parallel_loop3A_660, %parallel_loop3A_661] {strides = array<i32>} : memref<16x512xf32, #tpu.memory_space<vmem>>, vector<16xf32>,
              %parallel_loop3A_663 = arith.mulf %parallel_loop3A_659, %parallel_loop3A_662 : vector<16xf32>
              %parallel_loop3A_664 = arith.constant 464 : i32
              %parallel_loop3A_665 = vector.broadcast %parallel_loop3A_664 : i32 to vector<16xi32>
              %parallel_loop3A_666 = arith.addi %parallel_loop3A_665, %iota3A : vector<16xi32>
              %parallel_loop3A_667 = arith.index_cast %parallel_loop3A_602 : i32 to index
              %parallel_loop3A_668 = arith.constant 208 : index
              %parallel_loop3A_669 = tpu.vector_load %arg13[%parallel_loop3A_667, %parallel_loop3A_668] {strides = array<i32>} : memref<16x768xf32, #tpu.memory_space<vmem>>, vector<16xf32>,
              %parallel_loop3A_670 = arith.index_cast %parallel_loop3A_602 : i32 to index
              %parallel_loop3A_671 = arith.constant 208 : index
              %parallel_loop3A_672 = tpu.vector_load %arg15[%parallel_loop3A_670, %parallel_loop3A_671] {strides = array<i32>} : memref<16x512xf32, #tpu.memory_space<vmem>>, vector<16xf32>,
              %parallel_loop3A_673 = arith.mulf %parallel_loop3A_669, %parallel_loop3A_672 : vector<16xf32>
              %parallel_loop3A_674 = arith.constant 480 : i32
              %parallel_loop3A_675 = vector.broadcast %parallel_loop3A_674 : i32 to vector<16xi32>
              %parallel_loop3A_676 = arith.addi %parallel_loop3A_675, %iota3A : vector<16xi32>
              %parallel_loop3A_677 = arith.index_cast %parallel_loop3A_602 : i32 to index
              %parallel_loop3A_678 = arith.constant 224 : index
              %parallel_loop3A_679 = tpu.vector_load %arg13[%parallel_loop3A_677, %parallel_loop3A_678] {strides = array<i32>} : memref<16x768xf32, #tpu.memory_space<vmem>>, vector<16xf32>,
              %parallel_loop3A_680 = arith.index_cast %parallel_loop3A_602 : i32 to index
              %parallel_loop3A_681 = arith.constant 224 : index
              %parallel_loop3A_682 = tpu.vector_load %arg15[%parallel_loop3A_680, %parallel_loop3A_681] {strides = array<i32>} : memref<16x512xf32, #tpu.memory_space<vmem>>, vector<16xf32>,
              %parallel_loop3A_683 = arith.mulf %parallel_loop3A_679, %parallel_loop3A_682 : vector<16xf32>
              %parallel_loop3A_684 = arith.constant 496 : i32
              %parallel_loop3A_685 = vector.broadcast %parallel_loop3A_684 : i32 to vector<16xi32>
              %parallel_loop3A_686 = arith.addi %parallel_loop3A_685, %iota3A : vector<16xi32>
              %parallel_loop3A_687 = arith.index_cast %parallel_loop3A_602 : i32 to index
              %parallel_loop3A_688 = arith.constant 240 : index
              %parallel_loop3A_689 = tpu.vector_load %arg13[%parallel_loop3A_687, %parallel_loop3A_688] {strides = array<i32>} : memref<16x768xf32, #tpu.memory_space<vmem>>, vector<16xf32>,
              %parallel_loop3A_690 = arith.index_cast %parallel_loop3A_602 : i32 to index
              %parallel_loop3A_691 = arith.constant 240 : index
              %parallel_loop3A_692 = tpu.vector_load %arg15[%parallel_loop3A_690, %parallel_loop3A_691] {strides = array<i32>} : memref<16x512xf32, #tpu.memory_space<vmem>>, vector<16xf32>,
              %parallel_loop3A_693 = arith.mulf %parallel_loop3A_689, %parallel_loop3A_692 : vector<16xf32>
              %parallel_loop3A_694 = arith.constant 0 : i32
              %parallel_loop3A_695 = vector.broadcast %parallel_loop3A_694 : i32 to vector<16xi32>
              %parallel_loop3A_696 = arith.addi %parallel_loop3A_695, %iota3A : vector<16xi32>
              %parallel_loop3A_697 = arith.index_cast %parallel_loop3A_602 : i32 to index
              %parallel_loop3A_698 = arith.constant 0 : index
              %parallel_loop3A_699 = tpu.vector_load %arg13[%parallel_loop3A_697, %parallel_loop3A_698] {strides = array<i32>} : memref<16x768xf32, #tpu.memory_space<vmem>>, vector<16xf32>,
              %parallel_loop3A_700 = arith.index_cast %parallel_loop3A_602 : i32 to index
              %parallel_loop3A_701 = arith.constant 0 : index
              %parallel_loop3A_702 = tpu.vector_load %arg15[%parallel_loop3A_700, %parallel_loop3A_701] {strides = array<i32>} : memref<16x512xf32, #tpu.memory_space<vmem>>, vector<16xf32>,
              %parallel_loop3A_703 = arith.mulf %parallel_loop3A_699, %parallel_loop3A_702 : vector<16xf32>
              %parallel_loop3A_704 = arith.index_cast %parallel_loop3A_602 : i32 to index
              %parallel_loop3A_705 = arith.constant 256 : index
              %parallel_loop3A_706 = tpu.vector_load %arg13[%parallel_loop3A_704, %parallel_loop3A_705] {strides = array<i32>} : memref<16x768xf32, #tpu.memory_space<vmem>>, vector<16xf32>,
              %parallel_loop3A_707 = arith.index_cast %parallel_loop3A_602 : i32 to index
              %parallel_loop3A_708 = arith.constant 256 : index
              %parallel_loop3A_709 = tpu.vector_load %arg15[%parallel_loop3A_707, %parallel_loop3A_708] {strides = array<i32>} : memref<16x512xf32, #tpu.memory_space<vmem>>, vector<16xf32>,
              %parallel_loop3A_710 = arith.mulf %parallel_loop3A_706, %parallel_loop3A_709 : vector<16xf32>
              %parallel_loop3A_711 = arith.constant 3 : i32
              %parallel_loop3A_712 = vector.broadcast %parallel_loop3A_711 : i32 to vector<16xi32>
              %parallel_loop3A_713 = arith.muli %parallel_loop3A_712, %parallel_loop3A_696 : vector<16xi32>
              %parallel_loop3A_714 = arith.constant 0 : i32
              %parallel_loop3A_715 = vector.broadcast %parallel_loop3A_714 : i32 to vector<16xi32>
              %parallel_loop3A_716 = arith.addi %parallel_loop3A_713, %parallel_loop3A_715 : vector<16xi32>
              %parallel_loop3A_717 = arith.index_cast %parallel_loop3A_602 : i32 to index
              %parallel_loop3A_718 = arith.constant 384 : index
              %parallel_loop3A_719 = tpu.vector_load %arg13[%parallel_loop3A_717, %parallel_loop3A_718] {strides = array<i32>} : memref<16x768xf32, #tpu.memory_space<vmem>>, vector<16xf32>,
              %parallel_loop3A_720 = arith.mulf %parallel_loop3A_703, %parallel_loop3A_719 : vector<16xf32>
              %parallel_loop3A_721 = arith.mulf %parallel_loop3A_710, %parallel_loop3A_607 : vector<16xf32>
              %parallel_loop3A_722 = arith.addf %parallel_loop3A_720, %parallel_loop3A_721 : vector<16xf32>
              %parallel_loop3A_723 = arith.constant 3 : i32
              %parallel_loop3A_724 = vector.broadcast %parallel_loop3A_723 : i32 to vector<16xi32>
              %parallel_loop3A_725 = arith.muli %parallel_loop3A_724, %parallel_loop3A_696 : vector<16xi32>
              %parallel_loop3A_726 = arith.constant 1 : i32
              %parallel_loop3A_727 = vector.broadcast %parallel_loop3A_726 : i32 to vector<16xi32>
              %parallel_loop3A_728 = arith.addi %parallel_loop3A_725, %parallel_loop3A_727 : vector<16xi32>
              %parallel_loop3A_729 = arith.index_cast %parallel_loop3A_602 : i32 to index
              %parallel_loop3A_730 = arith.constant 512 : index
              %parallel_loop3A_731 = tpu.vector_load %arg13[%parallel_loop3A_729, %parallel_loop3A_730] {strides = array<i32>} : memref<16x768xf32, #tpu.memory_space<vmem>>, vector<16xf32>,
              %parallel_loop3A_732 = arith.mulf %parallel_loop3A_703, %parallel_loop3A_731 : vector<16xf32>
              %parallel_loop3A_733 = arith.mulf %parallel_loop3A_710, %parallel_loop3A_610 : vector<16xf32>
              %parallel_loop3A_734 = arith.addf %parallel_loop3A_732, %parallel_loop3A_733 : vector<16xf32>
              %parallel_loop3A_735 = arith.constant 3 : i32
              %parallel_loop3A_736 = vector.broadcast %parallel_loop3A_735 : i32 to vector<16xi32>
              %parallel_loop3A_737 = arith.muli %parallel_loop3A_736, %parallel_loop3A_696 : vector<16xi32>
              %parallel_loop3A_738 = arith.constant 2 : i32
              %parallel_loop3A_739 = vector.broadcast %parallel_loop3A_738 : i32 to vector<16xi32>
              %parallel_loop3A_740 = arith.addi %parallel_loop3A_737, %parallel_loop3A_739 : vector<16xi32>
              %parallel_loop3A_741 = arith.index_cast %parallel_loop3A_602 : i32 to index
              %parallel_loop3A_742 = arith.constant 640 : index
              %parallel_loop3A_743 = tpu.vector_load %arg13[%parallel_loop3A_741, %parallel_loop3A_742] {strides = array<i32>} : memref<16x768xf32, #tpu.memory_space<vmem>>, vector<16xf32>,
              %parallel_loop3A_744 = arith.mulf %parallel_loop3A_703, %parallel_loop3A_743 : vector<16xf32>
              %parallel_loop3A_745 = arith.mulf %parallel_loop3A_710, %parallel_loop3A_613 : vector<16xf32>
              %parallel_loop3A_746 = arith.addf %parallel_loop3A_744, %parallel_loop3A_745 : vector<16xf32>
              %parallel_loop3A_747 = arith.constant 16 : i32
              %parallel_loop3A_748 = vector.broadcast %parallel_loop3A_747 : i32 to vector<16xi32>
              %parallel_loop3A_749 = arith.addi %parallel_loop3A_748, %iota3A : vector<16xi32>
              %parallel_loop3A_750 = arith.index_cast %parallel_loop3A_602 : i32 to index
              %parallel_loop3A_751 = arith.constant 16 : index
              %parallel_loop3A_752 = tpu.vector_load %arg13[%parallel_loop3A_750, %parallel_loop3A_751] {strides = array<i32>} : memref<16x768xf32, #tpu.memory_space<vmem>>, vector<16xf32>,
              %parallel_loop3A_753 = arith.index_cast %parallel_loop3A_602 : i32 to index
              %parallel_loop3A_754 = arith.constant 16 : index
              %parallel_loop3A_755 = tpu.vector_load %arg15[%parallel_loop3A_753, %parallel_loop3A_754] {strides = array<i32>} : memref<16x512xf32, #tpu.memory_space<vmem>>, vector<16xf32>,
              %parallel_loop3A_756 = arith.mulf %parallel_loop3A_752, %parallel_loop3A_755 : vector<16xf32>
              %parallel_loop3A_757 = arith.index_cast %parallel_loop3A_602 : i32 to index
              %parallel_loop3A_758 = arith.constant 272 : index
              %parallel_loop3A_759 = tpu.vector_load %arg13[%parallel_loop3A_757, %parallel_loop3A_758] {strides = array<i32>} : memref<16x768xf32, #tpu.memory_space<vmem>>, vector<16xf32>,
              %parallel_loop3A_760 = arith.index_cast %parallel_loop3A_602 : i32 to index
              %parallel_loop3A_761 = arith.constant 272 : index
              %parallel_loop3A_762 = tpu.vector_load %arg15[%parallel_loop3A_760, %parallel_loop3A_761] {strides = array<i32>} : memref<16x512xf32, #tpu.memory_space<vmem>>, vector<16xf32>,
              %parallel_loop3A_763 = arith.mulf %parallel_loop3A_759, %parallel_loop3A_762 : vector<16xf32>
              %parallel_loop3A_764 = arith.constant 3 : i32
              %parallel_loop3A_765 = vector.broadcast %parallel_loop3A_764 : i32 to vector<16xi32>
              %parallel_loop3A_766 = arith.muli %parallel_loop3A_765, %parallel_loop3A_749 : vector<16xi32>
              %parallel_loop3A_767 = arith.constant 0 : i32
              %parallel_loop3A_768 = vector.broadcast %parallel_loop3A_767 : i32 to vector<16xi32>
              %parallel_loop3A_769 = arith.addi %parallel_loop3A_766, %parallel_loop3A_768 : vector<16xi32>
              %parallel_loop3A_770 = arith.index_cast %parallel_loop3A_602 : i32 to index
              %parallel_loop3A_771 = arith.constant 400 : index
              %parallel_loop3A_772 = tpu.vector_load %arg13[%parallel_loop3A_770, %parallel_loop3A_771] {strides = array<i32>} : memref<16x768xf32, #tpu.memory_space<vmem>>, vector<16xf32>,
              %parallel_loop3A_773 = arith.mulf %parallel_loop3A_756, %parallel_loop3A_772 : vector<16xf32>
              %parallel_loop3A_774 = arith.mulf %parallel_loop3A_763, %parallel_loop3A_607 : vector<16xf32>
              %parallel_loop3A_775 = arith.addf %parallel_loop3A_773, %parallel_loop3A_774 : vector<16xf32>
              %parallel_loop3A_776 = arith.constant 3 : i32
              %parallel_loop3A_777 = vector.broadcast %parallel_loop3A_776 : i32 to vector<16xi32>
              %parallel_loop3A_778 = arith.muli %parallel_loop3A_777, %parallel_loop3A_749 : vector<16xi32>
              %parallel_loop3A_779 = arith.constant 1 : i32
              %parallel_loop3A_780 = vector.broadcast %parallel_loop3A_779 : i32 to vector<16xi32>
              %parallel_loop3A_781 = arith.addi %parallel_loop3A_778, %parallel_loop3A_780 : vector<16xi32>
              %parallel_loop3A_782 = arith.index_cast %parallel_loop3A_602 : i32 to index
              %parallel_loop3A_783 = arith.constant 528 : index
              %parallel_loop3A_784 = tpu.vector_load %arg13[%parallel_loop3A_782, %parallel_loop3A_783] {strides = array<i32>} : memref<16x768xf32, #tpu.memory_space<vmem>>, vector<16xf32>,
              %parallel_loop3A_785 = arith.mulf %parallel_loop3A_756, %parallel_loop3A_784 : vector<16xf32>
              %parallel_loop3A_786 = arith.mulf %parallel_loop3A_763, %parallel_loop3A_610 : vector<16xf32>
              %parallel_loop3A_787 = arith.addf %parallel_loop3A_785, %parallel_loop3A_786 : vector<16xf32>
              %parallel_loop3A_788 = arith.constant 3 : i32
              %parallel_loop3A_789 = vector.broadcast %parallel_loop3A_788 : i32 to vector<16xi32>
              %parallel_loop3A_790 = arith.muli %parallel_loop3A_789, %parallel_loop3A_749 : vector<16xi32>
              %parallel_loop3A_791 = arith.constant 2 : i32
              %parallel_loop3A_792 = vector.broadcast %parallel_loop3A_791 : i32 to vector<16xi32>
              %parallel_loop3A_793 = arith.addi %parallel_loop3A_790, %parallel_loop3A_792 : vector<16xi32>
              %parallel_loop3A_794 = arith.index_cast %parallel_loop3A_602 : i32 to index
              %parallel_loop3A_795 = arith.constant 656 : index
              %parallel_loop3A_796 = tpu.vector_load %arg13[%parallel_loop3A_794, %parallel_loop3A_795] {strides = array<i32>} : memref<16x768xf32, #tpu.memory_space<vmem>>, vector<16xf32>,
              %parallel_loop3A_797 = arith.mulf %parallel_loop3A_756, %parallel_loop3A_796 : vector<16xf32>
              %parallel_loop3A_798 = arith.mulf %parallel_loop3A_763, %parallel_loop3A_613 : vector<16xf32>
              %parallel_loop3A_799 = arith.addf %parallel_loop3A_797, %parallel_loop3A_798 : vector<16xf32>
              %parallel_loop3A_800 = arith.constant 32 : i32
              %parallel_loop3A_801 = vector.broadcast %parallel_loop3A_800 : i32 to vector<16xi32>
              %parallel_loop3A_802 = arith.addi %parallel_loop3A_801, %iota3A : vector<16xi32>
              %parallel_loop3A_803 = arith.index_cast %parallel_loop3A_602 : i32 to index
              %parallel_loop3A_804 = arith.constant 32 : index
              %parallel_loop3A_805 = tpu.vector_load %arg13[%parallel_loop3A_803, %parallel_loop3A_804] {strides = array<i32>} : memref<16x768xf32, #tpu.memory_space<vmem>>, vector<16xf32>,
              %parallel_loop3A_806 = arith.index_cast %parallel_loop3A_602 : i32 to index
              %parallel_loop3A_807 = arith.constant 32 : index
              %parallel_loop3A_808 = tpu.vector_load %arg15[%parallel_loop3A_806, %parallel_loop3A_807] {strides = array<i32>} : memref<16x512xf32, #tpu.memory_space<vmem>>, vector<16xf32>,
              %parallel_loop3A_809 = arith.mulf %parallel_loop3A_805, %parallel_loop3A_808 : vector<16xf32>
              %parallel_loop3A_810 = arith.index_cast %parallel_loop3A_602 : i32 to index
              %parallel_loop3A_811 = arith.constant 288 : index
              %parallel_loop3A_812 = tpu.vector_load %arg13[%parallel_loop3A_810, %parallel_loop3A_811] {strides = array<i32>} : memref<16x768xf32, #tpu.memory_space<vmem>>, vector<16xf32>,
              %parallel_loop3A_813 = arith.index_cast %parallel_loop3A_602 : i32 to index
              %parallel_loop3A_814 = arith.constant 288 : index
              %parallel_loop3A_815 = tpu.vector_load %arg15[%parallel_loop3A_813, %parallel_loop3A_814] {strides = array<i32>} : memref<16x512xf32, #tpu.memory_space<vmem>>, vector<16xf32>,
              %parallel_loop3A_816 = arith.mulf %parallel_loop3A_812, %parallel_loop3A_815 : vector<16xf32>
              %parallel_loop3A_817 = arith.constant 3 : i32
              %parallel_loop3A_818 = vector.broadcast %parallel_loop3A_817 : i32 to vector<16xi32>
              %parallel_loop3A_819 = arith.muli %parallel_loop3A_818, %parallel_loop3A_802 : vector<16xi32>
              %parallel_loop3A_820 = arith.constant 0 : i32
              %parallel_loop3A_821 = vector.broadcast %parallel_loop3A_820 : i32 to vector<16xi32>
              %parallel_loop3A_822 = arith.addi %parallel_loop3A_819, %parallel_loop3A_821 : vector<16xi32>
              %parallel_loop3A_823 = arith.index_cast %parallel_loop3A_602 : i32 to index
              %parallel_loop3A_824 = arith.constant 416 : index
              %parallel_loop3A_825 = tpu.vector_load %arg13[%parallel_loop3A_823, %parallel_loop3A_824] {strides = array<i32>} : memref<16x768xf32, #tpu.memory_space<vmem>>, vector<16xf32>,
              %parallel_loop3A_826 = arith.mulf %parallel_loop3A_809, %parallel_loop3A_825 : vector<16xf32>
              %parallel_loop3A_827 = arith.mulf %parallel_loop3A_816, %parallel_loop3A_607 : vector<16xf32>
              %parallel_loop3A_828 = arith.addf %parallel_loop3A_826, %parallel_loop3A_827 : vector<16xf32>
              %parallel_loop3A_829 = arith.constant 3 : i32
              %parallel_loop3A_830 = vector.broadcast %parallel_loop3A_829 : i32 to vector<16xi32>
              %parallel_loop3A_831 = arith.muli %parallel_loop3A_830, %parallel_loop3A_802 : vector<16xi32>
              %parallel_loop3A_832 = arith.constant 1 : i32
              %parallel_loop3A_833 = vector.broadcast %parallel_loop3A_832 : i32 to vector<16xi32>
              %parallel_loop3A_834 = arith.addi %parallel_loop3A_831, %parallel_loop3A_833 : vector<16xi32>
              %parallel_loop3A_835 = arith.index_cast %parallel_loop3A_602 : i32 to index
              %parallel_loop3A_836 = arith.constant 544 : index
              %parallel_loop3A_837 = tpu.vector_load %arg13[%parallel_loop3A_835, %parallel_loop3A_836] {strides = array<i32>} : memref<16x768xf32, #tpu.memory_space<vmem>>, vector<16xf32>,
              %parallel_loop3A_838 = arith.mulf %parallel_loop3A_809, %parallel_loop3A_837 : vector<16xf32>
              %parallel_loop3A_839 = arith.mulf %parallel_loop3A_816, %parallel_loop3A_610 : vector<16xf32>
              %parallel_loop3A_840 = arith.addf %parallel_loop3A_838, %parallel_loop3A_839 : vector<16xf32>
              %parallel_loop3A_841 = arith.constant 3 : i32
              %parallel_loop3A_842 = vector.broadcast %parallel_loop3A_841 : i32 to vector<16xi32>
              %parallel_loop3A_843 = arith.muli %parallel_loop3A_842, %parallel_loop3A_802 : vector<16xi32>
              %parallel_loop3A_844 = arith.constant 2 : i32
              %parallel_loop3A_845 = vector.broadcast %parallel_loop3A_844 : i32 to vector<16xi32>
              %parallel_loop3A_846 = arith.addi %parallel_loop3A_843, %parallel_loop3A_845 : vector<16xi32>
              %parallel_loop3A_847 = arith.index_cast %parallel_loop3A_602 : i32 to index
              %parallel_loop3A_848 = arith.constant 672 : index
              %parallel_loop3A_849 = tpu.vector_load %arg13[%parallel_loop3A_847, %parallel_loop3A_848] {strides = array<i32>} : memref<16x768xf32, #tpu.memory_space<vmem>>, vector<16xf32>,
              %parallel_loop3A_850 = arith.mulf %parallel_loop3A_809, %parallel_loop3A_849 : vector<16xf32>
              %parallel_loop3A_851 = arith.mulf %parallel_loop3A_816, %parallel_loop3A_613 : vector<16xf32>
              %parallel_loop3A_852 = arith.addf %parallel_loop3A_850, %parallel_loop3A_851 : vector<16xf32>
              %parallel_loop3A_853 = arith.constant 48 : i32
              %parallel_loop3A_854 = vector.broadcast %parallel_loop3A_853 : i32 to vector<16xi32>
              %parallel_loop3A_855 = arith.addi %parallel_loop3A_854, %iota3A : vector<16xi32>
              %parallel_loop3A_856 = arith.index_cast %parallel_loop3A_602 : i32 to index
              %parallel_loop3A_857 = arith.constant 48 : index
              %parallel_loop3A_858 = tpu.vector_load %arg13[%parallel_loop3A_856, %parallel_loop3A_857] {strides = array<i32>} : memref<16x768xf32, #tpu.memory_space<vmem>>, vector<16xf32>,
              %parallel_loop3A_859 = arith.index_cast %parallel_loop3A_602 : i32 to index
              %parallel_loop3A_860 = arith.constant 48 : index
              %parallel_loop3A_861 = tpu.vector_load %arg15[%parallel_loop3A_859, %parallel_loop3A_860] {strides = array<i32>} : memref<16x512xf32, #tpu.memory_space<vmem>>, vector<16xf32>,
              %parallel_loop3A_862 = arith.mulf %parallel_loop3A_858, %parallel_loop3A_861 : vector<16xf32>
              %parallel_loop3A_863 = arith.index_cast %parallel_loop3A_602 : i32 to index
              %parallel_loop3A_864 = arith.constant 304 : index
              %parallel_loop3A_865 = tpu.vector_load %arg13[%parallel_loop3A_863, %parallel_loop3A_864] {strides = array<i32>} : memref<16x768xf32, #tpu.memory_space<vmem>>, vector<16xf32>,
              %parallel_loop3A_866 = arith.index_cast %parallel_loop3A_602 : i32 to index
              %parallel_loop3A_867 = arith.constant 304 : index
              %parallel_loop3A_868 = tpu.vector_load %arg15[%parallel_loop3A_866, %parallel_loop3A_867] {strides = array<i32>} : memref<16x512xf32, #tpu.memory_space<vmem>>, vector<16xf32>,
              %parallel_loop3A_869 = arith.mulf %parallel_loop3A_865, %parallel_loop3A_868 : vector<16xf32>
              %parallel_loop3A_870 = arith.constant 3 : i32
              %parallel_loop3A_871 = vector.broadcast %parallel_loop3A_870 : i32 to vector<16xi32>
              %parallel_loop3A_872 = arith.muli %parallel_loop3A_871, %parallel_loop3A_855 : vector<16xi32>
              %parallel_loop3A_873 = arith.constant 0 : i32
              %parallel_loop3A_874 = vector.broadcast %parallel_loop3A_873 : i32 to vector<16xi32>
              %parallel_loop3A_875 = arith.addi %parallel_loop3A_872, %parallel_loop3A_874 : vector<16xi32>
              %parallel_loop3A_876 = arith.index_cast %parallel_loop3A_602 : i32 to index
              %parallel_loop3A_877 = arith.constant 432 : index
              %parallel_loop3A_878 = tpu.vector_load %arg13[%parallel_loop3A_876, %parallel_loop3A_877] {strides = array<i32>} : memref<16x768xf32, #tpu.memory_space<vmem>>, vector<16xf32>,
              %parallel_loop3A_879 = arith.mulf %parallel_loop3A_862, %parallel_loop3A_878 : vector<16xf32>
              %parallel_loop3A_880 = arith.mulf %parallel_loop3A_869, %parallel_loop3A_607 : vector<16xf32>
              %parallel_loop3A_881 = arith.addf %parallel_loop3A_879, %parallel_loop3A_880 : vector<16xf32>
              %parallel_loop3A_882 = arith.constant 3 : i32
              %parallel_loop3A_883 = vector.broadcast %parallel_loop3A_882 : i32 to vector<16xi32>
              %parallel_loop3A_884 = arith.muli %parallel_loop3A_883, %parallel_loop3A_855 : vector<16xi32>
              %parallel_loop3A_885 = arith.constant 1 : i32
              %parallel_loop3A_886 = vector.broadcast %parallel_loop3A_885 : i32 to vector<16xi32>
              %parallel_loop3A_887 = arith.addi %parallel_loop3A_884, %parallel_loop3A_886 : vector<16xi32>
              %parallel_loop3A_888 = arith.index_cast %parallel_loop3A_602 : i32 to index
              %parallel_loop3A_889 = arith.constant 560 : index
              %parallel_loop3A_890 = tpu.vector_load %arg13[%parallel_loop3A_888, %parallel_loop3A_889] {strides = array<i32>} : memref<16x768xf32, #tpu.memory_space<vmem>>, vector<16xf32>,
              %parallel_loop3A_891 = arith.mulf %parallel_loop3A_862, %parallel_loop3A_890 : vector<16xf32>
              %parallel_loop3A_892 = arith.mulf %parallel_loop3A_869, %parallel_loop3A_610 : vector<16xf32>
              %parallel_loop3A_893 = arith.addf %parallel_loop3A_891, %parallel_loop3A_892 : vector<16xf32>
              %parallel_loop3A_894 = arith.constant 3 : i32
              %parallel_loop3A_895 = vector.broadcast %parallel_loop3A_894 : i32 to vector<16xi32>
              %parallel_loop3A_896 = arith.muli %parallel_loop3A_895, %parallel_loop3A_855 : vector<16xi32>
              %parallel_loop3A_897 = arith.constant 2 : i32
              %parallel_loop3A_898 = vector.broadcast %parallel_loop3A_897 : i32 to vector<16xi32>
              %parallel_loop3A_899 = arith.addi %parallel_loop3A_896, %parallel_loop3A_898 : vector<16xi32>
              %parallel_loop3A_900 = arith.index_cast %parallel_loop3A_602 : i32 to index
              %parallel_loop3A_901 = arith.constant 688 : index
              %parallel_loop3A_902 = tpu.vector_load %arg13[%parallel_loop3A_900, %parallel_loop3A_901] {strides = array<i32>} : memref<16x768xf32, #tpu.memory_space<vmem>>, vector<16xf32>,
              %parallel_loop3A_903 = arith.mulf %parallel_loop3A_862, %parallel_loop3A_902 : vector<16xf32>
              %parallel_loop3A_904 = arith.mulf %parallel_loop3A_869, %parallel_loop3A_613 : vector<16xf32>
              %parallel_loop3A_905 = arith.addf %parallel_loop3A_903, %parallel_loop3A_904 : vector<16xf32>
              tpu.vector_store_idx %arg7[%parallel_loop3A_604, %parallel_loop3A_616], %parallel_loop3A_623 {add = true} : memref<128x512xf32, #tpu.memory_space<vmem>>[vector<16xi32>, vector<16xi32>], vector<16xf32>,
              tpu.vector_store_idx %arg7[%parallel_loop3A_604, %parallel_loop3A_626], %parallel_loop3A_633 {add = true} : memref<128x512xf32, #tpu.memory_space<vmem>>[vector<16xi32>, vector<16xi32>], vector<16xf32>,
              tpu.vector_store_idx %arg7[%parallel_loop3A_604, %parallel_loop3A_636], %parallel_loop3A_643 {add = true} : memref<128x512xf32, #tpu.memory_space<vmem>>[vector<16xi32>, vector<16xi32>], vector<16xf32>,
              tpu.vector_store_idx %arg7[%parallel_loop3A_604, %parallel_loop3A_646], %parallel_loop3A_653 {add = true} : memref<128x512xf32, #tpu.memory_space<vmem>>[vector<16xi32>, vector<16xi32>], vector<16xf32>,
              tpu.vector_store_idx %arg7[%parallel_loop3A_604, %parallel_loop3A_656], %parallel_loop3A_663 {add = true} : memref<128x512xf32, #tpu.memory_space<vmem>>[vector<16xi32>, vector<16xi32>], vector<16xf32>,
              tpu.vector_store_idx %arg7[%parallel_loop3A_604, %parallel_loop3A_666], %parallel_loop3A_673 {add = true} : memref<128x512xf32, #tpu.memory_space<vmem>>[vector<16xi32>, vector<16xi32>], vector<16xf32>,
              tpu.vector_store_idx %arg7[%parallel_loop3A_604, %parallel_loop3A_676], %parallel_loop3A_683 {add = true} : memref<128x512xf32, #tpu.memory_space<vmem>>[vector<16xi32>, vector<16xi32>], vector<16xf32>,
              tpu.vector_store_idx %arg7[%parallel_loop3A_604, %parallel_loop3A_686], %parallel_loop3A_693 {add = true} : memref<128x512xf32, #tpu.memory_space<vmem>>[vector<16xi32>, vector<16xi32>], vector<16xf32>,
              tpu.vector_store_idx %arg7[%parallel_loop3A_604, %parallel_loop3A_716], %parallel_loop3A_722 {add = true} : memref<128x512xf32, #tpu.memory_space<vmem>>[vector<16xi32>, vector<16xi32>], vector<16xf32>,
              tpu.vector_store_idx %arg7[%parallel_loop3A_604, %parallel_loop3A_728], %parallel_loop3A_734 {add = true} : memref<128x512xf32, #tpu.memory_space<vmem>>[vector<16xi32>, vector<16xi32>], vector<16xf32>,
              tpu.vector_store_idx %arg7[%parallel_loop3A_604, %parallel_loop3A_740], %parallel_loop3A_746 {add = true} : memref<128x512xf32, #tpu.memory_space<vmem>>[vector<16xi32>, vector<16xi32>], vector<16xf32>,
              tpu.vector_store_idx %arg7[%parallel_loop3A_604, %parallel_loop3A_769], %parallel_loop3A_775 {add = true} : memref<128x512xf32, #tpu.memory_space<vmem>>[vector<16xi32>, vector<16xi32>], vector<16xf32>,
              tpu.vector_store_idx %arg7[%parallel_loop3A_604, %parallel_loop3A_781], %parallel_loop3A_787 {add = true} : memref<128x512xf32, #tpu.memory_space<vmem>>[vector<16xi32>, vector<16xi32>], vector<16xf32>,
              tpu.vector_store_idx %arg7[%parallel_loop3A_604, %parallel_loop3A_793], %parallel_loop3A_799 {add = true} : memref<128x512xf32, #tpu.memory_space<vmem>>[vector<16xi32>, vector<16xi32>], vector<16xf32>,
              tpu.vector_store_idx %arg7[%parallel_loop3A_604, %parallel_loop3A_822], %parallel_loop3A_828 {add = true} : memref<128x512xf32, #tpu.memory_space<vmem>>[vector<16xi32>, vector<16xi32>], vector<16xf32>,
              tpu.vector_store_idx %arg7[%parallel_loop3A_604, %parallel_loop3A_834], %parallel_loop3A_840 {add = true} : memref<128x512xf32, #tpu.memory_space<vmem>>[vector<16xi32>, vector<16xi32>], vector<16xf32>,
              tpu.vector_store_idx %arg7[%parallel_loop3A_604, %parallel_loop3A_846], %parallel_loop3A_852 {add = true} : memref<128x512xf32, #tpu.memory_space<vmem>>[vector<16xi32>, vector<16xi32>], vector<16xf32>,
              tpu.vector_store_idx %arg7[%parallel_loop3A_604, %parallel_loop3A_875], %parallel_loop3A_881 {add = true} : memref<128x512xf32, #tpu.memory_space<vmem>>[vector<16xi32>, vector<16xi32>], vector<16xf32>,
              tpu.vector_store_idx %arg7[%parallel_loop3A_604, %parallel_loop3A_887], %parallel_loop3A_893 {add = true} : memref<128x512xf32, #tpu.memory_space<vmem>>[vector<16xi32>, vector<16xi32>], vector<16xf32>,
              tpu.vector_store_idx %arg7[%parallel_loop3A_604, %parallel_loop3A_899], %parallel_loop3A_905 {add = true} : memref<128x512xf32, #tpu.memory_space<vmem>>[vector<16xi32>, vector<16xi32>], vector<16xf32>,
              %parallel_loop3A_906 = arith.constant 64 : i32
              %parallel_loop3A_907 = vector.broadcast %parallel_loop3A_906 : i32 to vector<16xi32>
              %parallel_loop3A_908 = arith.addi %parallel_loop3A_907, %iota3A : vector<16xi32>
              %parallel_loop3A_909 = arith.index_cast %parallel_loop3A_602 : i32 to index
              %parallel_loop3A_910 = arith.constant 64 : index
              %parallel_loop3A_911 = tpu.vector_load %arg13[%parallel_loop3A_909, %parallel_loop3A_910] {strides = array<i32>} : memref<16x768xf32, #tpu.memory_space<vmem>>, vector<16xf32>,
              %parallel_loop3A_912 = arith.index_cast %parallel_loop3A_602 : i32 to index
              %parallel_loop3A_913 = arith.constant 64 : index
              %parallel_loop3A_914 = tpu.vector_load %arg15[%parallel_loop3A_912, %parallel_loop3A_913] {strides = array<i32>} : memref<16x512xf32, #tpu.memory_space<vmem>>, vector<16xf32>,
              %parallel_loop3A_915 = arith.mulf %parallel_loop3A_911, %parallel_loop3A_914 : vector<16xf32>
              %parallel_loop3A_916 = arith.index_cast %parallel_loop3A_602 : i32 to index
              %parallel_loop3A_917 = arith.constant 320 : index
              %parallel_loop3A_918 = tpu.vector_load %arg13[%parallel_loop3A_916, %parallel_loop3A_917] {strides = array<i32>} : memref<16x768xf32, #tpu.memory_space<vmem>>, vector<16xf32>,
              %parallel_loop3A_919 = arith.index_cast %parallel_loop3A_602 : i32 to index
              %parallel_loop3A_920 = arith.constant 320 : index
              %parallel_loop3A_921 = tpu.vector_load %arg15[%parallel_loop3A_919, %parallel_loop3A_920] {strides = array<i32>} : memref<16x512xf32, #tpu.memory_space<vmem>>, vector<16xf32>,
              %parallel_loop3A_922 = arith.mulf %parallel_loop3A_918, %parallel_loop3A_921 : vector<16xf32>
              %parallel_loop3A_923 = arith.constant 3 : i32
              %parallel_loop3A_924 = vector.broadcast %parallel_loop3A_923 : i32 to vector<16xi32>
              %parallel_loop3A_925 = arith.muli %parallel_loop3A_924, %parallel_loop3A_908 : vector<16xi32>
              %parallel_loop3A_926 = arith.constant 0 : i32
              %parallel_loop3A_927 = vector.broadcast %parallel_loop3A_926 : i32 to vector<16xi32>
              %parallel_loop3A_928 = arith.addi %parallel_loop3A_925, %parallel_loop3A_927 : vector<16xi32>
              %parallel_loop3A_929 = arith.index_cast %parallel_loop3A_602 : i32 to index
              %parallel_loop3A_930 = arith.constant 448 : index
              %parallel_loop3A_931 = tpu.vector_load %arg13[%parallel_loop3A_929, %parallel_loop3A_930] {strides = array<i32>} : memref<16x768xf32, #tpu.memory_space<vmem>>, vector<16xf32>,
              %parallel_loop3A_932 = arith.mulf %parallel_loop3A_915, %parallel_loop3A_931 : vector<16xf32>
              %parallel_loop3A_933 = arith.mulf %parallel_loop3A_922, %parallel_loop3A_607 : vector<16xf32>
              %parallel_loop3A_934 = arith.addf %parallel_loop3A_932, %parallel_loop3A_933 : vector<16xf32>
              %parallel_loop3A_935 = arith.constant 3 : i32
              %parallel_loop3A_936 = vector.broadcast %parallel_loop3A_935 : i32 to vector<16xi32>
              %parallel_loop3A_937 = arith.muli %parallel_loop3A_936, %parallel_loop3A_908 : vector<16xi32>
              %parallel_loop3A_938 = arith.constant 1 : i32
              %parallel_loop3A_939 = vector.broadcast %parallel_loop3A_938 : i32 to vector<16xi32>
              %parallel_loop3A_940 = arith.addi %parallel_loop3A_937, %parallel_loop3A_939 : vector<16xi32>
              %parallel_loop3A_941 = arith.index_cast %parallel_loop3A_602 : i32 to index
              %parallel_loop3A_942 = arith.constant 576 : index
              %parallel_loop3A_943 = tpu.vector_load %arg13[%parallel_loop3A_941, %parallel_loop3A_942] {strides = array<i32>} : memref<16x768xf32, #tpu.memory_space<vmem>>, vector<16xf32>,
              %parallel_loop3A_944 = arith.mulf %parallel_loop3A_915, %parallel_loop3A_943 : vector<16xf32>
              %parallel_loop3A_945 = arith.mulf %parallel_loop3A_922, %parallel_loop3A_610 : vector<16xf32>
              %parallel_loop3A_946 = arith.addf %parallel_loop3A_944, %parallel_loop3A_945 : vector<16xf32>
              %parallel_loop3A_947 = arith.constant 3 : i32
              %parallel_loop3A_948 = vector.broadcast %parallel_loop3A_947 : i32 to vector<16xi32>
              %parallel_loop3A_949 = arith.muli %parallel_loop3A_948, %parallel_loop3A_908 : vector<16xi32>
              %parallel_loop3A_950 = arith.constant 2 : i32
              %parallel_loop3A_951 = vector.broadcast %parallel_loop3A_950 : i32 to vector<16xi32>
              %parallel_loop3A_952 = arith.addi %parallel_loop3A_949, %parallel_loop3A_951 : vector<16xi32>
              %parallel_loop3A_953 = arith.index_cast %parallel_loop3A_602 : i32 to index
              %parallel_loop3A_954 = arith.constant 704 : index
              %parallel_loop3A_955 = tpu.vector_load %arg13[%parallel_loop3A_953, %parallel_loop3A_954] {strides = array<i32>} : memref<16x768xf32, #tpu.memory_space<vmem>>, vector<16xf32>,
              %parallel_loop3A_956 = arith.mulf %parallel_loop3A_915, %parallel_loop3A_955 : vector<16xf32>
              %parallel_loop3A_957 = arith.mulf %parallel_loop3A_922, %parallel_loop3A_613 : vector<16xf32>
              %parallel_loop3A_958 = arith.addf %parallel_loop3A_956, %parallel_loop3A_957 : vector<16xf32>
              %parallel_loop3A_959 = arith.constant 80 : i32
              %parallel_loop3A_960 = vector.broadcast %parallel_loop3A_959 : i32 to vector<16xi32>
              %parallel_loop3A_961 = arith.addi %parallel_loop3A_960, %iota3A : vector<16xi32>
              %parallel_loop3A_962 = arith.index_cast %parallel_loop3A_602 : i32 to index
              %parallel_loop3A_963 = arith.constant 80 : index
              %parallel_loop3A_964 = tpu.vector_load %arg13[%parallel_loop3A_962, %parallel_loop3A_963] {strides = array<i32>} : memref<16x768xf32, #tpu.memory_space<vmem>>, vector<16xf32>,
              %parallel_loop3A_965 = arith.index_cast %parallel_loop3A_602 : i32 to index
              %parallel_loop3A_966 = arith.constant 80 : index
              %parallel_loop3A_967 = tpu.vector_load %arg15[%parallel_loop3A_965, %parallel_loop3A_966] {strides = array<i32>} : memref<16x512xf32, #tpu.memory_space<vmem>>, vector<16xf32>,
              %parallel_loop3A_968 = arith.mulf %parallel_loop3A_964, %parallel_loop3A_967 : vector<16xf32>
              %parallel_loop3A_969 = arith.index_cast %parallel_loop3A_602 : i32 to index
              %parallel_loop3A_970 = arith.constant 336 : index
              %parallel_loop3A_971 = tpu.vector_load %arg13[%parallel_loop3A_969, %parallel_loop3A_970] {strides = array<i32>} : memref<16x768xf32, #tpu.memory_space<vmem>>, vector<16xf32>,
              %parallel_loop3A_972 = arith.index_cast %parallel_loop3A_602 : i32 to index
              %parallel_loop3A_973 = arith.constant 336 : index
              %parallel_loop3A_974 = tpu.vector_load %arg15[%parallel_loop3A_972, %parallel_loop3A_973] {strides = array<i32>} : memref<16x512xf32, #tpu.memory_space<vmem>>, vector<16xf32>,
              %parallel_loop3A_975 = arith.mulf %parallel_loop3A_971, %parallel_loop3A_974 : vector<16xf32>
              %parallel_loop3A_976 = arith.constant 3 : i32
              %parallel_loop3A_977 = vector.broadcast %parallel_loop3A_976 : i32 to vector<16xi32>
              %parallel_loop3A_978 = arith.muli %parallel_loop3A_977, %parallel_loop3A_961 : vector<16xi32>
              %parallel_loop3A_979 = arith.constant 0 : i32
              %parallel_loop3A_980 = vector.broadcast %parallel_loop3A_979 : i32 to vector<16xi32>
              %parallel_loop3A_981 = arith.addi %parallel_loop3A_978, %parallel_loop3A_980 : vector<16xi32>
              %parallel_loop3A_982 = arith.index_cast %parallel_loop3A_602 : i32 to index
              %parallel_loop3A_983 = arith.constant 464 : index
              %parallel_loop3A_984 = tpu.vector_load %arg13[%parallel_loop3A_982, %parallel_loop3A_983] {strides = array<i32>} : memref<16x768xf32, #tpu.memory_space<vmem>>, vector<16xf32>,
              %parallel_loop3A_985 = arith.mulf %parallel_loop3A_968, %parallel_loop3A_984 : vector<16xf32>
              %parallel_loop3A_986 = arith.mulf %parallel_loop3A_975, %parallel_loop3A_607 : vector<16xf32>
              %parallel_loop3A_987 = arith.addf %parallel_loop3A_985, %parallel_loop3A_986 : vector<16xf32>
              %parallel_loop3A_988 = arith.constant 3 : i32
              %parallel_loop3A_989 = vector.broadcast %parallel_loop3A_988 : i32 to vector<16xi32>
              %parallel_loop3A_990 = arith.muli %parallel_loop3A_989, %parallel_loop3A_961 : vector<16xi32>
              %parallel_loop3A_991 = arith.constant 1 : i32
              %parallel_loop3A_992 = vector.broadcast %parallel_loop3A_991 : i32 to vector<16xi32>
              %parallel_loop3A_993 = arith.addi %parallel_loop3A_990, %parallel_loop3A_992 : vector<16xi32>
              %parallel_loop3A_994 = arith.index_cast %parallel_loop3A_602 : i32 to index
              %parallel_loop3A_995 = arith.constant 592 : index
              %parallel_loop3A_996 = tpu.vector_load %arg13[%parallel_loop3A_994, %parallel_loop3A_995] {strides = array<i32>} : memref<16x768xf32, #tpu.memory_space<vmem>>, vector<16xf32>,
              %parallel_loop3A_997 = arith.mulf %parallel_loop3A_968, %parallel_loop3A_996 : vector<16xf32>
              %parallel_loop3A_998 = arith.mulf %parallel_loop3A_975, %parallel_loop3A_610 : vector<16xf32>
              %parallel_loop3A_999 = arith.addf %parallel_loop3A_997, %parallel_loop3A_998 : vector<16xf32>
              %parallel_loop3A_1000 = arith.constant 3 : i32
              %parallel_loop3A_1001 = vector.broadcast %parallel_loop3A_1000 : i32 to vector<16xi32>
              %parallel_loop3A_1002 = arith.muli %parallel_loop3A_1001, %parallel_loop3A_961 : vector<16xi32>
              %parallel_loop3A_1003 = arith.constant 2 : i32
              %parallel_loop3A_1004 = vector.broadcast %parallel_loop3A_1003 : i32 to vector<16xi32>
              %parallel_loop3A_1005 = arith.addi %parallel_loop3A_1002, %parallel_loop3A_1004 : vector<16xi32>
              %parallel_loop3A_1006 = arith.index_cast %parallel_loop3A_602 : i32 to index
              %parallel_loop3A_1007 = arith.constant 720 : index
              %parallel_loop3A_1008 = tpu.vector_load %arg13[%parallel_loop3A_1006, %parallel_loop3A_1007] {strides = array<i32>} : memref<16x768xf32, #tpu.memory_space<vmem>>, vector<16xf32>,
              %parallel_loop3A_1009 = arith.mulf %parallel_loop3A_968, %parallel_loop3A_1008 : vector<16xf32>
              %parallel_loop3A_1010 = arith.mulf %parallel_loop3A_975, %parallel_loop3A_613 : vector<16xf32>
              %parallel_loop3A_1011 = arith.addf %parallel_loop3A_1009, %parallel_loop3A_1010 : vector<16xf32>
              %parallel_loop3A_1012 = arith.constant 96 : i32
              %parallel_loop3A_1013 = vector.broadcast %parallel_loop3A_1012 : i32 to vector<16xi32>
              %parallel_loop3A_1014 = arith.addi %parallel_loop3A_1013, %iota3A : vector<16xi32>
              %parallel_loop3A_1015 = arith.index_cast %parallel_loop3A_602 : i32 to index
              %parallel_loop3A_1016 = arith.constant 96 : index
              %parallel_loop3A_1017 = tpu.vector_load %arg13[%parallel_loop3A_1015, %parallel_loop3A_1016] {strides = array<i32>} : memref<16x768xf32, #tpu.memory_space<vmem>>, vector<16xf32>,
              %parallel_loop3A_1018 = arith.index_cast %parallel_loop3A_602 : i32 to index
              %parallel_loop3A_1019 = arith.constant 96 : index
              %parallel_loop3A_1020 = tpu.vector_load %arg15[%parallel_loop3A_1018, %parallel_loop3A_1019] {strides = array<i32>} : memref<16x512xf32, #tpu.memory_space<vmem>>, vector<16xf32>,
              %parallel_loop3A_1021 = arith.mulf %parallel_loop3A_1017, %parallel_loop3A_1020 : vector<16xf32>
              %parallel_loop3A_1022 = arith.index_cast %parallel_loop3A_602 : i32 to index
              %parallel_loop3A_1023 = arith.constant 352 : index
              %parallel_loop3A_1024 = tpu.vector_load %arg13[%parallel_loop3A_1022, %parallel_loop3A_1023] {strides = array<i32>} : memref<16x768xf32, #tpu.memory_space<vmem>>, vector<16xf32>,
              %parallel_loop3A_1025 = arith.index_cast %parallel_loop3A_602 : i32 to index
              %parallel_loop3A_1026 = arith.constant 352 : index
              %parallel_loop3A_1027 = tpu.vector_load %arg15[%parallel_loop3A_1025, %parallel_loop3A_1026] {strides = array<i32>} : memref<16x512xf32, #tpu.memory_space<vmem>>, vector<16xf32>,
              %parallel_loop3A_1028 = arith.mulf %parallel_loop3A_1024, %parallel_loop3A_1027 : vector<16xf32>
              %parallel_loop3A_1029 = arith.constant 3 : i32
              %parallel_loop3A_1030 = vector.broadcast %parallel_loop3A_1029 : i32 to vector<16xi32>
              %parallel_loop3A_1031 = arith.muli %parallel_loop3A_1030, %parallel_loop3A_1014 : vector<16xi32>
              %parallel_loop3A_1032 = arith.constant 0 : i32
              %parallel_loop3A_1033 = vector.broadcast %parallel_loop3A_1032 : i32 to vector<16xi32>
              %parallel_loop3A_1034 = arith.addi %parallel_loop3A_1031, %parallel_loop3A_1033 : vector<16xi32>
              %parallel_loop3A_1035 = arith.index_cast %parallel_loop3A_602 : i32 to index
              %parallel_loop3A_1036 = arith.constant 480 : index
              %parallel_loop3A_1037 = tpu.vector_load %arg13[%parallel_loop3A_1035, %parallel_loop3A_1036] {strides = array<i32>} : memref<16x768xf32, #tpu.memory_space<vmem>>, vector<16xf32>,
              %parallel_loop3A_1038 = arith.mulf %parallel_loop3A_1021, %parallel_loop3A_1037 : vector<16xf32>
              %parallel_loop3A_1039 = arith.mulf %parallel_loop3A_1028, %parallel_loop3A_607 : vector<16xf32>
              %parallel_loop3A_1040 = arith.addf %parallel_loop3A_1038, %parallel_loop3A_1039 : vector<16xf32>
              %parallel_loop3A_1041 = arith.constant 3 : i32
              %parallel_loop3A_1042 = vector.broadcast %parallel_loop3A_1041 : i32 to vector<16xi32>
              %parallel_loop3A_1043 = arith.muli %parallel_loop3A_1042, %parallel_loop3A_1014 : vector<16xi32>
              %parallel_loop3A_1044 = arith.constant 1 : i32
              %parallel_loop3A_1045 = vector.broadcast %parallel_loop3A_1044 : i32 to vector<16xi32>
              %parallel_loop3A_1046 = arith.addi %parallel_loop3A_1043, %parallel_loop3A_1045 : vector<16xi32>
              %parallel_loop3A_1047 = arith.index_cast %parallel_loop3A_602 : i32 to index
              %parallel_loop3A_1048 = arith.constant 608 : index
              %parallel_loop3A_1049 = tpu.vector_load %arg13[%parallel_loop3A_1047, %parallel_loop3A_1048] {strides = array<i32>} : memref<16x768xf32, #tpu.memory_space<vmem>>, vector<16xf32>,
              %parallel_loop3A_1050 = arith.mulf %parallel_loop3A_1021, %parallel_loop3A_1049 : vector<16xf32>
              %parallel_loop3A_1051 = arith.mulf %parallel_loop3A_1028, %parallel_loop3A_610 : vector<16xf32>
              %parallel_loop3A_1052 = arith.addf %parallel_loop3A_1050, %parallel_loop3A_1051 : vector<16xf32>
              %parallel_loop3A_1053 = arith.constant 3 : i32
              %parallel_loop3A_1054 = vector.broadcast %parallel_loop3A_1053 : i32 to vector<16xi32>
              %parallel_loop3A_1055 = arith.muli %parallel_loop3A_1054, %parallel_loop3A_1014 : vector<16xi32>
              %parallel_loop3A_1056 = arith.constant 2 : i32
              %parallel_loop3A_1057 = vector.broadcast %parallel_loop3A_1056 : i32 to vector<16xi32>
              %parallel_loop3A_1058 = arith.addi %parallel_loop3A_1055, %parallel_loop3A_1057 : vector<16xi32>
              %parallel_loop3A_1059 = arith.index_cast %parallel_loop3A_602 : i32 to index
              %parallel_loop3A_1060 = arith.constant 736 : index
              %parallel_loop3A_1061 = tpu.vector_load %arg13[%parallel_loop3A_1059, %parallel_loop3A_1060] {strides = array<i32>} : memref<16x768xf32, #tpu.memory_space<vmem>>, vector<16xf32>,
              %parallel_loop3A_1062 = arith.mulf %parallel_loop3A_1021, %parallel_loop3A_1061 : vector<16xf32>
              %parallel_loop3A_1063 = arith.mulf %parallel_loop3A_1028, %parallel_loop3A_613 : vector<16xf32>
              %parallel_loop3A_1064 = arith.addf %parallel_loop3A_1062, %parallel_loop3A_1063 : vector<16xf32>
              %parallel_loop3A_1065 = arith.constant 112 : i32
              %parallel_loop3A_1066 = vector.broadcast %parallel_loop3A_1065 : i32 to vector<16xi32>
              %parallel_loop3A_1067 = arith.addi %parallel_loop3A_1066, %iota3A : vector<16xi32>
              %parallel_loop3A_1068 = arith.index_cast %parallel_loop3A_602 : i32 to index
              %parallel_loop3A_1069 = arith.constant 112 : index
              %parallel_loop3A_1070 = tpu.vector_load %arg13[%parallel_loop3A_1068, %parallel_loop3A_1069] {strides = array<i32>} : memref<16x768xf32, #tpu.memory_space<vmem>>, vector<16xf32>,
              %parallel_loop3A_1071 = arith.index_cast %parallel_loop3A_602 : i32 to index
              %parallel_loop3A_1072 = arith.constant 112 : index
              %parallel_loop3A_1073 = tpu.vector_load %arg15[%parallel_loop3A_1071, %parallel_loop3A_1072] {strides = array<i32>} : memref<16x512xf32, #tpu.memory_space<vmem>>, vector<16xf32>,
              %parallel_loop3A_1074 = arith.mulf %parallel_loop3A_1070, %parallel_loop3A_1073 : vector<16xf32>
              %parallel_loop3A_1075 = arith.index_cast %parallel_loop3A_602 : i32 to index
              %parallel_loop3A_1076 = arith.constant 368 : index
              %parallel_loop3A_1077 = tpu.vector_load %arg13[%parallel_loop3A_1075, %parallel_loop3A_1076] {strides = array<i32>} : memref<16x768xf32, #tpu.memory_space<vmem>>, vector<16xf32>,
              %parallel_loop3A_1078 = arith.index_cast %parallel_loop3A_602 : i32 to index
              %parallel_loop3A_1079 = arith.constant 368 : index
              %parallel_loop3A_1080 = tpu.vector_load %arg15[%parallel_loop3A_1078, %parallel_loop3A_1079] {strides = array<i32>} : memref<16x512xf32, #tpu.memory_space<vmem>>, vector<16xf32>,
              %parallel_loop3A_1081 = arith.mulf %parallel_loop3A_1077, %parallel_loop3A_1080 : vector<16xf32>
              %parallel_loop3A_1082 = arith.constant 3 : i32
              %parallel_loop3A_1083 = vector.broadcast %parallel_loop3A_1082 : i32 to vector<16xi32>
              %parallel_loop3A_1084 = arith.muli %parallel_loop3A_1083, %parallel_loop3A_1067 : vector<16xi32>
              %parallel_loop3A_1085 = arith.constant 0 : i32
              %parallel_loop3A_1086 = vector.broadcast %parallel_loop3A_1085 : i32 to vector<16xi32>
              %parallel_loop3A_1087 = arith.addi %parallel_loop3A_1084, %parallel_loop3A_1086 : vector<16xi32>
              %parallel_loop3A_1088 = arith.index_cast %parallel_loop3A_602 : i32 to index
              %parallel_loop3A_1089 = arith.constant 496 : index
              %parallel_loop3A_1090 = tpu.vector_load %arg13[%parallel_loop3A_1088, %parallel_loop3A_1089] {strides = array<i32>} : memref<16x768xf32, #tpu.memory_space<vmem>>, vector<16xf32>,
              %parallel_loop3A_1091 = arith.mulf %parallel_loop3A_1074, %parallel_loop3A_1090 : vector<16xf32>
              %parallel_loop3A_1092 = arith.mulf %parallel_loop3A_1081, %parallel_loop3A_607 : vector<16xf32>
              %parallel_loop3A_1093 = arith.addf %parallel_loop3A_1091, %parallel_loop3A_1092 : vector<16xf32>
              %parallel_loop3A_1094 = arith.constant 3 : i32
              %parallel_loop3A_1095 = vector.broadcast %parallel_loop3A_1094 : i32 to vector<16xi32>
              %parallel_loop3A_1096 = arith.muli %parallel_loop3A_1095, %parallel_loop3A_1067 : vector<16xi32>
              %parallel_loop3A_1097 = arith.constant 1 : i32
              %parallel_loop3A_1098 = vector.broadcast %parallel_loop3A_1097 : i32 to vector<16xi32>
              %parallel_loop3A_1099 = arith.addi %parallel_loop3A_1096, %parallel_loop3A_1098 : vector<16xi32>
              %parallel_loop3A_1100 = arith.index_cast %parallel_loop3A_602 : i32 to index
              %parallel_loop3A_1101 = arith.constant 624 : index
              %parallel_loop3A_1102 = tpu.vector_load %arg13[%parallel_loop3A_1100, %parallel_loop3A_1101] {strides = array<i32>} : memref<16x768xf32, #tpu.memory_space<vmem>>, vector<16xf32>,
              %parallel_loop3A_1103 = arith.mulf %parallel_loop3A_1074, %parallel_loop3A_1102 : vector<16xf32>
              %parallel_loop3A_1104 = arith.mulf %parallel_loop3A_1081, %parallel_loop3A_610 : vector<16xf32>
              %parallel_loop3A_1105 = arith.addf %parallel_loop3A_1103, %parallel_loop3A_1104 : vector<16xf32>
              %parallel_loop3A_1106 = arith.constant 3 : i32
              %parallel_loop3A_1107 = vector.broadcast %parallel_loop3A_1106 : i32 to vector<16xi32>
              %parallel_loop3A_1108 = arith.muli %parallel_loop3A_1107, %parallel_loop3A_1067 : vector<16xi32>
              %parallel_loop3A_1109 = arith.constant 2 : i32
              %parallel_loop3A_1110 = vector.broadcast %parallel_loop3A_1109 : i32 to vector<16xi32>
              %parallel_loop3A_1111 = arith.addi %parallel_loop3A_1108, %parallel_loop3A_1110 : vector<16xi32>
              %parallel_loop3A_1112 = arith.index_cast %parallel_loop3A_602 : i32 to index
              %parallel_loop3A_1113 = arith.constant 752 : index
              %parallel_loop3A_1114 = tpu.vector_load %arg13[%parallel_loop3A_1112, %parallel_loop3A_1113] {strides = array<i32>} : memref<16x768xf32, #tpu.memory_space<vmem>>, vector<16xf32>,
              %parallel_loop3A_1115 = arith.mulf %parallel_loop3A_1074, %parallel_loop3A_1114 : vector<16xf32>
              %parallel_loop3A_1116 = arith.mulf %parallel_loop3A_1081, %parallel_loop3A_613 : vector<16xf32>
              %parallel_loop3A_1117 = arith.addf %parallel_loop3A_1115, %parallel_loop3A_1116 : vector<16xf32>
              tpu.vector_store_idx %arg7[%parallel_loop3A_604, %parallel_loop3A_928], %parallel_loop3A_934 {add = true} : memref<128x512xf32, #tpu.memory_space<vmem>>[vector<16xi32>, vector<16xi32>], vector<16xf32>,
              tpu.vector_store_idx %arg7[%parallel_loop3A_604, %parallel_loop3A_940], %parallel_loop3A_946 {add = true} : memref<128x512xf32, #tpu.memory_space<vmem>>[vector<16xi32>, vector<16xi32>], vector<16xf32>,
              tpu.vector_store_idx %arg7[%parallel_loop3A_604, %parallel_loop3A_952], %parallel_loop3A_958 {add = true} : memref<128x512xf32, #tpu.memory_space<vmem>>[vector<16xi32>, vector<16xi32>], vector<16xf32>,
              tpu.vector_store_idx %arg7[%parallel_loop3A_604, %parallel_loop3A_981], %parallel_loop3A_987 {add = true} : memref<128x512xf32, #tpu.memory_space<vmem>>[vector<16xi32>, vector<16xi32>], vector<16xf32>,
              tpu.vector_store_idx %arg7[%parallel_loop3A_604, %parallel_loop3A_993], %parallel_loop3A_999 {add = true} : memref<128x512xf32, #tpu.memory_space<vmem>>[vector<16xi32>, vector<16xi32>], vector<16xf32>,
              tpu.vector_store_idx %arg7[%parallel_loop3A_604, %parallel_loop3A_1005], %parallel_loop3A_1011 {add = true} : memref<128x512xf32, #tpu.memory_space<vmem>>[vector<16xi32>, vector<16xi32>], vector<16xf32>,
              tpu.vector_store_idx %arg7[%parallel_loop3A_604, %parallel_loop3A_1034], %parallel_loop3A_1040 {add = true} : memref<128x512xf32, #tpu.memory_space<vmem>>[vector<16xi32>, vector<16xi32>], vector<16xf32>,
              tpu.vector_store_idx %arg7[%parallel_loop3A_604, %parallel_loop3A_1046], %parallel_loop3A_1052 {add = true} : memref<128x512xf32, #tpu.memory_space<vmem>>[vector<16xi32>, vector<16xi32>], vector<16xf32>,
              tpu.vector_store_idx %arg7[%parallel_loop3A_604, %parallel_loop3A_1058], %parallel_loop3A_1064 {add = true} : memref<128x512xf32, #tpu.memory_space<vmem>>[vector<16xi32>, vector<16xi32>], vector<16xf32>,
              tpu.vector_store_idx %arg7[%parallel_loop3A_604, %parallel_loop3A_1087], %parallel_loop3A_1093 {add = true} : memref<128x512xf32, #tpu.memory_space<vmem>>[vector<16xi32>, vector<16xi32>], vector<16xf32>,
              tpu.vector_store_idx %arg7[%parallel_loop3A_604, %parallel_loop3A_1099], %parallel_loop3A_1105 {add = true} : memref<128x512xf32, #tpu.memory_space<vmem>>[vector<16xi32>, vector<16xi32>], vector<16xf32>,
              tpu.vector_store_idx %arg7[%parallel_loop3A_604, %parallel_loop3A_1111], %parallel_loop3A_1117 {add = true} : memref<128x512xf32, #tpu.memory_space<vmem>>[vector<16xi32>, vector<16xi32>], vector<16xf32>,
            } {sc.loop_unroll_factor = 1 : i64, sc.parallel_access}
          } else {
          }
          %add3A_491 = arith.constant 32 : i32
          %add3A_492 = arith.addi %while3A_431, %add3A_491 : i32
          %get3A_493 = arith.index_cast %add3A_492 : i32 to index
          %get3A_494 = tpu.vector_load %arg12[%get3A_493] {strides = array<i32>} : memref<4080xi32, #tpu.memory_space<vmem>>, vector<16xi32>,
          %ge3A_495 = arith.constant 0 : i32
          %ge3A_496 = vector.broadcast %ge3A_495 : i32 to vector<16xi32>
          %ge3A_497 = arith.cmpi sge, %get3A_494, %ge3A_496 : vector<16xi32>
          %jit3A_498 = arith.constant 0 : i32
          %broadcast_in_dim3A_499 = vector.broadcast %jit3A_498 : i32 to vector<16xi32>
          %select_n3A_500 = arith.select %ge3A_497, %get3A_494, %broadcast_in_dim3A_499 : vector<16xi1>, vector<16xi32>
          %gather3A_501 = tpu.vector_load_idx %arg9[%select_n3A_500] : memref<4000xi32, #tpu.memory_space<vmem>>[vector<16xi32>], vector<16xi32>,
          %gather3A_502 = tpu.vector_load_idx %arg8[%select_n3A_500] : memref<4000xi32, #tpu.memory_space<vmem>>[vector<16xi32>], vector<16xi32>,
          %swap3A_503 = arith.constant 0 : index
          %swap3A_504 = tpu.vector_load %arg19[%swap3A_503] {strides = array<i32>} : memref<16xi32, #tpu.memory_space<vmem>>, vector<16xi32>,
          tpu.vector_store %arg19[%swap3A_503], %gather3A_501 {strides = array<i32>} : memref<16xi32, #tpu.memory_space<vmem>>, vector<16xi32>,
          %add3A_505 = vector.broadcast %mul3A_247 : i32 to vector<16xi32>
          %add3A_506 = arith.addi %select_n3A_500, %add3A_505 : vector<16xi32>
          %swap3A_507 = arith.constant 0 : index
          %swap3A_508 = tpu.vector_load %arg21[%swap3A_507] {strides = array<i32>} : memref<16xi32, #tpu.memory_space<vmem>>, vector<16xi32>,
          tpu.vector_store %arg21[%swap3A_507], %add3A_506 {strides = array<i32>} : memref<16xi32, #tpu.memory_space<vmem>>, vector<16xi32>,
          %sub3A_509 = vector.broadcast %mul3A_14 : i32 to vector<16xi32>
          %sub3A_510 = arith.subi %gather3A_502, %sub3A_509 : vector<16xi32>
          %jit3A_511 = arith.constant 112 : i32
          %broadcast_in_dim3A_512 = vector.broadcast %jit3A_511 : i32 to vector<16xi32>
          %select_n3A_513 = arith.select %ge3A_497, %sub3A_510, %broadcast_in_dim3A_512 : vector<16xi1>, vector<16xi32>
          %swap3A_514 = arith.constant 0 : index
          %swap3A_515 = tpu.vector_load %arg17[%swap3A_514] {strides = array<i32>} : memref<16xi32, #tpu.memory_space<vmem>>, vector<16xi32>,
          tpu.vector_store %arg17[%swap3A_514], %select_n3A_513 {strides = array<i32>} : memref<16xi32, #tpu.memory_space<vmem>>, vector<16xi32>,
          %reduce_or3A_516 = arith.constant 1.000000e+00 : f32
          %reduce_or3A_517 = arith.constant 0.000000e+00 : f32
          %reduce_or3A_518 = vector.broadcast %reduce_or3A_516 : f32 to vector<16xf32>
          %reduce_or3A_519 = vector.broadcast %reduce_or3A_517 : f32 to vector<16xf32>
          %reduce_or3A_520 = arith.select %ge3A_497, %reduce_or3A_518, %reduce_or3A_519 : vector<16xi1>, vector<16xf32>
          %reduce_or3A_521 = arith.constant true
          %reduce_or3A_522 = vector.broadcast %reduce_or3A_521 : i1 to vector<16xi1>
          %reduce_or3A_523 = tpu.scan <max>, %reduce_or3A_520 masked %reduce_or3A_522 : vector<16xf32>, vector<16xi1> -> vector<16xf32>
          %reduce_or3A_524 = vector.extract %reduce_or3A_523[15] : f32 from vector<16xf32>
          %reduce_or3A_525 = arith.constant 0.000000e+00 : f32
          %reduce_or3A_526 = arith.cmpf ogt, %reduce_or3A_524, %reduce_or3A_525 : f32
          %convert_element_type3A_527 = arith.extui %reduce_or3A_526 : i1 to i32
          %cond3A_528 = arith.constant 0 : i32
          %cond3A_529 = arith.cmpi ne, %convert_element_type3A_527, %cond3A_528 : i32
          scf.if %cond3A_529 {
            %dma_start3A_587 = arith.constant 0 : i32
            %dma_start3A_588 = arith.constant 0 : i32
            %dma_start3A_589 = tpu.memref_slice %arg2[%dma_start3A_587, %dma_start3A_588] : memref<10000x768xf32, #tpu.memory_space<hbm>> -> memref<10000x768xf32, #tpu.memory_space<hbm>>
            tpu.enqueue_indirect_dma source(%dma_start3A_589 : memref<10000x768xf32, #tpu.memory_space<hbm>>) target(%arg13 : memref<16x768xf32, #tpu.memory_space<vmem>>) offsets(%arg19 : memref<16xi32, #tpu.memory_space<vmem>>) semaphore(%arg23 : memref<!tpu.dma_semaphore, #tpu.memory_space<semaphore_mem>>)
            %dma_start3A_590 = arith.constant 0 : i32
            %dma_start3A_591 = arith.constant 0 : i32
            %dma_start3A_592 = tpu.memref_slice %arg3[%dma_start3A_590, %dma_start3A_591] : memref<160000x512xf32, #tpu.memory_space<hbm>> -> memref<160000x512xf32, #tpu.memory_space<hbm>>
            tpu.enqueue_indirect_dma source(%dma_start3A_592 : memref<160000x512xf32, #tpu.memory_space<hbm>>) target(%arg15 : memref<16x512xf32, #tpu.memory_space<vmem>>) offsets(%arg21 : memref<16xi32, #tpu.memory_space<vmem>>) semaphore(%arg23 : memref<!tpu.dma_semaphore, #tpu.memory_space<semaphore_mem>>)
          } else {
          }
          %get3A_530 = arith.constant 0 : index
          %get3A_531 = tpu.vector_load %arg18[%get3A_530] {strides = array<i32>} : memref<16xi32, #tpu.memory_space<vmem>>, vector<16xi32>,
          %ne3A_532 = arith.constant 112 : i32
          %ne3A_533 = vector.broadcast %ne3A_532 : i32 to vector<16xi32>
          %ne3A_534 = arith.cmpi ne, %get3A_531, %ne3A_533 : vector<16xi32>
          %reduce_or3A_535 = arith.constant 1.000000e+00 : f32
          %reduce_or3A_536 = arith.constant 0.000000e+00 : f32
          %reduce_or3A_537 = vector.broadcast %reduce_or3A_535 : f32 to vector<16xf32>
          %reduce_or3A_538 = vector.broadcast %reduce_or3A_536 : f32 to vector<16xf32>
          %reduce_or3A_539 = arith.select %ne3A_534, %reduce_or3A_537, %reduce_or3A_538 : vector<16xi1>, vector<16xf32>
          %reduce_or3A_540 = arith.constant true
          %reduce_or3A_541 = vector.broadcast %reduce_or3A_540 : i1 to vector<16xi1>
          %reduce_or3A_542 = tpu.scan <max>, %reduce_or3A_539 masked %reduce_or3A_541 : vector<16xf32>, vector<16xi1> -> vector<16xf32>
          %reduce_or3A_543 = vector.extract %reduce_or3A_542[15] : f32 from vector<16xf32>
          %reduce_or3A_544 = arith.constant 0.000000e+00 : f32
          %reduce_or3A_545 = arith.cmpf ogt, %reduce_or3A_543, %reduce_or3A_544 : f32
          %convert_element_type3A_546 = arith.extui %reduce_or3A_545 : i1 to i32
          %cond3A_547 = arith.constant 0 : i32
          %cond3A_548 = arith.cmpi ne, %convert_element_type3A_546, %cond3A_547 : i32
          scf.if %cond3A_548 {
            %dma_wait3A_587 = arith.constant 0 : i32
            %dma_wait3A_588 = arith.constant 0 : i32
            %dma_wait3A_589 = tpu.memref_slice %arg2[%dma_wait3A_587, %dma_wait3A_588] : memref<10000x768xf32, #tpu.memory_space<hbm>> -> memref<16x768xf32, #tpu.memory_space<hbm>>
            %dma_wait3A_590 = arith.constant 0 : i32
            %dma_wait3A_591 = arith.constant 0 : i32
            %dma_wait3A_592 = tpu.memref_slice %arg2[%dma_wait3A_590, %dma_wait3A_591] : memref<10000x768xf32, #tpu.memory_space<hbm>> -> memref<16x768xf32, #tpu.memory_space<hbm>>
            tpu.wait_dma2 semaphore(%arg24 : memref<!tpu.dma_semaphore, #tpu.memory_space<semaphore_mem>>) src(%dma_wait3A_592 : memref<16x768xf32, #tpu.memory_space<hbm>>) dst(%arg14 : memref<16x768xf32, #tpu.memory_space<vmem>>)
            %dma_wait3A_593 = arith.constant 0 : i32
            %dma_wait3A_594 = arith.constant 0 : i32
            %dma_wait3A_595 = tpu.memref_slice %arg3[%dma_wait3A_593, %dma_wait3A_594] : memref<160000x512xf32, #tpu.memory_space<hbm>> -> memref<16x512xf32, #tpu.memory_space<hbm>>
            %dma_wait3A_596 = arith.constant 0 : i32
            %dma_wait3A_597 = arith.constant 0 : i32
            %dma_wait3A_598 = tpu.memref_slice %arg3[%dma_wait3A_596, %dma_wait3A_597] : memref<160000x512xf32, #tpu.memory_space<hbm>> -> memref<16x512xf32, #tpu.memory_space<hbm>>
            tpu.wait_dma2 semaphore(%arg24 : memref<!tpu.dma_semaphore, #tpu.memory_space<semaphore_mem>>) src(%dma_wait3A_598 : memref<16x512xf32, #tpu.memory_space<hbm>>) dst(%arg16 : memref<16x512xf32, #tpu.memory_space<vmem>>)
            %parallel_loop3A_599 = arith.constant 0 : i32
            %parallel_loop3A_600 = arith.constant 16 : i32
            %parallel_loop3A_601 = arith.constant 1 : i32
            scf.for %parallel_loop3A_602 = %parallel_loop3A_599 to %parallel_loop3A_600 step %parallel_loop3A_601  : i32 {
              %parallel_loop3A_603 = vector.broadcast %parallel_loop3A_602 : i32 to vector<16xi32>
              %parallel_loop3A_604 = tpu.vector_load_idx %arg18[%parallel_loop3A_603] : memref<16xi32, #tpu.memory_space<vmem>>[vector<16xi32>], vector<16xi32>,
              %parallel_loop3A_605 = arith.constant 384 : i32
              %parallel_loop3A_606 = vector.broadcast %parallel_loop3A_605 : i32 to vector<16xi32>
              %parallel_loop3A_607 = tpu.vector_load_idx %arg16[%parallel_loop3A_603, %parallel_loop3A_606] : memref<16x512xf32, #tpu.memory_space<vmem>>[vector<16xi32>, vector<16xi32>], vector<16xf32>,
              %parallel_loop3A_608 = arith.constant 385 : i32
              %parallel_loop3A_609 = vector.broadcast %parallel_loop3A_608 : i32 to vector<16xi32>
              %parallel_loop3A_610 = tpu.vector_load_idx %arg16[%parallel_loop3A_603, %parallel_loop3A_609] : memref<16x512xf32, #tpu.memory_space<vmem>>[vector<16xi32>, vector<16xi32>], vector<16xf32>,
              %parallel_loop3A_611 = arith.constant 386 : i32
              %parallel_loop3A_612 = vector.broadcast %parallel_loop3A_611 : i32 to vector<16xi32>
              %parallel_loop3A_613 = tpu.vector_load_idx %arg16[%parallel_loop3A_603, %parallel_loop3A_612] : memref<16x512xf32, #tpu.memory_space<vmem>>[vector<16xi32>, vector<16xi32>], vector<16xf32>,
              %parallel_loop3A_614 = arith.constant 384 : i32
              %parallel_loop3A_615 = vector.broadcast %parallel_loop3A_614 : i32 to vector<16xi32>
              %parallel_loop3A_616 = arith.addi %parallel_loop3A_615, %iota3A : vector<16xi32>
              %parallel_loop3A_617 = arith.index_cast %parallel_loop3A_602 : i32 to index
              %parallel_loop3A_618 = arith.constant 128 : index
              %parallel_loop3A_619 = tpu.vector_load %arg14[%parallel_loop3A_617, %parallel_loop3A_618] {strides = array<i32>} : memref<16x768xf32, #tpu.memory_space<vmem>>, vector<16xf32>,
              %parallel_loop3A_620 = arith.index_cast %parallel_loop3A_602 : i32 to index
              %parallel_loop3A_621 = arith.constant 128 : index
              %parallel_loop3A_622 = tpu.vector_load %arg16[%parallel_loop3A_620, %parallel_loop3A_621] {strides = array<i32>} : memref<16x512xf32, #tpu.memory_space<vmem>>, vector<16xf32>,
              %parallel_loop3A_623 = arith.mulf %parallel_loop3A_619, %parallel_loop3A_622 : vector<16xf32>
              %parallel_loop3A_624 = arith.constant 400 : i32
              %parallel_loop3A_625 = vector.broadcast %parallel_loop3A_624 : i32 to vector<16xi32>
              %parallel_loop3A_626 = arith.addi %parallel_loop3A_625, %iota3A : vector<16xi32>
              %parallel_loop3A_627 = arith.index_cast %parallel_loop3A_602 : i32 to index
              %parallel_loop3A_628 = arith.constant 144 : index
              %parallel_loop3A_629 = tpu.vector_load %arg14[%parallel_loop3A_627, %parallel_loop3A_628] {strides = array<i32>} : memref<16x768xf32, #tpu.memory_space<vmem>>, vector<16xf32>,
              %parallel_loop3A_630 = arith.index_cast %parallel_loop3A_602 : i32 to index
              %parallel_loop3A_631 = arith.constant 144 : index
              %parallel_loop3A_632 = tpu.vector_load %arg16[%parallel_loop3A_630, %parallel_loop3A_631] {strides = array<i32>} : memref<16x512xf32, #tpu.memory_space<vmem>>, vector<16xf32>,
              %parallel_loop3A_633 = arith.mulf %parallel_loop3A_629, %parallel_loop3A_632 : vector<16xf32>
              %parallel_loop3A_634 = arith.constant 416 : i32
              %parallel_loop3A_635 = vector.broadcast %parallel_loop3A_634 : i32 to vector<16xi32>
              %parallel_loop3A_636 = arith.addi %parallel_loop3A_635, %iota3A : vector<16xi32>
              %parallel_loop3A_637 = arith.index_cast %parallel_loop3A_602 : i32 to index
              %parallel_loop3A_638 = arith.constant 160 : index
              %parallel_loop3A_639 = tpu.vector_load %arg14[%parallel_loop3A_637, %parallel_loop3A_638] {strides = array<i32>} : memref<16x768xf32, #tpu.memory_space<vmem>>, vector<16xf32>,
              %parallel_loop3A_640 = arith.index_cast %parallel_loop3A_602 : i32 to index
              %parallel_loop3A_641 = arith.constant 160 : index
              %parallel_loop3A_642 = tpu.vector_load %arg16[%parallel_loop3A_640, %parallel_loop3A_641] {strides = array<i32>} : memref<16x512xf32, #tpu.memory_space<vmem>>, vector<16xf32>,
              %parallel_loop3A_643 = arith.mulf %parallel_loop3A_639, %parallel_loop3A_642 : vector<16xf32>
              %parallel_loop3A_644 = arith.constant 432 : i32
              %parallel_loop3A_645 = vector.broadcast %parallel_loop3A_644 : i32 to vector<16xi32>
              %parallel_loop3A_646 = arith.addi %parallel_loop3A_645, %iota3A : vector<16xi32>
              %parallel_loop3A_647 = arith.index_cast %parallel_loop3A_602 : i32 to index
              %parallel_loop3A_648 = arith.constant 176 : index
              %parallel_loop3A_649 = tpu.vector_load %arg14[%parallel_loop3A_647, %parallel_loop3A_648] {strides = array<i32>} : memref<16x768xf32, #tpu.memory_space<vmem>>, vector<16xf32>,
              %parallel_loop3A_650 = arith.index_cast %parallel_loop3A_602 : i32 to index
              %parallel_loop3A_651 = arith.constant 176 : index
              %parallel_loop3A_652 = tpu.vector_load %arg16[%parallel_loop3A_650, %parallel_loop3A_651] {strides = array<i32>} : memref<16x512xf32, #tpu.memory_space<vmem>>, vector<16xf32>,
              %parallel_loop3A_653 = arith.mulf %parallel_loop3A_649, %parallel_loop3A_652 : vector<16xf32>
              %parallel_loop3A_654 = arith.constant 448 : i32
              %parallel_loop3A_655 = vector.broadcast %parallel_loop3A_654 : i32 to vector<16xi32>
              %parallel_loop3A_656 = arith.addi %parallel_loop3A_655, %iota3A : vector<16xi32>
              %parallel_loop3A_657 = arith.index_cast %parallel_loop3A_602 : i32 to index
              %parallel_loop3A_658 = arith.constant 192 : index
              %parallel_loop3A_659 = tpu.vector_load %arg14[%parallel_loop3A_657, %parallel_loop3A_658] {strides = array<i32>} : memref<16x768xf32, #tpu.memory_space<vmem>>, vector<16xf32>,
              %parallel_loop3A_660 = arith.index_cast %parallel_loop3A_602 : i32 to index
              %parallel_loop3A_661 = arith.constant 192 : index
              %parallel_loop3A_662 = tpu.vector_load %arg16[%parallel_loop3A_660, %parallel_loop3A_661] {strides = array<i32>} : memref<16x512xf32, #tpu.memory_space<vmem>>, vector<16xf32>,
              %parallel_loop3A_663 = arith.mulf %parallel_loop3A_659, %parallel_loop3A_662 : vector<16xf32>
              %parallel_loop3A_664 = arith.constant 464 : i32
              %parallel_loop3A_665 = vector.broadcast %parallel_loop3A_664 : i32 to vector<16xi32>
              %parallel_loop3A_666 = arith.addi %parallel_loop3A_665, %iota3A : vector<16xi32>
              %parallel_loop3A_667 = arith.index_cast %parallel_loop3A_602 : i32 to index
              %parallel_loop3A_668 = arith.constant 208 : index
              %parallel_loop3A_669 = tpu.vector_load %arg14[%parallel_loop3A_667, %parallel_loop3A_668] {strides = array<i32>} : memref<16x768xf32, #tpu.memory_space<vmem>>, vector<16xf32>,
              %parallel_loop3A_670 = arith.index_cast %parallel_loop3A_602 : i32 to index
              %parallel_loop3A_671 = arith.constant 208 : index
              %parallel_loop3A_672 = tpu.vector_load %arg16[%parallel_loop3A_670, %parallel_loop3A_671] {strides = array<i32>} : memref<16x512xf32, #tpu.memory_space<vmem>>, vector<16xf32>,
              %parallel_loop3A_673 = arith.mulf %parallel_loop3A_669, %parallel_loop3A_672 : vector<16xf32>
              %parallel_loop3A_674 = arith.constant 480 : i32
              %parallel_loop3A_675 = vector.broadcast %parallel_loop3A_674 : i32 to vector<16xi32>
              %parallel_loop3A_676 = arith.addi %parallel_loop3A_675, %iota3A : vector<16xi32>
              %parallel_loop3A_677 = arith.index_cast %parallel_loop3A_602 : i32 to index
              %parallel_loop3A_678 = arith.constant 224 : index
              %parallel_loop3A_679 = tpu.vector_load %arg14[%parallel_loop3A_677, %parallel_loop3A_678] {strides = array<i32>} : memref<16x768xf32, #tpu.memory_space<vmem>>, vector<16xf32>,
              %parallel_loop3A_680 = arith.index_cast %parallel_loop3A_602 : i32 to index
              %parallel_loop3A_681 = arith.constant 224 : index
              %parallel_loop3A_682 = tpu.vector_load %arg16[%parallel_loop3A_680, %parallel_loop3A_681] {strides = array<i32>} : memref<16x512xf32, #tpu.memory_space<vmem>>, vector<16xf32>,
              %parallel_loop3A_683 = arith.mulf %parallel_loop3A_679, %parallel_loop3A_682 : vector<16xf32>
              %parallel_loop3A_684 = arith.constant 496 : i32
              %parallel_loop3A_685 = vector.broadcast %parallel_loop3A_684 : i32 to vector<16xi32>
              %parallel_loop3A_686 = arith.addi %parallel_loop3A_685, %iota3A : vector<16xi32>
              %parallel_loop3A_687 = arith.index_cast %parallel_loop3A_602 : i32 to index
              %parallel_loop3A_688 = arith.constant 240 : index
              %parallel_loop3A_689 = tpu.vector_load %arg14[%parallel_loop3A_687, %parallel_loop3A_688] {strides = array<i32>} : memref<16x768xf32, #tpu.memory_space<vmem>>, vector<16xf32>,
              %parallel_loop3A_690 = arith.index_cast %parallel_loop3A_602 : i32 to index
              %parallel_loop3A_691 = arith.constant 240 : index
              %parallel_loop3A_692 = tpu.vector_load %arg16[%parallel_loop3A_690, %parallel_loop3A_691] {strides = array<i32>} : memref<16x512xf32, #tpu.memory_space<vmem>>, vector<16xf32>,
              %parallel_loop3A_693 = arith.mulf %parallel_loop3A_689, %parallel_loop3A_692 : vector<16xf32>
              %parallel_loop3A_694 = arith.constant 0 : i32
              %parallel_loop3A_695 = vector.broadcast %parallel_loop3A_694 : i32 to vector<16xi32>
              %parallel_loop3A_696 = arith.addi %parallel_loop3A_695, %iota3A : vector<16xi32>
              %parallel_loop3A_697 = arith.index_cast %parallel_loop3A_602 : i32 to index
              %parallel_loop3A_698 = arith.constant 0 : index
              %parallel_loop3A_699 = tpu.vector_load %arg14[%parallel_loop3A_697, %parallel_loop3A_698] {strides = array<i32>} : memref<16x768xf32, #tpu.memory_space<vmem>>, vector<16xf32>,
              %parallel_loop3A_700 = arith.index_cast %parallel_loop3A_602 : i32 to index
              %parallel_loop3A_701 = arith.constant 0 : index
              %parallel_loop3A_702 = tpu.vector_load %arg16[%parallel_loop3A_700, %parallel_loop3A_701] {strides = array<i32>} : memref<16x512xf32, #tpu.memory_space<vmem>>, vector<16xf32>,
              %parallel_loop3A_703 = arith.mulf %parallel_loop3A_699, %parallel_loop3A_702 : vector<16xf32>
              %parallel_loop3A_704 = arith.index_cast %parallel_loop3A_602 : i32 to index
              %parallel_loop3A_705 = arith.constant 256 : index
              %parallel_loop3A_706 = tpu.vector_load %arg14[%parallel_loop3A_704, %parallel_loop3A_705] {strides = array<i32>} : memref<16x768xf32, #tpu.memory_space<vmem>>, vector<16xf32>,
              %parallel_loop3A_707 = arith.index_cast %parallel_loop3A_602 : i32 to index
              %parallel_loop3A_708 = arith.constant 256 : index
              %parallel_loop3A_709 = tpu.vector_load %arg16[%parallel_loop3A_707, %parallel_loop3A_708] {strides = array<i32>} : memref<16x512xf32, #tpu.memory_space<vmem>>, vector<16xf32>,
              %parallel_loop3A_710 = arith.mulf %parallel_loop3A_706, %parallel_loop3A_709 : vector<16xf32>
              %parallel_loop3A_711 = arith.constant 3 : i32
              %parallel_loop3A_712 = vector.broadcast %parallel_loop3A_711 : i32 to vector<16xi32>
              %parallel_loop3A_713 = arith.muli %parallel_loop3A_712, %parallel_loop3A_696 : vector<16xi32>
              %parallel_loop3A_714 = arith.constant 0 : i32
              %parallel_loop3A_715 = vector.broadcast %parallel_loop3A_714 : i32 to vector<16xi32>
              %parallel_loop3A_716 = arith.addi %parallel_loop3A_713, %parallel_loop3A_715 : vector<16xi32>
              %parallel_loop3A_717 = arith.index_cast %parallel_loop3A_602 : i32 to index
              %parallel_loop3A_718 = arith.constant 384 : index
              %parallel_loop3A_719 = tpu.vector_load %arg14[%parallel_loop3A_717, %parallel_loop3A_718] {strides = array<i32>} : memref<16x768xf32, #tpu.memory_space<vmem>>, vector<16xf32>,
              %parallel_loop3A_720 = arith.mulf %parallel_loop3A_703, %parallel_loop3A_719 : vector<16xf32>
              %parallel_loop3A_721 = arith.mulf %parallel_loop3A_710, %parallel_loop3A_607 : vector<16xf32>
              %parallel_loop3A_722 = arith.addf %parallel_loop3A_720, %parallel_loop3A_721 : vector<16xf32>
              %parallel_loop3A_723 = arith.constant 3 : i32
              %parallel_loop3A_724 = vector.broadcast %parallel_loop3A_723 : i32 to vector<16xi32>
              %parallel_loop3A_725 = arith.muli %parallel_loop3A_724, %parallel_loop3A_696 : vector<16xi32>
              %parallel_loop3A_726 = arith.constant 1 : i32
              %parallel_loop3A_727 = vector.broadcast %parallel_loop3A_726 : i32 to vector<16xi32>
              %parallel_loop3A_728 = arith.addi %parallel_loop3A_725, %parallel_loop3A_727 : vector<16xi32>
              %parallel_loop3A_729 = arith.index_cast %parallel_loop3A_602 : i32 to index
              %parallel_loop3A_730 = arith.constant 512 : index
              %parallel_loop3A_731 = tpu.vector_load %arg14[%parallel_loop3A_729, %parallel_loop3A_730] {strides = array<i32>} : memref<16x768xf32, #tpu.memory_space<vmem>>, vector<16xf32>,
              %parallel_loop3A_732 = arith.mulf %parallel_loop3A_703, %parallel_loop3A_731 : vector<16xf32>
              %parallel_loop3A_733 = arith.mulf %parallel_loop3A_710, %parallel_loop3A_610 : vector<16xf32>
              %parallel_loop3A_734 = arith.addf %parallel_loop3A_732, %parallel_loop3A_733 : vector<16xf32>
              %parallel_loop3A_735 = arith.constant 3 : i32
              %parallel_loop3A_736 = vector.broadcast %parallel_loop3A_735 : i32 to vector<16xi32>
              %parallel_loop3A_737 = arith.muli %parallel_loop3A_736, %parallel_loop3A_696 : vector<16xi32>
              %parallel_loop3A_738 = arith.constant 2 : i32
              %parallel_loop3A_739 = vector.broadcast %parallel_loop3A_738 : i32 to vector<16xi32>
              %parallel_loop3A_740 = arith.addi %parallel_loop3A_737, %parallel_loop3A_739 : vector<16xi32>
              %parallel_loop3A_741 = arith.index_cast %parallel_loop3A_602 : i32 to index
              %parallel_loop3A_742 = arith.constant 640 : index
              %parallel_loop3A_743 = tpu.vector_load %arg14[%parallel_loop3A_741, %parallel_loop3A_742] {strides = array<i32>} : memref<16x768xf32, #tpu.memory_space<vmem>>, vector<16xf32>,
              %parallel_loop3A_744 = arith.mulf %parallel_loop3A_703, %parallel_loop3A_743 : vector<16xf32>
              %parallel_loop3A_745 = arith.mulf %parallel_loop3A_710, %parallel_loop3A_613 : vector<16xf32>
              %parallel_loop3A_746 = arith.addf %parallel_loop3A_744, %parallel_loop3A_745 : vector<16xf32>
              %parallel_loop3A_747 = arith.constant 16 : i32
              %parallel_loop3A_748 = vector.broadcast %parallel_loop3A_747 : i32 to vector<16xi32>
              %parallel_loop3A_749 = arith.addi %parallel_loop3A_748, %iota3A : vector<16xi32>
              %parallel_loop3A_750 = arith.index_cast %parallel_loop3A_602 : i32 to index
              %parallel_loop3A_751 = arith.constant 16 : index
              %parallel_loop3A_752 = tpu.vector_load %arg14[%parallel_loop3A_750, %parallel_loop3A_751] {strides = array<i32>} : memref<16x768xf32, #tpu.memory_space<vmem>>, vector<16xf32>,
              %parallel_loop3A_753 = arith.index_cast %parallel_loop3A_602 : i32 to index
              %parallel_loop3A_754 = arith.constant 16 : index
              %parallel_loop3A_755 = tpu.vector_load %arg16[%parallel_loop3A_753, %parallel_loop3A_754] {strides = array<i32>} : memref<16x512xf32, #tpu.memory_space<vmem>>, vector<16xf32>,
              %parallel_loop3A_756 = arith.mulf %parallel_loop3A_752, %parallel_loop3A_755 : vector<16xf32>
              %parallel_loop3A_757 = arith.index_cast %parallel_loop3A_602 : i32 to index
              %parallel_loop3A_758 = arith.constant 272 : index
              %parallel_loop3A_759 = tpu.vector_load %arg14[%parallel_loop3A_757, %parallel_loop3A_758] {strides = array<i32>} : memref<16x768xf32, #tpu.memory_space<vmem>>, vector<16xf32>,
              %parallel_loop3A_760 = arith.index_cast %parallel_loop3A_602 : i32 to index
              %parallel_loop3A_761 = arith.constant 272 : index
              %parallel_loop3A_762 = tpu.vector_load %arg16[%parallel_loop3A_760, %parallel_loop3A_761] {strides = array<i32>} : memref<16x512xf32, #tpu.memory_space<vmem>>, vector<16xf32>,
              %parallel_loop3A_763 = arith.mulf %parallel_loop3A_759, %parallel_loop3A_762 : vector<16xf32>
              %parallel_loop3A_764 = arith.constant 3 : i32
              %parallel_loop3A_765 = vector.broadcast %parallel_loop3A_764 : i32 to vector<16xi32>
              %parallel_loop3A_766 = arith.muli %parallel_loop3A_765, %parallel_loop3A_749 : vector<16xi32>
              %parallel_loop3A_767 = arith.constant 0 : i32
              %parallel_loop3A_768 = vector.broadcast %parallel_loop3A_767 : i32 to vector<16xi32>
              %parallel_loop3A_769 = arith.addi %parallel_loop3A_766, %parallel_loop3A_768 : vector<16xi32>
              %parallel_loop3A_770 = arith.index_cast %parallel_loop3A_602 : i32 to index
              %parallel_loop3A_771 = arith.constant 400 : index
              %parallel_loop3A_772 = tpu.vector_load %arg14[%parallel_loop3A_770, %parallel_loop3A_771] {strides = array<i32>} : memref<16x768xf32, #tpu.memory_space<vmem>>, vector<16xf32>,
              %parallel_loop3A_773 = arith.mulf %parallel_loop3A_756, %parallel_loop3A_772 : vector<16xf32>
              %parallel_loop3A_774 = arith.mulf %parallel_loop3A_763, %parallel_loop3A_607 : vector<16xf32>
              %parallel_loop3A_775 = arith.addf %parallel_loop3A_773, %parallel_loop3A_774 : vector<16xf32>
              %parallel_loop3A_776 = arith.constant 3 : i32
              %parallel_loop3A_777 = vector.broadcast %parallel_loop3A_776 : i32 to vector<16xi32>
              %parallel_loop3A_778 = arith.muli %parallel_loop3A_777, %parallel_loop3A_749 : vector<16xi32>
              %parallel_loop3A_779 = arith.constant 1 : i32
              %parallel_loop3A_780 = vector.broadcast %parallel_loop3A_779 : i32 to vector<16xi32>
              %parallel_loop3A_781 = arith.addi %parallel_loop3A_778, %parallel_loop3A_780 : vector<16xi32>
              %parallel_loop3A_782 = arith.index_cast %parallel_loop3A_602 : i32 to index
              %parallel_loop3A_783 = arith.constant 528 : index
              %parallel_loop3A_784 = tpu.vector_load %arg14[%parallel_loop3A_782, %parallel_loop3A_783] {strides = array<i32>} : memref<16x768xf32, #tpu.memory_space<vmem>>, vector<16xf32>,
              %parallel_loop3A_785 = arith.mulf %parallel_loop3A_756, %parallel_loop3A_784 : vector<16xf32>
              %parallel_loop3A_786 = arith.mulf %parallel_loop3A_763, %parallel_loop3A_610 : vector<16xf32>
              %parallel_loop3A_787 = arith.addf %parallel_loop3A_785, %parallel_loop3A_786 : vector<16xf32>
              %parallel_loop3A_788 = arith.constant 3 : i32
              %parallel_loop3A_789 = vector.broadcast %parallel_loop3A_788 : i32 to vector<16xi32>
              %parallel_loop3A_790 = arith.muli %parallel_loop3A_789, %parallel_loop3A_749 : vector<16xi32>
              %parallel_loop3A_791 = arith.constant 2 : i32
              %parallel_loop3A_792 = vector.broadcast %parallel_loop3A_791 : i32 to vector<16xi32>
              %parallel_loop3A_793 = arith.addi %parallel_loop3A_790, %parallel_loop3A_792 : vector<16xi32>
              %parallel_loop3A_794 = arith.index_cast %parallel_loop3A_602 : i32 to index
              %parallel_loop3A_795 = arith.constant 656 : index
              %parallel_loop3A_796 = tpu.vector_load %arg14[%parallel_loop3A_794, %parallel_loop3A_795] {strides = array<i32>} : memref<16x768xf32, #tpu.memory_space<vmem>>, vector<16xf32>,
              %parallel_loop3A_797 = arith.mulf %parallel_loop3A_756, %parallel_loop3A_796 : vector<16xf32>
              %parallel_loop3A_798 = arith.mulf %parallel_loop3A_763, %parallel_loop3A_613 : vector<16xf32>
              %parallel_loop3A_799 = arith.addf %parallel_loop3A_797, %parallel_loop3A_798 : vector<16xf32>
              %parallel_loop3A_800 = arith.constant 32 : i32
              %parallel_loop3A_801 = vector.broadcast %parallel_loop3A_800 : i32 to vector<16xi32>
              %parallel_loop3A_802 = arith.addi %parallel_loop3A_801, %iota3A : vector<16xi32>
              %parallel_loop3A_803 = arith.index_cast %parallel_loop3A_602 : i32 to index
              %parallel_loop3A_804 = arith.constant 32 : index
              %parallel_loop3A_805 = tpu.vector_load %arg14[%parallel_loop3A_803, %parallel_loop3A_804] {strides = array<i32>} : memref<16x768xf32, #tpu.memory_space<vmem>>, vector<16xf32>,
              %parallel_loop3A_806 = arith.index_cast %parallel_loop3A_602 : i32 to index
              %parallel_loop3A_807 = arith.constant 32 : index
              %parallel_loop3A_808 = tpu.vector_load %arg16[%parallel_loop3A_806, %parallel_loop3A_807] {strides = array<i32>} : memref<16x512xf32, #tpu.memory_space<vmem>>, vector<16xf32>,
              %parallel_loop3A_809 = arith.mulf %parallel_loop3A_805, %parallel_loop3A_808 : vector<16xf32>
              %parallel_loop3A_810 = arith.index_cast %parallel_loop3A_602 : i32 to index
              %parallel_loop3A_811 = arith.constant 288 : index
              %parallel_loop3A_812 = tpu.vector_load %arg14[%parallel_loop3A_810, %parallel_loop3A_811] {strides = array<i32>} : memref<16x768xf32, #tpu.memory_space<vmem>>, vector<16xf32>,
              %parallel_loop3A_813 = arith.index_cast %parallel_loop3A_602 : i32 to index
              %parallel_loop3A_814 = arith.constant 288 : index
              %parallel_loop3A_815 = tpu.vector_load %arg16[%parallel_loop3A_813, %parallel_loop3A_814] {strides = array<i32>} : memref<16x512xf32, #tpu.memory_space<vmem>>, vector<16xf32>,
              %parallel_loop3A_816 = arith.mulf %parallel_loop3A_812, %parallel_loop3A_815 : vector<16xf32>
              %parallel_loop3A_817 = arith.constant 3 : i32
              %parallel_loop3A_818 = vector.broadcast %parallel_loop3A_817 : i32 to vector<16xi32>
              %parallel_loop3A_819 = arith.muli %parallel_loop3A_818, %parallel_loop3A_802 : vector<16xi32>
              %parallel_loop3A_820 = arith.constant 0 : i32
              %parallel_loop3A_821 = vector.broadcast %parallel_loop3A_820 : i32 to vector<16xi32>
              %parallel_loop3A_822 = arith.addi %parallel_loop3A_819, %parallel_loop3A_821 : vector<16xi32>
              %parallel_loop3A_823 = arith.index_cast %parallel_loop3A_602 : i32 to index
              %parallel_loop3A_824 = arith.constant 416 : index
              %parallel_loop3A_825 = tpu.vector_load %arg14[%parallel_loop3A_823, %parallel_loop3A_824] {strides = array<i32>} : memref<16x768xf32, #tpu.memory_space<vmem>>, vector<16xf32>,
              %parallel_loop3A_826 = arith.mulf %parallel_loop3A_809, %parallel_loop3A_825 : vector<16xf32>
              %parallel_loop3A_827 = arith.mulf %parallel_loop3A_816, %parallel_loop3A_607 : vector<16xf32>
              %parallel_loop3A_828 = arith.addf %parallel_loop3A_826, %parallel_loop3A_827 : vector<16xf32>
              %parallel_loop3A_829 = arith.constant 3 : i32
              %parallel_loop3A_830 = vector.broadcast %parallel_loop3A_829 : i32 to vector<16xi32>
              %parallel_loop3A_831 = arith.muli %parallel_loop3A_830, %parallel_loop3A_802 : vector<16xi32>
              %parallel_loop3A_832 = arith.constant 1 : i32
              %parallel_loop3A_833 = vector.broadcast %parallel_loop3A_832 : i32 to vector<16xi32>
              %parallel_loop3A_834 = arith.addi %parallel_loop3A_831, %parallel_loop3A_833 : vector<16xi32>
              %parallel_loop3A_835 = arith.index_cast %parallel_loop3A_602 : i32 to index
              %parallel_loop3A_836 = arith.constant 544 : index
              %parallel_loop3A_837 = tpu.vector_load %arg14[%parallel_loop3A_835, %parallel_loop3A_836] {strides = array<i32>} : memref<16x768xf32, #tpu.memory_space<vmem>>, vector<16xf32>,
              %parallel_loop3A_838 = arith.mulf %parallel_loop3A_809, %parallel_loop3A_837 : vector<16xf32>
              %parallel_loop3A_839 = arith.mulf %parallel_loop3A_816, %parallel_loop3A_610 : vector<16xf32>
              %parallel_loop3A_840 = arith.addf %parallel_loop3A_838, %parallel_loop3A_839 : vector<16xf32>
              %parallel_loop3A_841 = arith.constant 3 : i32
              %parallel_loop3A_842 = vector.broadcast %parallel_loop3A_841 : i32 to vector<16xi32>
              %parallel_loop3A_843 = arith.muli %parallel_loop3A_842, %parallel_loop3A_802 : vector<16xi32>
              %parallel_loop3A_844 = arith.constant 2 : i32
              %parallel_loop3A_845 = vector.broadcast %parallel_loop3A_844 : i32 to vector<16xi32>
              %parallel_loop3A_846 = arith.addi %parallel_loop3A_843, %parallel_loop3A_845 : vector<16xi32>
              %parallel_loop3A_847 = arith.index_cast %parallel_loop3A_602 : i32 to index
              %parallel_loop3A_848 = arith.constant 672 : index
              %parallel_loop3A_849 = tpu.vector_load %arg14[%parallel_loop3A_847, %parallel_loop3A_848] {strides = array<i32>} : memref<16x768xf32, #tpu.memory_space<vmem>>, vector<16xf32>,
              %parallel_loop3A_850 = arith.mulf %parallel_loop3A_809, %parallel_loop3A_849 : vector<16xf32>
              %parallel_loop3A_851 = arith.mulf %parallel_loop3A_816, %parallel_loop3A_613 : vector<16xf32>
              %parallel_loop3A_852 = arith.addf %parallel_loop3A_850, %parallel_loop3A_851 : vector<16xf32>
              %parallel_loop3A_853 = arith.constant 48 : i32
              %parallel_loop3A_854 = vector.broadcast %parallel_loop3A_853 : i32 to vector<16xi32>
              %parallel_loop3A_855 = arith.addi %parallel_loop3A_854, %iota3A : vector<16xi32>
              %parallel_loop3A_856 = arith.index_cast %parallel_loop3A_602 : i32 to index
              %parallel_loop3A_857 = arith.constant 48 : index
              %parallel_loop3A_858 = tpu.vector_load %arg14[%parallel_loop3A_856, %parallel_loop3A_857] {strides = array<i32>} : memref<16x768xf32, #tpu.memory_space<vmem>>, vector<16xf32>,
              %parallel_loop3A_859 = arith.index_cast %parallel_loop3A_602 : i32 to index
              %parallel_loop3A_860 = arith.constant 48 : index
              %parallel_loop3A_861 = tpu.vector_load %arg16[%parallel_loop3A_859, %parallel_loop3A_860] {strides = array<i32>} : memref<16x512xf32, #tpu.memory_space<vmem>>, vector<16xf32>,
              %parallel_loop3A_862 = arith.mulf %parallel_loop3A_858, %parallel_loop3A_861 : vector<16xf32>
              %parallel_loop3A_863 = arith.index_cast %parallel_loop3A_602 : i32 to index
              %parallel_loop3A_864 = arith.constant 304 : index
              %parallel_loop3A_865 = tpu.vector_load %arg14[%parallel_loop3A_863, %parallel_loop3A_864] {strides = array<i32>} : memref<16x768xf32, #tpu.memory_space<vmem>>, vector<16xf32>,
              %parallel_loop3A_866 = arith.index_cast %parallel_loop3A_602 : i32 to index
              %parallel_loop3A_867 = arith.constant 304 : index
              %parallel_loop3A_868 = tpu.vector_load %arg16[%parallel_loop3A_866, %parallel_loop3A_867] {strides = array<i32>} : memref<16x512xf32, #tpu.memory_space<vmem>>, vector<16xf32>,
              %parallel_loop3A_869 = arith.mulf %parallel_loop3A_865, %parallel_loop3A_868 : vector<16xf32>
              %parallel_loop3A_870 = arith.constant 3 : i32
              %parallel_loop3A_871 = vector.broadcast %parallel_loop3A_870 : i32 to vector<16xi32>
              %parallel_loop3A_872 = arith.muli %parallel_loop3A_871, %parallel_loop3A_855 : vector<16xi32>
              %parallel_loop3A_873 = arith.constant 0 : i32
              %parallel_loop3A_874 = vector.broadcast %parallel_loop3A_873 : i32 to vector<16xi32>
              %parallel_loop3A_875 = arith.addi %parallel_loop3A_872, %parallel_loop3A_874 : vector<16xi32>
              %parallel_loop3A_876 = arith.index_cast %parallel_loop3A_602 : i32 to index
              %parallel_loop3A_877 = arith.constant 432 : index
              %parallel_loop3A_878 = tpu.vector_load %arg14[%parallel_loop3A_876, %parallel_loop3A_877] {strides = array<i32>} : memref<16x768xf32, #tpu.memory_space<vmem>>, vector<16xf32>,
              %parallel_loop3A_879 = arith.mulf %parallel_loop3A_862, %parallel_loop3A_878 : vector<16xf32>
              %parallel_loop3A_880 = arith.mulf %parallel_loop3A_869, %parallel_loop3A_607 : vector<16xf32>
              %parallel_loop3A_881 = arith.addf %parallel_loop3A_879, %parallel_loop3A_880 : vector<16xf32>
              %parallel_loop3A_882 = arith.constant 3 : i32
              %parallel_loop3A_883 = vector.broadcast %parallel_loop3A_882 : i32 to vector<16xi32>
              %parallel_loop3A_884 = arith.muli %parallel_loop3A_883, %parallel_loop3A_855 : vector<16xi32>
              %parallel_loop3A_885 = arith.constant 1 : i32
              %parallel_loop3A_886 = vector.broadcast %parallel_loop3A_885 : i32 to vector<16xi32>
              %parallel_loop3A_887 = arith.addi %parallel_loop3A_884, %parallel_loop3A_886 : vector<16xi32>
              %parallel_loop3A_888 = arith.index_cast %parallel_loop3A_602 : i32 to index
              %parallel_loop3A_889 = arith.constant 560 : index
              %parallel_loop3A_890 = tpu.vector_load %arg14[%parallel_loop3A_888, %parallel_loop3A_889] {strides = array<i32>} : memref<16x768xf32, #tpu.memory_space<vmem>>, vector<16xf32>,
              %parallel_loop3A_891 = arith.mulf %parallel_loop3A_862, %parallel_loop3A_890 : vector<16xf32>
              %parallel_loop3A_892 = arith.mulf %parallel_loop3A_869, %parallel_loop3A_610 : vector<16xf32>
              %parallel_loop3A_893 = arith.addf %parallel_loop3A_891, %parallel_loop3A_892 : vector<16xf32>
              %parallel_loop3A_894 = arith.constant 3 : i32
              %parallel_loop3A_895 = vector.broadcast %parallel_loop3A_894 : i32 to vector<16xi32>
              %parallel_loop3A_896 = arith.muli %parallel_loop3A_895, %parallel_loop3A_855 : vector<16xi32>
              %parallel_loop3A_897 = arith.constant 2 : i32
              %parallel_loop3A_898 = vector.broadcast %parallel_loop3A_897 : i32 to vector<16xi32>
              %parallel_loop3A_899 = arith.addi %parallel_loop3A_896, %parallel_loop3A_898 : vector<16xi32>
              %parallel_loop3A_900 = arith.index_cast %parallel_loop3A_602 : i32 to index
              %parallel_loop3A_901 = arith.constant 688 : index
              %parallel_loop3A_902 = tpu.vector_load %arg14[%parallel_loop3A_900, %parallel_loop3A_901] {strides = array<i32>} : memref<16x768xf32, #tpu.memory_space<vmem>>, vector<16xf32>,
              %parallel_loop3A_903 = arith.mulf %parallel_loop3A_862, %parallel_loop3A_902 : vector<16xf32>
              %parallel_loop3A_904 = arith.mulf %parallel_loop3A_869, %parallel_loop3A_613 : vector<16xf32>
              %parallel_loop3A_905 = arith.addf %parallel_loop3A_903, %parallel_loop3A_904 : vector<16xf32>
              tpu.vector_store_idx %arg7[%parallel_loop3A_604, %parallel_loop3A_616], %parallel_loop3A_623 {add = true} : memref<128x512xf32, #tpu.memory_space<vmem>>[vector<16xi32>, vector<16xi32>], vector<16xf32>,
              tpu.vector_store_idx %arg7[%parallel_loop3A_604, %parallel_loop3A_626], %parallel_loop3A_633 {add = true} : memref<128x512xf32, #tpu.memory_space<vmem>>[vector<16xi32>, vector<16xi32>], vector<16xf32>,
              tpu.vector_store_idx %arg7[%parallel_loop3A_604, %parallel_loop3A_636], %parallel_loop3A_643 {add = true} : memref<128x512xf32, #tpu.memory_space<vmem>>[vector<16xi32>, vector<16xi32>], vector<16xf32>,
              tpu.vector_store_idx %arg7[%parallel_loop3A_604, %parallel_loop3A_646], %parallel_loop3A_653 {add = true} : memref<128x512xf32, #tpu.memory_space<vmem>>[vector<16xi32>, vector<16xi32>], vector<16xf32>,
              tpu.vector_store_idx %arg7[%parallel_loop3A_604, %parallel_loop3A_656], %parallel_loop3A_663 {add = true} : memref<128x512xf32, #tpu.memory_space<vmem>>[vector<16xi32>, vector<16xi32>], vector<16xf32>,
              tpu.vector_store_idx %arg7[%parallel_loop3A_604, %parallel_loop3A_666], %parallel_loop3A_673 {add = true} : memref<128x512xf32, #tpu.memory_space<vmem>>[vector<16xi32>, vector<16xi32>], vector<16xf32>,
              tpu.vector_store_idx %arg7[%parallel_loop3A_604, %parallel_loop3A_676], %parallel_loop3A_683 {add = true} : memref<128x512xf32, #tpu.memory_space<vmem>>[vector<16xi32>, vector<16xi32>], vector<16xf32>,
              tpu.vector_store_idx %arg7[%parallel_loop3A_604, %parallel_loop3A_686], %parallel_loop3A_693 {add = true} : memref<128x512xf32, #tpu.memory_space<vmem>>[vector<16xi32>, vector<16xi32>], vector<16xf32>,
              tpu.vector_store_idx %arg7[%parallel_loop3A_604, %parallel_loop3A_716], %parallel_loop3A_722 {add = true} : memref<128x512xf32, #tpu.memory_space<vmem>>[vector<16xi32>, vector<16xi32>], vector<16xf32>,
              tpu.vector_store_idx %arg7[%parallel_loop3A_604, %parallel_loop3A_728], %parallel_loop3A_734 {add = true} : memref<128x512xf32, #tpu.memory_space<vmem>>[vector<16xi32>, vector<16xi32>], vector<16xf32>,
              tpu.vector_store_idx %arg7[%parallel_loop3A_604, %parallel_loop3A_740], %parallel_loop3A_746 {add = true} : memref<128x512xf32, #tpu.memory_space<vmem>>[vector<16xi32>, vector<16xi32>], vector<16xf32>,
              tpu.vector_store_idx %arg7[%parallel_loop3A_604, %parallel_loop3A_769], %parallel_loop3A_775 {add = true} : memref<128x512xf32, #tpu.memory_space<vmem>>[vector<16xi32>, vector<16xi32>], vector<16xf32>,
              tpu.vector_store_idx %arg7[%parallel_loop3A_604, %parallel_loop3A_781], %parallel_loop3A_787 {add = true} : memref<128x512xf32, #tpu.memory_space<vmem>>[vector<16xi32>, vector<16xi32>], vector<16xf32>,
              tpu.vector_store_idx %arg7[%parallel_loop3A_604, %parallel_loop3A_793], %parallel_loop3A_799 {add = true} : memref<128x512xf32, #tpu.memory_space<vmem>>[vector<16xi32>, vector<16xi32>], vector<16xf32>,
              tpu.vector_store_idx %arg7[%parallel_loop3A_604, %parallel_loop3A_822], %parallel_loop3A_828 {add = true} : memref<128x512xf32, #tpu.memory_space<vmem>>[vector<16xi32>, vector<16xi32>], vector<16xf32>,
              tpu.vector_store_idx %arg7[%parallel_loop3A_604, %parallel_loop3A_834], %parallel_loop3A_840 {add = true} : memref<128x512xf32, #tpu.memory_space<vmem>>[vector<16xi32>, vector<16xi32>], vector<16xf32>,
              tpu.vector_store_idx %arg7[%parallel_loop3A_604, %parallel_loop3A_846], %parallel_loop3A_852 {add = true} : memref<128x512xf32, #tpu.memory_space<vmem>>[vector<16xi32>, vector<16xi32>], vector<16xf32>,
              tpu.vector_store_idx %arg7[%parallel_loop3A_604, %parallel_loop3A_875], %parallel_loop3A_881 {add = true} : memref<128x512xf32, #tpu.memory_space<vmem>>[vector<16xi32>, vector<16xi32>], vector<16xf32>,
              tpu.vector_store_idx %arg7[%parallel_loop3A_604, %parallel_loop3A_887], %parallel_loop3A_893 {add = true} : memref<128x512xf32, #tpu.memory_space<vmem>>[vector<16xi32>, vector<16xi32>], vector<16xf32>,
              tpu.vector_store_idx %arg7[%parallel_loop3A_604, %parallel_loop3A_899], %parallel_loop3A_905 {add = true} : memref<128x512xf32, #tpu.memory_space<vmem>>[vector<16xi32>, vector<16xi32>], vector<16xf32>,
              %parallel_loop3A_906 = arith.constant 64 : i32
              %parallel_loop3A_907 = vector.broadcast %parallel_loop3A_906 : i32 to vector<16xi32>
              %parallel_loop3A_908 = arith.addi %parallel_loop3A_907, %iota3A : vector<16xi32>
              %parallel_loop3A_909 = arith.index_cast %parallel_loop3A_602 : i32 to index
              %parallel_loop3A_910 = arith.constant 64 : index
              %parallel_loop3A_911 = tpu.vector_load %arg14[%parallel_loop3A_909, %parallel_loop3A_910] {strides = array<i32>} : memref<16x768xf32, #tpu.memory_space<vmem>>, vector<16xf32>,
              %parallel_loop3A_912 = arith.index_cast %parallel_loop3A_602 : i32 to index
              %parallel_loop3A_913 = arith.constant 64 : index
              %parallel_loop3A_914 = tpu.vector_load %arg16[%parallel_loop3A_912, %parallel_loop3A_913] {strides = array<i32>} : memref<16x512xf32, #tpu.memory_space<vmem>>, vector<16xf32>,
              %parallel_loop3A_915 = arith.mulf %parallel_loop3A_911, %parallel_loop3A_914 : vector<16xf32>
              %parallel_loop3A_916 = arith.index_cast %parallel_loop3A_602 : i32 to index
              %parallel_loop3A_917 = arith.constant 320 : index
              %parallel_loop3A_918 = tpu.vector_load %arg14[%parallel_loop3A_916, %parallel_loop3A_917] {strides = array<i32>} : memref<16x768xf32, #tpu.memory_space<vmem>>, vector<16xf32>,
              %parallel_loop3A_919 = arith.index_cast %parallel_loop3A_602 : i32 to index
              %parallel_loop3A_920 = arith.constant 320 : index
              %parallel_loop3A_921 = tpu.vector_load %arg16[%parallel_loop3A_919, %parallel_loop3A_920] {strides = array<i32>} : memref<16x512xf32, #tpu.memory_space<vmem>>, vector<16xf32>,
              %parallel_loop3A_922 = arith.mulf %parallel_loop3A_918, %parallel_loop3A_921 : vector<16xf32>
              %parallel_loop3A_923 = arith.constant 3 : i32
              %parallel_loop3A_924 = vector.broadcast %parallel_loop3A_923 : i32 to vector<16xi32>
              %parallel_loop3A_925 = arith.muli %parallel_loop3A_924, %parallel_loop3A_908 : vector<16xi32>
              %parallel_loop3A_926 = arith.constant 0 : i32
              %parallel_loop3A_927 = vector.broadcast %parallel_loop3A_926 : i32 to vector<16xi32>
              %parallel_loop3A_928 = arith.addi %parallel_loop3A_925, %parallel_loop3A_927 : vector<16xi32>
              %parallel_loop3A_929 = arith.index_cast %parallel_loop3A_602 : i32 to index
              %parallel_loop3A_930 = arith.constant 448 : index
              %parallel_loop3A_931 = tpu.vector_load %arg14[%parallel_loop3A_929, %parallel_loop3A_930] {strides = array<i32>} : memref<16x768xf32, #tpu.memory_space<vmem>>, vector<16xf32>,
              %parallel_loop3A_932 = arith.mulf %parallel_loop3A_915, %parallel_loop3A_931 : vector<16xf32>
              %parallel_loop3A_933 = arith.mulf %parallel_loop3A_922, %parallel_loop3A_607 : vector<16xf32>
              %parallel_loop3A_934 = arith.addf %parallel_loop3A_932, %parallel_loop3A_933 : vector<16xf32>
              %parallel_loop3A_935 = arith.constant 3 : i32
              %parallel_loop3A_936 = vector.broadcast %parallel_loop3A_935 : i32 to vector<16xi32>
              %parallel_loop3A_937 = arith.muli %parallel_loop3A_936, %parallel_loop3A_908 : vector<16xi32>
              %parallel_loop3A_938 = arith.constant 1 : i32
              %parallel_loop3A_939 = vector.broadcast %parallel_loop3A_938 : i32 to vector<16xi32>
              %parallel_loop3A_940 = arith.addi %parallel_loop3A_937, %parallel_loop3A_939 : vector<16xi32>
              %parallel_loop3A_941 = arith.index_cast %parallel_loop3A_602 : i32 to index
              %parallel_loop3A_942 = arith.constant 576 : index
              %parallel_loop3A_943 = tpu.vector_load %arg14[%parallel_loop3A_941, %parallel_loop3A_942] {strides = array<i32>} : memref<16x768xf32, #tpu.memory_space<vmem>>, vector<16xf32>,
              %parallel_loop3A_944 = arith.mulf %parallel_loop3A_915, %parallel_loop3A_943 : vector<16xf32>
              %parallel_loop3A_945 = arith.mulf %parallel_loop3A_922, %parallel_loop3A_610 : vector<16xf32>
              %parallel_loop3A_946 = arith.addf %parallel_loop3A_944, %parallel_loop3A_945 : vector<16xf32>
              %parallel_loop3A_947 = arith.constant 3 : i32
              %parallel_loop3A_948 = vector.broadcast %parallel_loop3A_947 : i32 to vector<16xi32>
              %parallel_loop3A_949 = arith.muli %parallel_loop3A_948, %parallel_loop3A_908 : vector<16xi32>
              %parallel_loop3A_950 = arith.constant 2 : i32
              %parallel_loop3A_951 = vector.broadcast %parallel_loop3A_950 : i32 to vector<16xi32>
              %parallel_loop3A_952 = arith.addi %parallel_loop3A_949, %parallel_loop3A_951 : vector<16xi32>
              %parallel_loop3A_953 = arith.index_cast %parallel_loop3A_602 : i32 to index
              %parallel_loop3A_954 = arith.constant 704 : index
              %parallel_loop3A_955 = tpu.vector_load %arg14[%parallel_loop3A_953, %parallel_loop3A_954] {strides = array<i32>} : memref<16x768xf32, #tpu.memory_space<vmem>>, vector<16xf32>,
              %parallel_loop3A_956 = arith.mulf %parallel_loop3A_915, %parallel_loop3A_955 : vector<16xf32>
              %parallel_loop3A_957 = arith.mulf %parallel_loop3A_922, %parallel_loop3A_613 : vector<16xf32>
              %parallel_loop3A_958 = arith.addf %parallel_loop3A_956, %parallel_loop3A_957 : vector<16xf32>
              %parallel_loop3A_959 = arith.constant 80 : i32
              %parallel_loop3A_960 = vector.broadcast %parallel_loop3A_959 : i32 to vector<16xi32>
              %parallel_loop3A_961 = arith.addi %parallel_loop3A_960, %iota3A : vector<16xi32>
              %parallel_loop3A_962 = arith.index_cast %parallel_loop3A_602 : i32 to index
              %parallel_loop3A_963 = arith.constant 80 : index
              %parallel_loop3A_964 = tpu.vector_load %arg14[%parallel_loop3A_962, %parallel_loop3A_963] {strides = array<i32>} : memref<16x768xf32, #tpu.memory_space<vmem>>, vector<16xf32>,
              %parallel_loop3A_965 = arith.index_cast %parallel_loop3A_602 : i32 to index
              %parallel_loop3A_966 = arith.constant 80 : index
              %parallel_loop3A_967 = tpu.vector_load %arg16[%parallel_loop3A_965, %parallel_loop3A_966] {strides = array<i32>} : memref<16x512xf32, #tpu.memory_space<vmem>>, vector<16xf32>,
              %parallel_loop3A_968 = arith.mulf %parallel_loop3A_964, %parallel_loop3A_967 : vector<16xf32>
              %parallel_loop3A_969 = arith.index_cast %parallel_loop3A_602 : i32 to index
              %parallel_loop3A_970 = arith.constant 336 : index
              %parallel_loop3A_971 = tpu.vector_load %arg14[%parallel_loop3A_969, %parallel_loop3A_970] {strides = array<i32>} : memref<16x768xf32, #tpu.memory_space<vmem>>, vector<16xf32>,
              %parallel_loop3A_972 = arith.index_cast %parallel_loop3A_602 : i32 to index
              %parallel_loop3A_973 = arith.constant 336 : index
              %parallel_loop3A_974 = tpu.vector_load %arg16[%parallel_loop3A_972, %parallel_loop3A_973] {strides = array<i32>} : memref<16x512xf32, #tpu.memory_space<vmem>>, vector<16xf32>,
              %parallel_loop3A_975 = arith.mulf %parallel_loop3A_971, %parallel_loop3A_974 : vector<16xf32>
              %parallel_loop3A_976 = arith.constant 3 : i32
              %parallel_loop3A_977 = vector.broadcast %parallel_loop3A_976 : i32 to vector<16xi32>
              %parallel_loop3A_978 = arith.muli %parallel_loop3A_977, %parallel_loop3A_961 : vector<16xi32>
              %parallel_loop3A_979 = arith.constant 0 : i32
              %parallel_loop3A_980 = vector.broadcast %parallel_loop3A_979 : i32 to vector<16xi32>
              %parallel_loop3A_981 = arith.addi %parallel_loop3A_978, %parallel_loop3A_980 : vector<16xi32>
              %parallel_loop3A_982 = arith.index_cast %parallel_loop3A_602 : i32 to index
              %parallel_loop3A_983 = arith.constant 464 : index
              %parallel_loop3A_984 = tpu.vector_load %arg14[%parallel_loop3A_982, %parallel_loop3A_983] {strides = array<i32>} : memref<16x768xf32, #tpu.memory_space<vmem>>, vector<16xf32>,
              %parallel_loop3A_985 = arith.mulf %parallel_loop3A_968, %parallel_loop3A_984 : vector<16xf32>
              %parallel_loop3A_986 = arith.mulf %parallel_loop3A_975, %parallel_loop3A_607 : vector<16xf32>
              %parallel_loop3A_987 = arith.addf %parallel_loop3A_985, %parallel_loop3A_986 : vector<16xf32>
              %parallel_loop3A_988 = arith.constant 3 : i32
              %parallel_loop3A_989 = vector.broadcast %parallel_loop3A_988 : i32 to vector<16xi32>
              %parallel_loop3A_990 = arith.muli %parallel_loop3A_989, %parallel_loop3A_961 : vector<16xi32>
              %parallel_loop3A_991 = arith.constant 1 : i32
              %parallel_loop3A_992 = vector.broadcast %parallel_loop3A_991 : i32 to vector<16xi32>
              %parallel_loop3A_993 = arith.addi %parallel_loop3A_990, %parallel_loop3A_992 : vector<16xi32>
              %parallel_loop3A_994 = arith.index_cast %parallel_loop3A_602 : i32 to index
              %parallel_loop3A_995 = arith.constant 592 : index
              %parallel_loop3A_996 = tpu.vector_load %arg14[%parallel_loop3A_994, %parallel_loop3A_995] {strides = array<i32>} : memref<16x768xf32, #tpu.memory_space<vmem>>, vector<16xf32>,
              %parallel_loop3A_997 = arith.mulf %parallel_loop3A_968, %parallel_loop3A_996 : vector<16xf32>
              %parallel_loop3A_998 = arith.mulf %parallel_loop3A_975, %parallel_loop3A_610 : vector<16xf32>
              %parallel_loop3A_999 = arith.addf %parallel_loop3A_997, %parallel_loop3A_998 : vector<16xf32>
              %parallel_loop3A_1000 = arith.constant 3 : i32
              %parallel_loop3A_1001 = vector.broadcast %parallel_loop3A_1000 : i32 to vector<16xi32>
              %parallel_loop3A_1002 = arith.muli %parallel_loop3A_1001, %parallel_loop3A_961 : vector<16xi32>
              %parallel_loop3A_1003 = arith.constant 2 : i32
              %parallel_loop3A_1004 = vector.broadcast %parallel_loop3A_1003 : i32 to vector<16xi32>
              %parallel_loop3A_1005 = arith.addi %parallel_loop3A_1002, %parallel_loop3A_1004 : vector<16xi32>
              %parallel_loop3A_1006 = arith.index_cast %parallel_loop3A_602 : i32 to index
              %parallel_loop3A_1007 = arith.constant 720 : index
              %parallel_loop3A_1008 = tpu.vector_load %arg14[%parallel_loop3A_1006, %parallel_loop3A_1007] {strides = array<i32>} : memref<16x768xf32, #tpu.memory_space<vmem>>, vector<16xf32>,
              %parallel_loop3A_1009 = arith.mulf %parallel_loop3A_968, %parallel_loop3A_1008 : vector<16xf32>
              %parallel_loop3A_1010 = arith.mulf %parallel_loop3A_975, %parallel_loop3A_613 : vector<16xf32>
              %parallel_loop3A_1011 = arith.addf %parallel_loop3A_1009, %parallel_loop3A_1010 : vector<16xf32>
              %parallel_loop3A_1012 = arith.constant 96 : i32
              %parallel_loop3A_1013 = vector.broadcast %parallel_loop3A_1012 : i32 to vector<16xi32>
              %parallel_loop3A_1014 = arith.addi %parallel_loop3A_1013, %iota3A : vector<16xi32>
              %parallel_loop3A_1015 = arith.index_cast %parallel_loop3A_602 : i32 to index
              %parallel_loop3A_1016 = arith.constant 96 : index
              %parallel_loop3A_1017 = tpu.vector_load %arg14[%parallel_loop3A_1015, %parallel_loop3A_1016] {strides = array<i32>} : memref<16x768xf32, #tpu.memory_space<vmem>>, vector<16xf32>,
              %parallel_loop3A_1018 = arith.index_cast %parallel_loop3A_602 : i32 to index
              %parallel_loop3A_1019 = arith.constant 96 : index
              %parallel_loop3A_1020 = tpu.vector_load %arg16[%parallel_loop3A_1018, %parallel_loop3A_1019] {strides = array<i32>} : memref<16x512xf32, #tpu.memory_space<vmem>>, vector<16xf32>,
              %parallel_loop3A_1021 = arith.mulf %parallel_loop3A_1017, %parallel_loop3A_1020 : vector<16xf32>
              %parallel_loop3A_1022 = arith.index_cast %parallel_loop3A_602 : i32 to index
              %parallel_loop3A_1023 = arith.constant 352 : index
              %parallel_loop3A_1024 = tpu.vector_load %arg14[%parallel_loop3A_1022, %parallel_loop3A_1023] {strides = array<i32>} : memref<16x768xf32, #tpu.memory_space<vmem>>, vector<16xf32>,
              %parallel_loop3A_1025 = arith.index_cast %parallel_loop3A_602 : i32 to index
              %parallel_loop3A_1026 = arith.constant 352 : index
              %parallel_loop3A_1027 = tpu.vector_load %arg16[%parallel_loop3A_1025, %parallel_loop3A_1026] {strides = array<i32>} : memref<16x512xf32, #tpu.memory_space<vmem>>, vector<16xf32>,
              %parallel_loop3A_1028 = arith.mulf %parallel_loop3A_1024, %parallel_loop3A_1027 : vector<16xf32>
              %parallel_loop3A_1029 = arith.constant 3 : i32
              %parallel_loop3A_1030 = vector.broadcast %parallel_loop3A_1029 : i32 to vector<16xi32>
              %parallel_loop3A_1031 = arith.muli %parallel_loop3A_1030, %parallel_loop3A_1014 : vector<16xi32>
              %parallel_loop3A_1032 = arith.constant 0 : i32
              %parallel_loop3A_1033 = vector.broadcast %parallel_loop3A_1032 : i32 to vector<16xi32>
              %parallel_loop3A_1034 = arith.addi %parallel_loop3A_1031, %parallel_loop3A_1033 : vector<16xi32>
              %parallel_loop3A_1035 = arith.index_cast %parallel_loop3A_602 : i32 to index
              %parallel_loop3A_1036 = arith.constant 480 : index
              %parallel_loop3A_1037 = tpu.vector_load %arg14[%parallel_loop3A_1035, %parallel_loop3A_1036] {strides = array<i32>} : memref<16x768xf32, #tpu.memory_space<vmem>>, vector<16xf32>,
              %parallel_loop3A_1038 = arith.mulf %parallel_loop3A_1021, %parallel_loop3A_1037 : vector<16xf32>
              %parallel_loop3A_1039 = arith.mulf %parallel_loop3A_1028, %parallel_loop3A_607 : vector<16xf32>
              %parallel_loop3A_1040 = arith.addf %parallel_loop3A_1038, %parallel_loop3A_1039 : vector<16xf32>
              %parallel_loop3A_1041 = arith.constant 3 : i32
              %parallel_loop3A_1042 = vector.broadcast %parallel_loop3A_1041 : i32 to vector<16xi32>
              %parallel_loop3A_1043 = arith.muli %parallel_loop3A_1042, %parallel_loop3A_1014 : vector<16xi32>
              %parallel_loop3A_1044 = arith.constant 1 : i32
              %parallel_loop3A_1045 = vector.broadcast %parallel_loop3A_1044 : i32 to vector<16xi32>
              %parallel_loop3A_1046 = arith.addi %parallel_loop3A_1043, %parallel_loop3A_1045 : vector<16xi32>
              %parallel_loop3A_1047 = arith.index_cast %parallel_loop3A_602 : i32 to index
              %parallel_loop3A_1048 = arith.constant 608 : index
              %parallel_loop3A_1049 = tpu.vector_load %arg14[%parallel_loop3A_1047, %parallel_loop3A_1048] {strides = array<i32>} : memref<16x768xf32, #tpu.memory_space<vmem>>, vector<16xf32>,
              %parallel_loop3A_1050 = arith.mulf %parallel_loop3A_1021, %parallel_loop3A_1049 : vector<16xf32>
              %parallel_loop3A_1051 = arith.mulf %parallel_loop3A_1028, %parallel_loop3A_610 : vector<16xf32>
              %parallel_loop3A_1052 = arith.addf %parallel_loop3A_1050, %parallel_loop3A_1051 : vector<16xf32>
              %parallel_loop3A_1053 = arith.constant 3 : i32
              %parallel_loop3A_1054 = vector.broadcast %parallel_loop3A_1053 : i32 to vector<16xi32>
              %parallel_loop3A_1055 = arith.muli %parallel_loop3A_1054, %parallel_loop3A_1014 : vector<16xi32>
              %parallel_loop3A_1056 = arith.constant 2 : i32
              %parallel_loop3A_1057 = vector.broadcast %parallel_loop3A_1056 : i32 to vector<16xi32>
              %parallel_loop3A_1058 = arith.addi %parallel_loop3A_1055, %parallel_loop3A_1057 : vector<16xi32>
              %parallel_loop3A_1059 = arith.index_cast %parallel_loop3A_602 : i32 to index
              %parallel_loop3A_1060 = arith.constant 736 : index
              %parallel_loop3A_1061 = tpu.vector_load %arg14[%parallel_loop3A_1059, %parallel_loop3A_1060] {strides = array<i32>} : memref<16x768xf32, #tpu.memory_space<vmem>>, vector<16xf32>,
              %parallel_loop3A_1062 = arith.mulf %parallel_loop3A_1021, %parallel_loop3A_1061 : vector<16xf32>
              %parallel_loop3A_1063 = arith.mulf %parallel_loop3A_1028, %parallel_loop3A_613 : vector<16xf32>
              %parallel_loop3A_1064 = arith.addf %parallel_loop3A_1062, %parallel_loop3A_1063 : vector<16xf32>
              %parallel_loop3A_1065 = arith.constant 112 : i32
              %parallel_loop3A_1066 = vector.broadcast %parallel_loop3A_1065 : i32 to vector<16xi32>
              %parallel_loop3A_1067 = arith.addi %parallel_loop3A_1066, %iota3A : vector<16xi32>
              %parallel_loop3A_1068 = arith.index_cast %parallel_loop3A_602 : i32 to index
              %parallel_loop3A_1069 = arith.constant 112 : index
              %parallel_loop3A_1070 = tpu.vector_load %arg14[%parallel_loop3A_1068, %parallel_loop3A_1069] {strides = array<i32>} : memref<16x768xf32, #tpu.memory_space<vmem>>, vector<16xf32>,
              %parallel_loop3A_1071 = arith.index_cast %parallel_loop3A_602 : i32 to index
              %parallel_loop3A_1072 = arith.constant 112 : index
              %parallel_loop3A_1073 = tpu.vector_load %arg16[%parallel_loop3A_1071, %parallel_loop3A_1072] {strides = array<i32>} : memref<16x512xf32, #tpu.memory_space<vmem>>, vector<16xf32>,
              %parallel_loop3A_1074 = arith.mulf %parallel_loop3A_1070, %parallel_loop3A_1073 : vector<16xf32>
              %parallel_loop3A_1075 = arith.index_cast %parallel_loop3A_602 : i32 to index
              %parallel_loop3A_1076 = arith.constant 368 : index
              %parallel_loop3A_1077 = tpu.vector_load %arg14[%parallel_loop3A_1075, %parallel_loop3A_1076] {strides = array<i32>} : memref<16x768xf32, #tpu.memory_space<vmem>>, vector<16xf32>,
              %parallel_loop3A_1078 = arith.index_cast %parallel_loop3A_602 : i32 to index
              %parallel_loop3A_1079 = arith.constant 368 : index
              %parallel_loop3A_1080 = tpu.vector_load %arg16[%parallel_loop3A_1078, %parallel_loop3A_1079] {strides = array<i32>} : memref<16x512xf32, #tpu.memory_space<vmem>>, vector<16xf32>,
              %parallel_loop3A_1081 = arith.mulf %parallel_loop3A_1077, %parallel_loop3A_1080 : vector<16xf32>
              %parallel_loop3A_1082 = arith.constant 3 : i32
              %parallel_loop3A_1083 = vector.broadcast %parallel_loop3A_1082 : i32 to vector<16xi32>
              %parallel_loop3A_1084 = arith.muli %parallel_loop3A_1083, %parallel_loop3A_1067 : vector<16xi32>
              %parallel_loop3A_1085 = arith.constant 0 : i32
              %parallel_loop3A_1086 = vector.broadcast %parallel_loop3A_1085 : i32 to vector<16xi32>
              %parallel_loop3A_1087 = arith.addi %parallel_loop3A_1084, %parallel_loop3A_1086 : vector<16xi32>
              %parallel_loop3A_1088 = arith.index_cast %parallel_loop3A_602 : i32 to index
              %parallel_loop3A_1089 = arith.constant 496 : index
              %parallel_loop3A_1090 = tpu.vector_load %arg14[%parallel_loop3A_1088, %parallel_loop3A_1089] {strides = array<i32>} : memref<16x768xf32, #tpu.memory_space<vmem>>, vector<16xf32>,
              %parallel_loop3A_1091 = arith.mulf %parallel_loop3A_1074, %parallel_loop3A_1090 : vector<16xf32>
              %parallel_loop3A_1092 = arith.mulf %parallel_loop3A_1081, %parallel_loop3A_607 : vector<16xf32>
              %parallel_loop3A_1093 = arith.addf %parallel_loop3A_1091, %parallel_loop3A_1092 : vector<16xf32>
              %parallel_loop3A_1094 = arith.constant 3 : i32
              %parallel_loop3A_1095 = vector.broadcast %parallel_loop3A_1094 : i32 to vector<16xi32>
              %parallel_loop3A_1096 = arith.muli %parallel_loop3A_1095, %parallel_loop3A_1067 : vector<16xi32>
              %parallel_loop3A_1097 = arith.constant 1 : i32
              %parallel_loop3A_1098 = vector.broadcast %parallel_loop3A_1097 : i32 to vector<16xi32>
              %parallel_loop3A_1099 = arith.addi %parallel_loop3A_1096, %parallel_loop3A_1098 : vector<16xi32>
              %parallel_loop3A_1100 = arith.index_cast %parallel_loop3A_602 : i32 to index
              %parallel_loop3A_1101 = arith.constant 624 : index
              %parallel_loop3A_1102 = tpu.vector_load %arg14[%parallel_loop3A_1100, %parallel_loop3A_1101] {strides = array<i32>} : memref<16x768xf32, #tpu.memory_space<vmem>>, vector<16xf32>,
              %parallel_loop3A_1103 = arith.mulf %parallel_loop3A_1074, %parallel_loop3A_1102 : vector<16xf32>
              %parallel_loop3A_1104 = arith.mulf %parallel_loop3A_1081, %parallel_loop3A_610 : vector<16xf32>
              %parallel_loop3A_1105 = arith.addf %parallel_loop3A_1103, %parallel_loop3A_1104 : vector<16xf32>
              %parallel_loop3A_1106 = arith.constant 3 : i32
              %parallel_loop3A_1107 = vector.broadcast %parallel_loop3A_1106 : i32 to vector<16xi32>
              %parallel_loop3A_1108 = arith.muli %parallel_loop3A_1107, %parallel_loop3A_1067 : vector<16xi32>
              %parallel_loop3A_1109 = arith.constant 2 : i32
              %parallel_loop3A_1110 = vector.broadcast %parallel_loop3A_1109 : i32 to vector<16xi32>
              %parallel_loop3A_1111 = arith.addi %parallel_loop3A_1108, %parallel_loop3A_1110 : vector<16xi32>
              %parallel_loop3A_1112 = arith.index_cast %parallel_loop3A_602 : i32 to index
              %parallel_loop3A_1113 = arith.constant 752 : index
              %parallel_loop3A_1114 = tpu.vector_load %arg14[%parallel_loop3A_1112, %parallel_loop3A_1113] {strides = array<i32>} : memref<16x768xf32, #tpu.memory_space<vmem>>, vector<16xf32>,
              %parallel_loop3A_1115 = arith.mulf %parallel_loop3A_1074, %parallel_loop3A_1114 : vector<16xf32>
              %parallel_loop3A_1116 = arith.mulf %parallel_loop3A_1081, %parallel_loop3A_613 : vector<16xf32>
              %parallel_loop3A_1117 = arith.addf %parallel_loop3A_1115, %parallel_loop3A_1116 : vector<16xf32>
              tpu.vector_store_idx %arg7[%parallel_loop3A_604, %parallel_loop3A_928], %parallel_loop3A_934 {add = true} : memref<128x512xf32, #tpu.memory_space<vmem>>[vector<16xi32>, vector<16xi32>], vector<16xf32>,
              tpu.vector_store_idx %arg7[%parallel_loop3A_604, %parallel_loop3A_940], %parallel_loop3A_946 {add = true} : memref<128x512xf32, #tpu.memory_space<vmem>>[vector<16xi32>, vector<16xi32>], vector<16xf32>,
              tpu.vector_store_idx %arg7[%parallel_loop3A_604, %parallel_loop3A_952], %parallel_loop3A_958 {add = true} : memref<128x512xf32, #tpu.memory_space<vmem>>[vector<16xi32>, vector<16xi32>], vector<16xf32>,
              tpu.vector_store_idx %arg7[%parallel_loop3A_604, %parallel_loop3A_981], %parallel_loop3A_987 {add = true} : memref<128x512xf32, #tpu.memory_space<vmem>>[vector<16xi32>, vector<16xi32>], vector<16xf32>,
              tpu.vector_store_idx %arg7[%parallel_loop3A_604, %parallel_loop3A_993], %parallel_loop3A_999 {add = true} : memref<128x512xf32, #tpu.memory_space<vmem>>[vector<16xi32>, vector<16xi32>], vector<16xf32>,
              tpu.vector_store_idx %arg7[%parallel_loop3A_604, %parallel_loop3A_1005], %parallel_loop3A_1011 {add = true} : memref<128x512xf32, #tpu.memory_space<vmem>>[vector<16xi32>, vector<16xi32>], vector<16xf32>,
              tpu.vector_store_idx %arg7[%parallel_loop3A_604, %parallel_loop3A_1034], %parallel_loop3A_1040 {add = true} : memref<128x512xf32, #tpu.memory_space<vmem>>[vector<16xi32>, vector<16xi32>], vector<16xf32>,
              tpu.vector_store_idx %arg7[%parallel_loop3A_604, %parallel_loop3A_1046], %parallel_loop3A_1052 {add = true} : memref<128x512xf32, #tpu.memory_space<vmem>>[vector<16xi32>, vector<16xi32>], vector<16xf32>,
              tpu.vector_store_idx %arg7[%parallel_loop3A_604, %parallel_loop3A_1058], %parallel_loop3A_1064 {add = true} : memref<128x512xf32, #tpu.memory_space<vmem>>[vector<16xi32>, vector<16xi32>], vector<16xf32>,
              tpu.vector_store_idx %arg7[%parallel_loop3A_604, %parallel_loop3A_1087], %parallel_loop3A_1093 {add = true} : memref<128x512xf32, #tpu.memory_space<vmem>>[vector<16xi32>, vector<16xi32>], vector<16xf32>,
              tpu.vector_store_idx %arg7[%parallel_loop3A_604, %parallel_loop3A_1099], %parallel_loop3A_1105 {add = true} : memref<128x512xf32, #tpu.memory_space<vmem>>[vector<16xi32>, vector<16xi32>], vector<16xf32>,
              tpu.vector_store_idx %arg7[%parallel_loop3A_604, %parallel_loop3A_1111], %parallel_loop3A_1117 {add = true} : memref<128x512xf32, #tpu.memory_space<vmem>>[vector<16xi32>, vector<16xi32>], vector<16xf32>,
            } {sc.loop_unroll_factor = 1 : i64, sc.parallel_access}
          } else {
          }
          %add3A_549 = arith.constant 32 : i32
          %add3A_550 = arith.addi %while3A_431, %add3A_549 : i32
          %get3A_551 = arith.index_cast %add3A_550 : i32 to index
          %get3A_552 = tpu.vector_load %arg12[%get3A_551] {strides = array<i32>} : memref<4080xi32, #tpu.memory_space<vmem>>, vector<16xi32>,
          %ge3A_553 = arith.constant 0 : i32
          %ge3A_554 = vector.broadcast %ge3A_553 : i32 to vector<16xi32>
          %ge3A_555 = arith.cmpi sge, %get3A_552, %ge3A_554 : vector<16xi32>
          %reduce_or3A_556 = arith.constant 1.000000e+00 : f32
          %reduce_or3A_557 = arith.constant 0.000000e+00 : f32
          %reduce_or3A_558 = vector.broadcast %reduce_or3A_556 : f32 to vector<16xf32>
          %reduce_or3A_559 = vector.broadcast %reduce_or3A_557 : f32 to vector<16xf32>
          %reduce_or3A_560 = arith.select %ge3A_555, %reduce_or3A_558, %reduce_or3A_559 : vector<16xi1>, vector<16xf32>
          %reduce_or3A_561 = arith.constant true
          %reduce_or3A_562 = vector.broadcast %reduce_or3A_561 : i1 to vector<16xi1>
          %reduce_or3A_563 = tpu.scan <max>, %reduce_or3A_560 masked %reduce_or3A_562 : vector<16xf32>, vector<16xi1> -> vector<16xf32>
          %reduce_or3A_564 = vector.extract %reduce_or3A_563[15] : f32 from vector<16xf32>
          %reduce_or3A_565 = arith.constant 0.000000e+00 : f32
          %reduce_or3A_566 = arith.cmpf ogt, %reduce_or3A_564, %reduce_or3A_565 : f32
          %add3A_567 = arith.constant 48 : i32
          %add3A_568 = arith.addi %while3A_431, %add3A_567 : i32
          %get3A_569 = arith.index_cast %add3A_568 : i32 to index
          %get3A_570 = tpu.vector_load %arg12[%get3A_569] {strides = array<i32>} : memref<4080xi32, #tpu.memory_space<vmem>>, vector<16xi32>,
          %ge3A_571 = arith.constant 0 : i32
          %ge3A_572 = vector.broadcast %ge3A_571 : i32 to vector<16xi32>
          %ge3A_573 = arith.cmpi sge, %get3A_570, %ge3A_572 : vector<16xi32>
          %reduce_or3A_574 = arith.constant 1.000000e+00 : f32
          %reduce_or3A_575 = arith.constant 0.000000e+00 : f32
          %reduce_or3A_576 = vector.broadcast %reduce_or3A_574 : f32 to vector<16xf32>
          %reduce_or3A_577 = vector.broadcast %reduce_or3A_575 : f32 to vector<16xf32>
          %reduce_or3A_578 = arith.select %ge3A_573, %reduce_or3A_576, %reduce_or3A_577 : vector<16xi1>, vector<16xf32>
          %reduce_or3A_579 = arith.constant true
          %reduce_or3A_580 = vector.broadcast %reduce_or3A_579 : i1 to vector<16xi1>
          %reduce_or3A_581 = tpu.scan <max>, %reduce_or3A_578 masked %reduce_or3A_580 : vector<16xf32>, vector<16xi1> -> vector<16xf32>
          %reduce_or3A_582 = vector.extract %reduce_or3A_581[15] : f32 from vector<16xf32>
          %reduce_or3A_583 = arith.constant 0.000000e+00 : f32
          %reduce_or3A_584 = arith.cmpf ogt, %reduce_or3A_582, %reduce_or3A_583 : f32
          %or3A = arith.ori %reduce_or3A_566, %reduce_or3A_584 : i1
          %add3A_585 = arith.constant 32 : i32
          %add3A_586 = arith.addi %while3A_431, %add3A_585 : i32
          scf.yield %add3A_586, %or3A : i32, i1
        }
        %dma_wait3A_325 = arith.constant 0 : i32
        %dma_wait3A_326 = tpu.memref_slice %arg4[%dma_wait3A_325] : memref<160000xi32, #tpu.memory_space<hbm>> -> memref<4000xi32, #tpu.memory_space<hbm>>
        %dma_wait3A_327 = arith.constant 0 : i32
        %dma_wait3A_328 = tpu.memref_slice %arg4[%dma_wait3A_327] : memref<160000xi32, #tpu.memory_space<hbm>> -> memref<4000xi32, #tpu.memory_space<hbm>>
        tpu.wait_dma2 semaphore(%arg27 : memref<!tpu.dma_semaphore, #tpu.memory_space<semaphore_mem>>) src(%dma_wait3A_328 : memref<4000xi32, #tpu.memory_space<hbm>>) dst(%arg10 : memref<4000xi32, #tpu.memory_space<vmem>>)
        %dma_wait3A_329 = arith.constant 0 : i32
        %dma_wait3A_330 = tpu.memref_slice %arg5[%dma_wait3A_329] : memref<160000xi32, #tpu.memory_space<hbm>> -> memref<4000xi32, #tpu.memory_space<hbm>>
        %dma_wait3A_331 = arith.constant 0 : i32
        %dma_wait3A_332 = tpu.memref_slice %arg5[%dma_wait3A_331] : memref<160000xi32, #tpu.memory_space<hbm>> -> memref<4000xi32, #tpu.memory_space<hbm>>
        tpu.wait_dma2 semaphore(%arg27 : memref<!tpu.dma_semaphore, #tpu.memory_space<semaphore_mem>>) src(%dma_wait3A_332 : memref<4000xi32, #tpu.memory_space<hbm>>) dst(%arg11 : memref<4000xi32, #tpu.memory_space<vmem>>)
        %add3A_333 = arith.constant 2 : i32
        %add3A_334 = arith.addi %mul3A_227, %add3A_333 : i32
        %min3A_335 = arith.constant 39 : i32
        %min3A_336 = arith.minsi %add3A_334, %min3A_335 : i32
        %mul3A_337 = arith.constant 4000 : i32
        %mul3A_338 = arith.muli %min3A_336, %mul3A_337 : i32
        %dma_start3A_339 = tpu.memref_slice %arg4[%mul3A_338] : memref<160000xi32, #tpu.memory_space<hbm>> -> memref<4000xi32, #tpu.memory_space<hbm>>
        %dma_start3A_340 = tpu.memref_slice %arg4[%mul3A_338] : memref<160000xi32, #tpu.memory_space<hbm>> -> memref<4000xi32, #tpu.memory_space<hbm>>
        tpu.enqueue_dma source(%dma_start3A_340 : memref<4000xi32, #tpu.memory_space<hbm>>) target(%arg8 : memref<4000xi32, #tpu.memory_space<vmem>>) target_semaphore(%arg26 : memref<!tpu.dma_semaphore, #tpu.memory_space<semaphore_mem>>)
        %dma_start3A_341 = tpu.memref_slice %arg5[%mul3A_338] : memref<160000xi32, #tpu.memory_space<hbm>> -> memref<4000xi32, #tpu.memory_space<hbm>>
        %dma_start3A_342 = tpu.memref_slice %arg5[%mul3A_338] : memref<160000xi32, #tpu.memory_space<hbm>> -> memref<4000xi32, #tpu.memory_space<hbm>>
        tpu.enqueue_dma source(%dma_start3A_342 : memref<4000xi32, #tpu.memory_space<hbm>>) target(%arg9 : memref<4000xi32, #tpu.memory_space<vmem>>) target_semaphore(%arg26 : memref<!tpu.dma_semaphore, #tpu.memory_space<semaphore_mem>>)
        %add3A_343 = arith.constant 1 : i32
        %add3A_344 = arith.addi %mul3A_227, %add3A_343 : i32
        %mul3A_345 = arith.constant 4000 : i32
        %mul3A_346 = arith.muli %add3A_344, %mul3A_345 : i32
        %broadcast_in_dim3A_347 = arith.constant 0 : i32
        %broadcast_in_dim3A_348 = vector.broadcast %broadcast_in_dim3A_347 : i32 to vector<16xi32>
        %parallel_loop3A_349 = arith.constant 0 : i32
        %parallel_loop3A_350 = arith.constant 250 : i32
        %parallel_loop3A_351 = arith.constant 1 : i32
        %parallel_loop3A_352 = scf.for %parallel_loop3A_431 = %parallel_loop3A_349 to %parallel_loop3A_350 step %parallel_loop3A_351 iter_args(%parallel_loop3A_432 = %broadcast_in_dim3A_348) -> (vector<16xi32>)  : i32 {
          %parallel_loop3A_433 = arith.constant 16 : i32
          %parallel_loop3A_434 = arith.muli %parallel_loop3A_431, %parallel_loop3A_433 : i32
          %parallel_loop3A_435 = arith.index_cast %parallel_loop3A_434 : i32 to index
          %parallel_loop3A_436 = tpu.vector_load %arg10[%parallel_loop3A_435] {strides = array<i32>} : memref<4000xi32, #tpu.memory_space<vmem>>, vector<16xi32>,
          %parallel_loop3A_437 = vector.broadcast %mul3A_14 : i32 to vector<16xi32>
          %parallel_loop3A_438 = arith.cmpi sge, %parallel_loop3A_436, %parallel_loop3A_437 : vector<16xi32>
          %parallel_loop3A_439 = arith.constant 112 : i32
          %parallel_loop3A_440 = arith.addi %mul3A_14, %parallel_loop3A_439 : i32
          %parallel_loop3A_441 = vector.broadcast %parallel_loop3A_440 : i32 to vector<16xi32>
          %parallel_loop3A_442 = arith.cmpi slt, %parallel_loop3A_436, %parallel_loop3A_441 : vector<16xi32>
          %parallel_loop3A_443 = arith.andi %parallel_loop3A_438, %parallel_loop3A_442 : vector<16xi1>
          %parallel_loop3A_444 = arith.extui %parallel_loop3A_443 : vector<16xi1> to vector<16xi32>
          %parallel_loop3A_445 = arith.constant true
          %parallel_loop3A_446 = vector.broadcast %parallel_loop3A_445 : i1 to vector<16xi1>
          %parallel_loop3A_447 = tpu.scan <sum>, %parallel_loop3A_444 masked %parallel_loop3A_446 : vector<16xi32>, vector<16xi1> -> vector<16xi32>
          %parallel_loop3A_448 = arith.addi %parallel_loop3A_432, %parallel_loop3A_447 : vector<16xi32>
          %parallel_loop3A_449 = arith.constant 1 : i32
          %parallel_loop3A_450 = vector.broadcast %parallel_loop3A_449 : i32 to vector<16xi32>
          %parallel_loop3A_451 = arith.subi %parallel_loop3A_448, %parallel_loop3A_450 : vector<16xi32>
          %parallel_loop3A_452 = arith.constant 16 : i32
          %parallel_loop3A_453 = arith.muli %parallel_loop3A_431, %parallel_loop3A_452 : i32
          %parallel_loop3A_454 = vector.broadcast %parallel_loop3A_453 : i32 to vector<16xi32>
          %parallel_loop3A_455 = arith.addi %parallel_loop3A_454, %iota3A : vector<16xi32>
          tpu.vector_store_idx %arg12[%parallel_loop3A_451], %parallel_loop3A_455 masked %parallel_loop3A_443 : memref<4080xi32, #tpu.memory_space<vmem>>[vector<16xi32>], vector<16xi32>, vector<16xi1>
          %parallel_loop3A_456 = tpu.all_reduce %parallel_loop3A_443 {dim = 0 : i64, kind = #tpu.reduction_kind<sum>} : vector<16xi1> -> vector<16xi32>
          %parallel_loop3A_457 = arith.addi %parallel_loop3A_432, %parallel_loop3A_456 : vector<16xi32>
          scf.yield %parallel_loop3A_457 : vector<16xi32>
        } {sc.loop_unroll_factor = 4 : i64, sc.parallel_access}
        %broadcast_in_dim3A_353 = arith.constant -1 : i32
        %broadcast_in_dim3A_354 = vector.broadcast %broadcast_in_dim3A_353 : i32 to vector<16xi32>
        %add3A_355 = arith.constant 0 : i32
        %add3A_356 = vector.broadcast %add3A_355 : i32 to vector<16xi32>
        %add3A_357 = arith.addi %parallel_loop3A_352, %add3A_356 : vector<16xi32>
        %add3A_358 = arith.addi %add3A_357, %iota3A : vector<16xi32>
        tpu.vector_store_idx %arg12[%add3A_358], %broadcast_in_dim3A_354 : memref<4080xi32, #tpu.memory_space<vmem>>[vector<16xi32>], vector<16xi32>,
        %add3A_359 = arith.constant 16 : i32
        %add3A_360 = vector.broadcast %add3A_359 : i32 to vector<16xi32>
        %add3A_361 = arith.addi %parallel_loop3A_352, %add3A_360 : vector<16xi32>
        %add3A_362 = arith.addi %add3A_361, %iota3A : vector<16xi32>
        tpu.vector_store_idx %arg12[%add3A_362], %broadcast_in_dim3A_354 : memref<4080xi32, #tpu.memory_space<vmem>>[vector<16xi32>], vector<16xi32>,
        %add3A_363 = arith.constant 32 : i32
        %add3A_364 = vector.broadcast %add3A_363 : i32 to vector<16xi32>
        %add3A_365 = arith.addi %parallel_loop3A_352, %add3A_364 : vector<16xi32>
        %add3A_366 = arith.addi %add3A_365, %iota3A : vector<16xi32>
        tpu.vector_store_idx %arg12[%add3A_366], %broadcast_in_dim3A_354 : memref<4080xi32, #tpu.memory_space<vmem>>[vector<16xi32>], vector<16xi32>,
        %add3A_367 = arith.constant 48 : i32
        %add3A_368 = vector.broadcast %add3A_367 : i32 to vector<16xi32>
        %add3A_369 = arith.addi %parallel_loop3A_352, %add3A_368 : vector<16xi32>
        %add3A_370 = arith.addi %add3A_369, %iota3A : vector<16xi32>
        tpu.vector_store_idx %arg12[%add3A_370], %broadcast_in_dim3A_354 : memref<4080xi32, #tpu.memory_space<vmem>>[vector<16xi32>], vector<16xi32>,
        %get3A_371 = arith.constant 0 : index
        %get3A_372 = tpu.vector_load %arg17[%get3A_371] {strides = array<i32>} : memref<16xi32, #tpu.memory_space<vmem>>, vector<16xi32>,
        %ne3A_373 = arith.constant 112 : i32
        %ne3A_374 = vector.broadcast %ne3A_373 : i32 to vector<16xi32>
        %ne3A_375 = arith.cmpi ne, %get3A_372, %ne3A_374 : vector<16xi32>
        %reduce_or3A_376 = arith.constant 1.000000e+00 : f32
        %reduce_or3A_377 = arith.constant 0.000000e+00 : f32
        %reduce_or3A_378 = vector.broadcast %reduce_or3A_376 : f32 to vector<16xf32>
        %reduce_or3A_379 = vector.broadcast %reduce_or3A_377 : f32 to vector<16xf32>
        %reduce_or3A_380 = arith.select %ne3A_375, %reduce_or3A_378, %reduce_or3A_379 : vector<16xi1>, vector<16xf32>
        %reduce_or3A_381 = arith.constant true
        %reduce_or3A_382 = vector.broadcast %reduce_or3A_381 : i1 to vector<16xi1>
        %reduce_or3A_383 = tpu.scan <max>, %reduce_or3A_380 masked %reduce_or3A_382 : vector<16xf32>, vector<16xi1> -> vector<16xf32>
        %reduce_or3A_384 = vector.extract %reduce_or3A_383[15] : f32 from vector<16xf32>
        %reduce_or3A_385 = arith.constant 0.000000e+00 : f32
        %reduce_or3A_386 = arith.cmpf ogt, %reduce_or3A_384, %reduce_or3A_385 : f32
        %convert_element_type3A_387 = arith.extui %reduce_or3A_386 : i1 to i32
        %cond3A_388 = arith.constant 0 : i32
        %cond3A_389 = arith.cmpi ne, %convert_element_type3A_387, %cond3A_388 : i32
        scf.if %cond3A_389 {
          %dma_wait3A_431 = arith.constant 0 : i32
          %dma_wait3A_432 = arith.constant 0 : i32
          %dma_wait3A_433 = tpu.memref_slice %arg2[%dma_wait3A_431, %dma_wait3A_432] : memref<10000x768xf32, #tpu.memory_space<hbm>> -> memref<16x768xf32, #tpu.memory_space<hbm>>
          %dma_wait3A_434 = arith.constant 0 : i32
          %dma_wait3A_435 = arith.constant 0 : i32
          %dma_wait3A_436 = tpu.memref_slice %arg2[%dma_wait3A_434, %dma_wait3A_435] : memref<10000x768xf32, #tpu.memory_space<hbm>> -> memref<16x768xf32, #tpu.memory_space<hbm>>
          tpu.wait_dma2 semaphore(%arg23 : memref<!tpu.dma_semaphore, #tpu.memory_space<semaphore_mem>>) src(%dma_wait3A_436 : memref<16x768xf32, #tpu.memory_space<hbm>>) dst(%arg13 : memref<16x768xf32, #tpu.memory_space<vmem>>)
          %dma_wait3A_437 = arith.constant 0 : i32
          %dma_wait3A_438 = arith.constant 0 : i32
          %dma_wait3A_439 = tpu.memref_slice %arg3[%dma_wait3A_437, %dma_wait3A_438] : memref<160000x512xf32, #tpu.memory_space<hbm>> -> memref<16x512xf32, #tpu.memory_space<hbm>>
          %dma_wait3A_440 = arith.constant 0 : i32
          %dma_wait3A_441 = arith.constant 0 : i32
          %dma_wait3A_442 = tpu.memref_slice %arg3[%dma_wait3A_440, %dma_wait3A_441] : memref<160000x512xf32, #tpu.memory_space<hbm>> -> memref<16x512xf32, #tpu.memory_space<hbm>>
          tpu.wait_dma2 semaphore(%arg23 : memref<!tpu.dma_semaphore, #tpu.memory_space<semaphore_mem>>) src(%dma_wait3A_442 : memref<16x512xf32, #tpu.memory_space<hbm>>) dst(%arg15 : memref<16x512xf32, #tpu.memory_space<vmem>>)
        } else {
        }
        %get3A_390 = arith.constant 0 : index
        %get3A_391 = tpu.vector_load %arg12[%get3A_390] {strides = array<i32>} : memref<4080xi32, #tpu.memory_space<vmem>>, vector<16xi32>,
        %ge3A_392 = arith.constant 0 : i32
        %ge3A_393 = vector.broadcast %ge3A_392 : i32 to vector<16xi32>
        %ge3A_394 = arith.cmpi sge, %get3A_391, %ge3A_393 : vector<16xi32>
        %jit3A_395 = arith.constant 0 : i32
        %broadcast_in_dim3A_396 = vector.broadcast %jit3A_395 : i32 to vector<16xi32>
        %select_n3A_397 = arith.select %ge3A_394, %get3A_391, %broadcast_in_dim3A_396 : vector<16xi1>, vector<16xi32>
        %gather3A_398 = tpu.vector_load_idx %arg11[%select_n3A_397] : memref<4000xi32, #tpu.memory_space<vmem>>[vector<16xi32>], vector<16xi32>,
        %gather3A_399 = tpu.vector_load_idx %arg10[%select_n3A_397] : memref<4000xi32, #tpu.memory_space<vmem>>[vector<16xi32>], vector<16xi32>,
        %swap3A_400 = arith.constant 0 : index
        %swap3A_401 = tpu.vector_load %arg19[%swap3A_400] {strides = array<i32>} : memref<16xi32, #tpu.memory_space<vmem>>, vector<16xi32>,
        tpu.vector_store %arg19[%swap3A_400], %gather3A_398 {strides = array<i32>} : memref<16xi32, #tpu.memory_space<vmem>>, vector<16xi32>,
        %add3A_402 = vector.broadcast %mul3A_346 : i32 to vector<16xi32>
        %add3A_403 = arith.addi %select_n3A_397, %add3A_402 : vector<16xi32>
        %swap3A_404 = arith.constant 0 : index
        %swap3A_405 = tpu.vector_load %arg21[%swap3A_404] {strides = array<i32>} : memref<16xi32, #tpu.memory_space<vmem>>, vector<16xi32>,
        tpu.vector_store %arg21[%swap3A_404], %add3A_403 {strides = array<i32>} : memref<16xi32, #tpu.memory_space<vmem>>, vector<16xi32>,
        %sub3A_406 = vector.broadcast %mul3A_14 : i32 to vector<16xi32>
        %sub3A_407 = arith.subi %gather3A_399, %sub3A_406 : vector<16xi32>
        %jit3A_408 = arith.constant 112 : i32
        %broadcast_in_dim3A_409 = vector.broadcast %jit3A_408 : i32 to vector<16xi32>
        %select_n3A_410 = arith.select %ge3A_394, %sub3A_407, %broadcast_in_dim3A_409 : vector<16xi1>, vector<16xi32>
        %swap3A_411 = arith.constant 0 : index
        %swap3A_412 = tpu.vector_load %arg17[%swap3A_411] {strides = array<i32>} : memref<16xi32, #tpu.memory_space<vmem>>, vector<16xi32>,
        tpu.vector_store %arg17[%swap3A_411], %select_n3A_410 {strides = array<i32>} : memref<16xi32, #tpu.memory_space<vmem>>, vector<16xi32>,
        %reduce_or3A_413 = arith.constant 1.000000e+00 : f32
        %reduce_or3A_414 = arith.constant 0.000000e+00 : f32
        %reduce_or3A_415 = vector.broadcast %reduce_or3A_413 : f32 to vector<16xf32>
        %reduce_or3A_416 = vector.broadcast %reduce_or3A_414 : f32 to vector<16xf32>
        %reduce_or3A_417 = arith.select %ge3A_394, %reduce_or3A_415, %reduce_or3A_416 : vector<16xi1>, vector<16xf32>
        %reduce_or3A_418 = arith.constant true
        %reduce_or3A_419 = vector.broadcast %reduce_or3A_418 : i1 to vector<16xi1>
        %reduce_or3A_420 = tpu.scan <max>, %reduce_or3A_417 masked %reduce_or3A_419 : vector<16xf32>, vector<16xi1> -> vector<16xf32>
        %reduce_or3A_421 = vector.extract %reduce_or3A_420[15] : f32 from vector<16xf32>
        %reduce_or3A_422 = arith.constant 0.000000e+00 : f32
        %reduce_or3A_423 = arith.cmpf ogt, %reduce_or3A_421, %reduce_or3A_422 : f32
        %convert_element_type3A_424 = arith.extui %reduce_or3A_423 : i1 to i32
        %cond3A_425 = arith.constant 0 : i32
        %cond3A_426 = arith.cmpi ne, %convert_element_type3A_424, %cond3A_425 : i32
        scf.if %cond3A_426 {
          %dma_start3A_431 = arith.constant 0 : i32
          %dma_start3A_432 = arith.constant 0 : i32
          %dma_start3A_433 = tpu.memref_slice %arg2[%dma_start3A_431, %dma_start3A_432] : memref<10000x768xf32, #tpu.memory_space<hbm>> -> memref<10000x768xf32, #tpu.memory_space<hbm>>
          tpu.enqueue_indirect_dma source(%dma_start3A_433 : memref<10000x768xf32, #tpu.memory_space<hbm>>) target(%arg13 : memref<16x768xf32, #tpu.memory_space<vmem>>) offsets(%arg19 : memref<16xi32, #tpu.memory_space<vmem>>) semaphore(%arg23 : memref<!tpu.dma_semaphore, #tpu.memory_space<semaphore_mem>>)
          %dma_start3A_434 = arith.constant 0 : i32
          %dma_start3A_435 = arith.constant 0 : i32
          %dma_start3A_436 = tpu.memref_slice %arg3[%dma_start3A_434, %dma_start3A_435] : memref<160000x512xf32, #tpu.memory_space<hbm>> -> memref<160000x512xf32, #tpu.memory_space<hbm>>
          tpu.enqueue_indirect_dma source(%dma_start3A_436 : memref<160000x512xf32, #tpu.memory_space<hbm>>) target(%arg15 : memref<16x512xf32, #tpu.memory_space<vmem>>) offsets(%arg21 : memref<16xi32, #tpu.memory_space<vmem>>) semaphore(%arg23 : memref<!tpu.dma_semaphore, #tpu.memory_space<semaphore_mem>>)
        } else {
        }
        %while3A_427 = arith.constant 0 : i32
        %while3A_428 = arith.constant true
        %while3A_429:2 = scf.while (%while3A_431 = %while3A_427, %while3A_432 = %while3A_428) : (i32, i1) -> (i32, i1) {
          scf.condition(%while3A_432) %while3A_431, %while3A_432 : i32, i1
        } do {
        ^bb0(%while3A_431: i32, %while3A_432: i1):
          %add3A_433 = arith.constant 16 : i32
          %add3A_434 = arith.addi %while3A_431, %add3A_433 : i32
          %get3A_435 = arith.index_cast %add3A_434 : i32 to index
          %get3A_436 = tpu.vector_load %arg12[%get3A_435] {strides = array<i32>} : memref<4080xi32, #tpu.memory_space<vmem>>, vector<16xi32>,
          %ge3A_437 = arith.constant 0 : i32
          %ge3A_438 = vector.broadcast %ge3A_437 : i32 to vector<16xi32>
          %ge3A_439 = arith.cmpi sge, %get3A_436, %ge3A_438 : vector<16xi32>
          %jit3A_440 = arith.constant 0 : i32
          %broadcast_in_dim3A_441 = vector.broadcast %jit3A_440 : i32 to vector<16xi32>
          %select_n3A_442 = arith.select %ge3A_439, %get3A_436, %broadcast_in_dim3A_441 : vector<16xi1>, vector<16xi32>
          %gather3A_443 = tpu.vector_load_idx %arg11[%select_n3A_442] : memref<4000xi32, #tpu.memory_space<vmem>>[vector<16xi32>], vector<16xi32>,
          %gather3A_444 = tpu.vector_load_idx %arg10[%select_n3A_442] : memref<4000xi32, #tpu.memory_space<vmem>>[vector<16xi32>], vector<16xi32>,
          %swap3A_445 = arith.constant 0 : index
          %swap3A_446 = tpu.vector_load %arg20[%swap3A_445] {strides = array<i32>} : memref<16xi32, #tpu.memory_space<vmem>>, vector<16xi32>,
          tpu.vector_store %arg20[%swap3A_445], %gather3A_443 {strides = array<i32>} : memref<16xi32, #tpu.memory_space<vmem>>, vector<16xi32>,
          %add3A_447 = vector.broadcast %mul3A_346 : i32 to vector<16xi32>
          %add3A_448 = arith.addi %select_n3A_442, %add3A_447 : vector<16xi32>
          %swap3A_449 = arith.constant 0 : index
          %swap3A_450 = tpu.vector_load %arg22[%swap3A_449] {strides = array<i32>} : memref<16xi32, #tpu.memory_space<vmem>>, vector<16xi32>,
          tpu.vector_store %arg22[%swap3A_449], %add3A_448 {strides = array<i32>} : memref<16xi32, #tpu.memory_space<vmem>>, vector<16xi32>,
          %sub3A_451 = vector.broadcast %mul3A_14 : i32 to vector<16xi32>
          %sub3A_452 = arith.subi %gather3A_444, %sub3A_451 : vector<16xi32>
          %jit3A_453 = arith.constant 112 : i32
          %broadcast_in_dim3A_454 = vector.broadcast %jit3A_453 : i32 to vector<16xi32>
          %select_n3A_455 = arith.select %ge3A_439, %sub3A_452, %broadcast_in_dim3A_454 : vector<16xi1>, vector<16xi32>
          %swap3A_456 = arith.constant 0 : index
          %swap3A_457 = tpu.vector_load %arg18[%swap3A_456] {strides = array<i32>} : memref<16xi32, #tpu.memory_space<vmem>>, vector<16xi32>,
          tpu.vector_store %arg18[%swap3A_456], %select_n3A_455 {strides = array<i32>} : memref<16xi32, #tpu.memory_space<vmem>>, vector<16xi32>,
          %reduce_or3A_458 = arith.constant 1.000000e+00 : f32
          %reduce_or3A_459 = arith.constant 0.000000e+00 : f32
          %reduce_or3A_460 = vector.broadcast %reduce_or3A_458 : f32 to vector<16xf32>
          %reduce_or3A_461 = vector.broadcast %reduce_or3A_459 : f32 to vector<16xf32>
          %reduce_or3A_462 = arith.select %ge3A_439, %reduce_or3A_460, %reduce_or3A_461 : vector<16xi1>, vector<16xf32>
          %reduce_or3A_463 = arith.constant true
          %reduce_or3A_464 = vector.broadcast %reduce_or3A_463 : i1 to vector<16xi1>
          %reduce_or3A_465 = tpu.scan <max>, %reduce_or3A_462 masked %reduce_or3A_464 : vector<16xf32>, vector<16xi1> -> vector<16xf32>
          %reduce_or3A_466 = vector.extract %reduce_or3A_465[15] : f32 from vector<16xf32>
          %reduce_or3A_467 = arith.constant 0.000000e+00 : f32
          %reduce_or3A_468 = arith.cmpf ogt, %reduce_or3A_466, %reduce_or3A_467 : f32
          %convert_element_type3A_469 = arith.extui %reduce_or3A_468 : i1 to i32
          %cond3A_470 = arith.constant 0 : i32
          %cond3A_471 = arith.cmpi ne, %convert_element_type3A_469, %cond3A_470 : i32
          scf.if %cond3A_471 {
            %dma_start3A_587 = arith.constant 0 : i32
            %dma_start3A_588 = arith.constant 0 : i32
            %dma_start3A_589 = tpu.memref_slice %arg2[%dma_start3A_587, %dma_start3A_588] : memref<10000x768xf32, #tpu.memory_space<hbm>> -> memref<10000x768xf32, #tpu.memory_space<hbm>>
            tpu.enqueue_indirect_dma source(%dma_start3A_589 : memref<10000x768xf32, #tpu.memory_space<hbm>>) target(%arg14 : memref<16x768xf32, #tpu.memory_space<vmem>>) offsets(%arg20 : memref<16xi32, #tpu.memory_space<vmem>>) semaphore(%arg24 : memref<!tpu.dma_semaphore, #tpu.memory_space<semaphore_mem>>)
            %dma_start3A_590 = arith.constant 0 : i32
            %dma_start3A_591 = arith.constant 0 : i32
            %dma_start3A_592 = tpu.memref_slice %arg3[%dma_start3A_590, %dma_start3A_591] : memref<160000x512xf32, #tpu.memory_space<hbm>> -> memref<160000x512xf32, #tpu.memory_space<hbm>>
            tpu.enqueue_indirect_dma source(%dma_start3A_592 : memref<160000x512xf32, #tpu.memory_space<hbm>>) target(%arg16 : memref<16x512xf32, #tpu.memory_space<vmem>>) offsets(%arg22 : memref<16xi32, #tpu.memory_space<vmem>>) semaphore(%arg24 : memref<!tpu.dma_semaphore, #tpu.memory_space<semaphore_mem>>)
          } else {
          }
          %get3A_472 = arith.constant 0 : index
          %get3A_473 = tpu.vector_load %arg17[%get3A_472] {strides = array<i32>} : memref<16xi32, #tpu.memory_space<vmem>>, vector<16xi32>,
          %ne3A_474 = arith.constant 112 : i32
          %ne3A_475 = vector.broadcast %ne3A_474 : i32 to vector<16xi32>
          %ne3A_476 = arith.cmpi ne, %get3A_473, %ne3A_475 : vector<16xi32>
          %reduce_or3A_477 = arith.constant 1.000000e+00 : f32
          %reduce_or3A_478 = arith.constant 0.000000e+00 : f32
          %reduce_or3A_479 = vector.broadcast %reduce_or3A_477 : f32 to vector<16xf32>
          %reduce_or3A_480 = vector.broadcast %reduce_or3A_478 : f32 to vector<16xf32>
          %reduce_or3A_481 = arith.select %ne3A_476, %reduce_or3A_479, %reduce_or3A_480 : vector<16xi1>, vector<16xf32>
          %reduce_or3A_482 = arith.constant true
          %reduce_or3A_483 = vector.broadcast %reduce_or3A_482 : i1 to vector<16xi1>
          %reduce_or3A_484 = tpu.scan <max>, %reduce_or3A_481 masked %reduce_or3A_483 : vector<16xf32>, vector<16xi1> -> vector<16xf32>
          %reduce_or3A_485 = vector.extract %reduce_or3A_484[15] : f32 from vector<16xf32>
          %reduce_or3A_486 = arith.constant 0.000000e+00 : f32
          %reduce_or3A_487 = arith.cmpf ogt, %reduce_or3A_485, %reduce_or3A_486 : f32
          %convert_element_type3A_488 = arith.extui %reduce_or3A_487 : i1 to i32
          %cond3A_489 = arith.constant 0 : i32
          %cond3A_490 = arith.cmpi ne, %convert_element_type3A_488, %cond3A_489 : i32
          scf.if %cond3A_490 {
            %dma_wait3A_587 = arith.constant 0 : i32
            %dma_wait3A_588 = arith.constant 0 : i32
            %dma_wait3A_589 = tpu.memref_slice %arg2[%dma_wait3A_587, %dma_wait3A_588] : memref<10000x768xf32, #tpu.memory_space<hbm>> -> memref<16x768xf32, #tpu.memory_space<hbm>>
            %dma_wait3A_590 = arith.constant 0 : i32
            %dma_wait3A_591 = arith.constant 0 : i32
            %dma_wait3A_592 = tpu.memref_slice %arg2[%dma_wait3A_590, %dma_wait3A_591] : memref<10000x768xf32, #tpu.memory_space<hbm>> -> memref<16x768xf32, #tpu.memory_space<hbm>>
            tpu.wait_dma2 semaphore(%arg23 : memref<!tpu.dma_semaphore, #tpu.memory_space<semaphore_mem>>) src(%dma_wait3A_592 : memref<16x768xf32, #tpu.memory_space<hbm>>) dst(%arg13 : memref<16x768xf32, #tpu.memory_space<vmem>>)
            %dma_wait3A_593 = arith.constant 0 : i32
            %dma_wait3A_594 = arith.constant 0 : i32
            %dma_wait3A_595 = tpu.memref_slice %arg3[%dma_wait3A_593, %dma_wait3A_594] : memref<160000x512xf32, #tpu.memory_space<hbm>> -> memref<16x512xf32, #tpu.memory_space<hbm>>
            %dma_wait3A_596 = arith.constant 0 : i32
            %dma_wait3A_597 = arith.constant 0 : i32
            %dma_wait3A_598 = tpu.memref_slice %arg3[%dma_wait3A_596, %dma_wait3A_597] : memref<160000x512xf32, #tpu.memory_space<hbm>> -> memref<16x512xf32, #tpu.memory_space<hbm>>
            tpu.wait_dma2 semaphore(%arg23 : memref<!tpu.dma_semaphore, #tpu.memory_space<semaphore_mem>>) src(%dma_wait3A_598 : memref<16x512xf32, #tpu.memory_space<hbm>>) dst(%arg15 : memref<16x512xf32, #tpu.memory_space<vmem>>)
            %parallel_loop3A_599 = arith.constant 0 : i32
            %parallel_loop3A_600 = arith.constant 16 : i32
            %parallel_loop3A_601 = arith.constant 1 : i32
            scf.for %parallel_loop3A_602 = %parallel_loop3A_599 to %parallel_loop3A_600 step %parallel_loop3A_601  : i32 {
              %parallel_loop3A_603 = vector.broadcast %parallel_loop3A_602 : i32 to vector<16xi32>
              %parallel_loop3A_604 = tpu.vector_load_idx %arg17[%parallel_loop3A_603] : memref<16xi32, #tpu.memory_space<vmem>>[vector<16xi32>], vector<16xi32>,
              %parallel_loop3A_605 = arith.constant 384 : i32
              %parallel_loop3A_606 = vector.broadcast %parallel_loop3A_605 : i32 to vector<16xi32>
              %parallel_loop3A_607 = tpu.vector_load_idx %arg15[%parallel_loop3A_603, %parallel_loop3A_606] : memref<16x512xf32, #tpu.memory_space<vmem>>[vector<16xi32>, vector<16xi32>], vector<16xf32>,
              %parallel_loop3A_608 = arith.constant 385 : i32
              %parallel_loop3A_609 = vector.broadcast %parallel_loop3A_608 : i32 to vector<16xi32>
              %parallel_loop3A_610 = tpu.vector_load_idx %arg15[%parallel_loop3A_603, %parallel_loop3A_609] : memref<16x512xf32, #tpu.memory_space<vmem>>[vector<16xi32>, vector<16xi32>], vector<16xf32>,
              %parallel_loop3A_611 = arith.constant 386 : i32
              %parallel_loop3A_612 = vector.broadcast %parallel_loop3A_611 : i32 to vector<16xi32>
              %parallel_loop3A_613 = tpu.vector_load_idx %arg15[%parallel_loop3A_603, %parallel_loop3A_612] : memref<16x512xf32, #tpu.memory_space<vmem>>[vector<16xi32>, vector<16xi32>], vector<16xf32>,
              %parallel_loop3A_614 = arith.constant 384 : i32
              %parallel_loop3A_615 = vector.broadcast %parallel_loop3A_614 : i32 to vector<16xi32>
              %parallel_loop3A_616 = arith.addi %parallel_loop3A_615, %iota3A : vector<16xi32>
              %parallel_loop3A_617 = arith.index_cast %parallel_loop3A_602 : i32 to index
              %parallel_loop3A_618 = arith.constant 128 : index
              %parallel_loop3A_619 = tpu.vector_load %arg13[%parallel_loop3A_617, %parallel_loop3A_618] {strides = array<i32>} : memref<16x768xf32, #tpu.memory_space<vmem>>, vector<16xf32>,
              %parallel_loop3A_620 = arith.index_cast %parallel_loop3A_602 : i32 to index
              %parallel_loop3A_621 = arith.constant 128 : index
              %parallel_loop3A_622 = tpu.vector_load %arg15[%parallel_loop3A_620, %parallel_loop3A_621] {strides = array<i32>} : memref<16x512xf32, #tpu.memory_space<vmem>>, vector<16xf32>,
              %parallel_loop3A_623 = arith.mulf %parallel_loop3A_619, %parallel_loop3A_622 : vector<16xf32>
              %parallel_loop3A_624 = arith.constant 400 : i32
              %parallel_loop3A_625 = vector.broadcast %parallel_loop3A_624 : i32 to vector<16xi32>
              %parallel_loop3A_626 = arith.addi %parallel_loop3A_625, %iota3A : vector<16xi32>
              %parallel_loop3A_627 = arith.index_cast %parallel_loop3A_602 : i32 to index
              %parallel_loop3A_628 = arith.constant 144 : index
              %parallel_loop3A_629 = tpu.vector_load %arg13[%parallel_loop3A_627, %parallel_loop3A_628] {strides = array<i32>} : memref<16x768xf32, #tpu.memory_space<vmem>>, vector<16xf32>,
              %parallel_loop3A_630 = arith.index_cast %parallel_loop3A_602 : i32 to index
              %parallel_loop3A_631 = arith.constant 144 : index
              %parallel_loop3A_632 = tpu.vector_load %arg15[%parallel_loop3A_630, %parallel_loop3A_631] {strides = array<i32>} : memref<16x512xf32, #tpu.memory_space<vmem>>, vector<16xf32>,
              %parallel_loop3A_633 = arith.mulf %parallel_loop3A_629, %parallel_loop3A_632 : vector<16xf32>
              %parallel_loop3A_634 = arith.constant 416 : i32
              %parallel_loop3A_635 = vector.broadcast %parallel_loop3A_634 : i32 to vector<16xi32>
              %parallel_loop3A_636 = arith.addi %parallel_loop3A_635, %iota3A : vector<16xi32>
              %parallel_loop3A_637 = arith.index_cast %parallel_loop3A_602 : i32 to index
              %parallel_loop3A_638 = arith.constant 160 : index
              %parallel_loop3A_639 = tpu.vector_load %arg13[%parallel_loop3A_637, %parallel_loop3A_638] {strides = array<i32>} : memref<16x768xf32, #tpu.memory_space<vmem>>, vector<16xf32>,
              %parallel_loop3A_640 = arith.index_cast %parallel_loop3A_602 : i32 to index
              %parallel_loop3A_641 = arith.constant 160 : index
              %parallel_loop3A_642 = tpu.vector_load %arg15[%parallel_loop3A_640, %parallel_loop3A_641] {strides = array<i32>} : memref<16x512xf32, #tpu.memory_space<vmem>>, vector<16xf32>,
              %parallel_loop3A_643 = arith.mulf %parallel_loop3A_639, %parallel_loop3A_642 : vector<16xf32>
              %parallel_loop3A_644 = arith.constant 432 : i32
              %parallel_loop3A_645 = vector.broadcast %parallel_loop3A_644 : i32 to vector<16xi32>
              %parallel_loop3A_646 = arith.addi %parallel_loop3A_645, %iota3A : vector<16xi32>
              %parallel_loop3A_647 = arith.index_cast %parallel_loop3A_602 : i32 to index
              %parallel_loop3A_648 = arith.constant 176 : index
              %parallel_loop3A_649 = tpu.vector_load %arg13[%parallel_loop3A_647, %parallel_loop3A_648] {strides = array<i32>} : memref<16x768xf32, #tpu.memory_space<vmem>>, vector<16xf32>,
              %parallel_loop3A_650 = arith.index_cast %parallel_loop3A_602 : i32 to index
              %parallel_loop3A_651 = arith.constant 176 : index
              %parallel_loop3A_652 = tpu.vector_load %arg15[%parallel_loop3A_650, %parallel_loop3A_651] {strides = array<i32>} : memref<16x512xf32, #tpu.memory_space<vmem>>, vector<16xf32>,
              %parallel_loop3A_653 = arith.mulf %parallel_loop3A_649, %parallel_loop3A_652 : vector<16xf32>
              %parallel_loop3A_654 = arith.constant 448 : i32
              %parallel_loop3A_655 = vector.broadcast %parallel_loop3A_654 : i32 to vector<16xi32>
              %parallel_loop3A_656 = arith.addi %parallel_loop3A_655, %iota3A : vector<16xi32>
              %parallel_loop3A_657 = arith.index_cast %parallel_loop3A_602 : i32 to index
              %parallel_loop3A_658 = arith.constant 192 : index
              %parallel_loop3A_659 = tpu.vector_load %arg13[%parallel_loop3A_657, %parallel_loop3A_658] {strides = array<i32>} : memref<16x768xf32, #tpu.memory_space<vmem>>, vector<16xf32>,
              %parallel_loop3A_660 = arith.index_cast %parallel_loop3A_602 : i32 to index
              %parallel_loop3A_661 = arith.constant 192 : index
              %parallel_loop3A_662 = tpu.vector_load %arg15[%parallel_loop3A_660, %parallel_loop3A_661] {strides = array<i32>} : memref<16x512xf32, #tpu.memory_space<vmem>>, vector<16xf32>,
              %parallel_loop3A_663 = arith.mulf %parallel_loop3A_659, %parallel_loop3A_662 : vector<16xf32>
              %parallel_loop3A_664 = arith.constant 464 : i32
              %parallel_loop3A_665 = vector.broadcast %parallel_loop3A_664 : i32 to vector<16xi32>
              %parallel_loop3A_666 = arith.addi %parallel_loop3A_665, %iota3A : vector<16xi32>
              %parallel_loop3A_667 = arith.index_cast %parallel_loop3A_602 : i32 to index
              %parallel_loop3A_668 = arith.constant 208 : index
              %parallel_loop3A_669 = tpu.vector_load %arg13[%parallel_loop3A_667, %parallel_loop3A_668] {strides = array<i32>} : memref<16x768xf32, #tpu.memory_space<vmem>>, vector<16xf32>,
              %parallel_loop3A_670 = arith.index_cast %parallel_loop3A_602 : i32 to index
              %parallel_loop3A_671 = arith.constant 208 : index
              %parallel_loop3A_672 = tpu.vector_load %arg15[%parallel_loop3A_670, %parallel_loop3A_671] {strides = array<i32>} : memref<16x512xf32, #tpu.memory_space<vmem>>, vector<16xf32>,
              %parallel_loop3A_673 = arith.mulf %parallel_loop3A_669, %parallel_loop3A_672 : vector<16xf32>
              %parallel_loop3A_674 = arith.constant 480 : i32
              %parallel_loop3A_675 = vector.broadcast %parallel_loop3A_674 : i32 to vector<16xi32>
              %parallel_loop3A_676 = arith.addi %parallel_loop3A_675, %iota3A : vector<16xi32>
              %parallel_loop3A_677 = arith.index_cast %parallel_loop3A_602 : i32 to index
              %parallel_loop3A_678 = arith.constant 224 : index
              %parallel_loop3A_679 = tpu.vector_load %arg13[%parallel_loop3A_677, %parallel_loop3A_678] {strides = array<i32>} : memref<16x768xf32, #tpu.memory_space<vmem>>, vector<16xf32>,
              %parallel_loop3A_680 = arith.index_cast %parallel_loop3A_602 : i32 to index
              %parallel_loop3A_681 = arith.constant 224 : index
              %parallel_loop3A_682 = tpu.vector_load %arg15[%parallel_loop3A_680, %parallel_loop3A_681] {strides = array<i32>} : memref<16x512xf32, #tpu.memory_space<vmem>>, vector<16xf32>,
              %parallel_loop3A_683 = arith.mulf %parallel_loop3A_679, %parallel_loop3A_682 : vector<16xf32>
              %parallel_loop3A_684 = arith.constant 496 : i32
              %parallel_loop3A_685 = vector.broadcast %parallel_loop3A_684 : i32 to vector<16xi32>
              %parallel_loop3A_686 = arith.addi %parallel_loop3A_685, %iota3A : vector<16xi32>
              %parallel_loop3A_687 = arith.index_cast %parallel_loop3A_602 : i32 to index
              %parallel_loop3A_688 = arith.constant 240 : index
              %parallel_loop3A_689 = tpu.vector_load %arg13[%parallel_loop3A_687, %parallel_loop3A_688] {strides = array<i32>} : memref<16x768xf32, #tpu.memory_space<vmem>>, vector<16xf32>,
              %parallel_loop3A_690 = arith.index_cast %parallel_loop3A_602 : i32 to index
              %parallel_loop3A_691 = arith.constant 240 : index
              %parallel_loop3A_692 = tpu.vector_load %arg15[%parallel_loop3A_690, %parallel_loop3A_691] {strides = array<i32>} : memref<16x512xf32, #tpu.memory_space<vmem>>, vector<16xf32>,
              %parallel_loop3A_693 = arith.mulf %parallel_loop3A_689, %parallel_loop3A_692 : vector<16xf32>
              %parallel_loop3A_694 = arith.constant 0 : i32
              %parallel_loop3A_695 = vector.broadcast %parallel_loop3A_694 : i32 to vector<16xi32>
              %parallel_loop3A_696 = arith.addi %parallel_loop3A_695, %iota3A : vector<16xi32>
              %parallel_loop3A_697 = arith.index_cast %parallel_loop3A_602 : i32 to index
              %parallel_loop3A_698 = arith.constant 0 : index
              %parallel_loop3A_699 = tpu.vector_load %arg13[%parallel_loop3A_697, %parallel_loop3A_698] {strides = array<i32>} : memref<16x768xf32, #tpu.memory_space<vmem>>, vector<16xf32>,
              %parallel_loop3A_700 = arith.index_cast %parallel_loop3A_602 : i32 to index
              %parallel_loop3A_701 = arith.constant 0 : index
              %parallel_loop3A_702 = tpu.vector_load %arg15[%parallel_loop3A_700, %parallel_loop3A_701] {strides = array<i32>} : memref<16x512xf32, #tpu.memory_space<vmem>>, vector<16xf32>,
              %parallel_loop3A_703 = arith.mulf %parallel_loop3A_699, %parallel_loop3A_702 : vector<16xf32>
              %parallel_loop3A_704 = arith.index_cast %parallel_loop3A_602 : i32 to index
              %parallel_loop3A_705 = arith.constant 256 : index
              %parallel_loop3A_706 = tpu.vector_load %arg13[%parallel_loop3A_704, %parallel_loop3A_705] {strides = array<i32>} : memref<16x768xf32, #tpu.memory_space<vmem>>, vector<16xf32>,
              %parallel_loop3A_707 = arith.index_cast %parallel_loop3A_602 : i32 to index
              %parallel_loop3A_708 = arith.constant 256 : index
              %parallel_loop3A_709 = tpu.vector_load %arg15[%parallel_loop3A_707, %parallel_loop3A_708] {strides = array<i32>} : memref<16x512xf32, #tpu.memory_space<vmem>>, vector<16xf32>,
              %parallel_loop3A_710 = arith.mulf %parallel_loop3A_706, %parallel_loop3A_709 : vector<16xf32>
              %parallel_loop3A_711 = arith.constant 3 : i32
              %parallel_loop3A_712 = vector.broadcast %parallel_loop3A_711 : i32 to vector<16xi32>
              %parallel_loop3A_713 = arith.muli %parallel_loop3A_712, %parallel_loop3A_696 : vector<16xi32>
              %parallel_loop3A_714 = arith.constant 0 : i32
              %parallel_loop3A_715 = vector.broadcast %parallel_loop3A_714 : i32 to vector<16xi32>
              %parallel_loop3A_716 = arith.addi %parallel_loop3A_713, %parallel_loop3A_715 : vector<16xi32>
              %parallel_loop3A_717 = arith.index_cast %parallel_loop3A_602 : i32 to index
              %parallel_loop3A_718 = arith.constant 384 : index
              %parallel_loop3A_719 = tpu.vector_load %arg13[%parallel_loop3A_717, %parallel_loop3A_718] {strides = array<i32>} : memref<16x768xf32, #tpu.memory_space<vmem>>, vector<16xf32>,
              %parallel_loop3A_720 = arith.mulf %parallel_loop3A_703, %parallel_loop3A_719 : vector<16xf32>
              %parallel_loop3A_721 = arith.mulf %parallel_loop3A_710, %parallel_loop3A_607 : vector<16xf32>
              %parallel_loop3A_722 = arith.addf %parallel_loop3A_720, %parallel_loop3A_721 : vector<16xf32>
              %parallel_loop3A_723 = arith.constant 3 : i32
              %parallel_loop3A_724 = vector.broadcast %parallel_loop3A_723 : i32 to vector<16xi32>
              %parallel_loop3A_725 = arith.muli %parallel_loop3A_724, %parallel_loop3A_696 : vector<16xi32>
              %parallel_loop3A_726 = arith.constant 1 : i32
              %parallel_loop3A_727 = vector.broadcast %parallel_loop3A_726 : i32 to vector<16xi32>
              %parallel_loop3A_728 = arith.addi %parallel_loop3A_725, %parallel_loop3A_727 : vector<16xi32>
              %parallel_loop3A_729 = arith.index_cast %parallel_loop3A_602 : i32 to index
              %parallel_loop3A_730 = arith.constant 512 : index
              %parallel_loop3A_731 = tpu.vector_load %arg13[%parallel_loop3A_729, %parallel_loop3A_730] {strides = array<i32>} : memref<16x768xf32, #tpu.memory_space<vmem>>, vector<16xf32>,
              %parallel_loop3A_732 = arith.mulf %parallel_loop3A_703, %parallel_loop3A_731 : vector<16xf32>
              %parallel_loop3A_733 = arith.mulf %parallel_loop3A_710, %parallel_loop3A_610 : vector<16xf32>
              %parallel_loop3A_734 = arith.addf %parallel_loop3A_732, %parallel_loop3A_733 : vector<16xf32>
              %parallel_loop3A_735 = arith.constant 3 : i32
              %parallel_loop3A_736 = vector.broadcast %parallel_loop3A_735 : i32 to vector<16xi32>
              %parallel_loop3A_737 = arith.muli %parallel_loop3A_736, %parallel_loop3A_696 : vector<16xi32>
              %parallel_loop3A_738 = arith.constant 2 : i32
              %parallel_loop3A_739 = vector.broadcast %parallel_loop3A_738 : i32 to vector<16xi32>
              %parallel_loop3A_740 = arith.addi %parallel_loop3A_737, %parallel_loop3A_739 : vector<16xi32>
              %parallel_loop3A_741 = arith.index_cast %parallel_loop3A_602 : i32 to index
              %parallel_loop3A_742 = arith.constant 640 : index
              %parallel_loop3A_743 = tpu.vector_load %arg13[%parallel_loop3A_741, %parallel_loop3A_742] {strides = array<i32>} : memref<16x768xf32, #tpu.memory_space<vmem>>, vector<16xf32>,
              %parallel_loop3A_744 = arith.mulf %parallel_loop3A_703, %parallel_loop3A_743 : vector<16xf32>
              %parallel_loop3A_745 = arith.mulf %parallel_loop3A_710, %parallel_loop3A_613 : vector<16xf32>
              %parallel_loop3A_746 = arith.addf %parallel_loop3A_744, %parallel_loop3A_745 : vector<16xf32>
              %parallel_loop3A_747 = arith.constant 16 : i32
              %parallel_loop3A_748 = vector.broadcast %parallel_loop3A_747 : i32 to vector<16xi32>
              %parallel_loop3A_749 = arith.addi %parallel_loop3A_748, %iota3A : vector<16xi32>
              %parallel_loop3A_750 = arith.index_cast %parallel_loop3A_602 : i32 to index
              %parallel_loop3A_751 = arith.constant 16 : index
              %parallel_loop3A_752 = tpu.vector_load %arg13[%parallel_loop3A_750, %parallel_loop3A_751] {strides = array<i32>} : memref<16x768xf32, #tpu.memory_space<vmem>>, vector<16xf32>,
              %parallel_loop3A_753 = arith.index_cast %parallel_loop3A_602 : i32 to index
              %parallel_loop3A_754 = arith.constant 16 : index
              %parallel_loop3A_755 = tpu.vector_load %arg15[%parallel_loop3A_753, %parallel_loop3A_754] {strides = array<i32>} : memref<16x512xf32, #tpu.memory_space<vmem>>, vector<16xf32>,
              %parallel_loop3A_756 = arith.mulf %parallel_loop3A_752, %parallel_loop3A_755 : vector<16xf32>
              %parallel_loop3A_757 = arith.index_cast %parallel_loop3A_602 : i32 to index
              %parallel_loop3A_758 = arith.constant 272 : index
              %parallel_loop3A_759 = tpu.vector_load %arg13[%parallel_loop3A_757, %parallel_loop3A_758] {strides = array<i32>} : memref<16x768xf32, #tpu.memory_space<vmem>>, vector<16xf32>,
              %parallel_loop3A_760 = arith.index_cast %parallel_loop3A_602 : i32 to index
              %parallel_loop3A_761 = arith.constant 272 : index
              %parallel_loop3A_762 = tpu.vector_load %arg15[%parallel_loop3A_760, %parallel_loop3A_761] {strides = array<i32>} : memref<16x512xf32, #tpu.memory_space<vmem>>, vector<16xf32>,
              %parallel_loop3A_763 = arith.mulf %parallel_loop3A_759, %parallel_loop3A_762 : vector<16xf32>
              %parallel_loop3A_764 = arith.constant 3 : i32
              %parallel_loop3A_765 = vector.broadcast %parallel_loop3A_764 : i32 to vector<16xi32>
              %parallel_loop3A_766 = arith.muli %parallel_loop3A_765, %parallel_loop3A_749 : vector<16xi32>
              %parallel_loop3A_767 = arith.constant 0 : i32
              %parallel_loop3A_768 = vector.broadcast %parallel_loop3A_767 : i32 to vector<16xi32>
              %parallel_loop3A_769 = arith.addi %parallel_loop3A_766, %parallel_loop3A_768 : vector<16xi32>
              %parallel_loop3A_770 = arith.index_cast %parallel_loop3A_602 : i32 to index
              %parallel_loop3A_771 = arith.constant 400 : index
              %parallel_loop3A_772 = tpu.vector_load %arg13[%parallel_loop3A_770, %parallel_loop3A_771] {strides = array<i32>} : memref<16x768xf32, #tpu.memory_space<vmem>>, vector<16xf32>,
              %parallel_loop3A_773 = arith.mulf %parallel_loop3A_756, %parallel_loop3A_772 : vector<16xf32>
              %parallel_loop3A_774 = arith.mulf %parallel_loop3A_763, %parallel_loop3A_607 : vector<16xf32>
              %parallel_loop3A_775 = arith.addf %parallel_loop3A_773, %parallel_loop3A_774 : vector<16xf32>
              %parallel_loop3A_776 = arith.constant 3 : i32
              %parallel_loop3A_777 = vector.broadcast %parallel_loop3A_776 : i32 to vector<16xi32>
              %parallel_loop3A_778 = arith.muli %parallel_loop3A_777, %parallel_loop3A_749 : vector<16xi32>
              %parallel_loop3A_779 = arith.constant 1 : i32
              %parallel_loop3A_780 = vector.broadcast %parallel_loop3A_779 : i32 to vector<16xi32>
              %parallel_loop3A_781 = arith.addi %parallel_loop3A_778, %parallel_loop3A_780 : vector<16xi32>
              %parallel_loop3A_782 = arith.index_cast %parallel_loop3A_602 : i32 to index
              %parallel_loop3A_783 = arith.constant 528 : index
              %parallel_loop3A_784 = tpu.vector_load %arg13[%parallel_loop3A_782, %parallel_loop3A_783] {strides = array<i32>} : memref<16x768xf32, #tpu.memory_space<vmem>>, vector<16xf32>,
              %parallel_loop3A_785 = arith.mulf %parallel_loop3A_756, %parallel_loop3A_784 : vector<16xf32>
              %parallel_loop3A_786 = arith.mulf %parallel_loop3A_763, %parallel_loop3A_610 : vector<16xf32>
              %parallel_loop3A_787 = arith.addf %parallel_loop3A_785, %parallel_loop3A_786 : vector<16xf32>
              %parallel_loop3A_788 = arith.constant 3 : i32
              %parallel_loop3A_789 = vector.broadcast %parallel_loop3A_788 : i32 to vector<16xi32>
              %parallel_loop3A_790 = arith.muli %parallel_loop3A_789, %parallel_loop3A_749 : vector<16xi32>
              %parallel_loop3A_791 = arith.constant 2 : i32
              %parallel_loop3A_792 = vector.broadcast %parallel_loop3A_791 : i32 to vector<16xi32>
              %parallel_loop3A_793 = arith.addi %parallel_loop3A_790, %parallel_loop3A_792 : vector<16xi32>
              %parallel_loop3A_794 = arith.index_cast %parallel_loop3A_602 : i32 to index
              %parallel_loop3A_795 = arith.constant 656 : index
              %parallel_loop3A_796 = tpu.vector_load %arg13[%parallel_loop3A_794, %parallel_loop3A_795] {strides = array<i32>} : memref<16x768xf32, #tpu.memory_space<vmem>>, vector<16xf32>,
              %parallel_loop3A_797 = arith.mulf %parallel_loop3A_756, %parallel_loop3A_796 : vector<16xf32>
              %parallel_loop3A_798 = arith.mulf %parallel_loop3A_763, %parallel_loop3A_613 : vector<16xf32>
              %parallel_loop3A_799 = arith.addf %parallel_loop3A_797, %parallel_loop3A_798 : vector<16xf32>
              %parallel_loop3A_800 = arith.constant 32 : i32
              %parallel_loop3A_801 = vector.broadcast %parallel_loop3A_800 : i32 to vector<16xi32>
              %parallel_loop3A_802 = arith.addi %parallel_loop3A_801, %iota3A : vector<16xi32>
              %parallel_loop3A_803 = arith.index_cast %parallel_loop3A_602 : i32 to index
              %parallel_loop3A_804 = arith.constant 32 : index
              %parallel_loop3A_805 = tpu.vector_load %arg13[%parallel_loop3A_803, %parallel_loop3A_804] {strides = array<i32>} : memref<16x768xf32, #tpu.memory_space<vmem>>, vector<16xf32>,
              %parallel_loop3A_806 = arith.index_cast %parallel_loop3A_602 : i32 to index
              %parallel_loop3A_807 = arith.constant 32 : index
              %parallel_loop3A_808 = tpu.vector_load %arg15[%parallel_loop3A_806, %parallel_loop3A_807] {strides = array<i32>} : memref<16x512xf32, #tpu.memory_space<vmem>>, vector<16xf32>,
              %parallel_loop3A_809 = arith.mulf %parallel_loop3A_805, %parallel_loop3A_808 : vector<16xf32>
              %parallel_loop3A_810 = arith.index_cast %parallel_loop3A_602 : i32 to index
              %parallel_loop3A_811 = arith.constant 288 : index
              %parallel_loop3A_812 = tpu.vector_load %arg13[%parallel_loop3A_810, %parallel_loop3A_811] {strides = array<i32>} : memref<16x768xf32, #tpu.memory_space<vmem>>, vector<16xf32>,
              %parallel_loop3A_813 = arith.index_cast %parallel_loop3A_602 : i32 to index
              %parallel_loop3A_814 = arith.constant 288 : index
              %parallel_loop3A_815 = tpu.vector_load %arg15[%parallel_loop3A_813, %parallel_loop3A_814] {strides = array<i32>} : memref<16x512xf32, #tpu.memory_space<vmem>>, vector<16xf32>,
              %parallel_loop3A_816 = arith.mulf %parallel_loop3A_812, %parallel_loop3A_815 : vector<16xf32>
              %parallel_loop3A_817 = arith.constant 3 : i32
              %parallel_loop3A_818 = vector.broadcast %parallel_loop3A_817 : i32 to vector<16xi32>
              %parallel_loop3A_819 = arith.muli %parallel_loop3A_818, %parallel_loop3A_802 : vector<16xi32>
              %parallel_loop3A_820 = arith.constant 0 : i32
              %parallel_loop3A_821 = vector.broadcast %parallel_loop3A_820 : i32 to vector<16xi32>
              %parallel_loop3A_822 = arith.addi %parallel_loop3A_819, %parallel_loop3A_821 : vector<16xi32>
              %parallel_loop3A_823 = arith.index_cast %parallel_loop3A_602 : i32 to index
              %parallel_loop3A_824 = arith.constant 416 : index
              %parallel_loop3A_825 = tpu.vector_load %arg13[%parallel_loop3A_823, %parallel_loop3A_824] {strides = array<i32>} : memref<16x768xf32, #tpu.memory_space<vmem>>, vector<16xf32>,
              %parallel_loop3A_826 = arith.mulf %parallel_loop3A_809, %parallel_loop3A_825 : vector<16xf32>
              %parallel_loop3A_827 = arith.mulf %parallel_loop3A_816, %parallel_loop3A_607 : vector<16xf32>
              %parallel_loop3A_828 = arith.addf %parallel_loop3A_826, %parallel_loop3A_827 : vector<16xf32>
              %parallel_loop3A_829 = arith.constant 3 : i32
              %parallel_loop3A_830 = vector.broadcast %parallel_loop3A_829 : i32 to vector<16xi32>
              %parallel_loop3A_831 = arith.muli %parallel_loop3A_830, %parallel_loop3A_802 : vector<16xi32>
              %parallel_loop3A_832 = arith.constant 1 : i32
              %parallel_loop3A_833 = vector.broadcast %parallel_loop3A_832 : i32 to vector<16xi32>
              %parallel_loop3A_834 = arith.addi %parallel_loop3A_831, %parallel_loop3A_833 : vector<16xi32>
              %parallel_loop3A_835 = arith.index_cast %parallel_loop3A_602 : i32 to index
              %parallel_loop3A_836 = arith.constant 544 : index
              %parallel_loop3A_837 = tpu.vector_load %arg13[%parallel_loop3A_835, %parallel_loop3A_836] {strides = array<i32>} : memref<16x768xf32, #tpu.memory_space<vmem>>, vector<16xf32>,
              %parallel_loop3A_838 = arith.mulf %parallel_loop3A_809, %parallel_loop3A_837 : vector<16xf32>
              %parallel_loop3A_839 = arith.mulf %parallel_loop3A_816, %parallel_loop3A_610 : vector<16xf32>
              %parallel_loop3A_840 = arith.addf %parallel_loop3A_838, %parallel_loop3A_839 : vector<16xf32>
              %parallel_loop3A_841 = arith.constant 3 : i32
              %parallel_loop3A_842 = vector.broadcast %parallel_loop3A_841 : i32 to vector<16xi32>
              %parallel_loop3A_843 = arith.muli %parallel_loop3A_842, %parallel_loop3A_802 : vector<16xi32>
              %parallel_loop3A_844 = arith.constant 2 : i32
              %parallel_loop3A_845 = vector.broadcast %parallel_loop3A_844 : i32 to vector<16xi32>
              %parallel_loop3A_846 = arith.addi %parallel_loop3A_843, %parallel_loop3A_845 : vector<16xi32>
              %parallel_loop3A_847 = arith.index_cast %parallel_loop3A_602 : i32 to index
              %parallel_loop3A_848 = arith.constant 672 : index
              %parallel_loop3A_849 = tpu.vector_load %arg13[%parallel_loop3A_847, %parallel_loop3A_848] {strides = array<i32>} : memref<16x768xf32, #tpu.memory_space<vmem>>, vector<16xf32>,
              %parallel_loop3A_850 = arith.mulf %parallel_loop3A_809, %parallel_loop3A_849 : vector<16xf32>
              %parallel_loop3A_851 = arith.mulf %parallel_loop3A_816, %parallel_loop3A_613 : vector<16xf32>
              %parallel_loop3A_852 = arith.addf %parallel_loop3A_850, %parallel_loop3A_851 : vector<16xf32>
              %parallel_loop3A_853 = arith.constant 48 : i32
              %parallel_loop3A_854 = vector.broadcast %parallel_loop3A_853 : i32 to vector<16xi32>
              %parallel_loop3A_855 = arith.addi %parallel_loop3A_854, %iota3A : vector<16xi32>
              %parallel_loop3A_856 = arith.index_cast %parallel_loop3A_602 : i32 to index
              %parallel_loop3A_857 = arith.constant 48 : index
              %parallel_loop3A_858 = tpu.vector_load %arg13[%parallel_loop3A_856, %parallel_loop3A_857] {strides = array<i32>} : memref<16x768xf32, #tpu.memory_space<vmem>>, vector<16xf32>,
              %parallel_loop3A_859 = arith.index_cast %parallel_loop3A_602 : i32 to index
              %parallel_loop3A_860 = arith.constant 48 : index
              %parallel_loop3A_861 = tpu.vector_load %arg15[%parallel_loop3A_859, %parallel_loop3A_860] {strides = array<i32>} : memref<16x512xf32, #tpu.memory_space<vmem>>, vector<16xf32>,
              %parallel_loop3A_862 = arith.mulf %parallel_loop3A_858, %parallel_loop3A_861 : vector<16xf32>
              %parallel_loop3A_863 = arith.index_cast %parallel_loop3A_602 : i32 to index
              %parallel_loop3A_864 = arith.constant 304 : index
              %parallel_loop3A_865 = tpu.vector_load %arg13[%parallel_loop3A_863, %parallel_loop3A_864] {strides = array<i32>} : memref<16x768xf32, #tpu.memory_space<vmem>>, vector<16xf32>,
              %parallel_loop3A_866 = arith.index_cast %parallel_loop3A_602 : i32 to index
              %parallel_loop3A_867 = arith.constant 304 : index
              %parallel_loop3A_868 = tpu.vector_load %arg15[%parallel_loop3A_866, %parallel_loop3A_867] {strides = array<i32>} : memref<16x512xf32, #tpu.memory_space<vmem>>, vector<16xf32>,
              %parallel_loop3A_869 = arith.mulf %parallel_loop3A_865, %parallel_loop3A_868 : vector<16xf32>
              %parallel_loop3A_870 = arith.constant 3 : i32
              %parallel_loop3A_871 = vector.broadcast %parallel_loop3A_870 : i32 to vector<16xi32>
              %parallel_loop3A_872 = arith.muli %parallel_loop3A_871, %parallel_loop3A_855 : vector<16xi32>
              %parallel_loop3A_873 = arith.constant 0 : i32
              %parallel_loop3A_874 = vector.broadcast %parallel_loop3A_873 : i32 to vector<16xi32>
              %parallel_loop3A_875 = arith.addi %parallel_loop3A_872, %parallel_loop3A_874 : vector<16xi32>
              %parallel_loop3A_876 = arith.index_cast %parallel_loop3A_602 : i32 to index
              %parallel_loop3A_877 = arith.constant 432 : index
              %parallel_loop3A_878 = tpu.vector_load %arg13[%parallel_loop3A_876, %parallel_loop3A_877] {strides = array<i32>} : memref<16x768xf32, #tpu.memory_space<vmem>>, vector<16xf32>,
              %parallel_loop3A_879 = arith.mulf %parallel_loop3A_862, %parallel_loop3A_878 : vector<16xf32>
              %parallel_loop3A_880 = arith.mulf %parallel_loop3A_869, %parallel_loop3A_607 : vector<16xf32>
              %parallel_loop3A_881 = arith.addf %parallel_loop3A_879, %parallel_loop3A_880 : vector<16xf32>
              %parallel_loop3A_882 = arith.constant 3 : i32
              %parallel_loop3A_883 = vector.broadcast %parallel_loop3A_882 : i32 to vector<16xi32>
              %parallel_loop3A_884 = arith.muli %parallel_loop3A_883, %parallel_loop3A_855 : vector<16xi32>
              %parallel_loop3A_885 = arith.constant 1 : i32
              %parallel_loop3A_886 = vector.broadcast %parallel_loop3A_885 : i32 to vector<16xi32>
              %parallel_loop3A_887 = arith.addi %parallel_loop3A_884, %parallel_loop3A_886 : vector<16xi32>
              %parallel_loop3A_888 = arith.index_cast %parallel_loop3A_602 : i32 to index
              %parallel_loop3A_889 = arith.constant 560 : index
              %parallel_loop3A_890 = tpu.vector_load %arg13[%parallel_loop3A_888, %parallel_loop3A_889] {strides = array<i32>} : memref<16x768xf32, #tpu.memory_space<vmem>>, vector<16xf32>,
              %parallel_loop3A_891 = arith.mulf %parallel_loop3A_862, %parallel_loop3A_890 : vector<16xf32>
              %parallel_loop3A_892 = arith.mulf %parallel_loop3A_869, %parallel_loop3A_610 : vector<16xf32>
              %parallel_loop3A_893 = arith.addf %parallel_loop3A_891, %parallel_loop3A_892 : vector<16xf32>
              %parallel_loop3A_894 = arith.constant 3 : i32
              %parallel_loop3A_895 = vector.broadcast %parallel_loop3A_894 : i32 to vector<16xi32>
              %parallel_loop3A_896 = arith.muli %parallel_loop3A_895, %parallel_loop3A_855 : vector<16xi32>
              %parallel_loop3A_897 = arith.constant 2 : i32
              %parallel_loop3A_898 = vector.broadcast %parallel_loop3A_897 : i32 to vector<16xi32>
              %parallel_loop3A_899 = arith.addi %parallel_loop3A_896, %parallel_loop3A_898 : vector<16xi32>
              %parallel_loop3A_900 = arith.index_cast %parallel_loop3A_602 : i32 to index
              %parallel_loop3A_901 = arith.constant 688 : index
              %parallel_loop3A_902 = tpu.vector_load %arg13[%parallel_loop3A_900, %parallel_loop3A_901] {strides = array<i32>} : memref<16x768xf32, #tpu.memory_space<vmem>>, vector<16xf32>,
              %parallel_loop3A_903 = arith.mulf %parallel_loop3A_862, %parallel_loop3A_902 : vector<16xf32>
              %parallel_loop3A_904 = arith.mulf %parallel_loop3A_869, %parallel_loop3A_613 : vector<16xf32>
              %parallel_loop3A_905 = arith.addf %parallel_loop3A_903, %parallel_loop3A_904 : vector<16xf32>
              tpu.vector_store_idx %arg7[%parallel_loop3A_604, %parallel_loop3A_616], %parallel_loop3A_623 {add = true} : memref<128x512xf32, #tpu.memory_space<vmem>>[vector<16xi32>, vector<16xi32>], vector<16xf32>,
              tpu.vector_store_idx %arg7[%parallel_loop3A_604, %parallel_loop3A_626], %parallel_loop3A_633 {add = true} : memref<128x512xf32, #tpu.memory_space<vmem>>[vector<16xi32>, vector<16xi32>], vector<16xf32>,
              tpu.vector_store_idx %arg7[%parallel_loop3A_604, %parallel_loop3A_636], %parallel_loop3A_643 {add = true} : memref<128x512xf32, #tpu.memory_space<vmem>>[vector<16xi32>, vector<16xi32>], vector<16xf32>,
              tpu.vector_store_idx %arg7[%parallel_loop3A_604, %parallel_loop3A_646], %parallel_loop3A_653 {add = true} : memref<128x512xf32, #tpu.memory_space<vmem>>[vector<16xi32>, vector<16xi32>], vector<16xf32>,
              tpu.vector_store_idx %arg7[%parallel_loop3A_604, %parallel_loop3A_656], %parallel_loop3A_663 {add = true} : memref<128x512xf32, #tpu.memory_space<vmem>>[vector<16xi32>, vector<16xi32>], vector<16xf32>,
              tpu.vector_store_idx %arg7[%parallel_loop3A_604, %parallel_loop3A_666], %parallel_loop3A_673 {add = true} : memref<128x512xf32, #tpu.memory_space<vmem>>[vector<16xi32>, vector<16xi32>], vector<16xf32>,
              tpu.vector_store_idx %arg7[%parallel_loop3A_604, %parallel_loop3A_676], %parallel_loop3A_683 {add = true} : memref<128x512xf32, #tpu.memory_space<vmem>>[vector<16xi32>, vector<16xi32>], vector<16xf32>,
              tpu.vector_store_idx %arg7[%parallel_loop3A_604, %parallel_loop3A_686], %parallel_loop3A_693 {add = true} : memref<128x512xf32, #tpu.memory_space<vmem>>[vector<16xi32>, vector<16xi32>], vector<16xf32>,
              tpu.vector_store_idx %arg7[%parallel_loop3A_604, %parallel_loop3A_716], %parallel_loop3A_722 {add = true} : memref<128x512xf32, #tpu.memory_space<vmem>>[vector<16xi32>, vector<16xi32>], vector<16xf32>,
              tpu.vector_store_idx %arg7[%parallel_loop3A_604, %parallel_loop3A_728], %parallel_loop3A_734 {add = true} : memref<128x512xf32, #tpu.memory_space<vmem>>[vector<16xi32>, vector<16xi32>], vector<16xf32>,
              tpu.vector_store_idx %arg7[%parallel_loop3A_604, %parallel_loop3A_740], %parallel_loop3A_746 {add = true} : memref<128x512xf32, #tpu.memory_space<vmem>>[vector<16xi32>, vector<16xi32>], vector<16xf32>,
              tpu.vector_store_idx %arg7[%parallel_loop3A_604, %parallel_loop3A_769], %parallel_loop3A_775 {add = true} : memref<128x512xf32, #tpu.memory_space<vmem>>[vector<16xi32>, vector<16xi32>], vector<16xf32>,
              tpu.vector_store_idx %arg7[%parallel_loop3A_604, %parallel_loop3A_781], %parallel_loop3A_787 {add = true} : memref<128x512xf32, #tpu.memory_space<vmem>>[vector<16xi32>, vector<16xi32>], vector<16xf32>,
              tpu.vector_store_idx %arg7[%parallel_loop3A_604, %parallel_loop3A_793], %parallel_loop3A_799 {add = true} : memref<128x512xf32, #tpu.memory_space<vmem>>[vector<16xi32>, vector<16xi32>], vector<16xf32>,
              tpu.vector_store_idx %arg7[%parallel_loop3A_604, %parallel_loop3A_822], %parallel_loop3A_828 {add = true} : memref<128x512xf32, #tpu.memory_space<vmem>>[vector<16xi32>, vector<16xi32>], vector<16xf32>,
              tpu.vector_store_idx %arg7[%parallel_loop3A_604, %parallel_loop3A_834], %parallel_loop3A_840 {add = true} : memref<128x512xf32, #tpu.memory_space<vmem>>[vector<16xi32>, vector<16xi32>], vector<16xf32>,
              tpu.vector_store_idx %arg7[%parallel_loop3A_604, %parallel_loop3A_846], %parallel_loop3A_852 {add = true} : memref<128x512xf32, #tpu.memory_space<vmem>>[vector<16xi32>, vector<16xi32>], vector<16xf32>,
              tpu.vector_store_idx %arg7[%parallel_loop3A_604, %parallel_loop3A_875], %parallel_loop3A_881 {add = true} : memref<128x512xf32, #tpu.memory_space<vmem>>[vector<16xi32>, vector<16xi32>], vector<16xf32>,
              tpu.vector_store_idx %arg7[%parallel_loop3A_604, %parallel_loop3A_887], %parallel_loop3A_893 {add = true} : memref<128x512xf32, #tpu.memory_space<vmem>>[vector<16xi32>, vector<16xi32>], vector<16xf32>,
              tpu.vector_store_idx %arg7[%parallel_loop3A_604, %parallel_loop3A_899], %parallel_loop3A_905 {add = true} : memref<128x512xf32, #tpu.memory_space<vmem>>[vector<16xi32>, vector<16xi32>], vector<16xf32>,
              %parallel_loop3A_906 = arith.constant 64 : i32
              %parallel_loop3A_907 = vector.broadcast %parallel_loop3A_906 : i32 to vector<16xi32>
              %parallel_loop3A_908 = arith.addi %parallel_loop3A_907, %iota3A : vector<16xi32>
              %parallel_loop3A_909 = arith.index_cast %parallel_loop3A_602 : i32 to index
              %parallel_loop3A_910 = arith.constant 64 : index
              %parallel_loop3A_911 = tpu.vector_load %arg13[%parallel_loop3A_909, %parallel_loop3A_910] {strides = array<i32>} : memref<16x768xf32, #tpu.memory_space<vmem>>, vector<16xf32>,
              %parallel_loop3A_912 = arith.index_cast %parallel_loop3A_602 : i32 to index
              %parallel_loop3A_913 = arith.constant 64 : index
              %parallel_loop3A_914 = tpu.vector_load %arg15[%parallel_loop3A_912, %parallel_loop3A_913] {strides = array<i32>} : memref<16x512xf32, #tpu.memory_space<vmem>>, vector<16xf32>,
              %parallel_loop3A_915 = arith.mulf %parallel_loop3A_911, %parallel_loop3A_914 : vector<16xf32>
              %parallel_loop3A_916 = arith.index_cast %parallel_loop3A_602 : i32 to index
              %parallel_loop3A_917 = arith.constant 320 : index
              %parallel_loop3A_918 = tpu.vector_load %arg13[%parallel_loop3A_916, %parallel_loop3A_917] {strides = array<i32>} : memref<16x768xf32, #tpu.memory_space<vmem>>, vector<16xf32>,
              %parallel_loop3A_919 = arith.index_cast %parallel_loop3A_602 : i32 to index
              %parallel_loop3A_920 = arith.constant 320 : index
              %parallel_loop3A_921 = tpu.vector_load %arg15[%parallel_loop3A_919, %parallel_loop3A_920] {strides = array<i32>} : memref<16x512xf32, #tpu.memory_space<vmem>>, vector<16xf32>,
              %parallel_loop3A_922 = arith.mulf %parallel_loop3A_918, %parallel_loop3A_921 : vector<16xf32>
              %parallel_loop3A_923 = arith.constant 3 : i32
              %parallel_loop3A_924 = vector.broadcast %parallel_loop3A_923 : i32 to vector<16xi32>
              %parallel_loop3A_925 = arith.muli %parallel_loop3A_924, %parallel_loop3A_908 : vector<16xi32>
              %parallel_loop3A_926 = arith.constant 0 : i32
              %parallel_loop3A_927 = vector.broadcast %parallel_loop3A_926 : i32 to vector<16xi32>
              %parallel_loop3A_928 = arith.addi %parallel_loop3A_925, %parallel_loop3A_927 : vector<16xi32>
              %parallel_loop3A_929 = arith.index_cast %parallel_loop3A_602 : i32 to index
              %parallel_loop3A_930 = arith.constant 448 : index
              %parallel_loop3A_931 = tpu.vector_load %arg13[%parallel_loop3A_929, %parallel_loop3A_930] {strides = array<i32>} : memref<16x768xf32, #tpu.memory_space<vmem>>, vector<16xf32>,
              %parallel_loop3A_932 = arith.mulf %parallel_loop3A_915, %parallel_loop3A_931 : vector<16xf32>
              %parallel_loop3A_933 = arith.mulf %parallel_loop3A_922, %parallel_loop3A_607 : vector<16xf32>
              %parallel_loop3A_934 = arith.addf %parallel_loop3A_932, %parallel_loop3A_933 : vector<16xf32>
              %parallel_loop3A_935 = arith.constant 3 : i32
              %parallel_loop3A_936 = vector.broadcast %parallel_loop3A_935 : i32 to vector<16xi32>
              %parallel_loop3A_937 = arith.muli %parallel_loop3A_936, %parallel_loop3A_908 : vector<16xi32>
              %parallel_loop3A_938 = arith.constant 1 : i32
              %parallel_loop3A_939 = vector.broadcast %parallel_loop3A_938 : i32 to vector<16xi32>
              %parallel_loop3A_940 = arith.addi %parallel_loop3A_937, %parallel_loop3A_939 : vector<16xi32>
              %parallel_loop3A_941 = arith.index_cast %parallel_loop3A_602 : i32 to index
              %parallel_loop3A_942 = arith.constant 576 : index
              %parallel_loop3A_943 = tpu.vector_load %arg13[%parallel_loop3A_941, %parallel_loop3A_942] {strides = array<i32>} : memref<16x768xf32, #tpu.memory_space<vmem>>, vector<16xf32>,
              %parallel_loop3A_944 = arith.mulf %parallel_loop3A_915, %parallel_loop3A_943 : vector<16xf32>
              %parallel_loop3A_945 = arith.mulf %parallel_loop3A_922, %parallel_loop3A_610 : vector<16xf32>
              %parallel_loop3A_946 = arith.addf %parallel_loop3A_944, %parallel_loop3A_945 : vector<16xf32>
              %parallel_loop3A_947 = arith.constant 3 : i32
              %parallel_loop3A_948 = vector.broadcast %parallel_loop3A_947 : i32 to vector<16xi32>
              %parallel_loop3A_949 = arith.muli %parallel_loop3A_948, %parallel_loop3A_908 : vector<16xi32>
              %parallel_loop3A_950 = arith.constant 2 : i32
              %parallel_loop3A_951 = vector.broadcast %parallel_loop3A_950 : i32 to vector<16xi32>
              %parallel_loop3A_952 = arith.addi %parallel_loop3A_949, %parallel_loop3A_951 : vector<16xi32>
              %parallel_loop3A_953 = arith.index_cast %parallel_loop3A_602 : i32 to index
              %parallel_loop3A_954 = arith.constant 704 : index
              %parallel_loop3A_955 = tpu.vector_load %arg13[%parallel_loop3A_953, %parallel_loop3A_954] {strides = array<i32>} : memref<16x768xf32, #tpu.memory_space<vmem>>, vector<16xf32>,
              %parallel_loop3A_956 = arith.mulf %parallel_loop3A_915, %parallel_loop3A_955 : vector<16xf32>
              %parallel_loop3A_957 = arith.mulf %parallel_loop3A_922, %parallel_loop3A_613 : vector<16xf32>
              %parallel_loop3A_958 = arith.addf %parallel_loop3A_956, %parallel_loop3A_957 : vector<16xf32>
              %parallel_loop3A_959 = arith.constant 80 : i32
              %parallel_loop3A_960 = vector.broadcast %parallel_loop3A_959 : i32 to vector<16xi32>
              %parallel_loop3A_961 = arith.addi %parallel_loop3A_960, %iota3A : vector<16xi32>
              %parallel_loop3A_962 = arith.index_cast %parallel_loop3A_602 : i32 to index
              %parallel_loop3A_963 = arith.constant 80 : index
              %parallel_loop3A_964 = tpu.vector_load %arg13[%parallel_loop3A_962, %parallel_loop3A_963] {strides = array<i32>} : memref<16x768xf32, #tpu.memory_space<vmem>>, vector<16xf32>,
              %parallel_loop3A_965 = arith.index_cast %parallel_loop3A_602 : i32 to index
              %parallel_loop3A_966 = arith.constant 80 : index
              %parallel_loop3A_967 = tpu.vector_load %arg15[%parallel_loop3A_965, %parallel_loop3A_966] {strides = array<i32>} : memref<16x512xf32, #tpu.memory_space<vmem>>, vector<16xf32>,
              %parallel_loop3A_968 = arith.mulf %parallel_loop3A_964, %parallel_loop3A_967 : vector<16xf32>
              %parallel_loop3A_969 = arith.index_cast %parallel_loop3A_602 : i32 to index
              %parallel_loop3A_970 = arith.constant 336 : index
              %parallel_loop3A_971 = tpu.vector_load %arg13[%parallel_loop3A_969, %parallel_loop3A_970] {strides = array<i32>} : memref<16x768xf32, #tpu.memory_space<vmem>>, vector<16xf32>,
              %parallel_loop3A_972 = arith.index_cast %parallel_loop3A_602 : i32 to index
              %parallel_loop3A_973 = arith.constant 336 : index
              %parallel_loop3A_974 = tpu.vector_load %arg15[%parallel_loop3A_972, %parallel_loop3A_973] {strides = array<i32>} : memref<16x512xf32, #tpu.memory_space<vmem>>, vector<16xf32>,
              %parallel_loop3A_975 = arith.mulf %parallel_loop3A_971, %parallel_loop3A_974 : vector<16xf32>
              %parallel_loop3A_976 = arith.constant 3 : i32
              %parallel_loop3A_977 = vector.broadcast %parallel_loop3A_976 : i32 to vector<16xi32>
              %parallel_loop3A_978 = arith.muli %parallel_loop3A_977, %parallel_loop3A_961 : vector<16xi32>
              %parallel_loop3A_979 = arith.constant 0 : i32
              %parallel_loop3A_980 = vector.broadcast %parallel_loop3A_979 : i32 to vector<16xi32>
              %parallel_loop3A_981 = arith.addi %parallel_loop3A_978, %parallel_loop3A_980 : vector<16xi32>
              %parallel_loop3A_982 = arith.index_cast %parallel_loop3A_602 : i32 to index
              %parallel_loop3A_983 = arith.constant 464 : index
              %parallel_loop3A_984 = tpu.vector_load %arg13[%parallel_loop3A_982, %parallel_loop3A_983] {strides = array<i32>} : memref<16x768xf32, #tpu.memory_space<vmem>>, vector<16xf32>,
              %parallel_loop3A_985 = arith.mulf %parallel_loop3A_968, %parallel_loop3A_984 : vector<16xf32>
              %parallel_loop3A_986 = arith.mulf %parallel_loop3A_975, %parallel_loop3A_607 : vector<16xf32>
              %parallel_loop3A_987 = arith.addf %parallel_loop3A_985, %parallel_loop3A_986 : vector<16xf32>
              %parallel_loop3A_988 = arith.constant 3 : i32
              %parallel_loop3A_989 = vector.broadcast %parallel_loop3A_988 : i32 to vector<16xi32>
              %parallel_loop3A_990 = arith.muli %parallel_loop3A_989, %parallel_loop3A_961 : vector<16xi32>
              %parallel_loop3A_991 = arith.constant 1 : i32
              %parallel_loop3A_992 = vector.broadcast %parallel_loop3A_991 : i32 to vector<16xi32>
              %parallel_loop3A_993 = arith.addi %parallel_loop3A_990, %parallel_loop3A_992 : vector<16xi32>
              %parallel_loop3A_994 = arith.index_cast %parallel_loop3A_602 : i32 to index
              %parallel_loop3A_995 = arith.constant 592 : index
              %parallel_loop3A_996 = tpu.vector_load %arg13[%parallel_loop3A_994, %parallel_loop3A_995] {strides = array<i32>} : memref<16x768xf32, #tpu.memory_space<vmem>>, vector<16xf32>,
              %parallel_loop3A_997 = arith.mulf %parallel_loop3A_968, %parallel_loop3A_996 : vector<16xf32>
              %parallel_loop3A_998 = arith.mulf %parallel_loop3A_975, %parallel_loop3A_610 : vector<16xf32>
              %parallel_loop3A_999 = arith.addf %parallel_loop3A_997, %parallel_loop3A_998 : vector<16xf32>
              %parallel_loop3A_1000 = arith.constant 3 : i32
              %parallel_loop3A_1001 = vector.broadcast %parallel_loop3A_1000 : i32 to vector<16xi32>
              %parallel_loop3A_1002 = arith.muli %parallel_loop3A_1001, %parallel_loop3A_961 : vector<16xi32>
              %parallel_loop3A_1003 = arith.constant 2 : i32
              %parallel_loop3A_1004 = vector.broadcast %parallel_loop3A_1003 : i32 to vector<16xi32>
              %parallel_loop3A_1005 = arith.addi %parallel_loop3A_1002, %parallel_loop3A_1004 : vector<16xi32>
              %parallel_loop3A_1006 = arith.index_cast %parallel_loop3A_602 : i32 to index
              %parallel_loop3A_1007 = arith.constant 720 : index
              %parallel_loop3A_1008 = tpu.vector_load %arg13[%parallel_loop3A_1006, %parallel_loop3A_1007] {strides = array<i32>} : memref<16x768xf32, #tpu.memory_space<vmem>>, vector<16xf32>,
              %parallel_loop3A_1009 = arith.mulf %parallel_loop3A_968, %parallel_loop3A_1008 : vector<16xf32>
              %parallel_loop3A_1010 = arith.mulf %parallel_loop3A_975, %parallel_loop3A_613 : vector<16xf32>
              %parallel_loop3A_1011 = arith.addf %parallel_loop3A_1009, %parallel_loop3A_1010 : vector<16xf32>
              %parallel_loop3A_1012 = arith.constant 96 : i32
              %parallel_loop3A_1013 = vector.broadcast %parallel_loop3A_1012 : i32 to vector<16xi32>
              %parallel_loop3A_1014 = arith.addi %parallel_loop3A_1013, %iota3A : vector<16xi32>
              %parallel_loop3A_1015 = arith.index_cast %parallel_loop3A_602 : i32 to index
              %parallel_loop3A_1016 = arith.constant 96 : index
              %parallel_loop3A_1017 = tpu.vector_load %arg13[%parallel_loop3A_1015, %parallel_loop3A_1016] {strides = array<i32>} : memref<16x768xf32, #tpu.memory_space<vmem>>, vector<16xf32>,
              %parallel_loop3A_1018 = arith.index_cast %parallel_loop3A_602 : i32 to index
              %parallel_loop3A_1019 = arith.constant 96 : index
              %parallel_loop3A_1020 = tpu.vector_load %arg15[%parallel_loop3A_1018, %parallel_loop3A_1019] {strides = array<i32>} : memref<16x512xf32, #tpu.memory_space<vmem>>, vector<16xf32>,
              %parallel_loop3A_1021 = arith.mulf %parallel_loop3A_1017, %parallel_loop3A_1020 : vector<16xf32>
              %parallel_loop3A_1022 = arith.index_cast %parallel_loop3A_602 : i32 to index
              %parallel_loop3A_1023 = arith.constant 352 : index
              %parallel_loop3A_1024 = tpu.vector_load %arg13[%parallel_loop3A_1022, %parallel_loop3A_1023] {strides = array<i32>} : memref<16x768xf32, #tpu.memory_space<vmem>>, vector<16xf32>,
              %parallel_loop3A_1025 = arith.index_cast %parallel_loop3A_602 : i32 to index
              %parallel_loop3A_1026 = arith.constant 352 : index
              %parallel_loop3A_1027 = tpu.vector_load %arg15[%parallel_loop3A_1025, %parallel_loop3A_1026] {strides = array<i32>} : memref<16x512xf32, #tpu.memory_space<vmem>>, vector<16xf32>,
              %parallel_loop3A_1028 = arith.mulf %parallel_loop3A_1024, %parallel_loop3A_1027 : vector<16xf32>
              %parallel_loop3A_1029 = arith.constant 3 : i32
              %parallel_loop3A_1030 = vector.broadcast %parallel_loop3A_1029 : i32 to vector<16xi32>
              %parallel_loop3A_1031 = arith.muli %parallel_loop3A_1030, %parallel_loop3A_1014 : vector<16xi32>
              %parallel_loop3A_1032 = arith.constant 0 : i32
              %parallel_loop3A_1033 = vector.broadcast %parallel_loop3A_1032 : i32 to vector<16xi32>
              %parallel_loop3A_1034 = arith.addi %parallel_loop3A_1031, %parallel_loop3A_1033 : vector<16xi32>
              %parallel_loop3A_1035 = arith.index_cast %parallel_loop3A_602 : i32 to index
              %parallel_loop3A_1036 = arith.constant 480 : index
              %parallel_loop3A_1037 = tpu.vector_load %arg13[%parallel_loop3A_1035, %parallel_loop3A_1036] {strides = array<i32>} : memref<16x768xf32, #tpu.memory_space<vmem>>, vector<16xf32>,
              %parallel_loop3A_1038 = arith.mulf %parallel_loop3A_1021, %parallel_loop3A_1037 : vector<16xf32>
              %parallel_loop3A_1039 = arith.mulf %parallel_loop3A_1028, %parallel_loop3A_607 : vector<16xf32>
              %parallel_loop3A_1040 = arith.addf %parallel_loop3A_1038, %parallel_loop3A_1039 : vector<16xf32>
              %parallel_loop3A_1041 = arith.constant 3 : i32
              %parallel_loop3A_1042 = vector.broadcast %parallel_loop3A_1041 : i32 to vector<16xi32>
              %parallel_loop3A_1043 = arith.muli %parallel_loop3A_1042, %parallel_loop3A_1014 : vector<16xi32>
              %parallel_loop3A_1044 = arith.constant 1 : i32
              %parallel_loop3A_1045 = vector.broadcast %parallel_loop3A_1044 : i32 to vector<16xi32>
              %parallel_loop3A_1046 = arith.addi %parallel_loop3A_1043, %parallel_loop3A_1045 : vector<16xi32>
              %parallel_loop3A_1047 = arith.index_cast %parallel_loop3A_602 : i32 to index
              %parallel_loop3A_1048 = arith.constant 608 : index
              %parallel_loop3A_1049 = tpu.vector_load %arg13[%parallel_loop3A_1047, %parallel_loop3A_1048] {strides = array<i32>} : memref<16x768xf32, #tpu.memory_space<vmem>>, vector<16xf32>,
              %parallel_loop3A_1050 = arith.mulf %parallel_loop3A_1021, %parallel_loop3A_1049 : vector<16xf32>
              %parallel_loop3A_1051 = arith.mulf %parallel_loop3A_1028, %parallel_loop3A_610 : vector<16xf32>
              %parallel_loop3A_1052 = arith.addf %parallel_loop3A_1050, %parallel_loop3A_1051 : vector<16xf32>
              %parallel_loop3A_1053 = arith.constant 3 : i32
              %parallel_loop3A_1054 = vector.broadcast %parallel_loop3A_1053 : i32 to vector<16xi32>
              %parallel_loop3A_1055 = arith.muli %parallel_loop3A_1054, %parallel_loop3A_1014 : vector<16xi32>
              %parallel_loop3A_1056 = arith.constant 2 : i32
              %parallel_loop3A_1057 = vector.broadcast %parallel_loop3A_1056 : i32 to vector<16xi32>
              %parallel_loop3A_1058 = arith.addi %parallel_loop3A_1055, %parallel_loop3A_1057 : vector<16xi32>
              %parallel_loop3A_1059 = arith.index_cast %parallel_loop3A_602 : i32 to index
              %parallel_loop3A_1060 = arith.constant 736 : index
              %parallel_loop3A_1061 = tpu.vector_load %arg13[%parallel_loop3A_1059, %parallel_loop3A_1060] {strides = array<i32>} : memref<16x768xf32, #tpu.memory_space<vmem>>, vector<16xf32>,
              %parallel_loop3A_1062 = arith.mulf %parallel_loop3A_1021, %parallel_loop3A_1061 : vector<16xf32>
              %parallel_loop3A_1063 = arith.mulf %parallel_loop3A_1028, %parallel_loop3A_613 : vector<16xf32>
              %parallel_loop3A_1064 = arith.addf %parallel_loop3A_1062, %parallel_loop3A_1063 : vector<16xf32>
              %parallel_loop3A_1065 = arith.constant 112 : i32
              %parallel_loop3A_1066 = vector.broadcast %parallel_loop3A_1065 : i32 to vector<16xi32>
              %parallel_loop3A_1067 = arith.addi %parallel_loop3A_1066, %iota3A : vector<16xi32>
              %parallel_loop3A_1068 = arith.index_cast %parallel_loop3A_602 : i32 to index
              %parallel_loop3A_1069 = arith.constant 112 : index
              %parallel_loop3A_1070 = tpu.vector_load %arg13[%parallel_loop3A_1068, %parallel_loop3A_1069] {strides = array<i32>} : memref<16x768xf32, #tpu.memory_space<vmem>>, vector<16xf32>,
              %parallel_loop3A_1071 = arith.index_cast %parallel_loop3A_602 : i32 to index
              %parallel_loop3A_1072 = arith.constant 112 : index
              %parallel_loop3A_1073 = tpu.vector_load %arg15[%parallel_loop3A_1071, %parallel_loop3A_1072] {strides = array<i32>} : memref<16x512xf32, #tpu.memory_space<vmem>>, vector<16xf32>,
              %parallel_loop3A_1074 = arith.mulf %parallel_loop3A_1070, %parallel_loop3A_1073 : vector<16xf32>
              %parallel_loop3A_1075 = arith.index_cast %parallel_loop3A_602 : i32 to index
              %parallel_loop3A_1076 = arith.constant 368 : index
              %parallel_loop3A_1077 = tpu.vector_load %arg13[%parallel_loop3A_1075, %parallel_loop3A_1076] {strides = array<i32>} : memref<16x768xf32, #tpu.memory_space<vmem>>, vector<16xf32>,
              %parallel_loop3A_1078 = arith.index_cast %parallel_loop3A_602 : i32 to index
              %parallel_loop3A_1079 = arith.constant 368 : index
              %parallel_loop3A_1080 = tpu.vector_load %arg15[%parallel_loop3A_1078, %parallel_loop3A_1079] {strides = array<i32>} : memref<16x512xf32, #tpu.memory_space<vmem>>, vector<16xf32>,
              %parallel_loop3A_1081 = arith.mulf %parallel_loop3A_1077, %parallel_loop3A_1080 : vector<16xf32>
              %parallel_loop3A_1082 = arith.constant 3 : i32
              %parallel_loop3A_1083 = vector.broadcast %parallel_loop3A_1082 : i32 to vector<16xi32>
              %parallel_loop3A_1084 = arith.muli %parallel_loop3A_1083, %parallel_loop3A_1067 : vector<16xi32>
              %parallel_loop3A_1085 = arith.constant 0 : i32
              %parallel_loop3A_1086 = vector.broadcast %parallel_loop3A_1085 : i32 to vector<16xi32>
              %parallel_loop3A_1087 = arith.addi %parallel_loop3A_1084, %parallel_loop3A_1086 : vector<16xi32>
              %parallel_loop3A_1088 = arith.index_cast %parallel_loop3A_602 : i32 to index
              %parallel_loop3A_1089 = arith.constant 496 : index
              %parallel_loop3A_1090 = tpu.vector_load %arg13[%parallel_loop3A_1088, %parallel_loop3A_1089] {strides = array<i32>} : memref<16x768xf32, #tpu.memory_space<vmem>>, vector<16xf32>,
              %parallel_loop3A_1091 = arith.mulf %parallel_loop3A_1074, %parallel_loop3A_1090 : vector<16xf32>
              %parallel_loop3A_1092 = arith.mulf %parallel_loop3A_1081, %parallel_loop3A_607 : vector<16xf32>
              %parallel_loop3A_1093 = arith.addf %parallel_loop3A_1091, %parallel_loop3A_1092 : vector<16xf32>
              %parallel_loop3A_1094 = arith.constant 3 : i32
              %parallel_loop3A_1095 = vector.broadcast %parallel_loop3A_1094 : i32 to vector<16xi32>
              %parallel_loop3A_1096 = arith.muli %parallel_loop3A_1095, %parallel_loop3A_1067 : vector<16xi32>
              %parallel_loop3A_1097 = arith.constant 1 : i32
              %parallel_loop3A_1098 = vector.broadcast %parallel_loop3A_1097 : i32 to vector<16xi32>
              %parallel_loop3A_1099 = arith.addi %parallel_loop3A_1096, %parallel_loop3A_1098 : vector<16xi32>
              %parallel_loop3A_1100 = arith.index_cast %parallel_loop3A_602 : i32 to index
              %parallel_loop3A_1101 = arith.constant 624 : index
              %parallel_loop3A_1102 = tpu.vector_load %arg13[%parallel_loop3A_1100, %parallel_loop3A_1101] {strides = array<i32>} : memref<16x768xf32, #tpu.memory_space<vmem>>, vector<16xf32>,
              %parallel_loop3A_1103 = arith.mulf %parallel_loop3A_1074, %parallel_loop3A_1102 : vector<16xf32>
              %parallel_loop3A_1104 = arith.mulf %parallel_loop3A_1081, %parallel_loop3A_610 : vector<16xf32>
              %parallel_loop3A_1105 = arith.addf %parallel_loop3A_1103, %parallel_loop3A_1104 : vector<16xf32>
              %parallel_loop3A_1106 = arith.constant 3 : i32
              %parallel_loop3A_1107 = vector.broadcast %parallel_loop3A_1106 : i32 to vector<16xi32>
              %parallel_loop3A_1108 = arith.muli %parallel_loop3A_1107, %parallel_loop3A_1067 : vector<16xi32>
              %parallel_loop3A_1109 = arith.constant 2 : i32
              %parallel_loop3A_1110 = vector.broadcast %parallel_loop3A_1109 : i32 to vector<16xi32>
              %parallel_loop3A_1111 = arith.addi %parallel_loop3A_1108, %parallel_loop3A_1110 : vector<16xi32>
              %parallel_loop3A_1112 = arith.index_cast %parallel_loop3A_602 : i32 to index
              %parallel_loop3A_1113 = arith.constant 752 : index
              %parallel_loop3A_1114 = tpu.vector_load %arg13[%parallel_loop3A_1112, %parallel_loop3A_1113] {strides = array<i32>} : memref<16x768xf32, #tpu.memory_space<vmem>>, vector<16xf32>,
              %parallel_loop3A_1115 = arith.mulf %parallel_loop3A_1074, %parallel_loop3A_1114 : vector<16xf32>
              %parallel_loop3A_1116 = arith.mulf %parallel_loop3A_1081, %parallel_loop3A_613 : vector<16xf32>
              %parallel_loop3A_1117 = arith.addf %parallel_loop3A_1115, %parallel_loop3A_1116 : vector<16xf32>
              tpu.vector_store_idx %arg7[%parallel_loop3A_604, %parallel_loop3A_928], %parallel_loop3A_934 {add = true} : memref<128x512xf32, #tpu.memory_space<vmem>>[vector<16xi32>, vector<16xi32>], vector<16xf32>,
              tpu.vector_store_idx %arg7[%parallel_loop3A_604, %parallel_loop3A_940], %parallel_loop3A_946 {add = true} : memref<128x512xf32, #tpu.memory_space<vmem>>[vector<16xi32>, vector<16xi32>], vector<16xf32>,
              tpu.vector_store_idx %arg7[%parallel_loop3A_604, %parallel_loop3A_952], %parallel_loop3A_958 {add = true} : memref<128x512xf32, #tpu.memory_space<vmem>>[vector<16xi32>, vector<16xi32>], vector<16xf32>,
              tpu.vector_store_idx %arg7[%parallel_loop3A_604, %parallel_loop3A_981], %parallel_loop3A_987 {add = true} : memref<128x512xf32, #tpu.memory_space<vmem>>[vector<16xi32>, vector<16xi32>], vector<16xf32>,
              tpu.vector_store_idx %arg7[%parallel_loop3A_604, %parallel_loop3A_993], %parallel_loop3A_999 {add = true} : memref<128x512xf32, #tpu.memory_space<vmem>>[vector<16xi32>, vector<16xi32>], vector<16xf32>,
              tpu.vector_store_idx %arg7[%parallel_loop3A_604, %parallel_loop3A_1005], %parallel_loop3A_1011 {add = true} : memref<128x512xf32, #tpu.memory_space<vmem>>[vector<16xi32>, vector<16xi32>], vector<16xf32>,
              tpu.vector_store_idx %arg7[%parallel_loop3A_604, %parallel_loop3A_1034], %parallel_loop3A_1040 {add = true} : memref<128x512xf32, #tpu.memory_space<vmem>>[vector<16xi32>, vector<16xi32>], vector<16xf32>,
              tpu.vector_store_idx %arg7[%parallel_loop3A_604, %parallel_loop3A_1046], %parallel_loop3A_1052 {add = true} : memref<128x512xf32, #tpu.memory_space<vmem>>[vector<16xi32>, vector<16xi32>], vector<16xf32>,
              tpu.vector_store_idx %arg7[%parallel_loop3A_604, %parallel_loop3A_1058], %parallel_loop3A_1064 {add = true} : memref<128x512xf32, #tpu.memory_space<vmem>>[vector<16xi32>, vector<16xi32>], vector<16xf32>,
              tpu.vector_store_idx %arg7[%parallel_loop3A_604, %parallel_loop3A_1087], %parallel_loop3A_1093 {add = true} : memref<128x512xf32, #tpu.memory_space<vmem>>[vector<16xi32>, vector<16xi32>], vector<16xf32>,
              tpu.vector_store_idx %arg7[%parallel_loop3A_604, %parallel_loop3A_1099], %parallel_loop3A_1105 {add = true} : memref<128x512xf32, #tpu.memory_space<vmem>>[vector<16xi32>, vector<16xi32>], vector<16xf32>,
              tpu.vector_store_idx %arg7[%parallel_loop3A_604, %parallel_loop3A_1111], %parallel_loop3A_1117 {add = true} : memref<128x512xf32, #tpu.memory_space<vmem>>[vector<16xi32>, vector<16xi32>], vector<16xf32>,
            } {sc.loop_unroll_factor = 1 : i64, sc.parallel_access}
          } else {
          }
          %add3A_491 = arith.constant 32 : i32
          %add3A_492 = arith.addi %while3A_431, %add3A_491 : i32
          %get3A_493 = arith.index_cast %add3A_492 : i32 to index
          %get3A_494 = tpu.vector_load %arg12[%get3A_493] {strides = array<i32>} : memref<4080xi32, #tpu.memory_space<vmem>>, vector<16xi32>,
          %ge3A_495 = arith.constant 0 : i32
          %ge3A_496 = vector.broadcast %ge3A_495 : i32 to vector<16xi32>
          %ge3A_497 = arith.cmpi sge, %get3A_494, %ge3A_496 : vector<16xi32>
          %jit3A_498 = arith.constant 0 : i32
          %broadcast_in_dim3A_499 = vector.broadcast %jit3A_498 : i32 to vector<16xi32>
          %select_n3A_500 = arith.select %ge3A_497, %get3A_494, %broadcast_in_dim3A_499 : vector<16xi1>, vector<16xi32>
          %gather3A_501 = tpu.vector_load_idx %arg11[%select_n3A_500] : memref<4000xi32, #tpu.memory_space<vmem>>[vector<16xi32>], vector<16xi32>,
          %gather3A_502 = tpu.vector_load_idx %arg10[%select_n3A_500] : memref<4000xi32, #tpu.memory_space<vmem>>[vector<16xi32>], vector<16xi32>,
          %swap3A_503 = arith.constant 0 : index
          %swap3A_504 = tpu.vector_load %arg19[%swap3A_503] {strides = array<i32>} : memref<16xi32, #tpu.memory_space<vmem>>, vector<16xi32>,
          tpu.vector_store %arg19[%swap3A_503], %gather3A_501 {strides = array<i32>} : memref<16xi32, #tpu.memory_space<vmem>>, vector<16xi32>,
          %add3A_505 = vector.broadcast %mul3A_346 : i32 to vector<16xi32>
          %add3A_506 = arith.addi %select_n3A_500, %add3A_505 : vector<16xi32>
          %swap3A_507 = arith.constant 0 : index
          %swap3A_508 = tpu.vector_load %arg21[%swap3A_507] {strides = array<i32>} : memref<16xi32, #tpu.memory_space<vmem>>, vector<16xi32>,
          tpu.vector_store %arg21[%swap3A_507], %add3A_506 {strides = array<i32>} : memref<16xi32, #tpu.memory_space<vmem>>, vector<16xi32>,
          %sub3A_509 = vector.broadcast %mul3A_14 : i32 to vector<16xi32>
          %sub3A_510 = arith.subi %gather3A_502, %sub3A_509 : vector<16xi32>
          %jit3A_511 = arith.constant 112 : i32
          %broadcast_in_dim3A_512 = vector.broadcast %jit3A_511 : i32 to vector<16xi32>
          %select_n3A_513 = arith.select %ge3A_497, %sub3A_510, %broadcast_in_dim3A_512 : vector<16xi1>, vector<16xi32>
          %swap3A_514 = arith.constant 0 : index
          %swap3A_515 = tpu.vector_load %arg17[%swap3A_514] {strides = array<i32>} : memref<16xi32, #tpu.memory_space<vmem>>, vector<16xi32>,
          tpu.vector_store %arg17[%swap3A_514], %select_n3A_513 {strides = array<i32>} : memref<16xi32, #tpu.memory_space<vmem>>, vector<16xi32>,
          %reduce_or3A_516 = arith.constant 1.000000e+00 : f32
          %reduce_or3A_517 = arith.constant 0.000000e+00 : f32
          %reduce_or3A_518 = vector.broadcast %reduce_or3A_516 : f32 to vector<16xf32>
          %reduce_or3A_519 = vector.broadcast %reduce_or3A_517 : f32 to vector<16xf32>
          %reduce_or3A_520 = arith.select %ge3A_497, %reduce_or3A_518, %reduce_or3A_519 : vector<16xi1>, vector<16xf32>
          %reduce_or3A_521 = arith.constant true
          %reduce_or3A_522 = vector.broadcast %reduce_or3A_521 : i1 to vector<16xi1>
          %reduce_or3A_523 = tpu.scan <max>, %reduce_or3A_520 masked %reduce_or3A_522 : vector<16xf32>, vector<16xi1> -> vector<16xf32>
          %reduce_or3A_524 = vector.extract %reduce_or3A_523[15] : f32 from vector<16xf32>
          %reduce_or3A_525 = arith.constant 0.000000e+00 : f32
          %reduce_or3A_526 = arith.cmpf ogt, %reduce_or3A_524, %reduce_or3A_525 : f32
          %convert_element_type3A_527 = arith.extui %reduce_or3A_526 : i1 to i32
          %cond3A_528 = arith.constant 0 : i32
          %cond3A_529 = arith.cmpi ne, %convert_element_type3A_527, %cond3A_528 : i32
          scf.if %cond3A_529 {
            %dma_start3A_587 = arith.constant 0 : i32
            %dma_start3A_588 = arith.constant 0 : i32
            %dma_start3A_589 = tpu.memref_slice %arg2[%dma_start3A_587, %dma_start3A_588] : memref<10000x768xf32, #tpu.memory_space<hbm>> -> memref<10000x768xf32, #tpu.memory_space<hbm>>
            tpu.enqueue_indirect_dma source(%dma_start3A_589 : memref<10000x768xf32, #tpu.memory_space<hbm>>) target(%arg13 : memref<16x768xf32, #tpu.memory_space<vmem>>) offsets(%arg19 : memref<16xi32, #tpu.memory_space<vmem>>) semaphore(%arg23 : memref<!tpu.dma_semaphore, #tpu.memory_space<semaphore_mem>>)
            %dma_start3A_590 = arith.constant 0 : i32
            %dma_start3A_591 = arith.constant 0 : i32
            %dma_start3A_592 = tpu.memref_slice %arg3[%dma_start3A_590, %dma_start3A_591] : memref<160000x512xf32, #tpu.memory_space<hbm>> -> memref<160000x512xf32, #tpu.memory_space<hbm>>
            tpu.enqueue_indirect_dma source(%dma_start3A_592 : memref<160000x512xf32, #tpu.memory_space<hbm>>) target(%arg15 : memref<16x512xf32, #tpu.memory_space<vmem>>) offsets(%arg21 : memref<16xi32, #tpu.memory_space<vmem>>) semaphore(%arg23 : memref<!tpu.dma_semaphore, #tpu.memory_space<semaphore_mem>>)
          } else {
          }
          %get3A_530 = arith.constant 0 : index
          %get3A_531 = tpu.vector_load %arg18[%get3A_530] {strides = array<i32>} : memref<16xi32, #tpu.memory_space<vmem>>, vector<16xi32>,
          %ne3A_532 = arith.constant 112 : i32
          %ne3A_533 = vector.broadcast %ne3A_532 : i32 to vector<16xi32>
          %ne3A_534 = arith.cmpi ne, %get3A_531, %ne3A_533 : vector<16xi32>
          %reduce_or3A_535 = arith.constant 1.000000e+00 : f32
          %reduce_or3A_536 = arith.constant 0.000000e+00 : f32
          %reduce_or3A_537 = vector.broadcast %reduce_or3A_535 : f32 to vector<16xf32>
          %reduce_or3A_538 = vector.broadcast %reduce_or3A_536 : f32 to vector<16xf32>
          %reduce_or3A_539 = arith.select %ne3A_534, %reduce_or3A_537, %reduce_or3A_538 : vector<16xi1>, vector<16xf32>
          %reduce_or3A_540 = arith.constant true
          %reduce_or3A_541 = vector.broadcast %reduce_or3A_540 : i1 to vector<16xi1>
          %reduce_or3A_542 = tpu.scan <max>, %reduce_or3A_539 masked %reduce_or3A_541 : vector<16xf32>, vector<16xi1> -> vector<16xf32>
          %reduce_or3A_543 = vector.extract %reduce_or3A_542[15] : f32 from vector<16xf32>
          %reduce_or3A_544 = arith.constant 0.000000e+00 : f32
          %reduce_or3A_545 = arith.cmpf ogt, %reduce_or3A_543, %reduce_or3A_544 : f32
          %convert_element_type3A_546 = arith.extui %reduce_or3A_545 : i1 to i32
          %cond3A_547 = arith.constant 0 : i32
          %cond3A_548 = arith.cmpi ne, %convert_element_type3A_546, %cond3A_547 : i32
          scf.if %cond3A_548 {
            %dma_wait3A_587 = arith.constant 0 : i32
            %dma_wait3A_588 = arith.constant 0 : i32
            %dma_wait3A_589 = tpu.memref_slice %arg2[%dma_wait3A_587, %dma_wait3A_588] : memref<10000x768xf32, #tpu.memory_space<hbm>> -> memref<16x768xf32, #tpu.memory_space<hbm>>
            %dma_wait3A_590 = arith.constant 0 : i32
            %dma_wait3A_591 = arith.constant 0 : i32
            %dma_wait3A_592 = tpu.memref_slice %arg2[%dma_wait3A_590, %dma_wait3A_591] : memref<10000x768xf32, #tpu.memory_space<hbm>> -> memref<16x768xf32, #tpu.memory_space<hbm>>
            tpu.wait_dma2 semaphore(%arg24 : memref<!tpu.dma_semaphore, #tpu.memory_space<semaphore_mem>>) src(%dma_wait3A_592 : memref<16x768xf32, #tpu.memory_space<hbm>>) dst(%arg14 : memref<16x768xf32, #tpu.memory_space<vmem>>)
            %dma_wait3A_593 = arith.constant 0 : i32
            %dma_wait3A_594 = arith.constant 0 : i32
            %dma_wait3A_595 = tpu.memref_slice %arg3[%dma_wait3A_593, %dma_wait3A_594] : memref<160000x512xf32, #tpu.memory_space<hbm>> -> memref<16x512xf32, #tpu.memory_space<hbm>>
            %dma_wait3A_596 = arith.constant 0 : i32
            %dma_wait3A_597 = arith.constant 0 : i32
            %dma_wait3A_598 = tpu.memref_slice %arg3[%dma_wait3A_596, %dma_wait3A_597] : memref<160000x512xf32, #tpu.memory_space<hbm>> -> memref<16x512xf32, #tpu.memory_space<hbm>>
            tpu.wait_dma2 semaphore(%arg24 : memref<!tpu.dma_semaphore, #tpu.memory_space<semaphore_mem>>) src(%dma_wait3A_598 : memref<16x512xf32, #tpu.memory_space<hbm>>) dst(%arg16 : memref<16x512xf32, #tpu.memory_space<vmem>>)
            %parallel_loop3A_599 = arith.constant 0 : i32
            %parallel_loop3A_600 = arith.constant 16 : i32
            %parallel_loop3A_601 = arith.constant 1 : i32
            scf.for %parallel_loop3A_602 = %parallel_loop3A_599 to %parallel_loop3A_600 step %parallel_loop3A_601  : i32 {
              %parallel_loop3A_603 = vector.broadcast %parallel_loop3A_602 : i32 to vector<16xi32>
              %parallel_loop3A_604 = tpu.vector_load_idx %arg18[%parallel_loop3A_603] : memref<16xi32, #tpu.memory_space<vmem>>[vector<16xi32>], vector<16xi32>,
              %parallel_loop3A_605 = arith.constant 384 : i32
              %parallel_loop3A_606 = vector.broadcast %parallel_loop3A_605 : i32 to vector<16xi32>
              %parallel_loop3A_607 = tpu.vector_load_idx %arg16[%parallel_loop3A_603, %parallel_loop3A_606] : memref<16x512xf32, #tpu.memory_space<vmem>>[vector<16xi32>, vector<16xi32>], vector<16xf32>,
              %parallel_loop3A_608 = arith.constant 385 : i32
              %parallel_loop3A_609 = vector.broadcast %parallel_loop3A_608 : i32 to vector<16xi32>
              %parallel_loop3A_610 = tpu.vector_load_idx %arg16[%parallel_loop3A_603, %parallel_loop3A_609] : memref<16x512xf32, #tpu.memory_space<vmem>>[vector<16xi32>, vector<16xi32>], vector<16xf32>,
              %parallel_loop3A_611 = arith.constant 386 : i32
              %parallel_loop3A_612 = vector.broadcast %parallel_loop3A_611 : i32 to vector<16xi32>
              %parallel_loop3A_613 = tpu.vector_load_idx %arg16[%parallel_loop3A_603, %parallel_loop3A_612] : memref<16x512xf32, #tpu.memory_space<vmem>>[vector<16xi32>, vector<16xi32>], vector<16xf32>,
              %parallel_loop3A_614 = arith.constant 384 : i32
              %parallel_loop3A_615 = vector.broadcast %parallel_loop3A_614 : i32 to vector<16xi32>
              %parallel_loop3A_616 = arith.addi %parallel_loop3A_615, %iota3A : vector<16xi32>
              %parallel_loop3A_617 = arith.index_cast %parallel_loop3A_602 : i32 to index
              %parallel_loop3A_618 = arith.constant 128 : index
              %parallel_loop3A_619 = tpu.vector_load %arg14[%parallel_loop3A_617, %parallel_loop3A_618] {strides = array<i32>} : memref<16x768xf32, #tpu.memory_space<vmem>>, vector<16xf32>,
              %parallel_loop3A_620 = arith.index_cast %parallel_loop3A_602 : i32 to index
              %parallel_loop3A_621 = arith.constant 128 : index
              %parallel_loop3A_622 = tpu.vector_load %arg16[%parallel_loop3A_620, %parallel_loop3A_621] {strides = array<i32>} : memref<16x512xf32, #tpu.memory_space<vmem>>, vector<16xf32>,
              %parallel_loop3A_623 = arith.mulf %parallel_loop3A_619, %parallel_loop3A_622 : vector<16xf32>
              %parallel_loop3A_624 = arith.constant 400 : i32
              %parallel_loop3A_625 = vector.broadcast %parallel_loop3A_624 : i32 to vector<16xi32>
              %parallel_loop3A_626 = arith.addi %parallel_loop3A_625, %iota3A : vector<16xi32>
              %parallel_loop3A_627 = arith.index_cast %parallel_loop3A_602 : i32 to index
              %parallel_loop3A_628 = arith.constant 144 : index
              %parallel_loop3A_629 = tpu.vector_load %arg14[%parallel_loop3A_627, %parallel_loop3A_628] {strides = array<i32>} : memref<16x768xf32, #tpu.memory_space<vmem>>, vector<16xf32>,
              %parallel_loop3A_630 = arith.index_cast %parallel_loop3A_602 : i32 to index
              %parallel_loop3A_631 = arith.constant 144 : index
              %parallel_loop3A_632 = tpu.vector_load %arg16[%parallel_loop3A_630, %parallel_loop3A_631] {strides = array<i32>} : memref<16x512xf32, #tpu.memory_space<vmem>>, vector<16xf32>,
              %parallel_loop3A_633 = arith.mulf %parallel_loop3A_629, %parallel_loop3A_632 : vector<16xf32>
              %parallel_loop3A_634 = arith.constant 416 : i32
              %parallel_loop3A_635 = vector.broadcast %parallel_loop3A_634 : i32 to vector<16xi32>
              %parallel_loop3A_636 = arith.addi %parallel_loop3A_635, %iota3A : vector<16xi32>
              %parallel_loop3A_637 = arith.index_cast %parallel_loop3A_602 : i32 to index
              %parallel_loop3A_638 = arith.constant 160 : index
              %parallel_loop3A_639 = tpu.vector_load %arg14[%parallel_loop3A_637, %parallel_loop3A_638] {strides = array<i32>} : memref<16x768xf32, #tpu.memory_space<vmem>>, vector<16xf32>,
              %parallel_loop3A_640 = arith.index_cast %parallel_loop3A_602 : i32 to index
              %parallel_loop3A_641 = arith.constant 160 : index
              %parallel_loop3A_642 = tpu.vector_load %arg16[%parallel_loop3A_640, %parallel_loop3A_641] {strides = array<i32>} : memref<16x512xf32, #tpu.memory_space<vmem>>, vector<16xf32>,
              %parallel_loop3A_643 = arith.mulf %parallel_loop3A_639, %parallel_loop3A_642 : vector<16xf32>
              %parallel_loop3A_644 = arith.constant 432 : i32
              %parallel_loop3A_645 = vector.broadcast %parallel_loop3A_644 : i32 to vector<16xi32>
              %parallel_loop3A_646 = arith.addi %parallel_loop3A_645, %iota3A : vector<16xi32>
              %parallel_loop3A_647 = arith.index_cast %parallel_loop3A_602 : i32 to index
              %parallel_loop3A_648 = arith.constant 176 : index
              %parallel_loop3A_649 = tpu.vector_load %arg14[%parallel_loop3A_647, %parallel_loop3A_648] {strides = array<i32>} : memref<16x768xf32, #tpu.memory_space<vmem>>, vector<16xf32>,
              %parallel_loop3A_650 = arith.index_cast %parallel_loop3A_602 : i32 to index
              %parallel_loop3A_651 = arith.constant 176 : index
              %parallel_loop3A_652 = tpu.vector_load %arg16[%parallel_loop3A_650, %parallel_loop3A_651] {strides = array<i32>} : memref<16x512xf32, #tpu.memory_space<vmem>>, vector<16xf32>,
              %parallel_loop3A_653 = arith.mulf %parallel_loop3A_649, %parallel_loop3A_652 : vector<16xf32>
              %parallel_loop3A_654 = arith.constant 448 : i32
              %parallel_loop3A_655 = vector.broadcast %parallel_loop3A_654 : i32 to vector<16xi32>
              %parallel_loop3A_656 = arith.addi %parallel_loop3A_655, %iota3A : vector<16xi32>
              %parallel_loop3A_657 = arith.index_cast %parallel_loop3A_602 : i32 to index
              %parallel_loop3A_658 = arith.constant 192 : index
              %parallel_loop3A_659 = tpu.vector_load %arg14[%parallel_loop3A_657, %parallel_loop3A_658] {strides = array<i32>} : memref<16x768xf32, #tpu.memory_space<vmem>>, vector<16xf32>,
              %parallel_loop3A_660 = arith.index_cast %parallel_loop3A_602 : i32 to index
              %parallel_loop3A_661 = arith.constant 192 : index
              %parallel_loop3A_662 = tpu.vector_load %arg16[%parallel_loop3A_660, %parallel_loop3A_661] {strides = array<i32>} : memref<16x512xf32, #tpu.memory_space<vmem>>, vector<16xf32>,
              %parallel_loop3A_663 = arith.mulf %parallel_loop3A_659, %parallel_loop3A_662 : vector<16xf32>
              %parallel_loop3A_664 = arith.constant 464 : i32
              %parallel_loop3A_665 = vector.broadcast %parallel_loop3A_664 : i32 to vector<16xi32>
              %parallel_loop3A_666 = arith.addi %parallel_loop3A_665, %iota3A : vector<16xi32>
              %parallel_loop3A_667 = arith.index_cast %parallel_loop3A_602 : i32 to index
              %parallel_loop3A_668 = arith.constant 208 : index
              %parallel_loop3A_669 = tpu.vector_load %arg14[%parallel_loop3A_667, %parallel_loop3A_668] {strides = array<i32>} : memref<16x768xf32, #tpu.memory_space<vmem>>, vector<16xf32>,
              %parallel_loop3A_670 = arith.index_cast %parallel_loop3A_602 : i32 to index
              %parallel_loop3A_671 = arith.constant 208 : index
              %parallel_loop3A_672 = tpu.vector_load %arg16[%parallel_loop3A_670, %parallel_loop3A_671] {strides = array<i32>} : memref<16x512xf32, #tpu.memory_space<vmem>>, vector<16xf32>,
              %parallel_loop3A_673 = arith.mulf %parallel_loop3A_669, %parallel_loop3A_672 : vector<16xf32>
              %parallel_loop3A_674 = arith.constant 480 : i32
              %parallel_loop3A_675 = vector.broadcast %parallel_loop3A_674 : i32 to vector<16xi32>
              %parallel_loop3A_676 = arith.addi %parallel_loop3A_675, %iota3A : vector<16xi32>
              %parallel_loop3A_677 = arith.index_cast %parallel_loop3A_602 : i32 to index
              %parallel_loop3A_678 = arith.constant 224 : index
              %parallel_loop3A_679 = tpu.vector_load %arg14[%parallel_loop3A_677, %parallel_loop3A_678] {strides = array<i32>} : memref<16x768xf32, #tpu.memory_space<vmem>>, vector<16xf32>,
              %parallel_loop3A_680 = arith.index_cast %parallel_loop3A_602 : i32 to index
              %parallel_loop3A_681 = arith.constant 224 : index
              %parallel_loop3A_682 = tpu.vector_load %arg16[%parallel_loop3A_680, %parallel_loop3A_681] {strides = array<i32>} : memref<16x512xf32, #tpu.memory_space<vmem>>, vector<16xf32>,
              %parallel_loop3A_683 = arith.mulf %parallel_loop3A_679, %parallel_loop3A_682 : vector<16xf32>
              %parallel_loop3A_684 = arith.constant 496 : i32
              %parallel_loop3A_685 = vector.broadcast %parallel_loop3A_684 : i32 to vector<16xi32>
              %parallel_loop3A_686 = arith.addi %parallel_loop3A_685, %iota3A : vector<16xi32>
              %parallel_loop3A_687 = arith.index_cast %parallel_loop3A_602 : i32 to index
              %parallel_loop3A_688 = arith.constant 240 : index
              %parallel_loop3A_689 = tpu.vector_load %arg14[%parallel_loop3A_687, %parallel_loop3A_688] {strides = array<i32>} : memref<16x768xf32, #tpu.memory_space<vmem>>, vector<16xf32>,
              %parallel_loop3A_690 = arith.index_cast %parallel_loop3A_602 : i32 to index
              %parallel_loop3A_691 = arith.constant 240 : index
              %parallel_loop3A_692 = tpu.vector_load %arg16[%parallel_loop3A_690, %parallel_loop3A_691] {strides = array<i32>} : memref<16x512xf32, #tpu.memory_space<vmem>>, vector<16xf32>,
              %parallel_loop3A_693 = arith.mulf %parallel_loop3A_689, %parallel_loop3A_692 : vector<16xf32>
              %parallel_loop3A_694 = arith.constant 0 : i32
              %parallel_loop3A_695 = vector.broadcast %parallel_loop3A_694 : i32 to vector<16xi32>
              %parallel_loop3A_696 = arith.addi %parallel_loop3A_695, %iota3A : vector<16xi32>
              %parallel_loop3A_697 = arith.index_cast %parallel_loop3A_602 : i32 to index
              %parallel_loop3A_698 = arith.constant 0 : index
              %parallel_loop3A_699 = tpu.vector_load %arg14[%parallel_loop3A_697, %parallel_loop3A_698] {strides = array<i32>} : memref<16x768xf32, #tpu.memory_space<vmem>>, vector<16xf32>,
              %parallel_loop3A_700 = arith.index_cast %parallel_loop3A_602 : i32 to index
              %parallel_loop3A_701 = arith.constant 0 : index
              %parallel_loop3A_702 = tpu.vector_load %arg16[%parallel_loop3A_700, %parallel_loop3A_701] {strides = array<i32>} : memref<16x512xf32, #tpu.memory_space<vmem>>, vector<16xf32>,
              %parallel_loop3A_703 = arith.mulf %parallel_loop3A_699, %parallel_loop3A_702 : vector<16xf32>
              %parallel_loop3A_704 = arith.index_cast %parallel_loop3A_602 : i32 to index
              %parallel_loop3A_705 = arith.constant 256 : index
              %parallel_loop3A_706 = tpu.vector_load %arg14[%parallel_loop3A_704, %parallel_loop3A_705] {strides = array<i32>} : memref<16x768xf32, #tpu.memory_space<vmem>>, vector<16xf32>,
              %parallel_loop3A_707 = arith.index_cast %parallel_loop3A_602 : i32 to index
              %parallel_loop3A_708 = arith.constant 256 : index
              %parallel_loop3A_709 = tpu.vector_load %arg16[%parallel_loop3A_707, %parallel_loop3A_708] {strides = array<i32>} : memref<16x512xf32, #tpu.memory_space<vmem>>, vector<16xf32>,
              %parallel_loop3A_710 = arith.mulf %parallel_loop3A_706, %parallel_loop3A_709 : vector<16xf32>
              %parallel_loop3A_711 = arith.constant 3 : i32
              %parallel_loop3A_712 = vector.broadcast %parallel_loop3A_711 : i32 to vector<16xi32>
              %parallel_loop3A_713 = arith.muli %parallel_loop3A_712, %parallel_loop3A_696 : vector<16xi32>
              %parallel_loop3A_714 = arith.constant 0 : i32
              %parallel_loop3A_715 = vector.broadcast %parallel_loop3A_714 : i32 to vector<16xi32>
              %parallel_loop3A_716 = arith.addi %parallel_loop3A_713, %parallel_loop3A_715 : vector<16xi32>
              %parallel_loop3A_717 = arith.index_cast %parallel_loop3A_602 : i32 to index
              %parallel_loop3A_718 = arith.constant 384 : index
              %parallel_loop3A_719 = tpu.vector_load %arg14[%parallel_loop3A_717, %parallel_loop3A_718] {strides = array<i32>} : memref<16x768xf32, #tpu.memory_space<vmem>>, vector<16xf32>,
              %parallel_loop3A_720 = arith.mulf %parallel_loop3A_703, %parallel_loop3A_719 : vector<16xf32>
              %parallel_loop3A_721 = arith.mulf %parallel_loop3A_710, %parallel_loop3A_607 : vector<16xf32>
              %parallel_loop3A_722 = arith.addf %parallel_loop3A_720, %parallel_loop3A_721 : vector<16xf32>
              %parallel_loop3A_723 = arith.constant 3 : i32
              %parallel_loop3A_724 = vector.broadcast %parallel_loop3A_723 : i32 to vector<16xi32>
              %parallel_loop3A_725 = arith.muli %parallel_loop3A_724, %parallel_loop3A_696 : vector<16xi32>
              %parallel_loop3A_726 = arith.constant 1 : i32
              %parallel_loop3A_727 = vector.broadcast %parallel_loop3A_726 : i32 to vector<16xi32>
              %parallel_loop3A_728 = arith.addi %parallel_loop3A_725, %parallel_loop3A_727 : vector<16xi32>
              %parallel_loop3A_729 = arith.index_cast %parallel_loop3A_602 : i32 to index
              %parallel_loop3A_730 = arith.constant 512 : index
              %parallel_loop3A_731 = tpu.vector_load %arg14[%parallel_loop3A_729, %parallel_loop3A_730] {strides = array<i32>} : memref<16x768xf32, #tpu.memory_space<vmem>>, vector<16xf32>,
              %parallel_loop3A_732 = arith.mulf %parallel_loop3A_703, %parallel_loop3A_731 : vector<16xf32>
              %parallel_loop3A_733 = arith.mulf %parallel_loop3A_710, %parallel_loop3A_610 : vector<16xf32>
              %parallel_loop3A_734 = arith.addf %parallel_loop3A_732, %parallel_loop3A_733 : vector<16xf32>
              %parallel_loop3A_735 = arith.constant 3 : i32
              %parallel_loop3A_736 = vector.broadcast %parallel_loop3A_735 : i32 to vector<16xi32>
              %parallel_loop3A_737 = arith.muli %parallel_loop3A_736, %parallel_loop3A_696 : vector<16xi32>
              %parallel_loop3A_738 = arith.constant 2 : i32
              %parallel_loop3A_739 = vector.broadcast %parallel_loop3A_738 : i32 to vector<16xi32>
              %parallel_loop3A_740 = arith.addi %parallel_loop3A_737, %parallel_loop3A_739 : vector<16xi32>
              %parallel_loop3A_741 = arith.index_cast %parallel_loop3A_602 : i32 to index
              %parallel_loop3A_742 = arith.constant 640 : index
              %parallel_loop3A_743 = tpu.vector_load %arg14[%parallel_loop3A_741, %parallel_loop3A_742] {strides = array<i32>} : memref<16x768xf32, #tpu.memory_space<vmem>>, vector<16xf32>,
              %parallel_loop3A_744 = arith.mulf %parallel_loop3A_703, %parallel_loop3A_743 : vector<16xf32>
              %parallel_loop3A_745 = arith.mulf %parallel_loop3A_710, %parallel_loop3A_613 : vector<16xf32>
              %parallel_loop3A_746 = arith.addf %parallel_loop3A_744, %parallel_loop3A_745 : vector<16xf32>
              %parallel_loop3A_747 = arith.constant 16 : i32
              %parallel_loop3A_748 = vector.broadcast %parallel_loop3A_747 : i32 to vector<16xi32>
              %parallel_loop3A_749 = arith.addi %parallel_loop3A_748, %iota3A : vector<16xi32>
              %parallel_loop3A_750 = arith.index_cast %parallel_loop3A_602 : i32 to index
              %parallel_loop3A_751 = arith.constant 16 : index
              %parallel_loop3A_752 = tpu.vector_load %arg14[%parallel_loop3A_750, %parallel_loop3A_751] {strides = array<i32>} : memref<16x768xf32, #tpu.memory_space<vmem>>, vector<16xf32>,
              %parallel_loop3A_753 = arith.index_cast %parallel_loop3A_602 : i32 to index
              %parallel_loop3A_754 = arith.constant 16 : index
              %parallel_loop3A_755 = tpu.vector_load %arg16[%parallel_loop3A_753, %parallel_loop3A_754] {strides = array<i32>} : memref<16x512xf32, #tpu.memory_space<vmem>>, vector<16xf32>,
              %parallel_loop3A_756 = arith.mulf %parallel_loop3A_752, %parallel_loop3A_755 : vector<16xf32>
              %parallel_loop3A_757 = arith.index_cast %parallel_loop3A_602 : i32 to index
              %parallel_loop3A_758 = arith.constant 272 : index
              %parallel_loop3A_759 = tpu.vector_load %arg14[%parallel_loop3A_757, %parallel_loop3A_758] {strides = array<i32>} : memref<16x768xf32, #tpu.memory_space<vmem>>, vector<16xf32>,
              %parallel_loop3A_760 = arith.index_cast %parallel_loop3A_602 : i32 to index
              %parallel_loop3A_761 = arith.constant 272 : index
              %parallel_loop3A_762 = tpu.vector_load %arg16[%parallel_loop3A_760, %parallel_loop3A_761] {strides = array<i32>} : memref<16x512xf32, #tpu.memory_space<vmem>>, vector<16xf32>,
              %parallel_loop3A_763 = arith.mulf %parallel_loop3A_759, %parallel_loop3A_762 : vector<16xf32>
              %parallel_loop3A_764 = arith.constant 3 : i32
              %parallel_loop3A_765 = vector.broadcast %parallel_loop3A_764 : i32 to vector<16xi32>
              %parallel_loop3A_766 = arith.muli %parallel_loop3A_765, %parallel_loop3A_749 : vector<16xi32>
              %parallel_loop3A_767 = arith.constant 0 : i32
              %parallel_loop3A_768 = vector.broadcast %parallel_loop3A_767 : i32 to vector<16xi32>
              %parallel_loop3A_769 = arith.addi %parallel_loop3A_766, %parallel_loop3A_768 : vector<16xi32>
              %parallel_loop3A_770 = arith.index_cast %parallel_loop3A_602 : i32 to index
              %parallel_loop3A_771 = arith.constant 400 : index
              %parallel_loop3A_772 = tpu.vector_load %arg14[%parallel_loop3A_770, %parallel_loop3A_771] {strides = array<i32>} : memref<16x768xf32, #tpu.memory_space<vmem>>, vector<16xf32>,
              %parallel_loop3A_773 = arith.mulf %parallel_loop3A_756, %parallel_loop3A_772 : vector<16xf32>
              %parallel_loop3A_774 = arith.mulf %parallel_loop3A_763, %parallel_loop3A_607 : vector<16xf32>
              %parallel_loop3A_775 = arith.addf %parallel_loop3A_773, %parallel_loop3A_774 : vector<16xf32>
              %parallel_loop3A_776 = arith.constant 3 : i32
              %parallel_loop3A_777 = vector.broadcast %parallel_loop3A_776 : i32 to vector<16xi32>
              %parallel_loop3A_778 = arith.muli %parallel_loop3A_777, %parallel_loop3A_749 : vector<16xi32>
              %parallel_loop3A_779 = arith.constant 1 : i32
              %parallel_loop3A_780 = vector.broadcast %parallel_loop3A_779 : i32 to vector<16xi32>
              %parallel_loop3A_781 = arith.addi %parallel_loop3A_778, %parallel_loop3A_780 : vector<16xi32>
              %parallel_loop3A_782 = arith.index_cast %parallel_loop3A_602 : i32 to index
              %parallel_loop3A_783 = arith.constant 528 : index
              %parallel_loop3A_784 = tpu.vector_load %arg14[%parallel_loop3A_782, %parallel_loop3A_783] {strides = array<i32>} : memref<16x768xf32, #tpu.memory_space<vmem>>, vector<16xf32>,
              %parallel_loop3A_785 = arith.mulf %parallel_loop3A_756, %parallel_loop3A_784 : vector<16xf32>
              %parallel_loop3A_786 = arith.mulf %parallel_loop3A_763, %parallel_loop3A_610 : vector<16xf32>
              %parallel_loop3A_787 = arith.addf %parallel_loop3A_785, %parallel_loop3A_786 : vector<16xf32>
              %parallel_loop3A_788 = arith.constant 3 : i32
              %parallel_loop3A_789 = vector.broadcast %parallel_loop3A_788 : i32 to vector<16xi32>
              %parallel_loop3A_790 = arith.muli %parallel_loop3A_789, %parallel_loop3A_749 : vector<16xi32>
              %parallel_loop3A_791 = arith.constant 2 : i32
              %parallel_loop3A_792 = vector.broadcast %parallel_loop3A_791 : i32 to vector<16xi32>
              %parallel_loop3A_793 = arith.addi %parallel_loop3A_790, %parallel_loop3A_792 : vector<16xi32>
              %parallel_loop3A_794 = arith.index_cast %parallel_loop3A_602 : i32 to index
              %parallel_loop3A_795 = arith.constant 656 : index
              %parallel_loop3A_796 = tpu.vector_load %arg14[%parallel_loop3A_794, %parallel_loop3A_795] {strides = array<i32>} : memref<16x768xf32, #tpu.memory_space<vmem>>, vector<16xf32>,
              %parallel_loop3A_797 = arith.mulf %parallel_loop3A_756, %parallel_loop3A_796 : vector<16xf32>
              %parallel_loop3A_798 = arith.mulf %parallel_loop3A_763, %parallel_loop3A_613 : vector<16xf32>
              %parallel_loop3A_799 = arith.addf %parallel_loop3A_797, %parallel_loop3A_798 : vector<16xf32>
              %parallel_loop3A_800 = arith.constant 32 : i32
              %parallel_loop3A_801 = vector.broadcast %parallel_loop3A_800 : i32 to vector<16xi32>
              %parallel_loop3A_802 = arith.addi %parallel_loop3A_801, %iota3A : vector<16xi32>
              %parallel_loop3A_803 = arith.index_cast %parallel_loop3A_602 : i32 to index
              %parallel_loop3A_804 = arith.constant 32 : index
              %parallel_loop3A_805 = tpu.vector_load %arg14[%parallel_loop3A_803, %parallel_loop3A_804] {strides = array<i32>} : memref<16x768xf32, #tpu.memory_space<vmem>>, vector<16xf32>,
              %parallel_loop3A_806 = arith.index_cast %parallel_loop3A_602 : i32 to index
              %parallel_loop3A_807 = arith.constant 32 : index
              %parallel_loop3A_808 = tpu.vector_load %arg16[%parallel_loop3A_806, %parallel_loop3A_807] {strides = array<i32>} : memref<16x512xf32, #tpu.memory_space<vmem>>, vector<16xf32>,
              %parallel_loop3A_809 = arith.mulf %parallel_loop3A_805, %parallel_loop3A_808 : vector<16xf32>
              %parallel_loop3A_810 = arith.index_cast %parallel_loop3A_602 : i32 to index
              %parallel_loop3A_811 = arith.constant 288 : index
              %parallel_loop3A_812 = tpu.vector_load %arg14[%parallel_loop3A_810, %parallel_loop3A_811] {strides = array<i32>} : memref<16x768xf32, #tpu.memory_space<vmem>>, vector<16xf32>,
              %parallel_loop3A_813 = arith.index_cast %parallel_loop3A_602 : i32 to index
              %parallel_loop3A_814 = arith.constant 288 : index
              %parallel_loop3A_815 = tpu.vector_load %arg16[%parallel_loop3A_813, %parallel_loop3A_814] {strides = array<i32>} : memref<16x512xf32, #tpu.memory_space<vmem>>, vector<16xf32>,
              %parallel_loop3A_816 = arith.mulf %parallel_loop3A_812, %parallel_loop3A_815 : vector<16xf32>
              %parallel_loop3A_817 = arith.constant 3 : i32
              %parallel_loop3A_818 = vector.broadcast %parallel_loop3A_817 : i32 to vector<16xi32>
              %parallel_loop3A_819 = arith.muli %parallel_loop3A_818, %parallel_loop3A_802 : vector<16xi32>
              %parallel_loop3A_820 = arith.constant 0 : i32
              %parallel_loop3A_821 = vector.broadcast %parallel_loop3A_820 : i32 to vector<16xi32>
              %parallel_loop3A_822 = arith.addi %parallel_loop3A_819, %parallel_loop3A_821 : vector<16xi32>
              %parallel_loop3A_823 = arith.index_cast %parallel_loop3A_602 : i32 to index
              %parallel_loop3A_824 = arith.constant 416 : index
              %parallel_loop3A_825 = tpu.vector_load %arg14[%parallel_loop3A_823, %parallel_loop3A_824] {strides = array<i32>} : memref<16x768xf32, #tpu.memory_space<vmem>>, vector<16xf32>,
              %parallel_loop3A_826 = arith.mulf %parallel_loop3A_809, %parallel_loop3A_825 : vector<16xf32>
              %parallel_loop3A_827 = arith.mulf %parallel_loop3A_816, %parallel_loop3A_607 : vector<16xf32>
              %parallel_loop3A_828 = arith.addf %parallel_loop3A_826, %parallel_loop3A_827 : vector<16xf32>
              %parallel_loop3A_829 = arith.constant 3 : i32
              %parallel_loop3A_830 = vector.broadcast %parallel_loop3A_829 : i32 to vector<16xi32>
              %parallel_loop3A_831 = arith.muli %parallel_loop3A_830, %parallel_loop3A_802 : vector<16xi32>
              %parallel_loop3A_832 = arith.constant 1 : i32
              %parallel_loop3A_833 = vector.broadcast %parallel_loop3A_832 : i32 to vector<16xi32>
              %parallel_loop3A_834 = arith.addi %parallel_loop3A_831, %parallel_loop3A_833 : vector<16xi32>
              %parallel_loop3A_835 = arith.index_cast %parallel_loop3A_602 : i32 to index
              %parallel_loop3A_836 = arith.constant 544 : index
              %parallel_loop3A_837 = tpu.vector_load %arg14[%parallel_loop3A_835, %parallel_loop3A_836] {strides = array<i32>} : memref<16x768xf32, #tpu.memory_space<vmem>>, vector<16xf32>,
              %parallel_loop3A_838 = arith.mulf %parallel_loop3A_809, %parallel_loop3A_837 : vector<16xf32>
              %parallel_loop3A_839 = arith.mulf %parallel_loop3A_816, %parallel_loop3A_610 : vector<16xf32>
              %parallel_loop3A_840 = arith.addf %parallel_loop3A_838, %parallel_loop3A_839 : vector<16xf32>
              %parallel_loop3A_841 = arith.constant 3 : i32
              %parallel_loop3A_842 = vector.broadcast %parallel_loop3A_841 : i32 to vector<16xi32>
              %parallel_loop3A_843 = arith.muli %parallel_loop3A_842, %parallel_loop3A_802 : vector<16xi32>
              %parallel_loop3A_844 = arith.constant 2 : i32
              %parallel_loop3A_845 = vector.broadcast %parallel_loop3A_844 : i32 to vector<16xi32>
              %parallel_loop3A_846 = arith.addi %parallel_loop3A_843, %parallel_loop3A_845 : vector<16xi32>
              %parallel_loop3A_847 = arith.index_cast %parallel_loop3A_602 : i32 to index
              %parallel_loop3A_848 = arith.constant 672 : index
              %parallel_loop3A_849 = tpu.vector_load %arg14[%parallel_loop3A_847, %parallel_loop3A_848] {strides = array<i32>} : memref<16x768xf32, #tpu.memory_space<vmem>>, vector<16xf32>,
              %parallel_loop3A_850 = arith.mulf %parallel_loop3A_809, %parallel_loop3A_849 : vector<16xf32>
              %parallel_loop3A_851 = arith.mulf %parallel_loop3A_816, %parallel_loop3A_613 : vector<16xf32>
              %parallel_loop3A_852 = arith.addf %parallel_loop3A_850, %parallel_loop3A_851 : vector<16xf32>
              %parallel_loop3A_853 = arith.constant 48 : i32
              %parallel_loop3A_854 = vector.broadcast %parallel_loop3A_853 : i32 to vector<16xi32>
              %parallel_loop3A_855 = arith.addi %parallel_loop3A_854, %iota3A : vector<16xi32>
              %parallel_loop3A_856 = arith.index_cast %parallel_loop3A_602 : i32 to index
              %parallel_loop3A_857 = arith.constant 48 : index
              %parallel_loop3A_858 = tpu.vector_load %arg14[%parallel_loop3A_856, %parallel_loop3A_857] {strides = array<i32>} : memref<16x768xf32, #tpu.memory_space<vmem>>, vector<16xf32>,
              %parallel_loop3A_859 = arith.index_cast %parallel_loop3A_602 : i32 to index
              %parallel_loop3A_860 = arith.constant 48 : index
              %parallel_loop3A_861 = tpu.vector_load %arg16[%parallel_loop3A_859, %parallel_loop3A_860] {strides = array<i32>} : memref<16x512xf32, #tpu.memory_space<vmem>>, vector<16xf32>,
              %parallel_loop3A_862 = arith.mulf %parallel_loop3A_858, %parallel_loop3A_861 : vector<16xf32>
              %parallel_loop3A_863 = arith.index_cast %parallel_loop3A_602 : i32 to index
              %parallel_loop3A_864 = arith.constant 304 : index
              %parallel_loop3A_865 = tpu.vector_load %arg14[%parallel_loop3A_863, %parallel_loop3A_864] {strides = array<i32>} : memref<16x768xf32, #tpu.memory_space<vmem>>, vector<16xf32>,
              %parallel_loop3A_866 = arith.index_cast %parallel_loop3A_602 : i32 to index
              %parallel_loop3A_867 = arith.constant 304 : index
              %parallel_loop3A_868 = tpu.vector_load %arg16[%parallel_loop3A_866, %parallel_loop3A_867] {strides = array<i32>} : memref<16x512xf32, #tpu.memory_space<vmem>>, vector<16xf32>,
              %parallel_loop3A_869 = arith.mulf %parallel_loop3A_865, %parallel_loop3A_868 : vector<16xf32>
              %parallel_loop3A_870 = arith.constant 3 : i32
              %parallel_loop3A_871 = vector.broadcast %parallel_loop3A_870 : i32 to vector<16xi32>
              %parallel_loop3A_872 = arith.muli %parallel_loop3A_871, %parallel_loop3A_855 : vector<16xi32>
              %parallel_loop3A_873 = arith.constant 0 : i32
              %parallel_loop3A_874 = vector.broadcast %parallel_loop3A_873 : i32 to vector<16xi32>
              %parallel_loop3A_875 = arith.addi %parallel_loop3A_872, %parallel_loop3A_874 : vector<16xi32>
              %parallel_loop3A_876 = arith.index_cast %parallel_loop3A_602 : i32 to index
              %parallel_loop3A_877 = arith.constant 432 : index
              %parallel_loop3A_878 = tpu.vector_load %arg14[%parallel_loop3A_876, %parallel_loop3A_877] {strides = array<i32>} : memref<16x768xf32, #tpu.memory_space<vmem>>, vector<16xf32>,
              %parallel_loop3A_879 = arith.mulf %parallel_loop3A_862, %parallel_loop3A_878 : vector<16xf32>
              %parallel_loop3A_880 = arith.mulf %parallel_loop3A_869, %parallel_loop3A_607 : vector<16xf32>
              %parallel_loop3A_881 = arith.addf %parallel_loop3A_879, %parallel_loop3A_880 : vector<16xf32>
              %parallel_loop3A_882 = arith.constant 3 : i32
              %parallel_loop3A_883 = vector.broadcast %parallel_loop3A_882 : i32 to vector<16xi32>
              %parallel_loop3A_884 = arith.muli %parallel_loop3A_883, %parallel_loop3A_855 : vector<16xi32>
              %parallel_loop3A_885 = arith.constant 1 : i32
              %parallel_loop3A_886 = vector.broadcast %parallel_loop3A_885 : i32 to vector<16xi32>
              %parallel_loop3A_887 = arith.addi %parallel_loop3A_884, %parallel_loop3A_886 : vector<16xi32>
              %parallel_loop3A_888 = arith.index_cast %parallel_loop3A_602 : i32 to index
              %parallel_loop3A_889 = arith.constant 560 : index
              %parallel_loop3A_890 = tpu.vector_load %arg14[%parallel_loop3A_888, %parallel_loop3A_889] {strides = array<i32>} : memref<16x768xf32, #tpu.memory_space<vmem>>, vector<16xf32>,
              %parallel_loop3A_891 = arith.mulf %parallel_loop3A_862, %parallel_loop3A_890 : vector<16xf32>
              %parallel_loop3A_892 = arith.mulf %parallel_loop3A_869, %parallel_loop3A_610 : vector<16xf32>
              %parallel_loop3A_893 = arith.addf %parallel_loop3A_891, %parallel_loop3A_892 : vector<16xf32>
              %parallel_loop3A_894 = arith.constant 3 : i32
              %parallel_loop3A_895 = vector.broadcast %parallel_loop3A_894 : i32 to vector<16xi32>
              %parallel_loop3A_896 = arith.muli %parallel_loop3A_895, %parallel_loop3A_855 : vector<16xi32>
              %parallel_loop3A_897 = arith.constant 2 : i32
              %parallel_loop3A_898 = vector.broadcast %parallel_loop3A_897 : i32 to vector<16xi32>
              %parallel_loop3A_899 = arith.addi %parallel_loop3A_896, %parallel_loop3A_898 : vector<16xi32>
              %parallel_loop3A_900 = arith.index_cast %parallel_loop3A_602 : i32 to index
              %parallel_loop3A_901 = arith.constant 688 : index
              %parallel_loop3A_902 = tpu.vector_load %arg14[%parallel_loop3A_900, %parallel_loop3A_901] {strides = array<i32>} : memref<16x768xf32, #tpu.memory_space<vmem>>, vector<16xf32>,
              %parallel_loop3A_903 = arith.mulf %parallel_loop3A_862, %parallel_loop3A_902 : vector<16xf32>
              %parallel_loop3A_904 = arith.mulf %parallel_loop3A_869, %parallel_loop3A_613 : vector<16xf32>
              %parallel_loop3A_905 = arith.addf %parallel_loop3A_903, %parallel_loop3A_904 : vector<16xf32>
              tpu.vector_store_idx %arg7[%parallel_loop3A_604, %parallel_loop3A_616], %parallel_loop3A_623 {add = true} : memref<128x512xf32, #tpu.memory_space<vmem>>[vector<16xi32>, vector<16xi32>], vector<16xf32>,
              tpu.vector_store_idx %arg7[%parallel_loop3A_604, %parallel_loop3A_626], %parallel_loop3A_633 {add = true} : memref<128x512xf32, #tpu.memory_space<vmem>>[vector<16xi32>, vector<16xi32>], vector<16xf32>,
              tpu.vector_store_idx %arg7[%parallel_loop3A_604, %parallel_loop3A_636], %parallel_loop3A_643 {add = true} : memref<128x512xf32, #tpu.memory_space<vmem>>[vector<16xi32>, vector<16xi32>], vector<16xf32>,
              tpu.vector_store_idx %arg7[%parallel_loop3A_604, %parallel_loop3A_646], %parallel_loop3A_653 {add = true} : memref<128x512xf32, #tpu.memory_space<vmem>>[vector<16xi32>, vector<16xi32>], vector<16xf32>,
              tpu.vector_store_idx %arg7[%parallel_loop3A_604, %parallel_loop3A_656], %parallel_loop3A_663 {add = true} : memref<128x512xf32, #tpu.memory_space<vmem>>[vector<16xi32>, vector<16xi32>], vector<16xf32>,
              tpu.vector_store_idx %arg7[%parallel_loop3A_604, %parallel_loop3A_666], %parallel_loop3A_673 {add = true} : memref<128x512xf32, #tpu.memory_space<vmem>>[vector<16xi32>, vector<16xi32>], vector<16xf32>,
              tpu.vector_store_idx %arg7[%parallel_loop3A_604, %parallel_loop3A_676], %parallel_loop3A_683 {add = true} : memref<128x512xf32, #tpu.memory_space<vmem>>[vector<16xi32>, vector<16xi32>], vector<16xf32>,
              tpu.vector_store_idx %arg7[%parallel_loop3A_604, %parallel_loop3A_686], %parallel_loop3A_693 {add = true} : memref<128x512xf32, #tpu.memory_space<vmem>>[vector<16xi32>, vector<16xi32>], vector<16xf32>,
              tpu.vector_store_idx %arg7[%parallel_loop3A_604, %parallel_loop3A_716], %parallel_loop3A_722 {add = true} : memref<128x512xf32, #tpu.memory_space<vmem>>[vector<16xi32>, vector<16xi32>], vector<16xf32>,
              tpu.vector_store_idx %arg7[%parallel_loop3A_604, %parallel_loop3A_728], %parallel_loop3A_734 {add = true} : memref<128x512xf32, #tpu.memory_space<vmem>>[vector<16xi32>, vector<16xi32>], vector<16xf32>,
              tpu.vector_store_idx %arg7[%parallel_loop3A_604, %parallel_loop3A_740], %parallel_loop3A_746 {add = true} : memref<128x512xf32, #tpu.memory_space<vmem>>[vector<16xi32>, vector<16xi32>], vector<16xf32>,
              tpu.vector_store_idx %arg7[%parallel_loop3A_604, %parallel_loop3A_769], %parallel_loop3A_775 {add = true} : memref<128x512xf32, #tpu.memory_space<vmem>>[vector<16xi32>, vector<16xi32>], vector<16xf32>,
              tpu.vector_store_idx %arg7[%parallel_loop3A_604, %parallel_loop3A_781], %parallel_loop3A_787 {add = true} : memref<128x512xf32, #tpu.memory_space<vmem>>[vector<16xi32>, vector<16xi32>], vector<16xf32>,
              tpu.vector_store_idx %arg7[%parallel_loop3A_604, %parallel_loop3A_793], %parallel_loop3A_799 {add = true} : memref<128x512xf32, #tpu.memory_space<vmem>>[vector<16xi32>, vector<16xi32>], vector<16xf32>,
              tpu.vector_store_idx %arg7[%parallel_loop3A_604, %parallel_loop3A_822], %parallel_loop3A_828 {add = true} : memref<128x512xf32, #tpu.memory_space<vmem>>[vector<16xi32>, vector<16xi32>], vector<16xf32>,
              tpu.vector_store_idx %arg7[%parallel_loop3A_604, %parallel_loop3A_834], %parallel_loop3A_840 {add = true} : memref<128x512xf32, #tpu.memory_space<vmem>>[vector<16xi32>, vector<16xi32>], vector<16xf32>,
              tpu.vector_store_idx %arg7[%parallel_loop3A_604, %parallel_loop3A_846], %parallel_loop3A_852 {add = true} : memref<128x512xf32, #tpu.memory_space<vmem>>[vector<16xi32>, vector<16xi32>], vector<16xf32>,
              tpu.vector_store_idx %arg7[%parallel_loop3A_604, %parallel_loop3A_875], %parallel_loop3A_881 {add = true} : memref<128x512xf32, #tpu.memory_space<vmem>>[vector<16xi32>, vector<16xi32>], vector<16xf32>,
              tpu.vector_store_idx %arg7[%parallel_loop3A_604, %parallel_loop3A_887], %parallel_loop3A_893 {add = true} : memref<128x512xf32, #tpu.memory_space<vmem>>[vector<16xi32>, vector<16xi32>], vector<16xf32>,
              tpu.vector_store_idx %arg7[%parallel_loop3A_604, %parallel_loop3A_899], %parallel_loop3A_905 {add = true} : memref<128x512xf32, #tpu.memory_space<vmem>>[vector<16xi32>, vector<16xi32>], vector<16xf32>,
              %parallel_loop3A_906 = arith.constant 64 : i32
              %parallel_loop3A_907 = vector.broadcast %parallel_loop3A_906 : i32 to vector<16xi32>
              %parallel_loop3A_908 = arith.addi %parallel_loop3A_907, %iota3A : vector<16xi32>
              %parallel_loop3A_909 = arith.index_cast %parallel_loop3A_602 : i32 to index
              %parallel_loop3A_910 = arith.constant 64 : index
              %parallel_loop3A_911 = tpu.vector_load %arg14[%parallel_loop3A_909, %parallel_loop3A_910] {strides = array<i32>} : memref<16x768xf32, #tpu.memory_space<vmem>>, vector<16xf32>,
              %parallel_loop3A_912 = arith.index_cast %parallel_loop3A_602 : i32 to index
              %parallel_loop3A_913 = arith.constant 64 : index
              %parallel_loop3A_914 = tpu.vector_load %arg16[%parallel_loop3A_912, %parallel_loop3A_913] {strides = array<i32>} : memref<16x512xf32, #tpu.memory_space<vmem>>, vector<16xf32>,
              %parallel_loop3A_915 = arith.mulf %parallel_loop3A_911, %parallel_loop3A_914 : vector<16xf32>
              %parallel_loop3A_916 = arith.index_cast %parallel_loop3A_602 : i32 to index
              %parallel_loop3A_917 = arith.constant 320 : index
              %parallel_loop3A_918 = tpu.vector_load %arg14[%parallel_loop3A_916, %parallel_loop3A_917] {strides = array<i32>} : memref<16x768xf32, #tpu.memory_space<vmem>>, vector<16xf32>,
              %parallel_loop3A_919 = arith.index_cast %parallel_loop3A_602 : i32 to index
              %parallel_loop3A_920 = arith.constant 320 : index
              %parallel_loop3A_921 = tpu.vector_load %arg16[%parallel_loop3A_919, %parallel_loop3A_920] {strides = array<i32>} : memref<16x512xf32, #tpu.memory_space<vmem>>, vector<16xf32>,
              %parallel_loop3A_922 = arith.mulf %parallel_loop3A_918, %parallel_loop3A_921 : vector<16xf32>
              %parallel_loop3A_923 = arith.constant 3 : i32
              %parallel_loop3A_924 = vector.broadcast %parallel_loop3A_923 : i32 to vector<16xi32>
              %parallel_loop3A_925 = arith.muli %parallel_loop3A_924, %parallel_loop3A_908 : vector<16xi32>
              %parallel_loop3A_926 = arith.constant 0 : i32
              %parallel_loop3A_927 = vector.broadcast %parallel_loop3A_926 : i32 to vector<16xi32>
              %parallel_loop3A_928 = arith.addi %parallel_loop3A_925, %parallel_loop3A_927 : vector<16xi32>
              %parallel_loop3A_929 = arith.index_cast %parallel_loop3A_602 : i32 to index
              %parallel_loop3A_930 = arith.constant 448 : index
              %parallel_loop3A_931 = tpu.vector_load %arg14[%parallel_loop3A_929, %parallel_loop3A_930] {strides = array<i32>} : memref<16x768xf32, #tpu.memory_space<vmem>>, vector<16xf32>,
              %parallel_loop3A_932 = arith.mulf %parallel_loop3A_915, %parallel_loop3A_931 : vector<16xf32>
              %parallel_loop3A_933 = arith.mulf %parallel_loop3A_922, %parallel_loop3A_607 : vector<16xf32>
              %parallel_loop3A_934 = arith.addf %parallel_loop3A_932, %parallel_loop3A_933 : vector<16xf32>
              %parallel_loop3A_935 = arith.constant 3 : i32
              %parallel_loop3A_936 = vector.broadcast %parallel_loop3A_935 : i32 to vector<16xi32>
              %parallel_loop3A_937 = arith.muli %parallel_loop3A_936, %parallel_loop3A_908 : vector<16xi32>
              %parallel_loop3A_938 = arith.constant 1 : i32
              %parallel_loop3A_939 = vector.broadcast %parallel_loop3A_938 : i32 to vector<16xi32>
              %parallel_loop3A_940 = arith.addi %parallel_loop3A_937, %parallel_loop3A_939 : vector<16xi32>
              %parallel_loop3A_941 = arith.index_cast %parallel_loop3A_602 : i32 to index
              %parallel_loop3A_942 = arith.constant 576 : index
              %parallel_loop3A_943 = tpu.vector_load %arg14[%parallel_loop3A_941, %parallel_loop3A_942] {strides = array<i32>} : memref<16x768xf32, #tpu.memory_space<vmem>>, vector<16xf32>,
              %parallel_loop3A_944 = arith.mulf %parallel_loop3A_915, %parallel_loop3A_943 : vector<16xf32>
              %parallel_loop3A_945 = arith.mulf %parallel_loop3A_922, %parallel_loop3A_610 : vector<16xf32>
              %parallel_loop3A_946 = arith.addf %parallel_loop3A_944, %parallel_loop3A_945 : vector<16xf32>
              %parallel_loop3A_947 = arith.constant 3 : i32
              %parallel_loop3A_948 = vector.broadcast %parallel_loop3A_947 : i32 to vector<16xi32>
              %parallel_loop3A_949 = arith.muli %parallel_loop3A_948, %parallel_loop3A_908 : vector<16xi32>
              %parallel_loop3A_950 = arith.constant 2 : i32
              %parallel_loop3A_951 = vector.broadcast %parallel_loop3A_950 : i32 to vector<16xi32>
              %parallel_loop3A_952 = arith.addi %parallel_loop3A_949, %parallel_loop3A_951 : vector<16xi32>
              %parallel_loop3A_953 = arith.index_cast %parallel_loop3A_602 : i32 to index
              %parallel_loop3A_954 = arith.constant 704 : index
              %parallel_loop3A_955 = tpu.vector_load %arg14[%parallel_loop3A_953, %parallel_loop3A_954] {strides = array<i32>} : memref<16x768xf32, #tpu.memory_space<vmem>>, vector<16xf32>,
              %parallel_loop3A_956 = arith.mulf %parallel_loop3A_915, %parallel_loop3A_955 : vector<16xf32>
              %parallel_loop3A_957 = arith.mulf %parallel_loop3A_922, %parallel_loop3A_613 : vector<16xf32>
              %parallel_loop3A_958 = arith.addf %parallel_loop3A_956, %parallel_loop3A_957 : vector<16xf32>
              %parallel_loop3A_959 = arith.constant 80 : i32
              %parallel_loop3A_960 = vector.broadcast %parallel_loop3A_959 : i32 to vector<16xi32>
              %parallel_loop3A_961 = arith.addi %parallel_loop3A_960, %iota3A : vector<16xi32>
              %parallel_loop3A_962 = arith.index_cast %parallel_loop3A_602 : i32 to index
              %parallel_loop3A_963 = arith.constant 80 : index
              %parallel_loop3A_964 = tpu.vector_load %arg14[%parallel_loop3A_962, %parallel_loop3A_963] {strides = array<i32>} : memref<16x768xf32, #tpu.memory_space<vmem>>, vector<16xf32>,
              %parallel_loop3A_965 = arith.index_cast %parallel_loop3A_602 : i32 to index
              %parallel_loop3A_966 = arith.constant 80 : index
              %parallel_loop3A_967 = tpu.vector_load %arg16[%parallel_loop3A_965, %parallel_loop3A_966] {strides = array<i32>} : memref<16x512xf32, #tpu.memory_space<vmem>>, vector<16xf32>,
              %parallel_loop3A_968 = arith.mulf %parallel_loop3A_964, %parallel_loop3A_967 : vector<16xf32>
              %parallel_loop3A_969 = arith.index_cast %parallel_loop3A_602 : i32 to index
              %parallel_loop3A_970 = arith.constant 336 : index
              %parallel_loop3A_971 = tpu.vector_load %arg14[%parallel_loop3A_969, %parallel_loop3A_970] {strides = array<i32>} : memref<16x768xf32, #tpu.memory_space<vmem>>, vector<16xf32>,
              %parallel_loop3A_972 = arith.index_cast %parallel_loop3A_602 : i32 to index
              %parallel_loop3A_973 = arith.constant 336 : index
              %parallel_loop3A_974 = tpu.vector_load %arg16[%parallel_loop3A_972, %parallel_loop3A_973] {strides = array<i32>} : memref<16x512xf32, #tpu.memory_space<vmem>>, vector<16xf32>,
              %parallel_loop3A_975 = arith.mulf %parallel_loop3A_971, %parallel_loop3A_974 : vector<16xf32>
              %parallel_loop3A_976 = arith.constant 3 : i32
              %parallel_loop3A_977 = vector.broadcast %parallel_loop3A_976 : i32 to vector<16xi32>
              %parallel_loop3A_978 = arith.muli %parallel_loop3A_977, %parallel_loop3A_961 : vector<16xi32>
              %parallel_loop3A_979 = arith.constant 0 : i32
              %parallel_loop3A_980 = vector.broadcast %parallel_loop3A_979 : i32 to vector<16xi32>
              %parallel_loop3A_981 = arith.addi %parallel_loop3A_978, %parallel_loop3A_980 : vector<16xi32>
              %parallel_loop3A_982 = arith.index_cast %parallel_loop3A_602 : i32 to index
              %parallel_loop3A_983 = arith.constant 464 : index
              %parallel_loop3A_984 = tpu.vector_load %arg14[%parallel_loop3A_982, %parallel_loop3A_983] {strides = array<i32>} : memref<16x768xf32, #tpu.memory_space<vmem>>, vector<16xf32>,
              %parallel_loop3A_985 = arith.mulf %parallel_loop3A_968, %parallel_loop3A_984 : vector<16xf32>
              %parallel_loop3A_986 = arith.mulf %parallel_loop3A_975, %parallel_loop3A_607 : vector<16xf32>
              %parallel_loop3A_987 = arith.addf %parallel_loop3A_985, %parallel_loop3A_986 : vector<16xf32>
              %parallel_loop3A_988 = arith.constant 3 : i32
              %parallel_loop3A_989 = vector.broadcast %parallel_loop3A_988 : i32 to vector<16xi32>
              %parallel_loop3A_990 = arith.muli %parallel_loop3A_989, %parallel_loop3A_961 : vector<16xi32>
              %parallel_loop3A_991 = arith.constant 1 : i32
              %parallel_loop3A_992 = vector.broadcast %parallel_loop3A_991 : i32 to vector<16xi32>
              %parallel_loop3A_993 = arith.addi %parallel_loop3A_990, %parallel_loop3A_992 : vector<16xi32>
              %parallel_loop3A_994 = arith.index_cast %parallel_loop3A_602 : i32 to index
              %parallel_loop3A_995 = arith.constant 592 : index
              %parallel_loop3A_996 = tpu.vector_load %arg14[%parallel_loop3A_994, %parallel_loop3A_995] {strides = array<i32>} : memref<16x768xf32, #tpu.memory_space<vmem>>, vector<16xf32>,
              %parallel_loop3A_997 = arith.mulf %parallel_loop3A_968, %parallel_loop3A_996 : vector<16xf32>
              %parallel_loop3A_998 = arith.mulf %parallel_loop3A_975, %parallel_loop3A_610 : vector<16xf32>
              %parallel_loop3A_999 = arith.addf %parallel_loop3A_997, %parallel_loop3A_998 : vector<16xf32>
              %parallel_loop3A_1000 = arith.constant 3 : i32
              %parallel_loop3A_1001 = vector.broadcast %parallel_loop3A_1000 : i32 to vector<16xi32>
              %parallel_loop3A_1002 = arith.muli %parallel_loop3A_1001, %parallel_loop3A_961 : vector<16xi32>
              %parallel_loop3A_1003 = arith.constant 2 : i32
              %parallel_loop3A_1004 = vector.broadcast %parallel_loop3A_1003 : i32 to vector<16xi32>
              %parallel_loop3A_1005 = arith.addi %parallel_loop3A_1002, %parallel_loop3A_1004 : vector<16xi32>
              %parallel_loop3A_1006 = arith.index_cast %parallel_loop3A_602 : i32 to index
              %parallel_loop3A_1007 = arith.constant 720 : index
              %parallel_loop3A_1008 = tpu.vector_load %arg14[%parallel_loop3A_1006, %parallel_loop3A_1007] {strides = array<i32>} : memref<16x768xf32, #tpu.memory_space<vmem>>, vector<16xf32>,
              %parallel_loop3A_1009 = arith.mulf %parallel_loop3A_968, %parallel_loop3A_1008 : vector<16xf32>
              %parallel_loop3A_1010 = arith.mulf %parallel_loop3A_975, %parallel_loop3A_613 : vector<16xf32>
              %parallel_loop3A_1011 = arith.addf %parallel_loop3A_1009, %parallel_loop3A_1010 : vector<16xf32>
              %parallel_loop3A_1012 = arith.constant 96 : i32
              %parallel_loop3A_1013 = vector.broadcast %parallel_loop3A_1012 : i32 to vector<16xi32>
              %parallel_loop3A_1014 = arith.addi %parallel_loop3A_1013, %iota3A : vector<16xi32>
              %parallel_loop3A_1015 = arith.index_cast %parallel_loop3A_602 : i32 to index
              %parallel_loop3A_1016 = arith.constant 96 : index
              %parallel_loop3A_1017 = tpu.vector_load %arg14[%parallel_loop3A_1015, %parallel_loop3A_1016] {strides = array<i32>} : memref<16x768xf32, #tpu.memory_space<vmem>>, vector<16xf32>,
              %parallel_loop3A_1018 = arith.index_cast %parallel_loop3A_602 : i32 to index
              %parallel_loop3A_1019 = arith.constant 96 : index
              %parallel_loop3A_1020 = tpu.vector_load %arg16[%parallel_loop3A_1018, %parallel_loop3A_1019] {strides = array<i32>} : memref<16x512xf32, #tpu.memory_space<vmem>>, vector<16xf32>,
              %parallel_loop3A_1021 = arith.mulf %parallel_loop3A_1017, %parallel_loop3A_1020 : vector<16xf32>
              %parallel_loop3A_1022 = arith.index_cast %parallel_loop3A_602 : i32 to index
              %parallel_loop3A_1023 = arith.constant 352 : index
              %parallel_loop3A_1024 = tpu.vector_load %arg14[%parallel_loop3A_1022, %parallel_loop3A_1023] {strides = array<i32>} : memref<16x768xf32, #tpu.memory_space<vmem>>, vector<16xf32>,
              %parallel_loop3A_1025 = arith.index_cast %parallel_loop3A_602 : i32 to index
              %parallel_loop3A_1026 = arith.constant 352 : index
              %parallel_loop3A_1027 = tpu.vector_load %arg16[%parallel_loop3A_1025, %parallel_loop3A_1026] {strides = array<i32>} : memref<16x512xf32, #tpu.memory_space<vmem>>, vector<16xf32>,
              %parallel_loop3A_1028 = arith.mulf %parallel_loop3A_1024, %parallel_loop3A_1027 : vector<16xf32>
              %parallel_loop3A_1029 = arith.constant 3 : i32
              %parallel_loop3A_1030 = vector.broadcast %parallel_loop3A_1029 : i32 to vector<16xi32>
              %parallel_loop3A_1031 = arith.muli %parallel_loop3A_1030, %parallel_loop3A_1014 : vector<16xi32>
              %parallel_loop3A_1032 = arith.constant 0 : i32
              %parallel_loop3A_1033 = vector.broadcast %parallel_loop3A_1032 : i32 to vector<16xi32>
              %parallel_loop3A_1034 = arith.addi %parallel_loop3A_1031, %parallel_loop3A_1033 : vector<16xi32>
              %parallel_loop3A_1035 = arith.index_cast %parallel_loop3A_602 : i32 to index
              %parallel_loop3A_1036 = arith.constant 480 : index
              %parallel_loop3A_1037 = tpu.vector_load %arg14[%parallel_loop3A_1035, %parallel_loop3A_1036] {strides = array<i32>} : memref<16x768xf32, #tpu.memory_space<vmem>>, vector<16xf32>,
              %parallel_loop3A_1038 = arith.mulf %parallel_loop3A_1021, %parallel_loop3A_1037 : vector<16xf32>
              %parallel_loop3A_1039 = arith.mulf %parallel_loop3A_1028, %parallel_loop3A_607 : vector<16xf32>
              %parallel_loop3A_1040 = arith.addf %parallel_loop3A_1038, %parallel_loop3A_1039 : vector<16xf32>
              %parallel_loop3A_1041 = arith.constant 3 : i32
              %parallel_loop3A_1042 = vector.broadcast %parallel_loop3A_1041 : i32 to vector<16xi32>
              %parallel_loop3A_1043 = arith.muli %parallel_loop3A_1042, %parallel_loop3A_1014 : vector<16xi32>
              %parallel_loop3A_1044 = arith.constant 1 : i32
              %parallel_loop3A_1045 = vector.broadcast %parallel_loop3A_1044 : i32 to vector<16xi32>
              %parallel_loop3A_1046 = arith.addi %parallel_loop3A_1043, %parallel_loop3A_1045 : vector<16xi32>
              %parallel_loop3A_1047 = arith.index_cast %parallel_loop3A_602 : i32 to index
              %parallel_loop3A_1048 = arith.constant 608 : index
              %parallel_loop3A_1049 = tpu.vector_load %arg14[%parallel_loop3A_1047, %parallel_loop3A_1048] {strides = array<i32>} : memref<16x768xf32, #tpu.memory_space<vmem>>, vector<16xf32>,
              %parallel_loop3A_1050 = arith.mulf %parallel_loop3A_1021, %parallel_loop3A_1049 : vector<16xf32>
              %parallel_loop3A_1051 = arith.mulf %parallel_loop3A_1028, %parallel_loop3A_610 : vector<16xf32>
              %parallel_loop3A_1052 = arith.addf %parallel_loop3A_1050, %parallel_loop3A_1051 : vector<16xf32>
              %parallel_loop3A_1053 = arith.constant 3 : i32
              %parallel_loop3A_1054 = vector.broadcast %parallel_loop3A_1053 : i32 to vector<16xi32>
              %parallel_loop3A_1055 = arith.muli %parallel_loop3A_1054, %parallel_loop3A_1014 : vector<16xi32>
              %parallel_loop3A_1056 = arith.constant 2 : i32
              %parallel_loop3A_1057 = vector.broadcast %parallel_loop3A_1056 : i32 to vector<16xi32>
              %parallel_loop3A_1058 = arith.addi %parallel_loop3A_1055, %parallel_loop3A_1057 : vector<16xi32>
              %parallel_loop3A_1059 = arith.index_cast %parallel_loop3A_602 : i32 to index
              %parallel_loop3A_1060 = arith.constant 736 : index
              %parallel_loop3A_1061 = tpu.vector_load %arg14[%parallel_loop3A_1059, %parallel_loop3A_1060] {strides = array<i32>} : memref<16x768xf32, #tpu.memory_space<vmem>>, vector<16xf32>,
              %parallel_loop3A_1062 = arith.mulf %parallel_loop3A_1021, %parallel_loop3A_1061 : vector<16xf32>
              %parallel_loop3A_1063 = arith.mulf %parallel_loop3A_1028, %parallel_loop3A_613 : vector<16xf32>
              %parallel_loop3A_1064 = arith.addf %parallel_loop3A_1062, %parallel_loop3A_1063 : vector<16xf32>
              %parallel_loop3A_1065 = arith.constant 112 : i32
              %parallel_loop3A_1066 = vector.broadcast %parallel_loop3A_1065 : i32 to vector<16xi32>
              %parallel_loop3A_1067 = arith.addi %parallel_loop3A_1066, %iota3A : vector<16xi32>
              %parallel_loop3A_1068 = arith.index_cast %parallel_loop3A_602 : i32 to index
              %parallel_loop3A_1069 = arith.constant 112 : index
              %parallel_loop3A_1070 = tpu.vector_load %arg14[%parallel_loop3A_1068, %parallel_loop3A_1069] {strides = array<i32>} : memref<16x768xf32, #tpu.memory_space<vmem>>, vector<16xf32>,
              %parallel_loop3A_1071 = arith.index_cast %parallel_loop3A_602 : i32 to index
              %parallel_loop3A_1072 = arith.constant 112 : index
              %parallel_loop3A_1073 = tpu.vector_load %arg16[%parallel_loop3A_1071, %parallel_loop3A_1072] {strides = array<i32>} : memref<16x512xf32, #tpu.memory_space<vmem>>, vector<16xf32>,
              %parallel_loop3A_1074 = arith.mulf %parallel_loop3A_1070, %parallel_loop3A_1073 : vector<16xf32>
              %parallel_loop3A_1075 = arith.index_cast %parallel_loop3A_602 : i32 to index
              %parallel_loop3A_1076 = arith.constant 368 : index
              %parallel_loop3A_1077 = tpu.vector_load %arg14[%parallel_loop3A_1075, %parallel_loop3A_1076] {strides = array<i32>} : memref<16x768xf32, #tpu.memory_space<vmem>>, vector<16xf32>,
              %parallel_loop3A_1078 = arith.index_cast %parallel_loop3A_602 : i32 to index
              %parallel_loop3A_1079 = arith.constant 368 : index
              %parallel_loop3A_1080 = tpu.vector_load %arg16[%parallel_loop3A_1078, %parallel_loop3A_1079] {strides = array<i32>} : memref<16x512xf32, #tpu.memory_space<vmem>>, vector<16xf32>,
              %parallel_loop3A_1081 = arith.mulf %parallel_loop3A_1077, %parallel_loop3A_1080 : vector<16xf32>
              %parallel_loop3A_1082 = arith.constant 3 : i32
              %parallel_loop3A_1083 = vector.broadcast %parallel_loop3A_1082 : i32 to vector<16xi32>
              %parallel_loop3A_1084 = arith.muli %parallel_loop3A_1083, %parallel_loop3A_1067 : vector<16xi32>
              %parallel_loop3A_1085 = arith.constant 0 : i32
              %parallel_loop3A_1086 = vector.broadcast %parallel_loop3A_1085 : i32 to vector<16xi32>
              %parallel_loop3A_1087 = arith.addi %parallel_loop3A_1084, %parallel_loop3A_1086 : vector<16xi32>
              %parallel_loop3A_1088 = arith.index_cast %parallel_loop3A_602 : i32 to index
              %parallel_loop3A_1089 = arith.constant 496 : index
              %parallel_loop3A_1090 = tpu.vector_load %arg14[%parallel_loop3A_1088, %parallel_loop3A_1089] {strides = array<i32>} : memref<16x768xf32, #tpu.memory_space<vmem>>, vector<16xf32>,
              %parallel_loop3A_1091 = arith.mulf %parallel_loop3A_1074, %parallel_loop3A_1090 : vector<16xf32>
              %parallel_loop3A_1092 = arith.mulf %parallel_loop3A_1081, %parallel_loop3A_607 : vector<16xf32>
              %parallel_loop3A_1093 = arith.addf %parallel_loop3A_1091, %parallel_loop3A_1092 : vector<16xf32>
              %parallel_loop3A_1094 = arith.constant 3 : i32
              %parallel_loop3A_1095 = vector.broadcast %parallel_loop3A_1094 : i32 to vector<16xi32>
              %parallel_loop3A_1096 = arith.muli %parallel_loop3A_1095, %parallel_loop3A_1067 : vector<16xi32>
              %parallel_loop3A_1097 = arith.constant 1 : i32
              %parallel_loop3A_1098 = vector.broadcast %parallel_loop3A_1097 : i32 to vector<16xi32>
              %parallel_loop3A_1099 = arith.addi %parallel_loop3A_1096, %parallel_loop3A_1098 : vector<16xi32>
              %parallel_loop3A_1100 = arith.index_cast %parallel_loop3A_602 : i32 to index
              %parallel_loop3A_1101 = arith.constant 624 : index
              %parallel_loop3A_1102 = tpu.vector_load %arg14[%parallel_loop3A_1100, %parallel_loop3A_1101] {strides = array<i32>} : memref<16x768xf32, #tpu.memory_space<vmem>>, vector<16xf32>,
              %parallel_loop3A_1103 = arith.mulf %parallel_loop3A_1074, %parallel_loop3A_1102 : vector<16xf32>
              %parallel_loop3A_1104 = arith.mulf %parallel_loop3A_1081, %parallel_loop3A_610 : vector<16xf32>
              %parallel_loop3A_1105 = arith.addf %parallel_loop3A_1103, %parallel_loop3A_1104 : vector<16xf32>
              %parallel_loop3A_1106 = arith.constant 3 : i32
              %parallel_loop3A_1107 = vector.broadcast %parallel_loop3A_1106 : i32 to vector<16xi32>
              %parallel_loop3A_1108 = arith.muli %parallel_loop3A_1107, %parallel_loop3A_1067 : vector<16xi32>
              %parallel_loop3A_1109 = arith.constant 2 : i32
              %parallel_loop3A_1110 = vector.broadcast %parallel_loop3A_1109 : i32 to vector<16xi32>
              %parallel_loop3A_1111 = arith.addi %parallel_loop3A_1108, %parallel_loop3A_1110 : vector<16xi32>
              %parallel_loop3A_1112 = arith.index_cast %parallel_loop3A_602 : i32 to index
              %parallel_loop3A_1113 = arith.constant 752 : index
              %parallel_loop3A_1114 = tpu.vector_load %arg14[%parallel_loop3A_1112, %parallel_loop3A_1113] {strides = array<i32>} : memref<16x768xf32, #tpu.memory_space<vmem>>, vector<16xf32>,
              %parallel_loop3A_1115 = arith.mulf %parallel_loop3A_1074, %parallel_loop3A_1114 : vector<16xf32>
              %parallel_loop3A_1116 = arith.mulf %parallel_loop3A_1081, %parallel_loop3A_613 : vector<16xf32>
              %parallel_loop3A_1117 = arith.addf %parallel_loop3A_1115, %parallel_loop3A_1116 : vector<16xf32>
              tpu.vector_store_idx %arg7[%parallel_loop3A_604, %parallel_loop3A_928], %parallel_loop3A_934 {add = true} : memref<128x512xf32, #tpu.memory_space<vmem>>[vector<16xi32>, vector<16xi32>], vector<16xf32>,
              tpu.vector_store_idx %arg7[%parallel_loop3A_604, %parallel_loop3A_940], %parallel_loop3A_946 {add = true} : memref<128x512xf32, #tpu.memory_space<vmem>>[vector<16xi32>, vector<16xi32>], vector<16xf32>,
              tpu.vector_store_idx %arg7[%parallel_loop3A_604, %parallel_loop3A_952], %parallel_loop3A_958 {add = true} : memref<128x512xf32, #tpu.memory_space<vmem>>[vector<16xi32>, vector<16xi32>], vector<16xf32>,
              tpu.vector_store_idx %arg7[%parallel_loop3A_604, %parallel_loop3A_981], %parallel_loop3A_987 {add = true} : memref<128x512xf32, #tpu.memory_space<vmem>>[vector<16xi32>, vector<16xi32>], vector<16xf32>,
              tpu.vector_store_idx %arg7[%parallel_loop3A_604, %parallel_loop3A_993], %parallel_loop3A_999 {add = true} : memref<128x512xf32, #tpu.memory_space<vmem>>[vector<16xi32>, vector<16xi32>], vector<16xf32>,
              tpu.vector_store_idx %arg7[%parallel_loop3A_604, %parallel_loop3A_1005], %parallel_loop3A_1011 {add = true} : memref<128x512xf32, #tpu.memory_space<vmem>>[vector<16xi32>, vector<16xi32>], vector<16xf32>,
              tpu.vector_store_idx %arg7[%parallel_loop3A_604, %parallel_loop3A_1034], %parallel_loop3A_1040 {add = true} : memref<128x512xf32, #tpu.memory_space<vmem>>[vector<16xi32>, vector<16xi32>], vector<16xf32>,
              tpu.vector_store_idx %arg7[%parallel_loop3A_604, %parallel_loop3A_1046], %parallel_loop3A_1052 {add = true} : memref<128x512xf32, #tpu.memory_space<vmem>>[vector<16xi32>, vector<16xi32>], vector<16xf32>,
              tpu.vector_store_idx %arg7[%parallel_loop3A_604, %parallel_loop3A_1058], %parallel_loop3A_1064 {add = true} : memref<128x512xf32, #tpu.memory_space<vmem>>[vector<16xi32>, vector<16xi32>], vector<16xf32>,
              tpu.vector_store_idx %arg7[%parallel_loop3A_604, %parallel_loop3A_1087], %parallel_loop3A_1093 {add = true} : memref<128x512xf32, #tpu.memory_space<vmem>>[vector<16xi32>, vector<16xi32>], vector<16xf32>,
              tpu.vector_store_idx %arg7[%parallel_loop3A_604, %parallel_loop3A_1099], %parallel_loop3A_1105 {add = true} : memref<128x512xf32, #tpu.memory_space<vmem>>[vector<16xi32>, vector<16xi32>], vector<16xf32>,
              tpu.vector_store_idx %arg7[%parallel_loop3A_604, %parallel_loop3A_1111], %parallel_loop3A_1117 {add = true} : memref<128x512xf32, #tpu.memory_space<vmem>>[vector<16xi32>, vector<16xi32>], vector<16xf32>,
            } {sc.loop_unroll_factor = 1 : i64, sc.parallel_access}
          } else {
          }
          %add3A_549 = arith.constant 32 : i32
          %add3A_550 = arith.addi %while3A_431, %add3A_549 : i32
          %get3A_551 = arith.index_cast %add3A_550 : i32 to index
          %get3A_552 = tpu.vector_load %arg12[%get3A_551] {strides = array<i32>} : memref<4080xi32, #tpu.memory_space<vmem>>, vector<16xi32>,
          %ge3A_553 = arith.constant 0 : i32
          %ge3A_554 = vector.broadcast %ge3A_553 : i32 to vector<16xi32>
          %ge3A_555 = arith.cmpi sge, %get3A_552, %ge3A_554 : vector<16xi32>
          %reduce_or3A_556 = arith.constant 1.000000e+00 : f32
          %reduce_or3A_557 = arith.constant 0.000000e+00 : f32
          %reduce_or3A_558 = vector.broadcast %reduce_or3A_556 : f32 to vector<16xf32>
          %reduce_or3A_559 = vector.broadcast %reduce_or3A_557 : f32 to vector<16xf32>
          %reduce_or3A_560 = arith.select %ge3A_555, %reduce_or3A_558, %reduce_or3A_559 : vector<16xi1>, vector<16xf32>
          %reduce_or3A_561 = arith.constant true
          %reduce_or3A_562 = vector.broadcast %reduce_or3A_561 : i1 to vector<16xi1>
          %reduce_or3A_563 = tpu.scan <max>, %reduce_or3A_560 masked %reduce_or3A_562 : vector<16xf32>, vector<16xi1> -> vector<16xf32>
          %reduce_or3A_564 = vector.extract %reduce_or3A_563[15] : f32 from vector<16xf32>
          %reduce_or3A_565 = arith.constant 0.000000e+00 : f32
          %reduce_or3A_566 = arith.cmpf ogt, %reduce_or3A_564, %reduce_or3A_565 : f32
          %add3A_567 = arith.constant 48 : i32
          %add3A_568 = arith.addi %while3A_431, %add3A_567 : i32
          %get3A_569 = arith.index_cast %add3A_568 : i32 to index
          %get3A_570 = tpu.vector_load %arg12[%get3A_569] {strides = array<i32>} : memref<4080xi32, #tpu.memory_space<vmem>>, vector<16xi32>,
          %ge3A_571 = arith.constant 0 : i32
          %ge3A_572 = vector.broadcast %ge3A_571 : i32 to vector<16xi32>
          %ge3A_573 = arith.cmpi sge, %get3A_570, %ge3A_572 : vector<16xi32>
          %reduce_or3A_574 = arith.constant 1.000000e+00 : f32
          %reduce_or3A_575 = arith.constant 0.000000e+00 : f32
          %reduce_or3A_576 = vector.broadcast %reduce_or3A_574 : f32 to vector<16xf32>
          %reduce_or3A_577 = vector.broadcast %reduce_or3A_575 : f32 to vector<16xf32>
          %reduce_or3A_578 = arith.select %ge3A_573, %reduce_or3A_576, %reduce_or3A_577 : vector<16xi1>, vector<16xf32>
          %reduce_or3A_579 = arith.constant true
          %reduce_or3A_580 = vector.broadcast %reduce_or3A_579 : i1 to vector<16xi1>
          %reduce_or3A_581 = tpu.scan <max>, %reduce_or3A_578 masked %reduce_or3A_580 : vector<16xf32>, vector<16xi1> -> vector<16xf32>
          %reduce_or3A_582 = vector.extract %reduce_or3A_581[15] : f32 from vector<16xf32>
          %reduce_or3A_583 = arith.constant 0.000000e+00 : f32
          %reduce_or3A_584 = arith.cmpf ogt, %reduce_or3A_582, %reduce_or3A_583 : f32
          %or3A = arith.ori %reduce_or3A_566, %reduce_or3A_584 : i1
          %add3A_585 = arith.constant 32 : i32
          %add3A_586 = arith.addi %while3A_431, %add3A_585 : i32
          scf.yield %add3A_586, %or3A : i32, i1
        }
        %scan3A_430 = arith.constant 0 : i32
        scf.yield %scan3A_430 : i32
      }
      %scan3A_47 = arith.constant 20 : i32
      %dma_wait3A = arith.constant 0 : i32
      %dma_wait3A_48 = tpu.memref_slice %arg4[%dma_wait3A] : memref<160000xi32, #tpu.memory_space<hbm>> -> memref<4000xi32, #tpu.memory_space<hbm>>
      %dma_wait3A_49 = arith.constant 0 : i32
      %dma_wait3A_50 = tpu.memref_slice %arg4[%dma_wait3A_49] : memref<160000xi32, #tpu.memory_space<hbm>> -> memref<4000xi32, #tpu.memory_space<hbm>>
      tpu.wait_dma2 semaphore(%arg26 : memref<!tpu.dma_semaphore, #tpu.memory_space<semaphore_mem>>) src(%dma_wait3A_50 : memref<4000xi32, #tpu.memory_space<hbm>>) dst(%arg8 : memref<4000xi32, #tpu.memory_space<vmem>>)
      %dma_wait3A_51 = arith.constant 0 : i32
      %dma_wait3A_52 = tpu.memref_slice %arg5[%dma_wait3A_51] : memref<160000xi32, #tpu.memory_space<hbm>> -> memref<4000xi32, #tpu.memory_space<hbm>>
      %dma_wait3A_53 = arith.constant 0 : i32
      %dma_wait3A_54 = tpu.memref_slice %arg5[%dma_wait3A_53] : memref<160000xi32, #tpu.memory_space<hbm>> -> memref<4000xi32, #tpu.memory_space<hbm>>
      tpu.wait_dma2 semaphore(%arg26 : memref<!tpu.dma_semaphore, #tpu.memory_space<semaphore_mem>>) src(%dma_wait3A_54 : memref<4000xi32, #tpu.memory_space<hbm>>) dst(%arg9 : memref<4000xi32, #tpu.memory_space<vmem>>)
      %add3A_55 = arith.constant 0 : i32
      %add3A_56 = arith.addi %mul3A_14, %add3A_55 : i32
      %dma_start3A_57 = arith.constant 0 : i32
      %dma_start3A_58 = arith.constant 0 : i32
      %dma_start3A_59 = tpu.memref_slice %arg7[%dma_start3A_57, %dma_start3A_58] : memref<128x512xf32, #tpu.memory_space<vmem>> -> memref<16x512xf32, #tpu.memory_space<vmem>>
      %dma_start3A_60 = arith.constant 0 : i32
      %dma_start3A_61 = tpu.memref_slice %arg6[%add3A_56, %dma_start3A_60] : memref<10752x512xf32, #tpu.memory_space<hbm>> -> memref<16x512xf32, #tpu.memory_space<hbm>>
      %dma_start3A_62 = arith.constant 0 : i32
      %dma_start3A_63 = tpu.memref_slice %arg6[%add3A_56, %dma_start3A_62] : memref<10752x512xf32, #tpu.memory_space<hbm>> -> memref<16x512xf32, #tpu.memory_space<hbm>>
      %dma_start3A_64 = arith.constant 0 : i32
      %dma_start3A_65 = arith.constant 0 : i32
      %dma_start3A_66 = tpu.memref_slice %arg7[%dma_start3A_64, %dma_start3A_65] : memref<128x512xf32, #tpu.memory_space<vmem>> -> memref<16x512xf32, #tpu.memory_space<vmem>>
      tpu.enqueue_dma source(%dma_start3A_66 : memref<16x512xf32, #tpu.memory_space<vmem>>) target(%dma_start3A_63 : memref<16x512xf32, #tpu.memory_space<hbm>>) target_semaphore(%arg25 : memref<!tpu.dma_semaphore, #tpu.memory_space<semaphore_mem>>)
      %add3A_67 = arith.constant 16 : i32
      %add3A_68 = arith.addi %mul3A_14, %add3A_67 : i32
      %dma_start3A_69 = arith.constant 16 : i32
      %dma_start3A_70 = arith.constant 0 : i32
      %dma_start3A_71 = tpu.memref_slice %arg7[%dma_start3A_69, %dma_start3A_70] : memref<128x512xf32, #tpu.memory_space<vmem>> -> memref<16x512xf32, #tpu.memory_space<vmem>>
      %dma_start3A_72 = arith.constant 0 : i32
      %dma_start3A_73 = tpu.memref_slice %arg6[%add3A_68, %dma_start3A_72] : memref<10752x512xf32, #tpu.memory_space<hbm>> -> memref<16x512xf32, #tpu.memory_space<hbm>>
      %dma_start3A_74 = arith.constant 0 : i32
      %dma_start3A_75 = tpu.memref_slice %arg6[%add3A_68, %dma_start3A_74] : memref<10752x512xf32, #tpu.memory_space<hbm>> -> memref<16x512xf32, #tpu.memory_space<hbm>>
      %dma_start3A_76 = arith.constant 16 : i32
      %dma_start3A_77 = arith.constant 0 : i32
      %dma_start3A_78 = tpu.memref_slice %arg7[%dma_start3A_76, %dma_start3A_77] : memref<128x512xf32, #tpu.memory_space<vmem>> -> memref<16x512xf32, #tpu.memory_space<vmem>>
      tpu.enqueue_dma source(%dma_start3A_78 : memref<16x512xf32, #tpu.memory_space<vmem>>) target(%dma_start3A_75 : memref<16x512xf32, #tpu.memory_space<hbm>>) target_semaphore(%arg25 : memref<!tpu.dma_semaphore, #tpu.memory_space<semaphore_mem>>)
      %add3A_79 = arith.constant 32 : i32
      %add3A_80 = arith.addi %mul3A_14, %add3A_79 : i32
      %dma_start3A_81 = arith.constant 32 : i32
      %dma_start3A_82 = arith.constant 0 : i32
      %dma_start3A_83 = tpu.memref_slice %arg7[%dma_start3A_81, %dma_start3A_82] : memref<128x512xf32, #tpu.memory_space<vmem>> -> memref<16x512xf32, #tpu.memory_space<vmem>>
      %dma_start3A_84 = arith.constant 0 : i32
      %dma_start3A_85 = tpu.memref_slice %arg6[%add3A_80, %dma_start3A_84] : memref<10752x512xf32, #tpu.memory_space<hbm>> -> memref<16x512xf32, #tpu.memory_space<hbm>>
      %dma_start3A_86 = arith.constant 0 : i32
      %dma_start3A_87 = tpu.memref_slice %arg6[%add3A_80, %dma_start3A_86] : memref<10752x512xf32, #tpu.memory_space<hbm>> -> memref<16x512xf32, #tpu.memory_space<hbm>>
      %dma_start3A_88 = arith.constant 32 : i32
      %dma_start3A_89 = arith.constant 0 : i32
      %dma_start3A_90 = tpu.memref_slice %arg7[%dma_start3A_88, %dma_start3A_89] : memref<128x512xf32, #tpu.memory_space<vmem>> -> memref<16x512xf32, #tpu.memory_space<vmem>>
      tpu.enqueue_dma source(%dma_start3A_90 : memref<16x512xf32, #tpu.memory_space<vmem>>) target(%dma_start3A_87 : memref<16x512xf32, #tpu.memory_space<hbm>>) target_semaphore(%arg25 : memref<!tpu.dma_semaphore, #tpu.memory_space<semaphore_mem>>)
      %add3A_91 = arith.constant 48 : i32
      %add3A_92 = arith.addi %mul3A_14, %add3A_91 : i32
      %dma_start3A_93 = arith.constant 48 : i32
      %dma_start3A_94 = arith.constant 0 : i32
      %dma_start3A_95 = tpu.memref_slice %arg7[%dma_start3A_93, %dma_start3A_94] : memref<128x512xf32, #tpu.memory_space<vmem>> -> memref<16x512xf32, #tpu.memory_space<vmem>>
      %dma_start3A_96 = arith.constant 0 : i32
      %dma_start3A_97 = tpu.memref_slice %arg6[%add3A_92, %dma_start3A_96] : memref<10752x512xf32, #tpu.memory_space<hbm>> -> memref<16x512xf32, #tpu.memory_space<hbm>>
      %dma_start3A_98 = arith.constant 0 : i32
      %dma_start3A_99 = tpu.memref_slice %arg6[%add3A_92, %dma_start3A_98] : memref<10752x512xf32, #tpu.memory_space<hbm>> -> memref<16x512xf32, #tpu.memory_space<hbm>>
      %dma_start3A_100 = arith.constant 48 : i32
      %dma_start3A_101 = arith.constant 0 : i32
      %dma_start3A_102 = tpu.memref_slice %arg7[%dma_start3A_100, %dma_start3A_101] : memref<128x512xf32, #tpu.memory_space<vmem>> -> memref<16x512xf32, #tpu.memory_space<vmem>>
      tpu.enqueue_dma source(%dma_start3A_102 : memref<16x512xf32, #tpu.memory_space<vmem>>) target(%dma_start3A_99 : memref<16x512xf32, #tpu.memory_space<hbm>>) target_semaphore(%arg25 : memref<!tpu.dma_semaphore, #tpu.memory_space<semaphore_mem>>)
      %add3A_103 = arith.constant 64 : i32
      %add3A_104 = arith.addi %mul3A_14, %add3A_103 : i32
      %dma_start3A_105 = arith.constant 64 : i32
      %dma_start3A_106 = arith.constant 0 : i32
      %dma_start3A_107 = tpu.memref_slice %arg7[%dma_start3A_105, %dma_start3A_106] : memref<128x512xf32, #tpu.memory_space<vmem>> -> memref<16x512xf32, #tpu.memory_space<vmem>>
      %dma_start3A_108 = arith.constant 0 : i32
      %dma_start3A_109 = tpu.memref_slice %arg6[%add3A_104, %dma_start3A_108] : memref<10752x512xf32, #tpu.memory_space<hbm>> -> memref<16x512xf32, #tpu.memory_space<hbm>>
      %dma_start3A_110 = arith.constant 0 : i32
      %dma_start3A_111 = tpu.memref_slice %arg6[%add3A_104, %dma_start3A_110] : memref<10752x512xf32, #tpu.memory_space<hbm>> -> memref<16x512xf32, #tpu.memory_space<hbm>>
      %dma_start3A_112 = arith.constant 64 : i32
      %dma_start3A_113 = arith.constant 0 : i32
      %dma_start3A_114 = tpu.memref_slice %arg7[%dma_start3A_112, %dma_start3A_113] : memref<128x512xf32, #tpu.memory_space<vmem>> -> memref<16x512xf32, #tpu.memory_space<vmem>>
      tpu.enqueue_dma source(%dma_start3A_114 : memref<16x512xf32, #tpu.memory_space<vmem>>) target(%dma_start3A_111 : memref<16x512xf32, #tpu.memory_space<hbm>>) target_semaphore(%arg25 : memref<!tpu.dma_semaphore, #tpu.memory_space<semaphore_mem>>)
      %add3A_115 = arith.constant 80 : i32
      %add3A_116 = arith.addi %mul3A_14, %add3A_115 : i32
      %dma_start3A_117 = arith.constant 80 : i32
      %dma_start3A_118 = arith.constant 0 : i32
      %dma_start3A_119 = tpu.memref_slice %arg7[%dma_start3A_117, %dma_start3A_118] : memref<128x512xf32, #tpu.memory_space<vmem>> -> memref<16x512xf32, #tpu.memory_space<vmem>>
      %dma_start3A_120 = arith.constant 0 : i32
      %dma_start3A_121 = tpu.memref_slice %arg6[%add3A_116, %dma_start3A_120] : memref<10752x512xf32, #tpu.memory_space<hbm>> -> memref<16x512xf32, #tpu.memory_space<hbm>>
      %dma_start3A_122 = arith.constant 0 : i32
      %dma_start3A_123 = tpu.memref_slice %arg6[%add3A_116, %dma_start3A_122] : memref<10752x512xf32, #tpu.memory_space<hbm>> -> memref<16x512xf32, #tpu.memory_space<hbm>>
      %dma_start3A_124 = arith.constant 80 : i32
      %dma_start3A_125 = arith.constant 0 : i32
      %dma_start3A_126 = tpu.memref_slice %arg7[%dma_start3A_124, %dma_start3A_125] : memref<128x512xf32, #tpu.memory_space<vmem>> -> memref<16x512xf32, #tpu.memory_space<vmem>>
      tpu.enqueue_dma source(%dma_start3A_126 : memref<16x512xf32, #tpu.memory_space<vmem>>) target(%dma_start3A_123 : memref<16x512xf32, #tpu.memory_space<hbm>>) target_semaphore(%arg25 : memref<!tpu.dma_semaphore, #tpu.memory_space<semaphore_mem>>)
      %add3A_127 = arith.constant 96 : i32
      %add3A_128 = arith.addi %mul3A_14, %add3A_127 : i32
      %dma_start3A_129 = arith.constant 96 : i32
      %dma_start3A_130 = arith.constant 0 : i32
      %dma_start3A_131 = tpu.memref_slice %arg7[%dma_start3A_129, %dma_start3A_130] : memref<128x512xf32, #tpu.memory_space<vmem>> -> memref<16x512xf32, #tpu.memory_space<vmem>>
      %dma_start3A_132 = arith.constant 0 : i32
      %dma_start3A_133 = tpu.memref_slice %arg6[%add3A_128, %dma_start3A_132] : memref<10752x512xf32, #tpu.memory_space<hbm>> -> memref<16x512xf32, #tpu.memory_space<hbm>>
      %dma_start3A_134 = arith.constant 0 : i32
      %dma_start3A_135 = tpu.memref_slice %arg6[%add3A_128, %dma_start3A_134] : memref<10752x512xf32, #tpu.memory_space<hbm>> -> memref<16x512xf32, #tpu.memory_space<hbm>>
      %dma_start3A_136 = arith.constant 96 : i32
      %dma_start3A_137 = arith.constant 0 : i32
      %dma_start3A_138 = tpu.memref_slice %arg7[%dma_start3A_136, %dma_start3A_137] : memref<128x512xf32, #tpu.memory_space<vmem>> -> memref<16x512xf32, #tpu.memory_space<vmem>>
      tpu.enqueue_dma source(%dma_start3A_138 : memref<16x512xf32, #tpu.memory_space<vmem>>) target(%dma_start3A_135 : memref<16x512xf32, #tpu.memory_space<hbm>>) target_semaphore(%arg25 : memref<!tpu.dma_semaphore, #tpu.memory_space<semaphore_mem>>)
      %get3A = arith.constant 0 : index
      %get3A_139 = tpu.vector_load %arg17[%get3A] {strides = array<i32>} : memref<16xi32, #tpu.memory_space<vmem>>, vector<16xi32>,
      %ne3A = arith.constant 112 : i32
      %ne3A_140 = vector.broadcast %ne3A : i32 to vector<16xi32>
      %ne3A_141 = arith.cmpi ne, %get3A_139, %ne3A_140 : vector<16xi32>
      %reduce_or3A = arith.constant 1.000000e+00 : f32
      %reduce_or3A_142 = arith.constant 0.000000e+00 : f32
      %reduce_or3A_143 = vector.broadcast %reduce_or3A : f32 to vector<16xf32>
      %reduce_or3A_144 = vector.broadcast %reduce_or3A_142 : f32 to vector<16xf32>
      %reduce_or3A_145 = arith.select %ne3A_141, %reduce_or3A_143, %reduce_or3A_144 : vector<16xi1>, vector<16xf32>
      %reduce_or3A_146 = arith.constant true
      %reduce_or3A_147 = vector.broadcast %reduce_or3A_146 : i1 to vector<16xi1>
      %reduce_or3A_148 = tpu.scan <max>, %reduce_or3A_145 masked %reduce_or3A_147 : vector<16xf32>, vector<16xi1> -> vector<16xf32>
      %reduce_or3A_149 = vector.extract %reduce_or3A_148[15] : f32 from vector<16xf32>
      %reduce_or3A_150 = arith.constant 0.000000e+00 : f32
      %reduce_or3A_151 = arith.cmpf ogt, %reduce_or3A_149, %reduce_or3A_150 : f32
      %convert_element_type3A = arith.extui %reduce_or3A_151 : i1 to i32
      %cond3A = arith.constant 0 : i32
      %cond3A_152 = arith.cmpi ne, %convert_element_type3A, %cond3A : i32
      scf.if %cond3A_152 {
        %dma_wait3A_224 = arith.constant 0 : i32
        %dma_wait3A_225 = arith.constant 0 : i32
        %dma_wait3A_226 = tpu.memref_slice %arg2[%dma_wait3A_224, %dma_wait3A_225] : memref<10000x768xf32, #tpu.memory_space<hbm>> -> memref<16x768xf32, #tpu.memory_space<hbm>>
        %dma_wait3A_227 = arith.constant 0 : i32
        %dma_wait3A_228 = arith.constant 0 : i32
        %dma_wait3A_229 = tpu.memref_slice %arg2[%dma_wait3A_227, %dma_wait3A_228] : memref<10000x768xf32, #tpu.memory_space<hbm>> -> memref<16x768xf32, #tpu.memory_space<hbm>>
        tpu.wait_dma2 semaphore(%arg23 : memref<!tpu.dma_semaphore, #tpu.memory_space<semaphore_mem>>) src(%dma_wait3A_229 : memref<16x768xf32, #tpu.memory_space<hbm>>) dst(%arg13 : memref<16x768xf32, #tpu.memory_space<vmem>>)
        %dma_wait3A_230 = arith.constant 0 : i32
        %dma_wait3A_231 = arith.constant 0 : i32
        %dma_wait3A_232 = tpu.memref_slice %arg3[%dma_wait3A_230, %dma_wait3A_231] : memref<160000x512xf32, #tpu.memory_space<hbm>> -> memref<16x512xf32, #tpu.memory_space<hbm>>
        %dma_wait3A_233 = arith.constant 0 : i32
        %dma_wait3A_234 = arith.constant 0 : i32
        %dma_wait3A_235 = tpu.memref_slice %arg3[%dma_wait3A_233, %dma_wait3A_234] : memref<160000x512xf32, #tpu.memory_space<hbm>> -> memref<16x512xf32, #tpu.memory_space<hbm>>
        tpu.wait_dma2 semaphore(%arg23 : memref<!tpu.dma_semaphore, #tpu.memory_space<semaphore_mem>>) src(%dma_wait3A_235 : memref<16x512xf32, #tpu.memory_space<hbm>>) dst(%arg15 : memref<16x512xf32, #tpu.memory_space<vmem>>)
      } else {
      }
      %dma_wait3A_153 = arith.constant 0 : i32
      %dma_wait3A_154 = arith.constant 0 : i32
      %dma_wait3A_155 = tpu.memref_slice %arg7[%dma_wait3A_153, %dma_wait3A_154] : memref<128x512xf32, #tpu.memory_space<vmem>> -> memref<16x512xf32, #tpu.memory_space<vmem>>
      %dma_wait3A_156 = arith.constant 0 : i32
      %dma_wait3A_157 = tpu.memref_slice %arg6[%add3A_56, %dma_wait3A_156] : memref<10752x512xf32, #tpu.memory_space<hbm>> -> memref<16x512xf32, #tpu.memory_space<hbm>>
      %dma_wait3A_158 = arith.constant 0 : i32
      %dma_wait3A_159 = tpu.memref_slice %arg6[%add3A_56, %dma_wait3A_158] : memref<10752x512xf32, #tpu.memory_space<hbm>> -> memref<16x512xf32, #tpu.memory_space<hbm>>
      %dma_wait3A_160 = arith.constant 0 : i32
      %dma_wait3A_161 = arith.constant 0 : i32
      %dma_wait3A_162 = tpu.memref_slice %arg7[%dma_wait3A_160, %dma_wait3A_161] : memref<128x512xf32, #tpu.memory_space<vmem>> -> memref<16x512xf32, #tpu.memory_space<vmem>>
      tpu.wait_dma2 semaphore(%arg25 : memref<!tpu.dma_semaphore, #tpu.memory_space<semaphore_mem>>) src(%dma_wait3A_162 : memref<16x512xf32, #tpu.memory_space<vmem>>) dst(%dma_wait3A_159 : memref<16x512xf32, #tpu.memory_space<hbm>>)
      %dma_wait3A_163 = arith.constant 16 : i32
      %dma_wait3A_164 = arith.constant 0 : i32
      %dma_wait3A_165 = tpu.memref_slice %arg7[%dma_wait3A_163, %dma_wait3A_164] : memref<128x512xf32, #tpu.memory_space<vmem>> -> memref<16x512xf32, #tpu.memory_space<vmem>>
      %dma_wait3A_166 = arith.constant 0 : i32
      %dma_wait3A_167 = tpu.memref_slice %arg6[%add3A_68, %dma_wait3A_166] : memref<10752x512xf32, #tpu.memory_space<hbm>> -> memref<16x512xf32, #tpu.memory_space<hbm>>
      %dma_wait3A_168 = arith.constant 0 : i32
      %dma_wait3A_169 = tpu.memref_slice %arg6[%add3A_68, %dma_wait3A_168] : memref<10752x512xf32, #tpu.memory_space<hbm>> -> memref<16x512xf32, #tpu.memory_space<hbm>>
      %dma_wait3A_170 = arith.constant 16 : i32
      %dma_wait3A_171 = arith.constant 0 : i32
      %dma_wait3A_172 = tpu.memref_slice %arg7[%dma_wait3A_170, %dma_wait3A_171] : memref<128x512xf32, #tpu.memory_space<vmem>> -> memref<16x512xf32, #tpu.memory_space<vmem>>
      tpu.wait_dma2 semaphore(%arg25 : memref<!tpu.dma_semaphore, #tpu.memory_space<semaphore_mem>>) src(%dma_wait3A_172 : memref<16x512xf32, #tpu.memory_space<vmem>>) dst(%dma_wait3A_169 : memref<16x512xf32, #tpu.memory_space<hbm>>)
      %dma_wait3A_173 = arith.constant 32 : i32
      %dma_wait3A_174 = arith.constant 0 : i32
      %dma_wait3A_175 = tpu.memref_slice %arg7[%dma_wait3A_173, %dma_wait3A_174] : memref<128x512xf32, #tpu.memory_space<vmem>> -> memref<16x512xf32, #tpu.memory_space<vmem>>
      %dma_wait3A_176 = arith.constant 0 : i32
      %dma_wait3A_177 = tpu.memref_slice %arg6[%add3A_80, %dma_wait3A_176] : memref<10752x512xf32, #tpu.memory_space<hbm>> -> memref<16x512xf32, #tpu.memory_space<hbm>>
      %dma_wait3A_178 = arith.constant 0 : i32
      %dma_wait3A_179 = tpu.memref_slice %arg6[%add3A_80, %dma_wait3A_178] : memref<10752x512xf32, #tpu.memory_space<hbm>> -> memref<16x512xf32, #tpu.memory_space<hbm>>
      %dma_wait3A_180 = arith.constant 32 : i32
      %dma_wait3A_181 = arith.constant 0 : i32
      %dma_wait3A_182 = tpu.memref_slice %arg7[%dma_wait3A_180, %dma_wait3A_181] : memref<128x512xf32, #tpu.memory_space<vmem>> -> memref<16x512xf32, #tpu.memory_space<vmem>>
      tpu.wait_dma2 semaphore(%arg25 : memref<!tpu.dma_semaphore, #tpu.memory_space<semaphore_mem>>) src(%dma_wait3A_182 : memref<16x512xf32, #tpu.memory_space<vmem>>) dst(%dma_wait3A_179 : memref<16x512xf32, #tpu.memory_space<hbm>>)
      %dma_wait3A_183 = arith.constant 48 : i32
      %dma_wait3A_184 = arith.constant 0 : i32
      %dma_wait3A_185 = tpu.memref_slice %arg7[%dma_wait3A_183, %dma_wait3A_184] : memref<128x512xf32, #tpu.memory_space<vmem>> -> memref<16x512xf32, #tpu.memory_space<vmem>>
      %dma_wait3A_186 = arith.constant 0 : i32
      %dma_wait3A_187 = tpu.memref_slice %arg6[%add3A_92, %dma_wait3A_186] : memref<10752x512xf32, #tpu.memory_space<hbm>> -> memref<16x512xf32, #tpu.memory_space<hbm>>
      %dma_wait3A_188 = arith.constant 0 : i32
      %dma_wait3A_189 = tpu.memref_slice %arg6[%add3A_92, %dma_wait3A_188] : memref<10752x512xf32, #tpu.memory_space<hbm>> -> memref<16x512xf32, #tpu.memory_space<hbm>>
      %dma_wait3A_190 = arith.constant 48 : i32
      %dma_wait3A_191 = arith.constant 0 : i32
      %dma_wait3A_192 = tpu.memref_slice %arg7[%dma_wait3A_190, %dma_wait3A_191] : memref<128x512xf32, #tpu.memory_space<vmem>> -> memref<16x512xf32, #tpu.memory_space<vmem>>
      tpu.wait_dma2 semaphore(%arg25 : memref<!tpu.dma_semaphore, #tpu.memory_space<semaphore_mem>>) src(%dma_wait3A_192 : memref<16x512xf32, #tpu.memory_space<vmem>>) dst(%dma_wait3A_189 : memref<16x512xf32, #tpu.memory_space<hbm>>)
      %dma_wait3A_193 = arith.constant 64 : i32
      %dma_wait3A_194 = arith.constant 0 : i32
      %dma_wait3A_195 = tpu.memref_slice %arg7[%dma_wait3A_193, %dma_wait3A_194] : memref<128x512xf32, #tpu.memory_space<vmem>> -> memref<16x512xf32, #tpu.memory_space<vmem>>
      %dma_wait3A_196 = arith.constant 0 : i32
      %dma_wait3A_197 = tpu.memref_slice %arg6[%add3A_104, %dma_wait3A_196] : memref<10752x512xf32, #tpu.memory_space<hbm>> -> memref<16x512xf32, #tpu.memory_space<hbm>>
      %dma_wait3A_198 = arith.constant 0 : i32
      %dma_wait3A_199 = tpu.memref_slice %arg6[%add3A_104, %dma_wait3A_198] : memref<10752x512xf32, #tpu.memory_space<hbm>> -> memref<16x512xf32, #tpu.memory_space<hbm>>
      %dma_wait3A_200 = arith.constant 64 : i32
      %dma_wait3A_201 = arith.constant 0 : i32
      %dma_wait3A_202 = tpu.memref_slice %arg7[%dma_wait3A_200, %dma_wait3A_201] : memref<128x512xf32, #tpu.memory_space<vmem>> -> memref<16x512xf32, #tpu.memory_space<vmem>>
      tpu.wait_dma2 semaphore(%arg25 : memref<!tpu.dma_semaphore, #tpu.memory_space<semaphore_mem>>) src(%dma_wait3A_202 : memref<16x512xf32, #tpu.memory_space<vmem>>) dst(%dma_wait3A_199 : memref<16x512xf32, #tpu.memory_space<hbm>>)
      %dma_wait3A_203 = arith.constant 80 : i32
      %dma_wait3A_204 = arith.constant 0 : i32
      %dma_wait3A_205 = tpu.memref_slice %arg7[%dma_wait3A_203, %dma_wait3A_204] : memref<128x512xf32, #tpu.memory_space<vmem>> -> memref<16x512xf32, #tpu.memory_space<vmem>>
      %dma_wait3A_206 = arith.constant 0 : i32
      %dma_wait3A_207 = tpu.memref_slice %arg6[%add3A_116, %dma_wait3A_206] : memref<10752x512xf32, #tpu.memory_space<hbm>> -> memref<16x512xf32, #tpu.memory_space<hbm>>
      %dma_wait3A_208 = arith.constant 0 : i32
      %dma_wait3A_209 = tpu.memref_slice %arg6[%add3A_116, %dma_wait3A_208] : memref<10752x512xf32, #tpu.memory_space<hbm>> -> memref<16x512xf32, #tpu.memory_space<hbm>>
      %dma_wait3A_210 = arith.constant 80 : i32
      %dma_wait3A_211 = arith.constant 0 : i32
      %dma_wait3A_212 = tpu.memref_slice %arg7[%dma_wait3A_210, %dma_wait3A_211] : memref<128x512xf32, #tpu.memory_space<vmem>> -> memref<16x512xf32, #tpu.memory_space<vmem>>
      tpu.wait_dma2 semaphore(%arg25 : memref<!tpu.dma_semaphore, #tpu.memory_space<semaphore_mem>>) src(%dma_wait3A_212 : memref<16x512xf32, #tpu.memory_space<vmem>>) dst(%dma_wait3A_209 : memref<16x512xf32, #tpu.memory_space<hbm>>)
      %dma_wait3A_213 = arith.constant 96 : i32
      %dma_wait3A_214 = arith.constant 0 : i32
      %dma_wait3A_215 = tpu.memref_slice %arg7[%dma_wait3A_213, %dma_wait3A_214] : memref<128x512xf32, #tpu.memory_space<vmem>> -> memref<16x512xf32, #tpu.memory_space<vmem>>
      %dma_wait3A_216 = arith.constant 0 : i32
      %dma_wait3A_217 = tpu.memref_slice %arg6[%add3A_128, %dma_wait3A_216] : memref<10752x512xf32, #tpu.memory_space<hbm>> -> memref<16x512xf32, #tpu.memory_space<hbm>>
      %dma_wait3A_218 = arith.constant 0 : i32
      %dma_wait3A_219 = tpu.memref_slice %arg6[%add3A_128, %dma_wait3A_218] : memref<10752x512xf32, #tpu.memory_space<hbm>> -> memref<16x512xf32, #tpu.memory_space<hbm>>
      %dma_wait3A_220 = arith.constant 96 : i32
      %dma_wait3A_221 = arith.constant 0 : i32
      %dma_wait3A_222 = tpu.memref_slice %arg7[%dma_wait3A_220, %dma_wait3A_221] : memref<128x512xf32, #tpu.memory_space<vmem>> -> memref<16x512xf32, #tpu.memory_space<vmem>>
      tpu.wait_dma2 semaphore(%arg25 : memref<!tpu.dma_semaphore, #tpu.memory_space<semaphore_mem>>) src(%dma_wait3A_222 : memref<16x512xf32, #tpu.memory_space<vmem>>) dst(%dma_wait3A_219 : memref<16x512xf32, #tpu.memory_space<hbm>>)
      %scan3A_223 = arith.constant 0 : i32
      scf.yield %scan3A_223 : i32
    }
    %scan3A_7 = arith.constant 3 : i32
    return
  }
}

module attributes {stable_mosaic.version = 14 : i64} {
  func.func @_wmat_body(%arg0: i32, %arg1: memref<1x1x2000xf32, #tpu.memory_space<vmem>>, %arg2: memref<2000x3xf32, #tpu.memory_space<vmem>>, %arg3: memref<20x384xf32, #tpu.memory_space<vmem>>, %arg4: memref<1x384xf32, #tpu.memory_space<vmem>>, %arg5: memref<2000x512xf32, #tpu.memory_space<vmem>>) attributes {dimension_semantics = [#tpu.dimension_semantics<arbitrary>], iteration_bounds = array<i64: 80>, scalar_prefetch = 0 : i64, scratch_operands = 0 : i64, tpu.core_type = #tpu.core_type<tc>, window_params = [{transform_indices = @transform_0, window_bounds = array<i64: 1, 1, 2000>}, {transform_indices = @transform_1, window_bounds = array<i64: 2000, 3>}, {pipeline_mode = #tpu.pipeline_mode<synchronous>, transform_indices = @transform_2, window_bounds = array<i64: 20, 384>}, {pipeline_mode = #tpu.pipeline_mode<synchronous>, transform_indices = @transform_3, window_bounds = array<i64: 1, 384>}, {transform_indices = @transform_4, window_bounds = array<i64: 2000, 512>}]} {
    %get3A = arith.constant 0 : index
    %get3A_0 = arith.constant 0 : index
    %get3A_1 = arith.constant 0 : index
    %get3A_2 = vector.load %arg1[%get3A, %get3A_0, %get3A_1] : memref<1x1x2000xf32, #tpu.memory_space<vmem>>, vector<1x1x2000xf32>
    %get3A_3 = vector.shape_cast %get3A_2 : vector<1x1x2000xf32> to vector<2000xf32>
    %iota3A = tpu.iota {dimensions = array<i32: 1>} : vector<1x20xi32>
    %add3A = arith.constant 1 : i32
    %add3A_4 = vector.broadcast %add3A : i32 to vector<1x20xi32>
    %add3A_5 = arith.addi %iota3A, %add3A_4 : vector<1x20xi32>
    %convert_element_type3A = arith.sitofp %add3A_5 : vector<1x20xi32> to vector<1x20xf32>
    %mul3A = arith.constant 0.628318548 : f32
    %mul3A_6 = vector.broadcast %mul3A : f32 to vector<1x20xf32>
    %mul3A_7 = arith.mulf %convert_element_type3A, %mul3A_6 : vector<1x20xf32>
    %div3A = arith.constant 1.000000e+00 : f32
    %div3A_8 = vector.broadcast %div3A : f32 to vector<2000xf32>
    %div3A_9 = arith.divf %div3A_8, %get3A_3 : vector<2000xf32>
    %broadcast_in_dim3A = vector.shape_cast %get3A_3 : vector<2000xf32> to vector<2000x1xf32>
    %mul3A_10 = vector.broadcast %broadcast_in_dim3A : vector<2000x1xf32> to vector<2000x20xf32>
    %mul3A_11 = vector.broadcast %mul3A_7 : vector<1x20xf32> to vector<2000x20xf32>
    %mul3A_12 = arith.mulf %mul3A_10, %mul3A_11 : vector<2000x20xf32>
    %sin3A = math.sin %mul3A_12 : vector<2000x20xf32>
    %broadcast_in_dim3A_13 = vector.shape_cast %div3A_9 : vector<2000xf32> to vector<2000x1xf32>
    %mul3A_14 = vector.broadcast %broadcast_in_dim3A_13 : vector<2000x1xf32> to vector<2000x20xf32>
    %mul3A_15 = arith.mulf %sin3A, %mul3A_14 : vector<2000x20xf32>
    %get3A_16 = arith.constant 0 : index
    %get3A_17 = arith.constant 0 : index
    %get3A_18 = vector.load %arg3[%get3A_16, %get3A_17] : memref<20x384xf32, #tpu.memory_space<vmem>>, vector<20x384xf32>
    %dot_general3A = arith.constant dense<0.000000e+00> : vector<2000x384xf32>
    %dot_general3A_19 = tpu.matmul %mul3A_15, %get3A_18, %dot_general3A {dimension_numbers = #tpu.dot_dimension_numbers<[1], [0], [0], [1], [0, 0, 1, 1], [], []>, transpose_lhs_hint = false} : vector<2000x20xf32>, vector<20x384xf32>, vector<2000x384xf32> -> vector<2000x384xf32>
    %get3A_20 = arith.constant 0 : index
    %get3A_21 = arith.constant 0 : index
    %get3A_22 = vector.load %arg4[%get3A_20, %get3A_21] : memref<1x384xf32, #tpu.memory_space<vmem>>, vector<1x384xf32>
    %add3A_23 = vector.broadcast %get3A_22 : vector<1x384xf32> to vector<2000x384xf32>
    %add3A_24 = arith.addf %dot_general3A_19, %add3A_23 : vector<2000x384xf32>
    %mul3A_25 = arith.constant 0.628318548 : f32
    %mul3A_26 = vector.broadcast %mul3A_25 : f32 to vector<2000xf32>
    %mul3A_27 = arith.mulf %get3A_3, %mul3A_26 : vector<2000xf32>
    %cos3A = math.cos %mul3A_27 : vector<2000xf32>
    %add3A_28 = arith.constant 1.000000e+00 : f32
    %add3A_29 = vector.broadcast %add3A_28 : f32 to vector<2000xf32>
    %add3A_30 = arith.addf %cos3A, %add3A_29 : vector<2000xf32>
    %mul3A_31 = arith.constant 5.000000e-01 : f32
    %mul3A_32 = vector.broadcast %mul3A_31 : f32 to vector<2000xf32>
    %mul3A_33 = arith.mulf %mul3A_32, %add3A_30 : vector<2000xf32>
    %broadcast_in_dim3A_34 = vector.shape_cast %mul3A_33 : vector<2000xf32> to vector<2000x1xf32>
    %mul3A_35 = vector.broadcast %broadcast_in_dim3A_34 : vector<2000x1xf32> to vector<2000x384xf32>
    %mul3A_36 = arith.mulf %add3A_24, %mul3A_35 : vector<2000x384xf32>
    %swap3A = arith.constant 0 : index
    %swap3A_37 = arith.constant 0 : index
    %swap3A_38 = vector.load %arg5[%swap3A, %swap3A_37] : memref<2000x512xf32, #tpu.memory_space<vmem>>, vector<2000x384xf32>
    tpu.vector_store %arg5[%swap3A, %swap3A_37], %mul3A_36 {strides = array<i32>} : memref<2000x512xf32, #tpu.memory_space<vmem>>, vector<2000x384xf32>,
    %get3A_39 = arith.constant 0 : index
    %get3A_40 = arith.constant 0 : index
    %get3A_41 = vector.load %arg2[%get3A_39, %get3A_40] : memref<2000x3xf32, #tpu.memory_space<vmem>>, vector<2000x3xf32>
    %broadcast_in_dim3A_42 = vector.shape_cast %div3A_9 : vector<2000xf32> to vector<2000x1xf32>
    %mul3A_43 = vector.broadcast %broadcast_in_dim3A_42 : vector<2000x1xf32> to vector<2000x3xf32>
    %mul3A_44 = arith.mulf %get3A_41, %mul3A_43 : vector<2000x3xf32>
    %broadcast_in_dim3A_45 = arith.constant 0.000000e+00 : f32
    %broadcast_in_dim3A_46 = vector.broadcast %broadcast_in_dim3A_45 : f32 to vector<2000x125xf32>
    %concatenate3A = tpu.concatenate %mul3A_44, %broadcast_in_dim3A_46 in 1 : vector<2000x3xf32>, vector<2000x125xf32> -> vector<2000x128xf32>
    %swap3A_47 = arith.constant 0 : index
    %swap3A_48 = arith.constant 384 : index
    %swap3A_49 = vector.load %arg5[%swap3A_47, %swap3A_48] : memref<2000x512xf32, #tpu.memory_space<vmem>>, vector<2000x128xf32>
    tpu.vector_store %arg5[%swap3A_47, %swap3A_48], %concatenate3A {strides = array<i32>} : memref<2000x512xf32, #tpu.memory_space<vmem>>, vector<2000x128xf32>,
    return
  }
  func.func @transform_0(%arg0: i32) -> (i32, i32, i32) {
    %c0_i32 = arith.constant 0 : i32
    %c0_i32_0 = arith.constant 0 : i32
    %c0_i32_1 = arith.constant 0 : i32
    return %arg0, %c0_i32, %c0_i32_0 : i32, i32, i32
  }
  func.func @transform_1(%arg0: i32) -> (i32, i32) {
    %c0_i32 = arith.constant 0 : i32
    %c0_i32_0 = arith.constant 0 : i32
    return %arg0, %c0_i32 : i32, i32
  }
  func.func @transform_2(%arg0: i32) -> (i32, i32) {
    %c0_i32 = arith.constant 0 : i32
    %c0_i32_0 = arith.constant 0 : i32
    %c0_i32_1 = arith.constant 0 : i32
    return %c0_i32, %c0_i32_0 : i32, i32
  }
  func.func @transform_3(%arg0: i32) -> (i32, i32) {
    %c0_i32 = arith.constant 0 : i32
    %c0_i32_0 = arith.constant 0 : i32
    %c0_i32_1 = arith.constant 0 : i32
    return %c0_i32, %c0_i32_0 : i32, i32
  }
  func.func @transform_4(%arg0: i32) -> (i32, i32) {
    %c0_i32 = arith.constant 0 : i32
    %c0_i32_0 = arith.constant 0 : i32
    return %arg0, %c0_i32 : i32, i32
  }
}

module attributes {stable_mosaic.version = 14 : i64} {
  func.func @_phiv_body(%arg0: i32, %arg1: memref<2000x128xf32, #tpu.memory_space<vmem>>, %arg2: memref<128x128xf32, #tpu.memory_space<vmem>>, %arg3: memref<1x128xf32, #tpu.memory_space<vmem>>, %arg4: memref<128x384xf32, #tpu.memory_space<vmem>>, %arg5: memref<1x384xf32, #tpu.memory_space<vmem>>, %arg6: memref<2000x128xf32, #tpu.memory_space<vmem>>, %arg7: memref<2000x128xf32, #tpu.memory_space<vmem>>, %arg8: memref<2000x128xf32, #tpu.memory_space<vmem>>, %arg9: memref<2000x768xf32, #tpu.memory_space<vmem>>) attributes {dimension_semantics = [#tpu.dimension_semantics<arbitrary>], iteration_bounds = array<i64: 5>, scalar_prefetch = 0 : i64, scratch_operands = 0 : i64, tpu.core_type = #tpu.core_type<tc>, window_params = [{transform_indices = @transform_0, window_bounds = array<i64: 2000, 128>}, {pipeline_mode = #tpu.pipeline_mode<synchronous>, transform_indices = @transform_1, window_bounds = array<i64: 128, 128>}, {pipeline_mode = #tpu.pipeline_mode<synchronous>, transform_indices = @transform_2, window_bounds = array<i64: 1, 128>}, {pipeline_mode = #tpu.pipeline_mode<synchronous>, transform_indices = @transform_3, window_bounds = array<i64: 128, 384>}, {pipeline_mode = #tpu.pipeline_mode<synchronous>, transform_indices = @transform_4, window_bounds = array<i64: 1, 384>}, {transform_indices = @transform_5, window_bounds = array<i64: 2000, 128>}, {transform_indices = @transform_6, window_bounds = array<i64: 2000, 128>}, {transform_indices = @transform_7, window_bounds = array<i64: 2000, 128>}, {transform_indices = @transform_8, window_bounds = array<i64: 2000, 768>}]} {
    %get3A = arith.constant 0 : index
    %get3A_0 = arith.constant 0 : index
    %get3A_1 = vector.load %arg1[%get3A, %get3A_0] : memref<2000x128xf32, #tpu.memory_space<vmem>>, vector<2000x128xf32>
    %get3A_2 = arith.constant 0 : index
    %get3A_3 = arith.constant 0 : index
    %get3A_4 = vector.load %arg2[%get3A_2, %get3A_3] : memref<128x128xf32, #tpu.memory_space<vmem>>, vector<128x128xf32>
    %dot_general3A = arith.constant dense<0.000000e+00> : vector<2000x128xf32>
    %dot_general3A_5 = tpu.matmul %get3A_1, %get3A_4, %dot_general3A {dimension_numbers = #tpu.dot_dimension_numbers<[1], [0], [0], [1], [0, 0, 1, 1], [], []>, transpose_lhs_hint = false} : vector<2000x128xf32>, vector<128x128xf32>, vector<2000x128xf32> -> vector<2000x128xf32>
    %get3A_6 = arith.constant 0 : index
    %get3A_7 = arith.constant 0 : index
    %get3A_8 = vector.load %arg3[%get3A_6, %get3A_7] : memref<1x128xf32, #tpu.memory_space<vmem>>, vector<1x128xf32>
    %add3A = vector.broadcast %get3A_8 : vector<1x128xf32> to vector<2000x128xf32>
    %add3A_9 = arith.addf %dot_general3A_5, %add3A : vector<2000x128xf32>
    %logistic3A = arith.negf %add3A_9 : vector<2000x128xf32>
    %logistic3A_10 = math.exp %logistic3A : vector<2000x128xf32>
    %logistic3A_11 = arith.constant 1.000000e+00 : f32
    %logistic3A_12 = vector.broadcast %logistic3A_11 : f32 to vector<2000x128xf32>
    %logistic3A_13 = arith.addf %logistic3A_12, %logistic3A_10 : vector<2000x128xf32>
    %logistic3A_14 = arith.divf %logistic3A_12, %logistic3A_13 : vector<2000x128xf32>
    %mul3A = arith.mulf %add3A_9, %logistic3A_14 : vector<2000x128xf32>
    %get3A_15 = arith.constant 0 : index
    %get3A_16 = arith.constant 0 : index
    %get3A_17 = vector.load %arg4[%get3A_15, %get3A_16] : memref<128x384xf32, #tpu.memory_space<vmem>>, vector<128x384xf32>
    %dot_general3A_18 = arith.constant dense<0.000000e+00> : vector<2000x384xf32>
    %dot_general3A_19 = tpu.matmul %mul3A, %get3A_17, %dot_general3A_18 {dimension_numbers = #tpu.dot_dimension_numbers<[1], [0], [0], [1], [0, 0, 1, 1], [], []>, transpose_lhs_hint = false} : vector<2000x128xf32>, vector<128x384xf32>, vector<2000x384xf32> -> vector<2000x384xf32>
    %get3A_20 = arith.constant 0 : index
    %get3A_21 = arith.constant 0 : index
    %get3A_22 = vector.load %arg5[%get3A_20, %get3A_21] : memref<1x384xf32, #tpu.memory_space<vmem>>, vector<1x384xf32>
    %add3A_23 = vector.broadcast %get3A_22 : vector<1x384xf32> to vector<2000x384xf32>
    %add3A_24 = arith.addf %dot_general3A_19, %add3A_23 : vector<2000x384xf32>
    %swap3A = arith.constant 0 : index
    %swap3A_25 = arith.constant 0 : index
    %swap3A_26 = vector.load %arg9[%swap3A, %swap3A_25] : memref<2000x768xf32, #tpu.memory_space<vmem>>, vector<2000x384xf32>
    tpu.vector_store %arg9[%swap3A, %swap3A_25], %add3A_24 {strides = array<i32>} : memref<2000x768xf32, #tpu.memory_space<vmem>>, vector<2000x384xf32>,
    %get3A_27 = arith.constant 0 : index
    %get3A_28 = arith.constant 0 : index
    %get3A_29 = vector.load %arg6[%get3A_27, %get3A_28] : memref<2000x128xf32, #tpu.memory_space<vmem>>, vector<2000x128xf32>
    %swap3A_30 = arith.constant 0 : index
    %swap3A_31 = arith.constant 384 : index
    %swap3A_32 = vector.load %arg9[%swap3A_30, %swap3A_31] : memref<2000x768xf32, #tpu.memory_space<vmem>>, vector<2000x128xf32>
    tpu.vector_store %arg9[%swap3A_30, %swap3A_31], %get3A_29 {strides = array<i32>} : memref<2000x768xf32, #tpu.memory_space<vmem>>, vector<2000x128xf32>,
    %get3A_33 = arith.constant 0 : index
    %get3A_34 = arith.constant 0 : index
    %get3A_35 = vector.load %arg7[%get3A_33, %get3A_34] : memref<2000x128xf32, #tpu.memory_space<vmem>>, vector<2000x128xf32>
    %swap3A_36 = arith.constant 0 : index
    %swap3A_37 = arith.constant 512 : index
    %swap3A_38 = vector.load %arg9[%swap3A_36, %swap3A_37] : memref<2000x768xf32, #tpu.memory_space<vmem>>, vector<2000x128xf32>
    tpu.vector_store %arg9[%swap3A_36, %swap3A_37], %get3A_35 {strides = array<i32>} : memref<2000x768xf32, #tpu.memory_space<vmem>>, vector<2000x128xf32>,
    %get3A_39 = arith.constant 0 : index
    %get3A_40 = arith.constant 0 : index
    %get3A_41 = vector.load %arg8[%get3A_39, %get3A_40] : memref<2000x128xf32, #tpu.memory_space<vmem>>, vector<2000x128xf32>
    %swap3A_42 = arith.constant 0 : index
    %swap3A_43 = arith.constant 640 : index
    %swap3A_44 = vector.load %arg9[%swap3A_42, %swap3A_43] : memref<2000x768xf32, #tpu.memory_space<vmem>>, vector<2000x128xf32>
    tpu.vector_store %arg9[%swap3A_42, %swap3A_43], %get3A_41 {strides = array<i32>} : memref<2000x768xf32, #tpu.memory_space<vmem>>, vector<2000x128xf32>,
    return
  }
  func.func @transform_0(%arg0: i32) -> (i32, i32) {
    %c0_i32 = arith.constant 0 : i32
    %c0_i32_0 = arith.constant 0 : i32
    return %arg0, %c0_i32 : i32, i32
  }
  func.func @transform_1(%arg0: i32) -> (i32, i32) {
    %c0_i32 = arith.constant 0 : i32
    %c0_i32_0 = arith.constant 0 : i32
    %c0_i32_1 = arith.constant 0 : i32
    return %c0_i32, %c0_i32_0 : i32, i32
  }
  func.func @transform_2(%arg0: i32) -> (i32, i32) {
    %c0_i32 = arith.constant 0 : i32
    %c0_i32_0 = arith.constant 0 : i32
    %c0_i32_1 = arith.constant 0 : i32
    return %c0_i32, %c0_i32_0 : i32, i32
  }
  func.func @transform_3(%arg0: i32) -> (i32, i32) {
    %c0_i32 = arith.constant 0 : i32
    %c0_i32_0 = arith.constant 0 : i32
    %c0_i32_1 = arith.constant 0 : i32
    return %c0_i32, %c0_i32_0 : i32, i32
  }
  func.func @transform_4(%arg0: i32) -> (i32, i32) {
    %c0_i32 = arith.constant 0 : i32
    %c0_i32_0 = arith.constant 0 : i32
    %c0_i32_1 = arith.constant 0 : i32
    return %c0_i32, %c0_i32_0 : i32, i32
  }
  func.func @transform_5(%arg0: i32) -> (i32, i32) {
    %c0_i32 = arith.constant 0 : i32
    %c0_i32_0 = arith.constant 0 : i32
    return %arg0, %c0_i32 : i32, i32
  }
  func.func @transform_6(%arg0: i32) -> (i32, i32) {
    %c0_i32 = arith.constant 0 : i32
    %c0_i32_0 = arith.constant 0 : i32
    return %arg0, %c0_i32 : i32, i32
  }
  func.func @transform_7(%arg0: i32) -> (i32, i32) {
    %c0_i32 = arith.constant 0 : i32
    %c0_i32_0 = arith.constant 0 : i32
    return %arg0, %c0_i32 : i32, i32
  }
  func.func @transform_8(%arg0: i32) -> (i32, i32) {
    %c0_i32 = arith.constant 0 : i32
    %c0_i32_0 = arith.constant 0 : i32
    return %arg0, %c0_i32 : i32, i32
  }
}

</mosaic_0001>

<sc_bundles>
// kernel: kernel.5.cloned.1.call-start
scs
__scs_entry_jumppad:
0x0: {  	(pc) =	sbr.rel $0x88, $3  }
0x1: {  	(tag) =	ssettag $0x0;
	lr =	simm.s32 $0x1  }
0x2: {  	[smem:$0x3F96] =	sst lr;
	_ =	strace $0xD0000000  }
0x3: {  	_ = 	snop  }
0x4: {  	_ = 	snop  }
0x5: {  	_ = 	snop  }
0x6: {  	_ = 	snop  }
0x7: {  	_ = 	snop  }
__scs_overlays_trampoline_lowered:
0x8: {  	[smem:$0x3FA5] =	sst s0  }
0x9: {  	[smem:$0x3FA6] =	sst s1  }
0xa: {  	[smem:$0x3FA7] =	sst s2  }
0xb: {  	[smem:$0x3FA8] =	sst s3  }
0xc: {  	[smem:$0x3FA9] =	sst s4  }
0xd: {  	[smem:$0x3FAA] =	sst s5  }
0xe: {  	[smem:$0x3FAB] =	sst s6  }
0xf: {  	[smem:$0x3FAC] =	sst s7  }
0x10: {  	[smem:$0x3FAD] =	sst s8  }
0x11: {  	[smem:$0x3FAE] =	sst s9;
	s0 =	simm.s32 @!p0 $0x0  }
0x12: {  	s1 =	sld [smem:$0x3F94];
	s0 =	simm.s32 @p0 $0x1  }
0x13: {  	[smem:$0x3FAF] =	sst s0;
	s0 =	simm.s32 @!p1 $0x0  }
0x14: {  	s2 =	sld [smem:$0x3F93];
	s0 =	simm.s32 @p1 $0x1  }
0x15: {  	[smem:$0x3FB0] =	sst s0;
	s0 =	simm.s32 @!p2 $0x0  }
0x16: {  	s3 =	sld [smem:$0x3FDB];
	s0 =	simm.s32 @p2 $0x1  }
0x17: {  	s4 =	simm.s32 $0x1BF5;
	[smem:$0x3FB2] =	sst s0  }
0x18: {  	s0 =	sld [smem:$0x3F95];
	_ =	swait.ge [sflag:s4], $0x0  }
0x19: {  	s7 =	sld [smem:$0x3F96]  }
0x1a: {  	s8 =	sadd.s32 $0xFFFFE003, lr  }
0x1b: {  	s9 =	sadd.s32 $0xFFFFFEF7, lr;
	s5 =	simm.s32 $0xFFFFFFFF;
	p2 =	slt.u32 s8, $0xFFFFF086  }
0x1c: {  	p1 =	slt.u32 s9, $0xF7A;
	s5 =	simm.s32 @!p2 $0x0  }
0x1d: {  	s5 =	simm.s32 @p1 $0x1;
	p0 =	seq.s32 s7, s2  }
0x1e: {  	s7 =	smul.u32 @!p0 $0xF7A, s2;
	p2 =	seq.s32 @!p0 s5, $0x0  }
0x1f: {  	s9 =	smul.u32 $0xF7A, s1;
	s8 =	simm.s32 @!p0 $0x1BF5;
	p2 =	por !p2, p0  }
0x20: {  	[sflag:s8] =	ssyncset.s32 @!p0 $0xFFFFF086;
	s6 =	sadd.s32 @!p0 s3, s7;
	s7 =	simm.s32 @!p0 $0x108  }
0x21: {  	s3 =	sadd.s32 s3, s9;
	s6 =	sadd.s32 @!p0 $0x88, s6;
	s7 =	simm.s32 @p2 $0x1082  }
0x22: {  	[simem:s7], [sflag:s8] =	dma.local @!p0 [hbm:s6], $0xF7A  }
0x23: {  	s9 =	sor.u32 $0xD0000000, s2;
	s6 =	simm.s32 $0x108;
	_ =	swait.ge @!p0 [sflag:s8], $0x0  }
0x24: {  	s3 =	sadd.s32 $0x88, s3;
	s6 =	simm.s32 @!p1 $0x1082;
	[sflag:s4] =	ssyncset.s32 $0xFFFFF086  }
0x25: {  	[simem:s6], [sflag:s4] =	dma.local [hbm:s3], $0xF7A  }
0x26: {  	[smem:$0x3F96] =	sst s1;
	(tag) =	ssettag s2;
	_ =	strace s9  }
0x27: {  	s1 =	sld [smem:$0x3FA6]  }
0x28: {  	s2 =	sld [smem:$0x3FA7]  }
0x29: {  	s4 =	sld [smem:$0x3FA9]  }
0x2a: {  	p0 =	seq.s32 s5, $0x0;
	s5 =	sld [smem:$0x3FAA]  }
0x2b: {  	s6 =	sld [smem:$0x3FAB]  }
0x2c: {  	s7 =	sld [smem:$0x3FAC]  }
0x2d: {  	s3 =	simm.s32 $0x108;
	s8 =	sld [smem:$0x3FAD]  }
0x2e: {  	s3 =	simm.s32 @!p0 $0x1082;
	s9 =	sld [smem:$0x3FAE]  }
0x2f: {  	lr =	sadd.s32 s0, s3;
	s0 =	sld [smem:$0x3FA5]  }
0x30: {  	s3 =	sld [smem:$0x3FA8]  }
0x31: {  	[smem:$0x3FB1] =	sst s10  }
0x32: {  	s10 =	sld [smem:$0x3FAF];
	_ =	sdelay $0x3  }
0x33: {  	p0 =	seq.s32 s10, $0x1;
	s10 =	sld [smem:$0x3FB1];
	_ =	sdelay $0x3  }
0x34: {  	[smem:$0x3FB1] =	sst s10  }
0x35: {  	s10 =	sld [smem:$0x3FB0];
	_ =	sdelay $0x3  }
0x36: {  	p1 =	seq.s32 s10, $0x1;
	s10 =	sld [smem:$0x3FB1];
	_ =	sdelay $0x3  }
0x37: {  	[smem:$0x3FB1] =	sst s10  }
0x38: {  	s10 =	sld [smem:$0x3FB2]  }
0x39: {  	_ = 	snop;
	(pc) =	sbr.ind lr, $3  }
0x3a: {  	_ = 	snop  }
0x3b: {  	_ = 	snop  }
0x3c: {  	p2 =	seq.s32 s10, $0x1;
	s10 =	sld [smem:$0x3FB1]  }
0x3d: {  	_ =	shalt  }
0x3e: {  	_ =	shalt  }
0x3f: {  	_ =	shalt  }
0x40: {  	_ =	shalt  }
0x41: {  	_ =	shalt  }
0x42: {  	_ =	shalt  }
0x43: {  	_ =	shalt  }
0x44: {  	_ =	shalt  }
0x45: {  	_ =	shalt  }
0x46: {  	_ =	shalt  }
0x47: {  	_ =	shalt  }
0x48: {  	_ =	shalt  }
0x49: {  	_ =	shalt  }
0x4a: {  	_ =	shalt  }
0x4b: {  	_ =	shalt  }
0x4c: {  	_ =	shalt  }
0x4d: {  	_ =	shalt  }
0x4e: {  	_ =	shalt  }
0x4f: {  	_ =	shalt  }
0x50: {  	_ =	shalt  }
0x51: {  	_ =	shalt  }
0x52: {  	_ =	shalt  }
0x53: {  	_ =	shalt  }
0x54: {  	_ =	shalt  }
0x55: {  	_ =	shalt  }
0x56: {  	_ =	shalt  }
0x57: {  	_ =	shalt  }
0x58: {  	_ =	shalt  }
0x59: {  	_ =	shalt  }
0x5a: {  	_ =	shalt  }
0x5b: {  	_ =	shalt  }
0x5c: {  	_ =	shalt  }
0x5d: {  	_ =	shalt  }
0x5e: {  	_ =	shalt  }
0x5f: {  	_ =	shalt  }
0x60: {  	_ =	shalt  }
0x61: {  	_ =	shalt  }
0x62: {  	_ =	shalt  }
0x63: {  	_ =	shalt  }
0x64: {  	_ =	shalt  }
0x65: {  	_ =	shalt  }
0x66: {  	_ =	shalt  }
0x67: {  	_ =	shalt  }
0x68: {  	_ =	shalt  }
0x69: {  	_ =	shalt  }
0x6a: {  	_ =	shalt  }
0x6b: {  	_ =	shalt  }
0x6c: {  	_ =	shalt  }
0x6d: {  	_ =	shalt  }
0x6e: {  	_ =	shalt  }
0x6f: {  	_ =	shalt  }
0x70: {  	_ =	shalt  }
0x71: {  	_ =	shalt  }
0x72: {  	_ =	shalt  }
0x73: {  	_ =	shalt  }
0x74: {  	_ =	shalt  }
0x75: {  	_ =	shalt  }
0x76: {  	_ =	shalt  }
0x77: {  	_ =	shalt  }
0x78: {  	_ =	shalt  }
0x79: {  	_ =	shalt  }
0x7a: {  	_ =	shalt  }
0x7b: {  	_ =	shalt  }
0x7c: {  	_ =	shalt  }
0x7d: {  	_ =	shalt  }
0x7e: {  	_ =	shalt  }
0x7f: {  	_ =	shalt  }
0x80: {  	_ =	shalt  }
0x81: {  	_ =	shalt  }
0x82: {  	_ =	shalt  }
0x83: {  	_ =	shalt  }
0x84: {  	_ =	shalt  }
0x85: {  	_ =	shalt  }
0x86: {  	_ =	shalt  }
0x87: {  	_ =	shalt  }
.Lfunc_end0:
.L_simem_size_0:
called_computation_lowered:
.L_overlay_start_0:
0x88: {  	s2 =	sld [smem:$0x3FD9]  }
0x89: {  	s3 =	sld [smem:$0x3FFE];
	_ =	sdelay $0x1  }
0x8a: {  	s1 =	srdreg.scid  }
0x8b: {  	s0 =	sand.u32 $0x1, s1  }
0x8c: {  	s14 =	sshll.u32 s0, $0xA;
	s2 =	sadd.s32 s3, s2  }
0x8d: {  	s2 =	sadd.s32 s2, s14  }
0x8e: {  	[smem:$0x3FBD] =	sst s2  }
0x8f: {  	_ = 	snop  }
0x90: {  	s2 =	sld [smem:$0x3FD0];
	_ =	sdelay $0x2  }
0x91: {  	s15 =	simm.s32 $0xA;
	s4 =	simm.s32 $0x10  }
0x92: {  	[smem:s4], [sflag:s15] =	dma.local [hbm:s2], $0x1  }
0x93: {  	_ =	swait.eq [sflag:s15], $0x1  }
0x94: {  	[sflag:s15] =	ssyncset.done $0x0  }
0x95: {  	s16 =	sld [smem:$0x10];
	[sflag:s15] =	ssyncadd.s32 $0xFFFFFFFF  }
0x96: {  	s17 =	sld [smem:$0x11];
	(tm) =	ssettm $0x1  }
0x97: {  	s18 =	sld [smem:$0x3FFB];
	_ =	sdelay $0x3  }
0x98: {  	_ =	strace s18  }
0x99: {  	s4 =	sld [smem:$0x3FFC];
	_ =	sdelay $0x3  }
0x9a: {  	_ =	strace s4  }
0x9b: {  	s4 =	sld [smem:$0x3FFD];
	_ =	sdelay $0x3  }
0x9c: {  	_ =	strace s4  }
0x9d: {  	_ =	strace $0x8FFFFFFF  }
0x9e: {  	s19 =	sld [smem:$0x3FDB];
	_ =	sdelay $0x1  }
0x9f: {  	s5 =	simm.s32 $_scs_section_size  }
0xa0: {  	s6 =	simm.s32 $_size__tile_overlayer_lowered;
	s7 =	simm.s32 $_tile_overlayer_lowered  }
0xa1: {  	s22 =	simm.s32 $0x1BFF;
	s21 =	sshll.u32 s7, $0x1;
	s4 =	sadd.s32 s5, s19  }
0xa2: {  	s8 =	simm.s32 $0x0;
	s20 =	sshll.u32 s6, $0x1;
	s6 =	sadd.s32 s21, s4  }
0xa3: {  	[timem:s8], [sflag:s22] =	dma.local [hbm:s6], s20  }
0xa4: {  	_ =	swait.ge [sflag:s22], s20  }
0xa5: {  	s5 =	ssub.s32 $0x0, s20;
	[sflag:s22] =	ssyncset.done $0x0  }
0xa6: {  	[sflag:s22] =	ssyncadd.s32 s5;
	_ =	sdelay $0x1  }
0xa7: {  	s23 =	simm.s32 $0x1B8B  }
0xa8: {  	_ =	swait.ge [sflag:s23], $0x1  }
0xa9: {  	[sflag:s23] =	ssyncset.done $0x0  }
0xaa: {  	s25 =	simm.s32 $0x1B8E;
	s24 =	sld [smem:$0x3FFE];
	[sflag:s23] =	ssyncadd.s32 $0xFFFFFFFF  }
0xab: {  	s26 =	simm.s32 $execute0_lowered;
	[smem:$0x3FD2] =	sst s25  }
0xac: {  	s6 =	sshll.u32 s26, $0x1;
	_ =	strace $0x80000046;
	[dreg:$0x1] =	wrdreg $0xFFFFFFFF  }
0xad: {  	s28 =	simm.s32 $_size_execute0_lowered;
	s4 =	sadd.s32 s4, s6;
	[dreg:$0x0] =	wrdreg $0x0  }
0xae: {  	s6 =	sshll.u32 s28, $0x1;
	[dreg:$0x2] =	wrdreg s4  }
0xaf: {  	[dreg:$0x3] =	wrdreg s6  }
0xb0: {  	[dreg:$0x4] =	wrdreg $0xC0  }
0xb1: {  	_ =	task [dreg:s8], $0x5FFFF  }
0xb2: {  	[dreg:$0x1] =	wrdreg $0xFFFFFFFF  }
0xb3: {  	[dreg:$0x0] =	wrdreg $0x60  }
0xb4: {  	[dreg:$0x2] =	wrdreg s24  }
0xb5: {  	[dreg:$0x3] =	wrdreg s16  }
0xb6: {  	[dreg:$0x4] =	wrdreg s17  }
0xb7: {  	[dreg:$0x5] =	wrdreg $0x9  }
0xb8: {  	_ =	task.clear_ibuf [dreg:s8], $0x6FFFF;
	_ =	strace $0x90000046  }
0xb9: {  	s29 =	simm.s32 $0x9;
	_ =	strace $0x80000048  }
0xba: {  	_ =	swait.ge [sflag:s29], $0x1  }
0xbb: {  	[sflag:s29] =	ssyncadd.s32 $0xFFFFFFFF  }
0xbc: {  	_ =	strace $0x90000048  }
0xbd: {  	_ =	sfence  }
0xbe: {  	s30 =	sld [smem:$0x0];
	_ =	sdelay $0x2  }
0xbf: {  	s31 =	sshll.u32 s1, $0xD;
	s1 =	sshrl.u32 s1, $0x2  }
0xc0: {  	s3 =	sand.u32 $0x4000, s31;
	s1 =	sadd.s32 s1, s30  }
0xc1: {  	s0 =	sor.u32 s3, s0;
	s1 =	sshll.u32 s1, $0x11  }
0xc2: {  	s0 =	sor.u32 s1, s0  }
0xc3: {  	s0 =	sadd.s32 $0x8F2B, s0  }
0xc4: {  	[sflag:s0] =	ssyncadd.remote.s32 $0x1  }
0xc5: {  	_ =	sfence.sel $0xFFFF  }
0xc6: {  	[dreg:$0x0] =	wrdreg $0xFFFFFFFF;
	(pc) =	sbr.abs _section_cstart, $3  }
0xc7: {  	[dreg:$0x1] =	wrdreg $0xFFFFFFFF  }
0xc8: {  	_ =	task.clear_ibuf [dreg:s8], $0x2FFFF;
	_ =	strace $0x9FFFFFFF  }
0xc9: {  	(tm) =	ssettm $0x7FFFFFFF  }
tec
execute0_lowered:
.L_overlay_start_1:
0x0: {  	(tag) =	ssettag $0x1  }
0x1: {  	v60 =	vlaneseq.u32  }
0x2: {  	v7 =	vimm.s32 $0x69666360;
	v8 =	vimm.s32 $0x75726F6C;
	vm5 =	vcmask $0xF00  }
0x3: {  	v9 =	vimm.s32 $0x7E7B78;
	vm6 =	vcmask $0x1F10;
	vm7 =	vcmask $0x2B20  }
0x4: {  	vm4 =	vcmask $0x2F2C;
	vm3 =	vcmask $0x3330;
	v12 =	vimm.s32 $0x6A676461  }
0x5: {  	vm1 =	vcmask $0x3734;
	v13 =	vimm.s32 $0x7673706D;
	v14 =	vimm.s32 $0x7F7C79  }
0x6: {  	vm2 =	vcmask $0x3B38;
	v59 =	vimm.s32 $0x6B686562;
	v61 =	vimm.s32 $0x7774716E  }
0x7: {  	v15 =	vimm.s32 $0x7D7A;
	vm13 =	vcmask $0x2720;
	v62 =	vimm.s32 $0x81D  }
0x8: {  	vm8 =	vcmask $0x300;
	vm9 =	vcmask $0x704;
	vm10 =	vcmask $0xB08  }
0x9: {  	vm14 =	vcmask $0xF0C;
	vm15 =	vcmask $0x1310;
	v63 =	vimm.s32 $0x81E  }
0xa: {  	v16 =	vimm.s32 $0x81F;
	vm11 =	vcmask $0x1714;
	vm12 =	vcmask $0x1B18  }
0xb: {  	v4 =	vshrl.u32 v60, $0x3;
	v0 =	vand.u32 $0x7, v60;
	v51 =	vor.u32 $0x8, v60  }
0xc: {  	v7 =	vunpack.c.0.s8.s32 v7;
	v8 =	vunpack.c.0.s8.s32 v8;
	v9 =	vunpack.c.0.s8.s32 v9  }
0xd: {  	v52 =	vor.u32 $0x10, v60;
	v53 =	vor.u32 $0x20, v60;
	v54 =	vor.u32 $0x30, v60  }
0xe: {  	v12 =	vunpack.c.0.s8.s32 v12;
	v13 =	vunpack.c.0.s8.s32 v13;
	v14 =	vunpack.c.0.s8.s32 v14  }
0xf: {  	v15 =	vunpack.c.0.s8.s32 v15;
	v16 =	vsel vm8, $0x472, v16;
	v50 =	vmul.u32 $0x8, v4  }
0x10: {  	v16 =	vsel vm9, $0x475, v16;
	v10 =	vnsel vm5, $0x40D, v7;
	v12 =	vnsel vm5, $0x40E, v12  }
0x11: {  	v16 =	vsel vm10, $0x478, v16;
	v10 =	vsel vm6, v8, v10;
	v12 =	vsel vm6, v13, v12  }
0x12: {  	v13 =	vunpack.c.0.s8.s32 v59;
	v16 =	vsel vm14, $0x47B, v16;
	v10 =	vsel vm7, v9, v10  }
0x13: {  	v12 =	vsel vm7, v14, v12;
	v14 =	vunpack.c.0.s8.s32 v61;
	v16 =	vsel vm15, $0x47E, v16  }
0x14: {  	v11 =	vsel vm4, $0x401, v10;
	v12 =	vsel vm4, $0x402, v12;
	v13 =	vnsel vm5, $0x40F, v13  }
0x15: {  	vm5 =	vcmask $0x2B28;
	v16 =	vsel vm11, $0x801, v16;
	v11 =	vsel vm3, $0x404, v11  }
0x16: {  	v12 =	vsel vm3, $0x405, v12;
	v13 =	vsel vm6, v14, v13;
	v14 =	vsel vm8, $0x470, v62  }
0x17: {  	v16 =	vsel vm12, $0x804, v16;
	v11 =	vsel vm1, $0x407, v11;
	v12 =	vsel vm1, $0x408, v12  }
0x18: {  	v13 =	vsel vm13, v15, v13;
	v14 =	vsel vm9, $0x473, v14;
	v15 =	vsel vm8, $0x471, v63  }
0x19: {  	vm13 =	vcmask $0x1F1C;
	v55 =	vsel vm2, $0x40A, v11;
	v1 =	vsel vm2, $0x40B, v12  }
0x1a: {  	v13 =	vsel vm5, $0x400, v13;
	v14 =	vsel vm10, $0x476, v14;
	v15 =	vsel vm9, $0x474, v15  }
0x1b: {  	v16 =	vsel vm13, $0x807, v16;
	v13 =	vsel vm4, $0x403, v13;
	v14 =	vsel vm14, $0x479, v14  }
0x1c: {  	s0 =	rddreg [dreg:$0x0];
	s19 =	simm.s32 $0x1B000;
	v15 =	vsel vm10, $0x477, v15;
	v13 =	vsel vm3, $0x406, v13;
	v14 =	vsel vm15, $0x47C, v14  }
0x1d: {  	s23 =	simm.s32 $0x10000;
	s24 =	simm.s32 $0x11000;
	s28 =	simm.s32 $0x13000;
	v15 =	vsel vm14, $0x47A, v15;
	vm14 =	vcmask $0x2320;
	v13 =	vsel vm1, $0x409, v13  }
0x1e: {  	s3 =	simm.s32 $0x0;
	s29 =	simm.s32 $0x14000;
	s31 =	simm.s32 $0x1F000;
	[tilespmem:$0x1FF40] =	vst v0;
	v14 =	vsel vm11, $0x47F, v14;
	v15 =	vsel vm15, $0x47D, v15;
	vm15 =	vcmask $0x2724  }
0x1f: {  	s12 =	simm.s32 $0x1D000;
	[smem:$0x7FF] =	sst s3;
	[tilespmem:$0x1FF60] =	vst v51;
	v16 =	vsel vm14, $0x80A, v16;
	v14 =	vsel vm12, $0x802, v14;
	v15 =	vsel vm11, $0x800, v15  }
0x20: {  	s6 =	sadd.s32 $0x272600, s0;
	[tilespmem:$0x1FF70] =	vst v52;
	v61 =	vsel vm2, $0x40C, v13;
	v14 =	vsel vm13, $0x805, v14;
	v15 =	vsel vm12, $0x803, v15  }
0x21: {  	s1 =	srdreg.scid;
	s5 =	sadd.s32 $0x1600, s0;
	s7 =	sadd.s32 $0xEBC00, s0;
	[tilespmem:$0x1FF80] =	vst v53;
	v16 =	vsel vm15, $0x80D, v16;
	v14 =	vsel vm14, $0x808, v14;
	v15 =	vsel vm13, $0x806, v15  }
0x22: {  	s4 =	stileid.u32;
	s9 =	sadd.s32 $0x1700, s0;
	s10 =	sadd.s32 $0x1800, s0;
	[tilespmem:$0x1FF90] =	vst v54;
	v16 =	vsel vm5, $0x810, v16;
	v15 =	vsel vm14, $0x809, v15;
	v14 =	vsel vm15, $0x80B, v14  }
0x23: {  	s30 =	simm.s32 $0x1;
	s13 =	simm.s32 $0x5;
	s11 =	sadd.s32 $0x272700, s0;
	[tilespmem:$0x1FF50] =	vst v50;
	v16 =	vsel vm4, $0x813, v16;
	v15 =	vsel vm15, $0x80C, v15;
	v14 =	vsel vm5, $0x80E, v14  }
0x24: {  	s1 =	sand.u32 $0x1, s1;
	s4 =	sshll.u32 s4, $0x1;
	_ =	strace $0x80000047;
	[tilespmem:$0x1FFE0] =	vst v55;
	v16 =	vsel vm3, $0x816, v16;
	v15 =	vsel vm5, $0x80F, v15;
	v14 =	vsel vm4, $0x811, v14  }
.Ltmp0:
0x25: {  	s2 =	ssub.s32 $0x2, s1;
	s1 =	sor.u32 s1, s4;
	[tilespmem:$0x1FFF0] =	vst v1;
	v16 =	vsel vm1, $0x819, v16;
	v15 =	vsel vm4, $0x812, v15;
	v14 =	vsel vm3, $0x814, v14;
	(pc) =	sbr.rel .LBB2_1-.Ltmp0, $4  }
0x26: {  	s4 =	simm.s32 $0x1F080;
	s25 =	sshrl.u32 s2, $0x1;
	s1 =	smul.u32 $0x3, s1;
	[tilespmem:$0x1FFA0] =	vst v61;
	v59 =	vsel vm2, $0x81C, v16;
	v15 =	vsel vm3, $0x815, v15;
	v14 =	vsel vm1, $0x817, v14  }
0x27: {  	s2 =	ssub.s32 s2, s25;
	s25 =	simm.s32 $0x4;
	[dreg:$0x4] =	wrdreg s7;
	[tilespmem:$0x1FFD0] =	vst v59;
	v15 =	vsel vm1, $0x818, v15;
	v62 =	vsel vm2, $0x81A, v14  }
0x28: {  	v31 =	vimm.f32 $0.0e+00;
	[dreg:$0x5] =	wrdreg s1;
	s26 =	smax.u32 s2, $0x1;
	s1 =	simm.s32 $0x2;
	v63 =	vsel vm2, $0x81B, v15;
	[tilespmem:$0x1FFB0] =	vst v62  }
0x29: {  	v32 =	vimm.s32 $0x0;
	vm0 =	vmmov $0xffff;
	v9 =	vimm.f32 $1.000000000e+00;
	s2 =	simm.s32 $0x0;
	[dreg:$0x6] =	wrdreg s26;
	s26 =	simm.s32 $0x12000;
	[tilespmem:$0x1FFC0] =	vst v63  }
.LBB2_35:
0x2a: {  	s2 =	rddreg [dreg:$0x7]  }
0x2b: {  	s0 =	rddreg [dreg:$0x6];
	s2 =	sadd.s32 $0x1, s2  }
0x2c: {  	p0 =	sne.s32 s2, s0  }
.Ltmp1:
0x2d: {  	_ = 	snop;
	(pc) =	sbr.rel @!p0 .LBB2_36-.Ltmp1, $1  }
0x2e: {  	_ =	sdelay $0x3  }
.LBB2_1:
.Ltmp2:
0x2f: {  	(pc) =	sbr.rel .LBB2_2-.Ltmp2, $2  }
0x30: {  	_ =	sdelay $0x2  }
0x31: {  	[dreg:$0x7] =	wrdreg s2;
	s17 =	simm.s32 $0x0  }
.LBB2_34:
0x32: {  	_ =	swait.ge [sflag:s25], $0xFA0  }
0x33: {  	[sflag:s25] =	ssyncset.done $0x0  }
0x34: {  	[sflag:s25] =	ssyncadd.s32 $0xFFFFF060  }
0x35: {  	_ =	swait.ge [sflag:s25], $0xFA0  }
0x36: {  	s2 =	rddreg [dreg:$0x9]  }
0x37: {  	s0 =	smul.u32 $0x1C00, s2  }
0x38: {  	s2 =	smul.u32 $0xE000, s2  }
0x39: {  	[sflag:s25] =	ssyncset.done $0x0;
	s7 =	rddreg [dreg:$0x4]  }
0x3a: {  	[sflag:s25] =	ssyncadd.s32 $0xFFFFF060;
	s0 =	sadd.s32 s7, s0;
	s17 =	sshrl.u32 s2, $0x3  }
0x3b: {  	[hbm4b:s0+s3] =	stream.linear.scatter [tilespmem:s3], [sflag:$0x3], $0x2000, $0x38;
	[tilespmem:$0x1F300] =	vst v63  }
0x3c: {  	s0 =	sadd.s32 s7, s17  }
0x3d: {  	s20 =	simm.s32 $0x2000;
	s18 =	sadd.s32 $0x400, s0  }
0x3e: {  	[hbm4b:s18+s3] =	stream.linear.scatter [tilespmem:s20], [sflag:$0x3], $0x2000, $0x38;
	[tilespmem:$0x1F300] =	vst v63  }
0x3f: {  	s22 =	simm.s32 $0x4000;
	s21 =	sadd.s32 $0x800, s0  }
0x40: {  	[hbm4b:s21+s3] =	stream.linear.scatter [tilespmem:s22], [sflag:$0x3], $0x2000, $0x38;
	[tilespmem:$0x1F300] =	vst v63  }
0x41: {  	s14 =	simm.s32 $0x6000;
	s8 =	sadd.s32 $0xC00, s0  }
0x42: {  	[hbm4b:s8+s3] =	stream.linear.scatter [tilespmem:s14], [sflag:$0x3], $0x2000, $0x38;
	[tilespmem:$0x1F300] =	vst v63  }
0x43: {  	s16 =	simm.s32 $0x8000;
	s15 =	sadd.s32 $0x1000, s0  }
0x44: {  	[hbm4b:s15+s3] =	stream.linear.scatter [tilespmem:s16], [sflag:$0x3], $0x2000, $0x38;
	[tilespmem:$0x1F300] =	vst v63  }
0x45: {  	s17 =	sadd.s32 $0x1400, s0;
	s18 =	simm.s32 $0xA000  }
0x46: {  	[hbm4b:s17+s3] =	stream.linear.scatter [tilespmem:s18], [sflag:$0x3], $0x2000, $0x38;
	[tilespmem:$0x1F300] =	vst v63  }
0x47: {  	s0 =	sadd.s32 $0x1800, s0;
	s20 =	simm.s32 $0xC000  }
0x48: {  	[hbm4b:s0+s3] =	stream.linear.scatter [tilespmem:s20], [sflag:$0x3], $0x2000, $0x38;
	[tilespmem:$0x1F300] =	vst v63  }
0x49: {  	v0 =	vld [tilespmem:$0x1F000];
	_ =	sdelay $0x4  }
0x4a: {  	vm1 =	veq.s32 v0, $0x70  }
0x4b: {  	v0 =	vsel vm1, $0x0, v9  }
0x4c: {  	(xrf0) =	vmax.scan.msk.f32 $0xffff, v0;
	_ =	sdelay $0x5  }
0x4d: {  	v0, _, _ =	vpop (xrf0)  }
0x4e: {  	(v2sf) =	vpush v0, $0xF;
	_ =	sdelay $0xe  }
0x4f: {  	s21 =	spop (v2sf)  }
0x50: {  	p0 =	sgt.f32 s21, $0.0e+00;
	_ =	sdelay $0x1  }
0x51: {  	s0 =	simm.s32 @p0 $0x1  }
0x52: {  	_ =	swait.ge @p0 [sflag:s0], $0x3000  }
0x53: {  	[sflag:s0] =	ssyncset.done @p0 $0x0  }
0x54: {  	[sflag:s0] =	ssyncadd.s32 @p0 $0xFFFFD000  }
0x55: {  	_ =	swait.ge @p0 [sflag:s0], $0x2000  }
0x56: {  	[sflag:s0] =	ssyncset.done @p0 $0x0  }
0x57: {  	s22 =	simm.s32 $0x3;
	[sflag:s0] =	ssyncadd.s32 @p0 $0xFFFFE000  }
0x58: {  	_ =	swait.ge [sflag:s22], $0x2000  }
0x59: {  	[sflag:s22] =	ssyncset.done $0x0  }
0x5a: {  	[sflag:s22] =	ssyncadd.s32 $0xFFFFE000  }
0x5b: {  	_ =	swait.ge [sflag:s22], $0x2000  }
0x5c: {  	[sflag:s22] =	ssyncset.done $0x0  }
0x5d: {  	[sflag:s22] =	ssyncadd.s32 $0xFFFFE000  }
0x5e: {  	_ =	swait.ge [sflag:s22], $0x2000  }
0x5f: {  	[sflag:s22] =	ssyncset.done $0x0  }
0x60: {  	[sflag:s22] =	ssyncadd.s32 $0xFFFFE000  }
0x61: {  	_ =	swait.ge [sflag:s22], $0x2000  }
0x62: {  	[sflag:s22] =	ssyncset.done $0x0  }
0x63: {  	[sflag:s22] =	ssyncadd.s32 $0xFFFFE000  }
0x64: {  	_ =	swait.ge [sflag:s22], $0x2000  }
0x65: {  	[sflag:s22] =	ssyncset.done $0x0  }
0x66: {  	[sflag:s22] =	ssyncadd.s32 $0xFFFFE000  }
0x67: {  	_ =	swait.ge [sflag:s22], $0x2000  }
0x68: {  	[sflag:s22] =	ssyncset.done $0x0  }
0x69: {  	[sflag:s22] =	ssyncadd.s32 $0xFFFFE000  }
0x6a: {  	_ =	swait.ge [sflag:s22], $0x2000  }
0x6b: {  	s17 =	rddreg [dreg:$0x8]  }
0x6c: {  	s17 =	sadd.s32 $0x1, s17  }
0x6d: {  	p0 =	sne.s32 s17, $0x3  }
.Ltmp3:
0x6e: {  	_ = 	snop;
	(pc) =	sbr.rel @!p0 .LBB2_35-.Ltmp3, $3  }
0x6f: {  	_ =	sdelay $0x1  }
0x70: {  	[sflag:s22] =	ssyncset.done $0x0  }
0x71: {  	[sflag:s22] =	ssyncadd.s32 $0xFFFFE000  }
.LBB2_2:
0x72: {  	s0 =	simm.s32 $0x0;
	s2 =	simm.s32 $0x0  }
0x73: {  	s7 =	simm.s32 $0x0;
	s2 =	sand.u32 $0xF000, s2;
	s8 =	sand.u32 $0xC00, s0  }
0x74: {  	s7 =	sand.u32 $0x380, s7;
	s2 =	sor.u32 s8, s2  }
0x75: {  	s0 =	sand.u32 $0x40, s0;
	s2 =	sor.u32 s7, s2  }
0x76: {  	s21 =	simm.s32 $0x40;
	s0 =	sor.u32 s0, s2;
	s2 =	simm.s32 $0x200  }
0x77: {  	s22 =	simm.s32 $0x10;
	s7 =	sand.u32 $0xF000, s21;
	s14 =	sand.u32 $0xC00, s2  }
0x78: {  	s8 =	sand.u32 $0x380, s22;
	[tilespmem:s0+$0x30] =	vst v31;
	s14 =	sor.u32 s14, s7;
	s7 =	simm.s32 $0x40  }
0x79: {  	[tilespmem:s0+$0x20] =	vst v31;
	s15 =	sand.u32 $0x40, s7;
	s14 =	sor.u32 s8, s14  }
0x7a: {  	[tilespmem:s0+$0x10] =	vst v31;
	s8 =	simm.s32 $0x4;
	s14 =	sor.u32 s15, s14  }
.LBB2_3:
0x7b: {  	s8 =	sadd.s32 $0x4, s8  }
0x7c: {  	s2 =	sadd.s32 $0x200, s2;
	[tilespmem:s0+$0x0] =	vst v31;
	s0 =	smov.u32 s14;
	p0 =	slt.u32 s8, $0xFFC  }
.Ltmp4:
0x7d: {  	s14 =	sshll.u32 s8, $0x4;
	s15 =	sshll.u32 s8, $0x2;
	(pc) =	sbr.rel @p0 .LBB2_3-.Ltmp4, $4  }
0x7e: {  	s16 =	sand.u32 $0xC00, s2;
	s14 =	sand.u32 $0xF000, s14  }
0x7f: {  	s7 =	sadd.s32 $0x40, s7;
	s15 =	sand.u32 $0x380, s15;
	s14 =	sor.u32 s16, s14;
	[tilespmem:s0+$0x30] =	vst v31  }
0x80: {  	s16 =	sand.u32 $0x40, s7;
	s14 =	sor.u32 s15, s14;
	[tilespmem:s0+$0x20] =	vst v31  }
0x81: {  	s14 =	sor.u32 s16, s14;
	[tilespmem:s0+$0x10] =	vst v31  }
0x82: {  	[tilespmem:s0+$0x0] =	vst v31  }
0x83: {  	[tilespmem:s14+$0x30] =	vst v31  }
0x84: {  	[tilespmem:s14+$0x20] =	vst v31  }
0x85: {  	[tilespmem:s14+$0x10] =	vst v31  }
0x86: {  	[tilespmem:s14+$0x0] =	vst v31  }
0x87: {  	[tilespmem:$0x1F100] =	vst v32  }
0x88: {  	v17 =	vld [tilespmem:$0x1F100];
	_ =	sdelay $0x3  }
0x89: {  	v0 =	vld [tilespmem:$0x1FF40]  }
0x8a: {  	v18 =	vshrl.u32 v17, $0x3  }
0x8b: {  	v1 =	vld [tilespmem:$0x1FF50];
	v18 =	vmul.u32 $0x30, v18  }
0x8c: {  	v17 =	vand.u32 $0x7, v17  }
0x8d: {  	v17 =	vor.u32 v17, v18  }
0x8e: {  	v18 =	vperm.xlane v17, v0  }
0x8f: {  	v2 =	vld [tilespmem:$0x1FF60]  }
0x90: {  	v18 =	vadd.s32 v1, v18;
	_ =	sdelay $0x2  }
0x91: {  	[tilespmem:$0x1F200] =	vst v32  }
0x92: {  	s7 =	simm.s32 $0x0;
	s16 =	simm.s32 $0x15000;
	[tilespmem:$0x1F000] =	vst v32;
	v17 =	vperm.xlane v17, v2  }
0x93: {  	[tilespmem:s16], [sflag:$0x1] =	stream.indirect_vreg.gather [hbm4b:s5+s7], $0x80, v18, vm0, $0xb8;
	[tilespmem:$0x1F300] =	vst v63  }
0x94: {  	s18 =	simm.s32 $0x15800;
	v17 =	vadd.s32 v1, v17  }
0x95: {  	[tilespmem:s18], [sflag:$0x1] =	stream.indirect_vreg.gather [hbm4b:s9+s7], $0x80, v18, vm0, $0xb8;
	[tilespmem:$0x1F300] =	vst v63  }
0x96: {  	s20 =	simm.s32 $0x16000  }
0x97: {  	[tilespmem:s20], [sflag:$0x1] =	stream.indirect_vreg.gather [hbm4b:s10+s7], $0x80, v18, vm0, $0xb8;
	[tilespmem:$0x1F300] =	vst v63  }
0x98: {  	s21 =	simm.s32 $0x16800  }
0x99: {  	[tilespmem:s21], [sflag:$0x1] =	stream.indirect_vreg.gather [hbm4b:s5+s7], $0x80, v17, vm0, $0xb8;
	[tilespmem:$0x1F300] =	vst v63  }
0x9a: {  	s22 =	simm.s32 $0x17000  }
0x9b: {  	[tilespmem:s22], [sflag:$0x1] =	stream.indirect_vreg.gather [hbm4b:s9+s7], $0x80, v17, vm0, $0xb8;
	[tilespmem:$0x1F300] =	vst v63  }
0x9c: {  	s2 =	simm.s32 $0x17800  }
0x9d: {  	[tilespmem:s2], [sflag:$0x1] =	stream.indirect_vreg.gather [hbm4b:s10+s7], $0x80, v17, vm0, $0xb8;
	[tilespmem:$0x1F300] =	vst v63  }
0x9e: {  	v17 =	vld [tilespmem:$0x1F200];
	_ =	sdelay $0x4  }
0x9f: {  	v58 =	vshll.u32 v17, $0x2  }
0xa0: {  	v17 =	vand.u32 $0x7, v17;
	v18 =	vand.u32 $0xFFFFFFE0, v58  }
0xa1: {  	v17 =	vor.u32 v17, v18  }
0xa2: {  	v18 =	vperm.xlane v17, v0;
	_ =	sdelay $0x1  }
0xa3: {  	v18 =	vadd.s32 v1, v18;
	_ =	sdelay $0x1  }
0xa4: {  	v17 =	vperm.xlane v17, v2;
	_ =	sdelay $0x1  }
0xa5: {  	v17 =	vadd.s32 v1, v17  }
0xa6: {  	[tilespmem:s19], [sflag:$0x1] =	stream.indirect_vreg.gather [hbm4b:s6+s7], $0x80, v18, vm0, $0xb8;
	[tilespmem:$0x1F300] =	vst v63  }
0xa7: {  	s8 =	simm.s32 $0x1B800;
	s16 =	rddreg [dreg:$0x5]  }
0xa8: {  	[tilespmem:s8], [sflag:$0x1] =	stream.indirect_vreg.gather [hbm4b:s11+s7], $0x80, v18, vm0, $0xb8;
	[tilespmem:$0x1F300] =	vst v63  }
0xa9: {  	s14 =	simm.s32 $0x1C000;
	s2 =	sadd.s32 s16, s17  }
0xaa: {  	[tilespmem:s14], [sflag:$0x1] =	stream.indirect_vreg.gather [hbm4b:s6+s7], $0x80, v17, vm0, $0xb8;
	[tilespmem:$0x1F300] =	vst v63  }
0xab: {  	s15 =	simm.s32 $0x1C800;
	[dreg:$0x8] =	wrdreg s17;
	s20 =	smul.u32 $0x70, s2  }
0xac: {  	[tilespmem:s15], [sflag:$0x1] =	stream.indirect_vreg.gather [hbm4b:s11+s7], $0x80, v17, vm0, $0xb8;
	[tilespmem:$0x1F300] =	vst v63  }
.Ltmp5:
0xad: {  	s18 =	rddreg [dreg:$0x1];
	v10 =	vmov s20;
	(pc) =	sbr.rel .LBB2_5-.Ltmp5, $4  }
0xae: {  	s21 =	rddreg [dreg:$0x2];
	s22 =	sadd.s32 $0x70, s20;
	[tilespmem:$0x1FF20] =	vst v10  }
0xaf: {  	v11 =	vmov s22;
	[tilespmem:s23], [sflag:$0x4] =	stream.linear.gather [hbm4b:s18+s7], $0xFA0, $0x38;
	[tilespmem:$0x1F300] =	vst v63  }
0xb0: {  	s16 =	simm.s32 $0x0;
	[dreg:$0x9] =	wrdreg s2;
	[tilespmem:$0x1FF30] =	vst v11  }
0xb1: {  	[tilespmem:s24], [sflag:$0x4] =	stream.linear.gather [hbm4b:s21+s7], $0xFA0, $0x38;
	[tilespmem:$0x1F300] =	vst v63  }
.LBB2_33:
0xb2: {  	s16 =	sadd.s32 $0x1, s16  }
0xb3: {  	p0 =	sne.s32 s16, $0x14  }
.Ltmp6:
0xb4: {  	_ = 	snop;
	(pc) =	sbr.rel @!p0 .LBB2_34-.Ltmp6, $1  }
0xb5: {  	_ =	sdelay $0x3  }
.LBB2_5:
0xb6: {  	_ =	swait.ge [sflag:s25], $0xFA0  }
0xb7: {  	[sflag:s25] =	ssyncset.done $0x0  }
0xb8: {  	[sflag:s25] =	ssyncadd.s32 $0xFFFFF060  }
0xb9: {  	_ =	swait.ge [sflag:s25], $0xFA0  }
0xba: {  	s17 =	sshllo.u32 s16, $0x1;
	[sflag:s25] =	ssyncset.done $0x0  }
0xbb: {  	s0 =	smul.u32 $0x1F4, s17;
	[sflag:s25] =	ssyncadd.s32 $0xFFFFF060  }
0xbc: {  	s2 =	rddreg [dreg:$0x1]  }
0xbd: {  	s7 =	simm.s32 $0x0;
	s21 =	rddreg [dreg:$0x2];
	s2 =	sadd.s32 s2, s0  }
0xbe: {  	[tilespmem:s26], [sflag:$0x5] =	stream.linear.gather [hbm4b:s2+s7], $0xFA0, $0x38;
	[tilespmem:$0x1F300] =	vst v63  }
0xbf: {  	s22 =	simm.s32 $0x10020;
	s0 =	sadd.s32 s21, s0  }
0xc0: {  	[tilespmem:s28], [sflag:$0x5] =	stream.linear.gather [hbm4b:s0+s7], $0xFA0, $0x38;
	[tilespmem:$0x1F300] =	vst v63  }
0xc1: {  	v19 =	vld [tilespmem:s22+$0x10]  }
0xc2: {  	v20 =	vld [tilespmem:s22+$0xFFFFFFE0]  }
0xc3: {  	v22 =	vld [tilespmem:s22+$0xFFFFFFF0]  }
0xc4: {  	v21 =	vld [tilespmem:s22+$0x0];
	_ =	sdelay $0x1  }
0xc5: {  	vm1 =	vge.s32 v19, v10;
	vm2 =	vlt.s32 v19, v11  }
0xc6: {  	vm4 =	vge.s32 v20, v10;
	vm5 =	vlt.s32 v20, v11;
	vm3 =	vmand vm1, vm2  }
0xc7: {  	vm6 =	vge.s32 v22, v10;
	vm4 =	vmand vm4, vm5;
	v19 =	vsel vm3, $0x1, v32  }
0xc8: {  	s2 =	simm.s32 $0x10060;
	vm1 =	vlt.s32 v21, v11;
	vm2 =	vge.s32 v21, v10;
	(xrf0) =	vadd.scan.msk.s32 $0xffff, v19;
	v19 =	vsel vm4, $0x1, v32  }
0xc9: {  	v25 =	vld [tilespmem:s2+$0x10];
	vm5 =	vlt.s32 v22, v11;
	v21 =	vimm.s32 $0x0;
	vm1 =	vmand vm2, vm1;
	(xrf0) =	vadd.scan.msk.s32 $0xffff, v19  }
0xca: {  	v28 =	vld [tilespmem:s2+$0xFFFFFFF0];
	vm2 =	vmand vm6, vm5;
	v20 =	vsel vm1, $0x1, v32;
	v19 =	vmpcnt.ones.xlane vm4  }
0xcb: {  	v26 =	vld [tilespmem:s2+$0x0];
	v22 =	vsel vm2, $0x1, v32;
	v23 =	vmpcnt.ones.xlane vm2;
	(xrf0) =	vadd.scan.msk.s32 $0xffff, v20;
	v20 =	vmpcnt.ones.xlane vm3  }
0xcc: {  	v27 =	vadd.s32 v21, v19;
	v19 =	vmpcnt.ones.xlane vm1  }
0xcd: {  	v24 =	vld [tilespmem:s2+$0xFFFFFFE0];
	v23 =	vadd.s32 v27, v23  }
0xce: {  	(xrf0) =	vadd.scan.msk.s32 $0xffff, v22;
	v19 =	vadd.s32 v23, v19;
	v22, _, _ =	vpop (xrf0)  }
0xcf: {  	vm7 =	vlt.s32 v25, v11;
	v29 =	vadd.s32 v22, v19;
	v19 =	vadd.s32 v19, v20;
	v20, _, _ =	vpop (xrf0)  }
0xd0: {  	vm8 =	vge.s32 v28, v10;
	vm9 =	vlt.s32 v26, v11;
	v21 =	vadd.s32 v20, v21  }
0xd1: {  	vm6 =	vmmov vm4;
	vm5 =	vmmov vm3;
	vm2 =	vmmov vm2  }
0xd2: {  	vm4 =	vlt.s32 v24, v11;
	vm3 =	vge.s32 v24, v10;
	v24 =	vadd.s32 $0xFFFFFFFF, v21  }
0xd3: {  	vm4 =	vmand vm3, vm4;
	vm3 =	vge.s32 v25, v10;
	v20 =	vadd.s32 $0xFFFFFFFF, v29;
	v21, _, _ =	vpop (xrf0)  }
0xd4: {  	vm1 =	vmmov vm1;
	v25 =	vmpcnt.ones.xlane vm4;
	vm3 =	vmand vm3, vm7;
	v29, _, _ =	vpop (xrf0)  }
0xd5: {  	s18 =	sshll.u32 s16, $0x1;
	s15 =	simm.s32 $0x4;
	s8 =	simm.s32 $0x10;
	vm7 =	vlt.s32 v28, v11;
	v30 =	vsel vm3, $0x1, v32;
	v29 =	vadd.s32 v29, v27  }
0xd6: {  	s20 =	simm.s32 $0x30;
	s14 =	simm.s32 $0x0;
	(xrf0) =	vadd.scan.msk.s32 $0xffff, v30;
	v22 =	vor.u32 s7, v60;
	s7 =	simm.s32 $0x20;
	v27 =	vadd.s32 v21, v23;
	v21 =	vmovc v19;
	v23 =	vadd.s32 $0xFFFFFFFF, v29  }
.LBB2_6:
0xd7: {  	s15 =	sadd.s32 $0x4, s15;
	v28 =	vsel vm4, $0x1, v32;
	vm10 =	vge.s32 v26, v10;
	[tilespmem:v24+s29+$0x0] =	vst.idx.msk vm6, v22;
	v22 =	vor.u32 s20, v60;
	s14 =	sadd.s32 $0x40, s14;
	s0 =	simm.s32 $0xF80  }
0xd8: {  	v24 =	vadd.s32 $0xFFFFFFFF, v27;
	p0 =	slt.u32 s15, $0xF4;
	s20 =	sadd.s32 $0x10, s14;
	s21 =	sadd.s32 $0x20, s14;
	vm6 =	vmand vm10, vm9;
	(xrf0) =	vadd.scan.msk.s32 $0xffff, v28;
	[tilespmem:v20+s29+$0x0] =	vst.idx.msk vm5, v22  }
0xd9: {  	vm5 =	vmand vm8, vm7;
	v22 =	vor.u32 s7, v60;
	v20 =	vsel vm6, $0x1, v32;
	s7 =	smov.u32 s21  }
0xda: {  	s2 =	sadd.s32 $0x40, s2;
	v26 =	vsel vm5, $0x1, v32;
	v27 =	vmpcnt.ones.xlane vm5;
	(xrf0) =	vadd.scan.msk.s32 $0xffff, v20;
	v20 =	vor.u32 s8, v60;
	s8 =	smov.u32 s20  }
0xdb: {  	v29 =	vadd.s32 v19, v25;
	v19 =	vmpcnt.ones.xlane vm6;
	v28 =	vld [tilespmem:s2+$0xFFFFFFE0];
	(xrf0) =	vadd.scan.msk.s32 $0xffff, v26;
	[tilespmem:v23+s29+$0x0] =	vst.idx.msk vm2, v20  }
0xdc: {  	v0 =	vmpcnt.ones.xlane vm3;
	v27 =	vadd.s32 v29, v27;
	vm2 =	vmmov vm5;
	v23 =	vld [tilespmem:s2+$0x10];
	v25, _, _ =	vpop (xrf0)  }
0xdd: {  	v19 =	vadd.s32 v27, v19;
	v26 =	vld [tilespmem:s2+$0x0];
	[tilespmem:v24+s29+$0x0] =	vst.idx.msk vm1, v22;
	vm1 =	vmmov vm6;
	vm6 =	vmmov vm4  }
0xde: {  	vm5 =	vmmov vm3;
	v24 =	vadd.s32 v25, v19;
	v19 =	vadd.s32 v19, v0;
	v30 =	vld [tilespmem:s2+$0xFFFFFFF0];
	v20, _, _ =	vpop (xrf0)  }
0xdf: {  	v22 =	vor.u32 s14, v60;
	v25 =	vadd.s32 v20, v21;
	v20 =	vadd.s32 $0xFFFFFFFF, v24;
	v21 =	vmovc v19  }
.Ltmp7:
0xe0: {  	vm3 =	vge.s32 v28, v10;
	vm4 =	vlt.s32 v28, v11;
	v24 =	vadd.s32 $0xFFFFFFFF, v25;
	v28, _, _ =	vpop (xrf0);
	(pc) =	sbr.rel @p0 .LBB2_6-.Ltmp7, $4  }
0xe1: {  	vm4 =	vmand vm3, vm4;
	vm3 =	vge.s32 v23, v10;
	vm7 =	vlt.s32 v23, v11;
	v23, _, _ =	vpop (xrf0)  }
0xe2: {  	v25 =	vmpcnt.ones.xlane vm4;
	vm3 =	vmand vm3, vm7;
	v23 =	vadd.s32 v23, v29  }
0xe3: {  	v27 =	vadd.s32 v28, v27;
	vm7 =	vlt.s32 v30, v11;
	v29 =	vsel vm3, $0x1, v32  }
0xe4: {  	s20 =	sadd.s32 $0x30, s14;
	vm9 =	vlt.s32 v26, v11;
	vm8 =	vge.s32 v30, v10;
	v23 =	vadd.s32 $0xFFFFFFFF, v23;
	(xrf0) =	vadd.scan.msk.s32 $0xffff, v29  }
0xe5: {  	vm10 =	vge.s32 v26, v10  }
0xe6: {  	v47 =	vsel vm4, $0x1, v32;
	vm9 =	vmand vm10, vm9  }
0xe7: {  	vm7 =	vmand vm8, vm7;
	(xrf0) =	vadd.scan.msk.s32 $0xffff, v47;
	v48 =	vsel vm9, $0x1, v32  }
0xe8: {  	v28 =	vsel vm7, $0x1, v32;
	(xrf0) =	vadd.scan.msk.s32 $0xffff, v48  }
0xe9: {  	(xrf0) =	vadd.scan.msk.s32 $0xffff, v28  }
0xea: {  	v29 =	vmpcnt.ones.xlane vm7  }
0xeb: {  	v19 =	vadd.s32 v19, v25;
	v50 =	vmpcnt.ones.xlane vm9  }
0xec: {  	v29 =	vadd.s32 v19, v29;
	v49, _, _ =	vpop (xrf0)  }
0xed: {  	v25 =	vadd.s32 v29, v50;
	v28, _, _ =	vpop (xrf0)  }
0xee: {  	v27 =	vadd.s32 $0xFFFFFFFF, v27;
	v26 =	vadd.s32 v49, v25;
	v30, _, _ =	vpop (xrf0)  }
0xef: {  	vm12 =	vmmov vm4;
	v52 =	vadd.s32 $0xFFFFFFFF, v26;
	v21 =	vadd.s32 v28, v21;
	v28, _, _ =	vpop (xrf0)  }
0xf0: {  	[tilespmem:v24+s29+$0x0] =	vst.idx.msk vm6, v22;
	v21 =	vadd.s32 $0xFFFFFFFF, v21;
	v19 =	vadd.s32 v28, v19;
	v28 =	vor.u32 s20, v60  }
0xf1: {  	v51 =	vor.u32 s8, v60;
	s2 =	sadd.s32 $0x40, s14;
	[tilespmem:v20+s29+$0x0] =	vst.idx.msk vm5, v28;
	v20 =	vadd.s32 v30, v29;
	v19 =	vadd.s32 $0xFFFFFFFF, v19  }
0xf2: {  	v53 =	vor.u32 s7, v60;
	[tilespmem:v23+s29+$0x0] =	vst.idx.msk vm2, v51;
	s21 =	sadd.s32 $0x30, s2;
	v20 =	vadd.s32 $0xFFFFFFFF, v20  }
0xf3: {  	v55 =	vor.u32 s21, v60;
	[tilespmem:v27+s29+$0x0] =	vst.idx.msk vm1, v53  }
0xf4: {  	v54 =	vor.u32 s2, v60;
	s22 =	sadd.s32 $0x10, s2;
	[tilespmem:v52+s29+$0x0] =	vst.idx.msk vm3, v55  }
0xf5: {  	v56 =	vmpcnt.ones.xlane vm3;
	s2 =	sadd.s32 $0x20, s2;
	v57 =	vor.u32 s22, v60;
	[tilespmem:v21+s29+$0x0] =	vst.idx.msk vm12, v54  }
0xf6: {  	vm13 =	vmmov vm3;
	v58 =	vor.u32 s2, v60;
	[tilespmem:v19+s29+$0x0] =	vst.idx.msk vm7, v57  }
0xf7: {  	vm14 =	vmmov vm7;
	vm15 =	vmmov vm9;
	s2 =	simm.s32 $0x10F80;
	v19 =	vadd.s32 v25, v56;
	[tilespmem:v20+s29+$0x0] =	vst.idx.msk vm9, v58  }
.LBB2_8:
0xf8: {  	v20 =	vld [tilespmem:s2+$0x0];
	_ =	sdelay $0x4  }
0xf9: {  	vm1 =	vge.s32 v20, v10;
	vm2 =	vlt.s32 v20, v11  }
0xfa: {  	vm1 =	vmand vm1, vm2  }
0xfb: {  	v20 =	vsel vm1, $0x1, v32  }
0xfc: {  	(xrf0) =	vadd.scan.msk.s32 $0xffff, v20;
	_ =	sdelay $0x5  }
0xfd: {  	v20, _, _ =	vpop (xrf0)  }
0xfe: {  	v20 =	vadd.s32 v20, v19  }
0xff: {  	p0 =	sne.s32 s0, $0xF90;
	v20 =	vadd.s32 $0xFFFFFFFF, v20  }
.Ltmp8:
0x100: {  	_ = 	snop;
	(pc) =	sbr.rel @p0 .LBB2_8-.Ltmp8, $4  }
0x101: {  	_ = 	snop  }
0x102: {  	v21 =	vmpcnt.ones.xlane vm1  }
0x103: {  	v22 =	vor.u32 s0, v60  }
0x104: {  	s2 =	sadd.s32 $0x10, s2;
	s0 =	sadd.s32 $0x10, s0;
	v19 =	vadd.s32 v19, v21;
	[tilespmem:v20+s29+$0x0] =	vst.idx.msk vm1, v22  }
0x105: {  	v0 =	vld [tilespmem:$0x1FF70]  }
0x106: {  	v50 =	vld [tilespmem:$0x1FF80]  }
0x107: {  	v51 =	vld [tilespmem:$0x1FF90];
	_ =	sdelay $0x1  }
0x108: {  	v20 =	vadd.s32 v60, v19  }
0x109: {  	v21 =	vadd.s32 v0, v19  }
0x10a: {  	v22 =	vadd.s32 v50, v19  }
0x10b: {  	v52 =	vadd.s32 v51, v19  }
0x10c: {  	v53 =	vimm.s32 $0xFFFFFFFF  }
0x10d: {  	[tilespmem:v20+s29+$0x0] =	vst.idx.msk $0xffff, v53  }
0x10e: {  	[tilespmem:v21+s29+$0x0] =	vst.idx.msk $0xffff, v53  }
0x10f: {  	[tilespmem:v22+s29+$0x0] =	vst.idx.msk $0xffff, v53  }
0x110: {  	[tilespmem:v52+s29+$0x0] =	vst.idx.msk $0xffff, v53  }
0x111: {  	v19 =	vld [tilespmem:$0x1F000];
	_ =	sdelay $0x4  }
0x112: {  	vm1 =	veq.s32 v19, $0x70  }
0x113: {  	v19 =	vsel vm1, $0x0, v9  }
0x114: {  	(xrf0) =	vmax.scan.msk.f32 $0xffff, v19;
	_ =	sdelay $0x5  }
0x115: {  	v19, _, _ =	vpop (xrf0)  }
0x116: {  	(v2sf) =	vpush v19, $0xF;
	_ =	sdelay $0xe  }
0x117: {  	s0 =	spop (v2sf)  }
0x118: {  	p0 =	sgt.f32 s0, $0.0e+00;
	_ =	sdelay $0x1  }
0x119: {  	s0 =	simm.s32 @p0 $0x1  }
0x11a: {  	_ =	swait.ge @p0 [sflag:s0], $0x3000  }
0x11b: {  	[sflag:s0] =	ssyncset.done @p0 $0x0  }
0x11c: {  	[sflag:s0] =	ssyncadd.s32 @p0 $0xFFFFD000  }
0x11d: {  	_ =	swait.ge @p0 [sflag:s0], $0x2000  }
0x11e: {  	[sflag:s0] =	ssyncset.done @p0 $0x0  }
0x11f: {  	[sflag:s0] =	ssyncadd.s32 @p0 $0xFFFFE000  }
0x120: {  	v54 =	vld [tilespmem:$0x14000];
	_ =	sdelay $0x4  }
0x121: {  	vm1 =	vgt.s32 v54, $0xFFFFFFFF  }
0x122: {  	v55 =	vsel vm1, $0x3F800000, v31  }
0x123: {  	(xrf0) =	vmax.scan.msk.f32 $0xffff, v55;
	_ =	sdelay $0x5  }
0x124: {  	v20, _, _ =	vpop (xrf0)  }
0x125: {  	(v2sf) =	vpush v20, $0xF;
	_ =	sdelay $0x5  }
0x126: {  	vm2 =	vgt.s32 v54, $0x0  }
0x127: {  	v19 =	vnsel vm2, $0x0, v54;
	_ =	sdelay $0x4  }
0x128: {  	v56 =	vld.idx.msk [tilespmem:v19+s24+$0x0], $0xffff;
	_ =	sdelay $0x2  }
0x129: {  	s21 =	spop (v2sf)  }
0x12a: {  	p0 =	sgt.f32 s21, $0.0e+00  }
0x12b: {  	v57 =	vld.idx.msk [tilespmem:v19+s23+$0x0], $0xffff;
	[tilespmem:$0x1F100] =	vst v56  }
0x12c: {  	v20 =	vld @p0 [tilespmem:$0x1F100];
	_ =	sdelay $0x4  }
0x12d: {  	v22 =	vshrl.u32 @p0 v20, $0x3  }
0x12e: {  	v22 =	vmul.u32 @p0 $0x30, v22  }
0x12f: {  	v23 =	vlaneseq.u32 @p0;
	v20 =	vand.u32 @p0 $0x7, v20  }
0x130: {  	v24 =	vshrl.u32 @p0 v23, $0x3;
	v20 =	vor.u32 @p0 v20, v22;
	v22 =	vand.u32 @p0 $0x7, v23  }
0x131: {  	v24 =	vmul.u32 @p0 $0x8, v24;
	v25 =	vperm.xlane @p0 v20, v22;
	_ =	sdelay $0x1  }
0x132: {  	s22 =	smul.u32 $0x1F40, s16;
	v25 =	vadd.s32 @p0 v24, v25;
	_ =	sdelay $0x1  }
0x133: {  	v19 =	vadd.s32 s22, v19;
	v21 =	vsub.s32 v57, v10  }
0x134: {  	[tilespmem:$0x1F200] =	vst v19;
	v58 =	vnsel vm1, $0x70, v21;
	v21 =	vor.u32 @p0 $0x8, v23  }
0x135: {  	[tilespmem:$0x1F000] =	vst v58;
	vm1 =	vmmov @p0 $0xffff;
	s2 =	simm.s32 @p0 $0x0;
	s7 =	simm.s32 @p0 $0x15000;
	v19 =	vperm.xlane @p0 v20, v21  }
0x136: {  	[tilespmem:s7], [sflag:$0x1] =	stream.indirect_vreg.gather @p0 [hbm4b:s5+s2], $0x80, v25, vm1, $0xb8;
	[tilespmem:$0x1F300] =	vst v63  }
0x137: {  	v19 =	vadd.s32 @p0 v24, v19;
	s7 =	simm.s32 @p0 $0x15800  }
0x138: {  	[tilespmem:s7], [sflag:$0x1] =	stream.indirect_vreg.gather @p0 [hbm4b:s9+s2], $0x80, v25, vm1, $0xb8;
	[tilespmem:$0x1F300] =	vst v63  }
0x139: {  	s7 =	simm.s32 @p0 $0x16000  }
0x13a: {  	[tilespmem:s7], [sflag:$0x1] =	stream.indirect_vreg.gather @p0 [hbm4b:s10+s2], $0x80, v25, vm1, $0xb8;
	[tilespmem:$0x1F300] =	vst v63  }
0x13b: {  	s7 =	simm.s32 @p0 $0x16800  }
0x13c: {  	[tilespmem:s7], [sflag:$0x1] =	stream.indirect_vreg.gather @p0 [hbm4b:s5+s2], $0x80, v19, vm1, $0xb8;
	[tilespmem:$0x1F300] =	vst v63  }
0x13d: {  	s7 =	simm.s32 @p0 $0x17000  }
0x13e: {  	[tilespmem:s7], [sflag:$0x1] =	stream.indirect_vreg.gather @p0 [hbm4b:s9+s2], $0x80, v19, vm1, $0xb8;
	[tilespmem:$0x1F300] =	vst v63  }
0x13f: {  	s7 =	simm.s32 @p0 $0x17800  }
0x140: {  	[tilespmem:s7], [sflag:$0x1] =	stream.indirect_vreg.gather @p0 [hbm4b:s10+s2], $0x80, v19, vm1, $0xb8;
	[tilespmem:$0x1F300] =	vst v63  }
0x141: {  	v19 =	vld @p0 [tilespmem:$0x1F200];
	_ =	sdelay $0x4  }
0x142: {  	v20 =	vshll.u32 @p0 v19, $0x2  }
0x143: {  	v19 =	vand.u32 @p0 $0x7, v19;
	v20 =	vand.u32 @p0 $0xFFFFFFE0, v20  }
0x144: {  	v19 =	vor.u32 @p0 v19, v20  }
0x145: {  	v20 =	vperm.xlane @p0 v19, v22;
	_ =	sdelay $0x1  }
0x146: {  	v20 =	vadd.s32 @p0 v24, v20;
	_ =	sdelay $0x2  }
0x147: {  	v19 =	vperm.xlane @p0 v19, v21  }
0x148: {  	s7 =	simm.s32 @p0 $0x1B000  }
0x149: {  	v19 =	vadd.s32 @p0 v24, v19;
	[tilespmem:s7], [sflag:$0x1] =	stream.indirect_vreg.gather @p0 [hbm4b:s6+s2], $0x80, v20, vm1, $0xb8;
	[tilespmem:$0x1F300] =	vst v63  }
0x14a: {  	s7 =	simm.s32 @p0 $0x1B800  }
0x14b: {  	[tilespmem:s7], [sflag:$0x1] =	stream.indirect_vreg.gather @p0 [hbm4b:s11+s2], $0x80, v20, vm1, $0xb8;
	[tilespmem:$0x1F300] =	vst v63  }
.Ltmp9:
0x14c: {  	_ = 	snop;
	(pc) =	sbr.rel .LBB2_10-.Ltmp9, $4  }
0x14d: {  	s7 =	simm.s32 @p0 $0x1C000  }
0x14e: {  	v7 =	vmov s22;
	[tilespmem:s7], [sflag:$0x1] =	stream.indirect_vreg.gather @p0 [hbm4b:s6+s2], $0x80, v19, vm1, $0xb8;
	[tilespmem:$0x1F300] =	vst v63  }
0x14f: {  	s20 =	simm.s32 $0x0;
	[tilespmem:$0x1FF10] =	vst v7;
	s7 =	simm.s32 @p0 $0x1C800  }
0x150: {  	[tilespmem:s7], [sflag:$0x1] =	stream.indirect_vreg.gather @p0 [hbm4b:s11+s2], $0x80, v19, vm1, $0xb8;
	[tilespmem:$0x1F300] =	vst v63  }
.LBB2_18:
0x151: {  	s0 =	sadd.s32 $0x20, s20  }
0x152: {  	v0 =	vld [tilespmem:s0+$0x14000];
	_ =	sdelay $0x1  }
0x153: {  	v1 =	vld [tilespmem:s20+$0x14030];
	_ =	sdelay $0x2  }
0x154: {  	vm1 =	vgt.s32 v0, $0xFFFFFFFF  }
0x155: {  	v0 =	vsel vm1, $0x3F800000, v31  }
0x156: {  	vm1 =	vgt.s32 v1, $0xFFFFFFFF;
	(xrf0) =	vmax.scan.msk.f32 $0xffff, v0  }
0x157: {  	v56 =	vsel vm1, $0x3F800000, v31  }
0x158: {  	(xrf0) =	vmax.scan.msk.f32 $0xffff, v56;
	_ =	sdelay $0x3  }
0x159: {  	v57, _, _ =	vpop (xrf0)  }
0x15a: {  	(v2sf) =	vpush v57, $0xF  }
0x15b: {  	v58, _, _ =	vpop (xrf0)  }
0x15c: {  	(v2sf) =	vpush v58, $0xF;
	_ =	sdelay $0xc  }
0x15d: {  	s2 =	spop (v2sf)  }
0x15e: {  	p0 =	sgt.f32 s2, $0.0e+00  }
0x15f: {  	s2 =	spop (v2sf)  }
0x160: {  	p1 =	sgt.f32 @!p0 s2, $0.0e+00;
	_ =	sdelay $0x1  }
0x161: {  	p1 =	por p0, p1  }
.Ltmp10:
0x162: {  	_ = 	snop;
	(pc) =	sbr.rel @!p1 .LBB2_19-.Ltmp10, $3  }
0x163: {  	_ =	sdelay $0x1  }
0x164: {  	s0 =	smov.u32 @p0 s0  }
0x165: {  	s20 =	smov.u32 s0  }
.LBB2_10:
0x166: {  	v20 =	vld [tilespmem:s20+$0x14010];
	_ =	sdelay $0x4  }
0x167: {  	vm1 =	vgt.s32 v20, $0xFFFFFFFF  }
0x168: {  	v21 =	vsel vm1, $0x3F800000, v31  }
0x169: {  	(xrf0) =	vmax.scan.msk.f32 $0xffff, v21;
	_ =	sdelay $0x5  }
0x16a: {  	v21, _, _ =	vpop (xrf0)  }
0x16b: {  	(v2sf) =	vpush v21, $0xF;
	_ =	sdelay $0x5  }
0x16c: {  	vm2 =	vgt.s32 v20, $0x0  }
0x16d: {  	v20 =	vnsel vm2, $0x0, v20;
	_ =	sdelay $0x4  }
0x16e: {  	v57 =	vld.idx.msk [tilespmem:v20+s24+$0x0], $0xffff;
	_ =	sdelay $0x2  }
0x16f: {  	s0 =	spop (v2sf)  }
0x170: {  	p0 =	sgt.f32 s0, $0.0e+00  }
0x171: {  	v22 =	vld.idx.msk [tilespmem:v20+s23+$0x0], $0xffff;
	[tilespmem:$0x1F180] =	vst v57  }
0x172: {  	v21 =	vld @p0 [tilespmem:$0x1F180];
	_ =	sdelay $0x4  }
0x173: {  	v23 =	vshrl.u32 @p0 v21, $0x3  }
0x174: {  	v23 =	vmul.u32 @p0 $0x30, v23  }
0x175: {  	v24 =	vlaneseq.u32 @p0;
	v21 =	vand.u32 @p0 $0x7, v21  }
0x176: {  	v25 =	vshrl.u32 @p0 v24, $0x3;
	v21 =	vor.u32 @p0 v21, v23;
	v23 =	vand.u32 @p0 $0x7, v24  }
0x177: {  	v25 =	vmul.u32 @p0 $0x8, v25;
	v26 =	vperm.xlane @p0 v21, v23;
	_ =	sdelay $0x1  }
0x178: {  	v26 =	vadd.s32 @p0 v25, v26;
	_ =	sdelay $0x1  }
0x179: {  	v20 =	vadd.s32 v7, v20;
	v22 =	vsub.s32 v22, v10  }
0x17a: {  	[tilespmem:$0x1F280] =	vst v20;
	v58 =	vnsel vm1, $0x70, v22;
	v22 =	vor.u32 @p0 $0x8, v24  }
0x17b: {  	[tilespmem:$0x1F080] =	vst v58;
	vm1 =	vmmov @p0 $0xffff;
	s0 =	simm.s32 @p0 $0x0;
	s2 =	simm.s32 @p0 $0x18000;
	v20 =	vperm.xlane @p0 v21, v22  }
0x17c: {  	[tilespmem:s2], [sflag:$0x2] =	stream.indirect_vreg.gather @p0 [hbm4b:s5+s0], $0x80, v26, vm1, $0xb8;
	[tilespmem:$0x1F300] =	vst v63  }
0x17d: {  	v20 =	vadd.s32 @p0 v25, v20;
	s2 =	simm.s32 @p0 $0x18800  }
0x17e: {  	[tilespmem:s2], [sflag:$0x2] =	stream.indirect_vreg.gather @p0 [hbm4b:s9+s0], $0x80, v26, vm1, $0xb8;
	[tilespmem:$0x1F300] =	vst v63  }
0x17f: {  	s2 =	simm.s32 @p0 $0x19000  }
0x180: {  	[tilespmem:s2], [sflag:$0x2] =	stream.indirect_vreg.gather @p0 [hbm4b:s10+s0], $0x80, v26, vm1, $0xb8;
	[tilespmem:$0x1F300] =	vst v63  }
0x181: {  	s2 =	simm.s32 @p0 $0x19800  }
0x182: {  	[tilespmem:s2], [sflag:$0x2] =	stream.indirect_vreg.gather @p0 [hbm4b:s5+s0], $0x80, v20, vm1, $0xb8;
	[tilespmem:$0x1F300] =	vst v63  }
0x183: {  	s2 =	simm.s32 @p0 $0x1A000  }
0x184: {  	[tilespmem:s2], [sflag:$0x2] =	stream.indirect_vreg.gather @p0 [hbm4b:s9+s0], $0x80, v20, vm1, $0xb8;
	[tilespmem:$0x1F300] =	vst v63  }
0x185: {  	s2 =	simm.s32 @p0 $0x1A800  }
0x186: {  	[tilespmem:s2], [sflag:$0x2] =	stream.indirect_vreg.gather @p0 [hbm4b:s10+s0], $0x80, v20, vm1, $0xb8;
	[tilespmem:$0x1F300] =	vst v63  }
0x187: {  	v20 =	vld @p0 [tilespmem:$0x1F280];
	_ =	sdelay $0x4  }
0x188: {  	v21 =	vshll.u32 @p0 v20, $0x2  }
0x189: {  	v20 =	vand.u32 @p0 $0x7, v20;
	v21 =	vand.u32 @p0 $0xFFFFFFE0, v21  }
0x18a: {  	v20 =	vor.u32 @p0 v20, v21  }
0x18b: {  	v21 =	vperm.xlane @p0 v20, v23;
	_ =	sdelay $0x1  }
0x18c: {  	v21 =	vadd.s32 @p0 v25, v21;
	_ =	sdelay $0x1  }
0x18d: {  	v20 =	vperm.xlane @p0 v20, v22;
	_ =	sdelay $0x1  }
0x18e: {  	s2 =	simm.s32 @p0 $0x1D000;
	v20 =	vadd.s32 @p0 v25, v20  }
0x18f: {  	[tilespmem:s2], [sflag:$0x2] =	stream.indirect_vreg.gather @p0 [hbm4b:s6+s0], $0x80, v21, vm1, $0xb8;
	[tilespmem:$0x1F300] =	vst v63  }
0x190: {  	s2 =	simm.s32 @p0 $0x1D800  }
0x191: {  	[tilespmem:s2], [sflag:$0x2] =	stream.indirect_vreg.gather @p0 [hbm4b:s11+s0], $0x80, v21, vm1, $0xb8;
	[tilespmem:$0x1F300] =	vst v63  }
0x192: {  	s2 =	simm.s32 @p0 $0x1E000  }
0x193: {  	[tilespmem:s2], [sflag:$0x2] =	stream.indirect_vreg.gather @p0 [hbm4b:s6+s0], $0x80, v20, vm1, $0xb8;
	[tilespmem:$0x1F300] =	vst v63  }
0x194: {  	s2 =	simm.s32 @p0 $0x1E800  }
0x195: {  	[tilespmem:s2], [sflag:$0x2] =	stream.indirect_vreg.gather @p0 [hbm4b:s11+s0], $0x80, v20, vm1, $0xb8;
	[tilespmem:$0x1F300] =	vst v63  }
0x196: {  	v20 =	vld [tilespmem:$0x1F000];
	_ =	sdelay $0x4  }
0x197: {  	vm1 =	veq.s32 v20, $0x70  }
0x198: {  	v20 =	vsel vm1, $0x0, v9  }
0x199: {  	(xrf0) =	vmax.scan.msk.f32 $0xffff, v20;
	_ =	sdelay $0x5  }
0x19a: {  	v20, _, _ =	vpop (xrf0)  }
0x19b: {  	(v2sf) =	vpush v20, $0xF;
	_ =	sdelay $0xe  }
0x19c: {  	s22 =	spop (v2sf)  }
0x19d: {  	p0 =	sgt.f32 s22, $0.0e+00  }
.Ltmp11:
0x19e: {  	_ = 	snop;
	(pc) =	sbr.rel @!p0 .LBB2_14-.Ltmp11, $1  }
0x19f: {  	_ =	sdelay $0x3  }
0x1a0: {  	_ =	swait.ge [sflag:s30], $0x3000;
	s8 =	simm.s32 $0x0  }
0x1a1: {  	[sflag:s30] =	ssyncset.done $0x0;
	v20 =	vmov s8  }
0x1a2: {  	[sflag:s30] =	ssyncadd.s32 $0xFFFFD000  }
0x1a3: {  	_ =	swait.ge [sflag:s30], $0x2000  }
0x1a4: {  	s0 =	simm.s32 $0x0;
	[sflag:s30] =	ssyncset.done $0x0  }
0x1a5: {  	s2 =	sand.u32 $0x380, s8;
	s0 =	sand.u32 $0x3FFFF000, s0;
	[sflag:s30] =	ssyncadd.s32 $0xFFFFE000  }
0x1a6: {  	s0 =	sor.u32 s2, s0;
	v21 =	vld.idx.msk [tilespmem:v20+s31+$0x0], $0xffff  }
0x1a7: {  	s15 =	sadd.s32 $0x1B000, s0;
	v29 =	vld [tilespmem:s0+$0x1B000]  }
0x1a8: {  	v25 =	vld [tilespmem:s15+$0x400]  }
0x1a9: {  	v28 =	vld [tilespmem:s15+$0x410]  }
0x1aa: {  	v30 =	vld [tilespmem:s15+$0x420]  }
0x1ab: {  	v31 =	vld [tilespmem:s15+$0x430]  }
0x1ac: {  	v32 =	vld [tilespmem:s15+$0x440]  }
0x1ad: {  	v34 =	vld [tilespmem:s15+$0x450]  }
0x1ae: {  	v35 =	vld [tilespmem:s15+$0x460]  }
0x1af: {  	v42 =	vld [tilespmem:s15+$0x470]  }
0x1b0: {  	v39 =	vld [tilespmem:s15+$0x800]  }
0x1b1: {  	v43 =	vld [tilespmem:s15+$0x10]  }
0x1b2: {  	s22 =	simm.s32 $0x0;
	v44 =	vld [tilespmem:s15+$0x810]  }
0x1b3: {  	s0 =	smul.u32 $0x6000, s22;
	v14 =	vld [tilespmem:s15+$0x20]  }
0x1b4: {  	v45 =	vld [tilespmem:s15+$0x820]  }
0x1b5: {  	v12 =	vld [tilespmem:s15+$0x30];
	s0 =	sshra.s32 s0, $0x2  }
0x1b6: {  	v13 =	vld [tilespmem:s15+$0x830];
	s0 =	sor.u32 s2, s0  }
0x1b7: {  	v46 =	vld [tilespmem:s0+$0x15C00]  }
0x1b8: {  	v47 =	vld [tilespmem:s0+$0x16000]  }
0x1b9: {  	v48 =	vld [tilespmem:s0+$0x16400]  }
0x1ba: {  	v49 =	vld [tilespmem:s0+$0x15000]  }
0x1bb: {  	v50 =	vld [tilespmem:s0+$0x15800];
	s2 =	sadd.s32 $0x15000, s0  }
0x1bc: {  	v27 =	vld [tilespmem:s2+$0x400]  }
0x1bd: {  	v51 =	vld [tilespmem:s2+$0x410]  }
0x1be: {  	v52 =	vld [tilespmem:s2+$0x420]  }
0x1bf: {  	v53 =	vld [tilespmem:s2+$0x430]  }
0x1c0: {  	v54 =	vld [tilespmem:s2+$0x440]  }
0x1c1: {  	v55 =	vld [tilespmem:s2+$0x450]  }
0x1c2: {  	v56 =	vld [tilespmem:s2+$0x460]  }
0x1c3: {  	s21 =	sadd.s32 $0x15C00, s0;
	v57 =	vld [tilespmem:s2+$0x470]  }
0x1c4: {  	s22 =	sadd.s32 $0x16000, s0;
	v58 =	vld [tilespmem:s21+$0x10]  }
0x1c5: {  	s7 =	sadd.s32 $0x16400, s0;
	v59 =	vld [tilespmem:s22+$0x10]  }
0x1c6: {  	v22 =	vshll.u32 v20, $0x9;
	v20 =	vshll.u32 v20, $0x7;
	v60 =	vld [tilespmem:s7+$0x10]  }
0x1c7: {  	v2 =	vmov v61;
	v22 =	vand.u32 $0x1000, v22;
	v20 =	vand.u32 $0x380, v20;
	v61 =	vld [tilespmem:s21+$0x20]  }
0x1c8: {  	v20 =	vor.u32 v20, v22;
	v62 =	vld [tilespmem:s22+$0x20]  }
0x1c9: {  	v22 =	vor.u32 $0xC00, v20;
	s14 =	sadd.s32 $0x15800, s0;
	v63 =	vld [tilespmem:s2+$0x10]  }
0x1ca: {  	v4 =	vld [tilespmem:s14+$0x10]  }
0x1cb: {  	v23 =	vor.u32 $0x1, v22;
	v5 =	vld [tilespmem:s2+$0x20]  }
0x1cc: {  	v24 =	vor.u32 $0x2, v22;
	v7 =	vld [tilespmem:s14+$0x20]  }
0x1cd: {  	v38 =	vld [tilespmem:s2+$0x30]  }
0x1ce: {  	v0 =	vlaneseq.u32;
	v20 =	vld.idx.msk [tilespmem:v22+s19+$0x0], $0xffff;
	v22 =	vshll.u32 v21, $0x9;
	v21 =	vshll.u32 v21, $0x7  }
0x1cf: {  	v1 =	vor.u32 $0xC00, v0;
	v40 =	vld [tilespmem:s14+$0x30];
	v22 =	vand.u32 $0xFFFFF000, v22;
	v26 =	vand.u32 $0x380, v21  }
0x1d0: {  	v3 =	vor.u32 $0xC10, v0;
	v36 =	vld.idx.msk [tilespmem:v23+s19+$0x0], $0xffff;
	[tilespmem:$0x1FE90] =	vst v1;
	v37 =	vor.u32 v22, v26  }
0x1d1: {  	v41 =	vor.u32 $0xC20, v0;
	v33 =	vld.idx.msk [tilespmem:v24+s19+$0x0], $0xffff;
	[tilespmem:$0x1FEA0] =	vst v3;
	v9 =	vor.u32 v1, v37  }
0x1d2: {  	v15 =	vor.u32 $0xC30, v0;
	v10 =	vld [tilespmem:s7+$0x20];
	[tilespmem:$0x1FEB0] =	vst v41  }
0x1d3: {  	v17 =	vor.u32 $0xC40, v0;
	v6 =	vor.u32 v3, v37;
	v19 =	vor.u32 v41, v37;
	v41 =	vld [tilespmem:s21+$0x30];
	[tilespmem:$0x1FEC0] =	vst v15  }
0x1d4: {  	v25 =	vmul.f32 v25, v27;
	v8 =	vld [tilespmem:s22+$0x30];
	[tilespmem:$0x1FED0] =	vst v17  }
0x1d5: {  	v28 =	vmul.f32 v28, v51;
	v51 =	vld [tilespmem:s7+$0x30]  }
0x1d6: {  	v11 =	vor.u32 $0xC50, v0;
	v3 =	vor.u32 v15, v37;
	[tilespmem:v9+s3+$0x0] =	vst.idx.add.f32.msk $0xffff, v25  }
0x1d7: {  	v52 =	vmul.f32 v30, v52;
	v1 =	vor.u32 v17, v37;
	[tilespmem:$0x1FEE0] =	vst v11  }
0x1d8: {  	v30 =	vor.u32 v11, v37;
	[tilespmem:v6+s3+$0x0] =	vst.idx.add.f32.msk $0xffff, v28  }
0x1d9: {  	v57 =	vmul.f32 v42, v57;
	v15 =	vmul.f32 v31, v53;
	v17 =	vor.u32 $0xC60, v0;
	[tilespmem:v19+s3+$0x0] =	vst.idx.add.f32.msk $0xffff, v52  }
0x1da: {  	v4 =	vmul.f32 v44, v4;
	v52 =	vmul.f32 v32, v54;
	v19 =	vor.u32 v17, v37;
	[tilespmem:$0x1FEF0] =	vst v17  }
0x1db: {  	v53 =	vmul.f32 v34, v55;
	v25 =	vmul.u32 $0x3, v0;
	v0 =	vor.u32 $0xC70, v0;
	[tilespmem:v3+s3+$0x0] =	vst.idx.add.f32.msk $0xffff, v15  }
0x1dc: {  	v55 =	vmul.f32 v35, v56;
	v56 =	vor.u32 v0, v37;
	[tilespmem:v1+s3+$0x0] =	vst.idx.add.f32.msk $0xffff, v52  }
0x1dd: {  	v6 =	vmul.f32 v39, v50;
	v31 =	vadd.s32 $0x2, v25;
	v1 =	vmul.f32 v29, v49;
	[tilespmem:v30+s3+$0x0] =	vst.idx.add.f32.msk $0xffff, v53  }
0x1de: {  	v54 =	vadd.s32 $0x1, v25;
	v15 =	vor.u32 v25, v37;
	v49 =	vmul.f32 v43, v63;
	[tilespmem:$0x1FF00] =	vst v0  }
0x1df: {  	v32 =	vadd.s32 $0x30, v25;
	v52 =	vmul.f32 v6, v20;
	v50 =	vmul.f32 v46, v1;
	[tilespmem:v19+s3+$0x0] =	vst.idx.add.f32.msk $0xffff, v55  }
0x1e0: {  	v30 =	vmovc v54;
	v19 =	vor.u32 v54, v37;
	v54 =	vmul.f32 v47, v1;
	v55 =	vmul.f32 v6, v36  }
0x1e1: {  	v53 =	vor.u32 v31, v37;
	v1 =	vmul.f32 v48, v1;
	v6 =	vmul.f32 v6, v33  }
0x1e2: {  	v3 =	vadd.f32 v52, v50;
	[tilespmem:v56+s3+$0x0] =	vst.idx.add.f32.msk $0xffff, v57;
	v57 =	vor.u32 v32, v37  }
0x1e3: {  	v11 =	vmul.f32 v4, v20;
	v63 =	vmul.f32 v58, v49;
	v56 =	vadd.f32 v54, v55  }
0x1e4: {  	v1 =	vadd.f32 v1, v6;
	[tilespmem:v15+s3+$0x0] =	vst.idx.add.f32.msk $0xffff, v3  }
0x1e5: {  	v6 =	vadd.f32 v11, v63;
	[tilespmem:v19+s3+$0x0] =	vst.idx.add.f32.msk $0xffff, v56  }
0x1e6: {  	v14 =	vmul.f32 v14, v5;
	v34 =	vadd.s32 $0x31, v25;
	v35 =	vadd.s32 $0x32, v25;
	[tilespmem:v53+s3+$0x0] =	vst.idx.add.f32.msk $0xffff, v1  }
0x1e7: {  	v39 =	vadd.s32 $0x411, v25;
	v46 =	vor.u32 v35, v37;
	v47 =	vmul.f32 v4, v36;
	[tilespmem:v57+s3+$0x0] =	vst.idx.add.f32.msk $0xffff, v6  }
0x1e8: {  	v58 =	vor.u32 v2, v37;
	v48 =	vmul.f32 v60, v49;
	v4 =	vmul.f32 v4, v33;
	v28 =	vld [tilespmem:$0x1FFE0]  }
0x1e9: {  	v60 =	vor.u32 v39, v37;
	v52 =	vmul.f32 v61, v14;
	v54 =	vmul.f32 v62, v14;
	v29 =	vld [tilespmem:$0x1FFF0]  }
0x1ea: {  	v55 =	vmul.f32 v12, v38;
	v15 =	vmul.f32 v45, v7;
	v45 =	vor.u32 v34, v37  }
0x1eb: {  	v4 =	vadd.f32 v48, v4;
	v3 =	vmul.f32 v10, v14;
	v19 =	vmul.f32 v59, v49  }
0x1ec: {  	v38 =	vadd.s32 $0x410, v25;
	v62 =	vmul.f32 v41, v55;
	v8 =	vmul.f32 v8, v55  }
0x1ed: {  	v59 =	vor.u32 v38, v37;
	v19 =	vadd.f32 v19, v47;
	v49 =	vor.u32 v28, v37  }
0x1ee: {  	v5 =	vmul.f32 v15, v33;
	v53 =	vmul.f32 v15, v20;
	v50 =	vor.u32 v29, v37  }
0x1ef: {  	v57 =	vmul.f32 v13, v40;
	[tilespmem:v45+s3+$0x0] =	vst.idx.add.f32.msk $0xffff, v19;
	v19 =	vmul.f32 v15, v36  }
0x1f0: {  	v1 =	vmul.f32 v51, v55;
	v3 =	vadd.f32 v3, v5;
	v56 =	vadd.f32 v53, v52  }
0x1f1: {  	v40 =	vadd.s32 $0x412, v25;
	[tilespmem:v46+s3+$0x0] =	vst.idx.add.f32.msk $0xffff, v4;
	v7 =	vadd.f32 v54, v19;
	v19 =	vmul.f32 v57, v20  }
0x1f2: {  	v61 =	vor.u32 v40, v37;
	v63 =	vmul.f32 v57, v36;
	[tilespmem:v49+s3+$0x0] =	vst.idx.add.f32.msk $0xffff, v56  }
0x1f3: {  	v6 =	vmul.f32 v57, v33;
	v9 =	vadd.f32 v19, v62;
	[tilespmem:v50+s3+$0x0] =	vst.idx.add.f32.msk $0xffff, v7  }
0x1f4: {  	v5 =	vadd.f32 v8, v63;
	[tilespmem:v58+s3+$0x0] =	vst.idx.add.f32.msk $0xffff, v3  }
0x1f5: {  	v1 =	vadd.f32 v1, v6;
	[tilespmem:v59+s3+$0x0] =	vst.idx.add.f32.msk $0xffff, v9  }
0x1f6: {  	[tilespmem:v60+s3+$0x0] =	vst.idx.add.f32.msk $0xffff, v5  }
0x1f7: {  	[tilespmem:v61+s3+$0x0] =	vst.idx.add.f32.msk $0xffff, v1  }
0x1f8: {  	v42 =	vld [tilespmem:s2+$0x40]  }
0x1f9: {  	v44 =	vld [tilespmem:s15+$0x40]  }
0x1fa: {  	v45 =	vld [tilespmem:s14+$0x40]  }
0x1fb: {  	v49 =	vld [tilespmem:s15+$0x840]  }
0x1fc: {  	v43 =	vld [tilespmem:s2+$0x50]  }
0x1fd: {  	v46 =	vld [tilespmem:s15+$0x50]  }
0x1fe: {  	v48 =	vld [tilespmem:s14+$0x50]  }
0x1ff: {  	v50 =	vld [tilespmem:s15+$0x850]  }
0x200: {  	s0 =	simm.s32 $0x1;
	v47 =	vld [tilespmem:s2+$0x60]  }
.LBB2_12:
0x201: {  	v1 =	vld [tilespmem:s15+$0x60]  }
0x202: {  	v3 =	vld [tilespmem:s14+$0x60]  }
0x203: {  	v4 =	vld [tilespmem:s15+$0x860]  }
0x204: {  	v5 =	vld [tilespmem:s2+$0x70]  }
0x205: {  	v6 =	vld [tilespmem:s15+$0x70]  }
0x206: {  	v9 =	vld [tilespmem:s14+$0x70]  }
0x207: {  	v52 =	vld [tilespmem:s15+$0x870]  }
0x208: {  	v56 =	vld [tilespmem:s21+$0x40]  }
0x209: {  	v63 =	vld [tilespmem:s22+$0x40]  }
0x20a: {  	v0 =	vld [tilespmem:$0x1FFB0]  }
0x20b: {  	v11 =	vld [tilespmem:$0x1FFC0]  }
0x20c: {  	v12 =	vld [tilespmem:s22+$0x50]  }
0x20d: {  	v41 =	vmov s0;
	v13 =	vld [tilespmem:$0x1FFD0]  }
0x20e: {  	v7 =	vor.u32 $0x440, v25;
	v8 =	vadd.s32 $0x441, v25;
	v58 =	vld [tilespmem:s7+$0x50];
	v42 =	vmul.f32 v44, v42  }
0x20f: {  	v10 =	vadd.s32 $0x442, v25;
	v60 =	vld [tilespmem:s21+$0x60];
	v44 =	vmul.f32 v49, v45;
	v43 =	vmul.f32 v46, v43  }
0x210: {  	v19 =	vadd.s32 $0x820, v25;
	v61 =	vld [tilespmem:s22+$0x60];
	v46 =	vmul.f32 v50, v48;
	v1 =	vmul.f32 v1, v47  }
0x211: {  	v17 =	vld [tilespmem:s7+$0x70];
	v7 =	vor.u32 v7, v37;
	v3 =	vmul.f32 v4, v3;
	v5 =	vmul.f32 v6, v5  }
0x212: {  	v21 =	vld [tilespmem:$0x1FF00];
	v8 =	vor.u32 v8, v37;
	v6 =	vmul.f32 v52, v9;
	v14 =	vmul.f32 v56, v42  }
0x213: {  	v10 =	vor.u32 v10, v37;
	v49 =	vld [tilespmem:s7+$0x40];
	v15 =	vmul.f32 v44, v20;
	v45 =	vmul.f32 v63, v42  }
0x214: {  	v50 =	vld [tilespmem:s21+$0x50];
	v48 =	vor.u32 v0, v37;
	v59 =	vmul.f32 v44, v36;
	v44 =	vmul.f32 v44, v33  }
0x215: {  	v4 =	vor.u32 v11, v37;
	v11 =	vld [tilespmem:s21+$0x70];
	v62 =	vmul.f32 v46, v20;
	v47 =	vmul.f32 v12, v43  }
0x216: {  	v9 =	vor.u32 v13, v37;
	v63 =	vld [tilespmem:s7+$0x60];
	v2 =	vmul.f32 v46, v36;
	v46 =	vmul.f32 v46, v33  }
0x217: {  	v12 =	vmul.f32 v60, v1;
	v13 =	vmul.f32 v3, v20;
	v52 =	vadd.f32 v15, v14;
	v14 =	vld [tilespmem:s22+$0x70]  }
0x218: {  	v16 =	vmul.f32 v3, v36;
	v45 =	vadd.f32 v45, v59;
	v49 =	vmul.f32 v49, v42;
	v42 =	vld.idx.msk [tilespmem:v41+s31+$0x0], $0xffff  }
0x219: {  	v51 =	vadd.s32 $0x821, v25;
	v15 =	vmul.f32 v61, v1;
	v50 =	vmul.f32 v50, v43;
	[tilespmem:v7+s3+$0x0] =	vst.idx.add.f32.msk $0xffff, v52  }
0x21a: {  	v53 =	vadd.s32 $0x822, v25;
	v3 =	vmul.f32 v3, v33;
	v44 =	vadd.f32 v49, v44;
	[tilespmem:v8+s3+$0x0] =	vst.idx.add.f32.msk $0xffff, v45  }
0x21b: {  	v0 =	vmul.f32 v17, v5;
	v49 =	vadd.f32 v62, v50;
	v62 =	vadd.f32 v15, v16;
	v15 =	vld [tilespmem:$0x1FEA0]  }
0x21c: {  	v43 =	vmul.f32 v58, v43;
	v58 =	vadd.f32 v13, v12;
	v13 =	vshll.u32 v41, $0x7;
	v16 =	vld [tilespmem:$0x1FEB0]  }
0x21d: {  	v50 =	vmul.f32 v11, v5;
	v11 =	vmul.f32 v6, v33;
	v33 =	vand.u32 $0x380, v13;
	v13 =	vld [tilespmem:$0x1FED0]  }
0x21e: {  	v54 =	vadd.s32 $0x850, v25;
	v19 =	vor.u32 v19, v37;
	v51 =	vor.u32 v51, v37;
	[tilespmem:v10+s3+$0x0] =	vst.idx.add.f32.msk $0xffff, v44  }
0x21f: {  	v53 =	vor.u32 v53, v37;
	v2 =	vadd.f32 v47, v2;
	v0 =	vadd.f32 v0, v11;
	v11 =	vld [tilespmem:$0x1FE90]  }
0x220: {  	v55 =	vadd.s32 $0x851, v25;
	v54 =	vor.u32 v54, v37;
	v52 =	vadd.f32 v43, v46;
	[tilespmem:v48+s3+$0x0] =	vst.idx.add.f32.msk $0xffff, v49  }
0x221: {  	v55 =	vor.u32 v55, v37;
	v1 =	vmul.f32 v63, v1;
	[tilespmem:v4+s3+$0x0] =	vst.idx.add.f32.msk $0xffff, v2  }
0x222: {  	v20 =	vmul.f32 v6, v20;
	v63 =	vmul.f32 v6, v36;
	[tilespmem:v9+s3+$0x0] =	vst.idx.add.f32.msk $0xffff, v52  }
0x223: {  	v57 =	vadd.s32 $0x852, v25;
	v60 =	vmul.f32 v14, v5;
	v1 =	vadd.f32 v1, v3;
	[tilespmem:v19+s3+$0x0] =	vst.idx.add.f32.msk $0xffff, v58  }
0x224: {  	v37 =	vor.u32 v57, v37;
	v10 =	vadd.f32 v20, v50;
	[tilespmem:v51+s3+$0x0] =	vst.idx.add.f32.msk $0xffff, v62  }
0x225: {  	v12 =	vadd.f32 v60, v63;
	[tilespmem:v53+s3+$0x0] =	vst.idx.add.f32.msk $0xffff, v1  }
0x226: {  	[tilespmem:v54+s3+$0x0] =	vst.idx.add.f32.msk $0xffff, v10  }
0x227: {  	s15 =	sshll.u32 s0, $0x9;
	s8 =	sadd.s32 $0x80, s8;
	[tilespmem:v55+s3+$0x0] =	vst.idx.add.f32.msk $0xffff, v12  }
0x228: {  	s2 =	sand.u32 $0x3FFFF000, s15;
	s21 =	sand.u32 $0x380, s8;
	v12 =	vld [tilespmem:$0x1FEC0]  }
0x229: {  	s2 =	sor.u32 s21, s2;
	[tilespmem:v37+s3+$0x0] =	vst.idx.add.f32.msk $0xffff, v0  }
0x22a: {  	s15 =	sadd.s32 $0x1B000, s2;
	v0 =	vld [tilespmem:s2+$0x1B000]  }
0x22b: {  	v1 =	vld [tilespmem:s15+$0x400]  }
0x22c: {  	v2 =	vld [tilespmem:s15+$0x410]  }
0x22d: {  	v3 =	vld [tilespmem:s15+$0x420]  }
0x22e: {  	v4 =	vld [tilespmem:s15+$0x430]  }
0x22f: {  	v5 =	vld [tilespmem:s15+$0x440]  }
0x230: {  	v6 =	vld [tilespmem:s15+$0x450]  }
0x231: {  	v7 =	vld [tilespmem:s15+$0x460]  }
0x232: {  	v20 =	vshll.u32 v41, $0x9;
	v8 =	vld [tilespmem:s15+$0x470]  }
0x233: {  	v20 =	vand.u32 $0x1000, v20;
	v9 =	vld [tilespmem:s15+$0x800]  }
0x234: {  	v20 =	vor.u32 v33, v20;
	v10 =	vld [tilespmem:s15+$0x10]  }
0x235: {  	v33 =	vor.u32 $0xC00, v20;
	v19 =	vld [tilespmem:s15+$0x810]  }
0x236: {  	v43 =	vld [tilespmem:s15+$0x20]  }
0x237: {  	v41 =	vld [tilespmem:s15+$0x820]  }
0x238: {  	s22 =	sshrl.u32 s0, $0x3;
	v14 =	vshll.u32 v42, $0x9;
	v42 =	vshll.u32 v42, $0x7;
	v44 =	vld [tilespmem:s15+$0x30]  }
0x239: {  	v42 =	vand.u32 $0x380, v42;
	v37 =	vand.u32 $0xFFFFF000, v14;
	s2 =	smul.u32 $0x6000, s22;
	v45 =	vld [tilespmem:s15+$0x830]  }
0x23a: {  	v20 =	vld.idx.msk [tilespmem:v33+s19+$0x0], $0xffff;
	v37 =	vor.u32 v37, v42  }
0x23b: {  	v18 =	vor.u32 v15, v37;
	v15 =	vld [tilespmem:$0x1FEE0];
	s2 =	sshra.s32 s2, $0x2  }
0x23c: {  	v63 =	vor.u32 v11, v37;
	v11 =	vor.u32 v16, v37;
	v16 =	vld [tilespmem:$0x1FEF0];
	s14 =	sor.u32 s21, s2  }
0x23d: {  	v46 =	vld [tilespmem:s14+$0x15C00]  }
0x23e: {  	v47 =	vld [tilespmem:s14+$0x16000]  }
0x23f: {  	v48 =	vld [tilespmem:s14+$0x16400]  }
0x240: {  	v36 =	vld [tilespmem:s14+$0x15000]  }
0x241: {  	v49 =	vld [tilespmem:s14+$0x15800];
	s2 =	sadd.s32 $0x15000, s14  }
0x242: {  	v50 =	vld [tilespmem:s2+$0x400]  }
0x243: {  	v51 =	vld [tilespmem:s2+$0x410]  }
0x244: {  	v52 =	vld [tilespmem:s2+$0x420]  }
0x245: {  	v53 =	vld [tilespmem:s2+$0x430]  }
0x246: {  	v54 =	vld [tilespmem:s2+$0x440]  }
0x247: {  	v55 =	vld [tilespmem:s2+$0x450]  }
0x248: {  	v56 =	vld [tilespmem:s2+$0x460]  }
0x249: {  	s21 =	sadd.s32 $0x15C00, s14;
	v57 =	vld [tilespmem:s2+$0x470]  }
0x24a: {  	s22 =	sadd.s32 $0x16000, s14;
	v58 =	vld [tilespmem:s21+$0x10]  }
0x24b: {  	s7 =	sadd.s32 $0x16400, s14;
	v59 =	vld [tilespmem:s22+$0x10]  }
0x24c: {  	v60 =	vld [tilespmem:s7+$0x10]  }
0x24d: {  	v61 =	vor.u32 $0x1, v33;
	v33 =	vor.u32 $0x2, v33;
	v62 =	vld [tilespmem:s21+$0x20]  }
0x24e: {  	v42 =	vld [tilespmem:s22+$0x20]  }
0x24f: {  	s14 =	sadd.s32 $0x15800, s14;
	v17 =	vld [tilespmem:s2+$0x10]  }
0x250: {  	v13 =	vor.u32 v13, v37;
	v21 =	vor.u32 v21, v37;
	v14 =	vld [tilespmem:s14+$0x10]  }
0x251: {  	v23 =	vor.u32 v25, v37;
	v24 =	vor.u32 v30, v37;
	v26 =	vor.u32 v31, v37;
	v22 =	vld [tilespmem:s2+$0x20]  }
0x252: {  	v27 =	vor.u32 v32, v37;
	v33 =	vld.idx.msk [tilespmem:v33+s19+$0x0], $0xffff;
	v0 =	vmul.f32 v0, v36;
	v9 =	vmul.f32 v9, v49  }
0x253: {  	v12 =	vor.u32 v12, v37;
	v49 =	vld [tilespmem:s14+$0x20];
	v1 =	vmul.f32 v1, v50;
	v2 =	vmul.f32 v2, v51  }
0x254: {  	v15 =	vor.u32 v15, v37;
	v36 =	vld.idx.msk [tilespmem:v61+s19+$0x0], $0xffff;
	v3 =	vmul.f32 v3, v52;
	v4 =	vmul.f32 v4, v53  }
0x255: {  	v16 =	vor.u32 v16, v37;
	v50 =	vld [tilespmem:s2+$0x30];
	v5 =	vmul.f32 v5, v54;
	v6 =	vmul.f32 v6, v55  }
0x256: {  	v51 =	vor.u32 v34, v37;
	v52 =	vld [tilespmem:s14+$0x30];
	v7 =	vmul.f32 v7, v56;
	v8 =	vmul.f32 v8, v57  }
0x257: {  	v53 =	vor.u32 v35, v37;
	v10 =	vmul.f32 v10, v17;
	v14 =	vmul.f32 v19, v14;
	v19 =	vld [tilespmem:$0x1FFA0]  }
0x258: {  	v54 =	vor.u32 v28, v37;
	v17 =	vld [tilespmem:s7+$0x20];
	v22 =	vmul.f32 v43, v22;
	v46 =	vmul.f32 v46, v0  }
0x259: {  	v55 =	vor.u32 v29, v37;
	v43 =	vld [tilespmem:s21+$0x30];
	v47 =	vmul.f32 v47, v0;
	v61 =	vmul.f32 v9, v20  }
0x25a: {  	v56 =	vld [tilespmem:s7+$0x30];
	v57 =	vor.u32 v40, v37;
	v0 =	vmul.f32 v48, v0;
	v48 =	vmul.f32 v62, v22  }
0x25b: {  	v62 =	vadd.f32 v61, v46;
	v41 =	vmul.f32 v41, v49;
	v44 =	vmul.f32 v44, v50;
	v50 =	vld [tilespmem:s22+$0x30]  }
0x25c: {  	v49 =	vor.u32 v38, v37;
	v19 =	vor.u32 v19, v37;
	[tilespmem:v63+s3+$0x0] =	vst.idx.add.f32.msk $0xffff, v1  }
0x25d: {  	v45 =	vmul.f32 v45, v52;
	v52 =	vor.u32 v39, v37;
	[tilespmem:v18+s3+$0x0] =	vst.idx.add.f32.msk $0xffff, v2  }
0x25e: {  	v1 =	vmul.f32 v9, v36;
	v9 =	vmul.f32 v9, v33;
	[tilespmem:v11+s3+$0x0] =	vst.idx.add.f32.msk $0xffff, v3  }
0x25f: {  	v2 =	vmul.f32 v58, v10;
	v18 =	vmul.f32 v59, v10;
	[tilespmem:v12+s3+$0x0] =	vst.idx.add.f32.msk $0xffff, v4  }
0x260: {  	v58 =	vmul.f32 v42, v22;
	v59 =	vmul.f32 v17, v22;
	[tilespmem:v13+s3+$0x0] =	vst.idx.add.f32.msk $0xffff, v5  }
0x261: {  	v17 =	vmul.f32 v14, v36;
	v42 =	vmul.f32 v14, v33;
	[tilespmem:v15+s3+$0x0] =	vst.idx.add.f32.msk $0xffff, v6  }
0x262: {  	v3 =	vmul.f32 v60, v10;
	v60 =	vmul.f32 v43, v44;
	[tilespmem:v16+s3+$0x0] =	vst.idx.add.f32.msk $0xffff, v7  }
0x263: {  	v1 =	vadd.f32 v47, v1;
	v16 =	vmul.f32 v14, v20;
	[tilespmem:v21+s3+$0x0] =	vst.idx.add.f32.msk $0xffff, v8  }
0x264: {  	v63 =	vmul.f32 v56, v44;
	v0 =	vadd.f32 v0, v9;
	[tilespmem:v23+s3+$0x0] =	vst.idx.add.f32.msk $0xffff, v62  }
0x265: {  	v43 =	vadd.f32 v18, v17;
	v2 =	vadd.f32 v16, v2;
	[tilespmem:v24+s3+$0x0] =	vst.idx.add.f32.msk $0xffff, v1  }
0x266: {  	v12 =	vmul.f32 v50, v44;
	v44 =	vmul.f32 v41, v20;
	[tilespmem:v26+s3+$0x0] =	vst.idx.add.f32.msk $0xffff, v0  }
0x267: {  	v47 =	vmul.f32 v41, v36;
	v46 =	vadd.f32 v3, v42;
	[tilespmem:v27+s3+$0x0] =	vst.idx.add.f32.msk $0xffff, v2  }
0x268: {  	v50 =	vmul.f32 v41, v33;
	v48 =	vadd.f32 v44, v48;
	[tilespmem:v51+s3+$0x0] =	vst.idx.add.f32.msk $0xffff, v43  }
0x269: {  	v56 =	vmul.f32 v45, v20;
	v51 =	vadd.f32 v58, v47;
	[tilespmem:v53+s3+$0x0] =	vst.idx.add.f32.msk $0xffff, v46  }
0x26a: {  	v58 =	vadd.f32 v59, v50;
	v59 =	vmul.f32 v45, v36;
	[tilespmem:v54+s3+$0x0] =	vst.idx.add.f32.msk $0xffff, v48  }
0x26b: {  	v61 =	vmul.f32 v45, v33;
	v60 =	vadd.f32 v56, v60;
	[tilespmem:v55+s3+$0x0] =	vst.idx.add.f32.msk $0xffff, v51  }
0x26c: {  	v62 =	vadd.f32 v12, v59;
	[tilespmem:v19+s3+$0x0] =	vst.idx.add.f32.msk $0xffff, v58  }
0x26d: {  	v63 =	vadd.f32 v63, v61;
	[tilespmem:v49+s3+$0x0] =	vst.idx.add.f32.msk $0xffff, v60  }
0x26e: {  	[tilespmem:v52+s3+$0x0] =	vst.idx.add.f32.msk $0xffff, v62  }
0x26f: {  	[tilespmem:v57+s3+$0x0] =	vst.idx.add.f32.msk $0xffff, v63  }
0x270: {  	v42 =	vld [tilespmem:s2+$0x40]  }
0x271: {  	v44 =	vld [tilespmem:s15+$0x40]  }
0x272: {  	v45 =	vld [tilespmem:s14+$0x40]  }
0x273: {  	p0 =	sne.s32 s0, $0xF;
	v49 =	vld [tilespmem:s15+$0x840]  }
.Ltmp12:
0x274: {  	v43 =	vld [tilespmem:s2+$0x50];
	(pc) =	sbr.rel @p0 .LBB2_12-.Ltmp12, $4  }
0x275: {  	v46 =	vld [tilespmem:s15+$0x50]  }
0x276: {  	v48 =	vld [tilespmem:s14+$0x50]  }
0x277: {  	v50 =	vld [tilespmem:s15+$0x850]  }
0x278: {  	s0 =	sadd.s32 $0x1, s0;
	v47 =	vld [tilespmem:s2+$0x60]  }
0x279: {  	v0 =	vld [tilespmem:s15+$0x60]  }
0x27a: {  	v1 =	vld [tilespmem:s14+$0x60]  }
0x27b: {  	v2 =	vld [tilespmem:s15+$0x860]  }
0x27c: {  	v3 =	vld [tilespmem:s2+$0x70]  }
0x27d: {  	v4 =	vld [tilespmem:s15+$0x70]  }
0x27e: {  	v7 =	vld [tilespmem:s14+$0x70]  }
0x27f: {  	v5 =	vor.u32 $0x440, v25;
	v6 =	vadd.s32 $0x441, v25;
	v11 =	vld [tilespmem:s15+$0x870]  }
0x280: {  	v8 =	vadd.s32 $0x442, v25;
	v9 =	vadd.s32 $0x820, v25;
	v10 =	vadd.s32 $0x821, v25;
	v15 =	vld [tilespmem:s21+$0x40]  }
0x281: {  	v12 =	vadd.s32 $0x822, v25;
	v13 =	vadd.s32 $0x850, v25;
	v14 =	vadd.s32 $0x851, v25;
	v19 =	vld [tilespmem:s22+$0x40]  }
0x282: {  	v16 =	vadd.s32 $0x852, v25;
	v17 =	vmul.f32 v44, v42;
	v18 =	vmul.f32 v49, v45;
	v21 =	vld [tilespmem:s7+$0x40]  }
0x283: {  	v62 =	vld [tilespmem:$0x1FFB0];
	v5 =	vor.u32 v5, v37;
	v6 =	vor.u32 v6, v37;
	v8 =	vor.u32 v8, v37  }
0x284: {  	v63 =	vld [tilespmem:$0x1FFC0];
	v22 =	vmul.f32 v46, v43;
	v9 =	vor.u32 v9, v37;
	v10 =	vor.u32 v10, v37  }
0x285: {  	v26 =	vld [tilespmem:s22+$0x50];
	v12 =	vor.u32 v12, v37;
	v28 =	vmul.f32 v18, v36;
	v23 =	vmul.f32 v50, v48  }
0x286: {  	v59 =	vld [tilespmem:$0x1FFD0];
	v13 =	vor.u32 v13, v37;
	v50 =	vmul.f32 v18, v20;
	v18 =	vmul.f32 v18, v33  }
0x287: {  	v29 =	vld [tilespmem:s21+$0x60];
	v14 =	vor.u32 v14, v37;
	v0 =	vmul.f32 v0, v47;
	v1 =	vmul.f32 v2, v1  }
0x288: {  	v51 =	vld [tilespmem:s22+$0x60];
	v16 =	vor.u32 v16, v37;
	v3 =	vmul.f32 v4, v3;
	v4 =	vmul.f32 v11, v7  }
0x289: {  	v48 =	vld [tilespmem:s21+$0x50];
	v24 =	vor.u32 v62, v37;
	v11 =	vmul.f32 v15, v17;
	v19 =	vmul.f32 v19, v17  }
0x28a: {  	v31 =	vld [tilespmem:s7+$0x60];
	v49 =	vor.u32 v63, v37;
	v17 =	vmul.f32 v21, v17;
	v30 =	vmul.f32 v23, v20  }
0x28b: {  	v27 =	vld [tilespmem:s7+$0x50];
	v7 =	vor.u32 v59, v37;
	v26 =	vmul.f32 v26, v22;
	v32 =	vmul.f32 v23, v36  }
0x28c: {  	v52 =	vld [tilespmem:s21+$0x70];
	v23 =	vmul.f32 v23, v33;
	v11 =	vadd.f32 v50, v11;
	v53 =	vmul.f32 v29, v0  }
0x28d: {  	v34 =	vld [tilespmem:s22+$0x70];
	v29 =	vmul.f32 v1, v20;
	v19 =	vadd.f32 v19, v28;
	v21 =	vmul.f32 v51, v0  }
0x28e: {  	v35 =	vld [tilespmem:s7+$0x70];
	v28 =	vmul.f32 v1, v36;
	v17 =	vadd.f32 v17, v18;
	v25 =	vmul.f32 v48, v22  }
0x28f: {  	v0 =	vmul.f32 v31, v0;
	v1 =	vmul.f32 v1, v33;
	[tilespmem:v5+s3+$0x0] =	vst.idx.add.f32.msk $0xffff, v11  }
0x290: {  	v22 =	vmul.f32 v27, v22;
	v5 =	vadd.f32 v30, v25;
	[tilespmem:v6+s3+$0x0] =	vst.idx.add.f32.msk $0xffff, v19  }
0x291: {  	v54 =	vmul.f32 v4, v20;
	v6 =	vadd.f32 v26, v32;
	[tilespmem:v8+s3+$0x0] =	vst.idx.add.f32.msk $0xffff, v17  }
0x292: {  	v55 =	vmul.f32 v34, v3;
	v8 =	vadd.f32 v22, v23;
	[tilespmem:v24+s3+$0x0] =	vst.idx.add.f32.msk $0xffff, v5  }
0x293: {  	v57 =	vmul.f32 v35, v3;
	v5 =	vadd.f32 v29, v53;
	[tilespmem:v49+s3+$0x0] =	vst.idx.add.f32.msk $0xffff, v6  }
0x294: {  	v11 =	vmul.f32 v52, v3;
	v56 =	vadd.f32 v21, v28;
	[tilespmem:v7+s3+$0x0] =	vst.idx.add.f32.msk $0xffff, v8  }
0x295: {  	v0 =	vadd.f32 v0, v1;
	v6 =	vmul.f32 v4, v36;
	[tilespmem:v9+s3+$0x0] =	vst.idx.add.f32.msk $0xffff, v5  }
0x296: {  	v58 =	vadd.f32 v54, v11;
	v4 =	vmul.f32 v4, v33;
	[tilespmem:v10+s3+$0x0] =	vst.idx.add.f32.msk $0xffff, v56  }
0x297: {  	v60 =	vadd.f32 v55, v6;
	[tilespmem:v12+s3+$0x0] =	vst.idx.add.f32.msk $0xffff, v0  }
0x298: {  	v61 =	vadd.f32 v57, v4;
	[tilespmem:v13+s3+$0x0] =	vst.idx.add.f32.msk $0xffff, v58  }
0x299: {  	[tilespmem:v14+s3+$0x0] =	vst.idx.add.f32.msk $0xffff, v60  }
0x29a: {  	[tilespmem:v16+s3+$0x0] =	vst.idx.add.f32.msk $0xffff, v61  }
0x29b: {  	v10 =	vld [tilespmem:$0x1FF20];
	_ =	sdelay $0x1  }
0x29c: {  	v61 =	vld [tilespmem:$0x1FFA0]  }
0x29d: {  	v31 =	vimm.f32 $0.0e+00;
	v11 =	vld [tilespmem:$0x1FF30]  }
0x29e: {  	v32 =	vimm.s32 $0x0;
	v9 =	vimm.f32 $1.000000000e+00;
	v60 =	vlaneseq.u32;
	v7 =	vld [tilespmem:$0x1FF10]  }
.LBB2_14:
0x29f: {  	v0 =	vld [tilespmem:s20+$0x14020];
	_ =	sdelay $0x4  }
0x2a0: {  	vm1 =	vgt.s32 v0, $0xFFFFFFFF  }
0x2a1: {  	v1 =	vsel vm1, $0x3F800000, v31  }
0x2a2: {  	(xrf0) =	vmax.scan.msk.f32 $0xffff, v1;
	_ =	sdelay $0x5  }
0x2a3: {  	v1, _, _ =	vpop (xrf0)  }
0x2a4: {  	(v2sf) =	vpush v1, $0xF;
	_ =	sdelay $0x5  }
0x2a5: {  	vm2 =	vgt.s32 v0, $0x0  }
0x2a6: {  	v0 =	vnsel vm2, $0x0, v0;
	_ =	sdelay $0x4  }
0x2a7: {  	v57 =	vld.idx.msk [tilespmem:v0+s24+$0x0], $0xffff;
	_ =	sdelay $0x2  }
0x2a8: {  	s0 =	spop (v2sf)  }
0x2a9: {  	p0 =	sgt.f32 s0, $0.0e+00  }
0x2aa: {  	v2 =	vld.idx.msk [tilespmem:v0+s23+$0x0], $0xffff;
	[tilespmem:$0x1F100] =	vst v57  }
0x2ab: {  	v1 =	vld @p0 [tilespmem:$0x1F100];
	_ =	sdelay $0x4  }
0x2ac: {  	v3 =	vshrl.u32 @p0 v1, $0x3  }
0x2ad: {  	v3 =	vmul.u32 @p0 $0x30, v3  }
0x2ae: {  	v4 =	vlaneseq.u32 @p0;
	v1 =	vand.u32 @p0 $0x7, v1  }
0x2af: {  	v5 =	vshrl.u32 @p0 v4, $0x3;
	v1 =	vor.u32 @p0 v1, v3;
	v3 =	vand.u32 @p0 $0x7, v4  }
0x2b0: {  	v5 =	vmul.u32 @p0 $0x8, v5;
	v6 =	vperm.xlane @p0 v1, v3;
	_ =	sdelay $0x1  }
0x2b1: {  	v6 =	vadd.s32 @p0 v5, v6;
	_ =	sdelay $0x1  }
0x2b2: {  	v0 =	vadd.s32 v7, v0;
	v2 =	vsub.s32 v2, v10  }
0x2b3: {  	[tilespmem:$0x1F200] =	vst v0;
	v58 =	vnsel vm1, $0x70, v2;
	v2 =	vor.u32 @p0 $0x8, v4  }
0x2b4: {  	[tilespmem:$0x1F000] =	vst v58;
	vm1 =	vmmov @p0 $0xffff;
	s0 =	simm.s32 @p0 $0x0;
	s2 =	simm.s32 @p0 $0x15000;
	v0 =	vperm.xlane @p0 v1, v2  }
0x2b5: {  	[tilespmem:s2], [sflag:$0x1] =	stream.indirect_vreg.gather @p0 [hbm4b:s5+s0], $0x80, v6, vm1, $0xb8;
	[tilespmem:$0x1F300] =	vst v63  }
0x2b6: {  	v0 =	vadd.s32 @p0 v5, v0;
	s2 =	simm.s32 @p0 $0x15800  }
0x2b7: {  	[tilespmem:s2], [sflag:$0x1] =	stream.indirect_vreg.gather @p0 [hbm4b:s9+s0], $0x80, v6, vm1, $0xb8;
	[tilespmem:$0x1F300] =	vst v63  }
0x2b8: {  	s2 =	simm.s32 @p0 $0x16000  }
0x2b9: {  	[tilespmem:s2], [sflag:$0x1] =	stream.indirect_vreg.gather @p0 [hbm4b:s10+s0], $0x80, v6, vm1, $0xb8;
	[tilespmem:$0x1F300] =	vst v63  }
0x2ba: {  	s2 =	simm.s32 @p0 $0x16800  }
0x2bb: {  	[tilespmem:s2], [sflag:$0x1] =	stream.indirect_vreg.gather @p0 [hbm4b:s5+s0], $0x80, v0, vm1, $0xb8;
	[tilespmem:$0x1F300] =	vst v63  }
0x2bc: {  	s2 =	simm.s32 @p0 $0x17000  }
0x2bd: {  	[tilespmem:s2], [sflag:$0x1] =	stream.indirect_vreg.gather @p0 [hbm4b:s9+s0], $0x80, v0, vm1, $0xb8;
	[tilespmem:$0x1F300] =	vst v63  }
0x2be: {  	s2 =	simm.s32 @p0 $0x17800  }
0x2bf: {  	[tilespmem:s2], [sflag:$0x1] =	stream.indirect_vreg.gather @p0 [hbm4b:s10+s0], $0x80, v0, vm1, $0xb8;
	[tilespmem:$0x1F300] =	vst v63  }
0x2c0: {  	v0 =	vld @p0 [tilespmem:$0x1F200];
	_ =	sdelay $0x4  }
0x2c1: {  	v1 =	vshll.u32 @p0 v0, $0x2  }
0x2c2: {  	v0 =	vand.u32 @p0 $0x7, v0;
	v1 =	vand.u32 @p0 $0xFFFFFFE0, v1  }
0x2c3: {  	v0 =	vor.u32 @p0 v0, v1  }
0x2c4: {  	v1 =	vperm.xlane @p0 v0, v3;
	_ =	sdelay $0x1  }
0x2c5: {  	v1 =	vadd.s32 @p0 v5, v1;
	_ =	sdelay $0x1  }
0x2c6: {  	v0 =	vperm.xlane @p0 v0, v2;
	_ =	sdelay $0x1  }
0x2c7: {  	s2 =	simm.s32 @p0 $0x1B000;
	v0 =	vadd.s32 @p0 v5, v0  }
0x2c8: {  	[tilespmem:s2], [sflag:$0x1] =	stream.indirect_vreg.gather @p0 [hbm4b:s6+s0], $0x80, v1, vm1, $0xb8;
	[tilespmem:$0x1F300] =	vst v63  }
0x2c9: {  	s2 =	simm.s32 @p0 $0x1B800  }
0x2ca: {  	[tilespmem:s2], [sflag:$0x1] =	stream.indirect_vreg.gather @p0 [hbm4b:s11+s0], $0x80, v1, vm1, $0xb8;
	[tilespmem:$0x1F300] =	vst v63  }
0x2cb: {  	s2 =	simm.s32 @p0 $0x1C000  }
0x2cc: {  	[tilespmem:s2], [sflag:$0x1] =	stream.indirect_vreg.gather @p0 [hbm4b:s6+s0], $0x80, v0, vm1, $0xb8;
	[tilespmem:$0x1F300] =	vst v63  }
0x2cd: {  	s2 =	simm.s32 @p0 $0x1C800  }
0x2ce: {  	[tilespmem:s2], [sflag:$0x1] =	stream.indirect_vreg.gather @p0 [hbm4b:s11+s0], $0x80, v0, vm1, $0xb8;
	[tilespmem:$0x1F300] =	vst v63  }
0x2cf: {  	v0 =	vld [tilespmem:$0x1F080];
	_ =	sdelay $0x4  }
0x2d0: {  	vm1 =	veq.s32 v0, $0x70  }
0x2d1: {  	v0 =	vsel vm1, $0x0, v9  }
0x2d2: {  	(xrf0) =	vmax.scan.msk.f32 $0xffff, v0;
	_ =	sdelay $0x5  }
0x2d3: {  	v0, _, _ =	vpop (xrf0)  }
0x2d4: {  	(v2sf) =	vpush v0, $0xF;
	_ =	sdelay $0xe  }
0x2d5: {  	s22 =	spop (v2sf)  }
0x2d6: {  	p0 =	sgt.f32 s22, $0.0e+00  }
.Ltmp13:
0x2d7: {  	_ = 	snop;
	(pc) =	sbr.rel @!p0 .LBB2_18-.Ltmp13, $1  }
0x2d8: {  	_ =	sdelay $0x3  }
0x2d9: {  	_ =	swait.ge [sflag:s1], $0x3000;
	s8 =	simm.s32 $0x0  }
0x2da: {  	[sflag:s1] =	ssyncset.done $0x0;
	v0 =	vmov s8  }
0x2db: {  	[sflag:s1] =	ssyncadd.s32 $0xFFFFD000  }
0x2dc: {  	_ =	swait.ge [sflag:s1], $0x2000  }
0x2dd: {  	s0 =	simm.s32 $0x0;
	[sflag:s1] =	ssyncset.done $0x0  }
0x2de: {  	s2 =	sand.u32 $0x380, s8;
	s0 =	sand.u32 $0x3FFFF000, s0;
	[sflag:s1] =	ssyncadd.s32 $0xFFFFE000  }
0x2df: {  	s0 =	sor.u32 s2, s0;
	v1 =	vld.idx.msk [tilespmem:v0+s4+$0x0], $0xffff  }
0x2e0: {  	s15 =	sadd.s32 $0x1D000, s0;
	v2 =	vld [tilespmem:s0+$0x1D000]  }
0x2e1: {  	v3 =	vld [tilespmem:s15+$0x400]  }
0x2e2: {  	v4 =	vld [tilespmem:s15+$0x410]  }
0x2e3: {  	v5 =	vld [tilespmem:s15+$0x420]  }
0x2e4: {  	v6 =	vld [tilespmem:s15+$0x430]  }
0x2e5: {  	v7 =	vld [tilespmem:s15+$0x440]  }
0x2e6: {  	v8 =	vld [tilespmem:s15+$0x450]  }
0x2e7: {  	v9 =	vld [tilespmem:s15+$0x460]  }
0x2e8: {  	v10 =	vld [tilespmem:s15+$0x470]  }
0x2e9: {  	v11 =	vld [tilespmem:s15+$0x800]  }
0x2ea: {  	v12 =	vld [tilespmem:s15+$0x10]  }
0x2eb: {  	s22 =	simm.s32 $0x0;
	v13 =	vld [tilespmem:s15+$0x810]  }
0x2ec: {  	s0 =	smul.u32 $0x6000, s22;
	v14 =	vld [tilespmem:s15+$0x20]  }
0x2ed: {  	v15 =	vshll.u32 v0, $0x9;
	v0 =	vshll.u32 v0, $0x7;
	v16 =	vld [tilespmem:s15+$0x820]  }
0x2ee: {  	v15 =	vand.u32 $0x1000, v15;
	v17 =	vld [tilespmem:s15+$0x30];
	v0 =	vand.u32 $0x380, v0;
	s0 =	sshra.s32 s0, $0x2  }
0x2ef: {  	v0 =	vor.u32 v0, v15;
	v15 =	vld [tilespmem:s15+$0x830];
	s0 =	sor.u32 s2, s0  }
0x2f0: {  	v18 =	vld [tilespmem:s0+$0x18C00]  }
0x2f1: {  	v19 =	vld [tilespmem:s0+$0x19000]  }
0x2f2: {  	v32 =	vld [tilespmem:s0+$0x19400]  }
0x2f3: {  	v29 =	vld [tilespmem:s0+$0x18000]  }
0x2f4: {  	v30 =	vld [tilespmem:s0+$0x18800];
	s2 =	sadd.s32 $0x18000, s0  }
0x2f5: {  	v25 =	vld [tilespmem:s2+$0x400]  }
0x2f6: {  	v28 =	vld [tilespmem:s2+$0x410]  }
0x2f7: {  	v31 =	vld [tilespmem:s2+$0x420]  }
0x2f8: {  	v34 =	vld [tilespmem:s2+$0x430]  }
0x2f9: {  	v35 =	vld [tilespmem:s2+$0x440]  }
0x2fa: {  	v38 =	vld [tilespmem:s2+$0x450]  }
0x2fb: {  	v39 =	vld [tilespmem:s2+$0x460]  }
0x2fc: {  	s21 =	sadd.s32 $0x18C00, s0;
	v40 =	vld [tilespmem:s2+$0x470]  }
0x2fd: {  	s22 =	sadd.s32 $0x19000, s0;
	v41 =	vld [tilespmem:s21+$0x10]  }
0x2fe: {  	s7 =	sadd.s32 $0x19400, s0;
	v42 =	vld [tilespmem:s22+$0x10]  }
0x2ff: {  	v43 =	vld [tilespmem:s7+$0x10]  }
0x300: {  	v0 =	vor.u32 $0xC00, v0;
	v44 =	vld [tilespmem:s21+$0x20]  }
0x301: {  	v45 =	vld [tilespmem:s22+$0x20]  }
0x302: {  	s14 =	sadd.s32 $0x18800, s0;
	v46 =	vld [tilespmem:s2+$0x10]  }
0x303: {  	v47 =	vld [tilespmem:s14+$0x10]  }
0x304: {  	v22 =	vor.u32 $0x1, v0;
	v48 =	vld [tilespmem:s2+$0x20]  }
0x305: {  	v20 =	vld.idx.msk [tilespmem:v0+s12+$0x0], $0xffff;
	v0 =	vor.u32 $0x2, v0  }
0x306: {  	v49 =	vld [tilespmem:s14+$0x20]  }
0x307: {  	v21 =	vshll.u32 v1, $0x9;
	v1 =	vshll.u32 v1, $0x7;
	v50 =	vld [tilespmem:s2+$0x30]  }
0x308: {  	v51 =	vld [tilespmem:s14+$0x30];
	v23 =	vand.u32 $0xFFFFF000, v21;
	v1 =	vand.u32 $0x380, v1;
	v21 =	vor.u32 $0xC00, v60  }
0x309: {  	v37 =	vor.u32 v23, v1;
	v36 =	vld.idx.msk [tilespmem:v22+s12+$0x0], $0xffff;
	v22 =	vor.u32 $0xC10, v60;
	[tilespmem:$0x1FE00] =	vst v21  }
0x30a: {  	v1 =	vor.u32 v21, v37;
	v21 =	vor.u32 $0xC20, v60;
	v33 =	vld.idx.msk [tilespmem:v0+s12+$0x0], $0xffff;
	[tilespmem:$0x1FE10] =	vst v22  }
0x30b: {  	v0 =	vor.u32 v22, v37;
	v22 =	vor.u32 $0xC30, v60;
	v52 =	vld [tilespmem:s7+$0x20];
	[tilespmem:$0x1FE20] =	vst v21  }
0x30c: {  	v53 =	vor.u32 v21, v37;
	v21 =	vor.u32 $0xC40, v60;
	v54 =	vld [tilespmem:s21+$0x30];
	[tilespmem:$0x1FE30] =	vst v22  }
0x30d: {  	v3 =	vmul.f32 v3, v25;
	v56 =	vld [tilespmem:s22+$0x30];
	[tilespmem:$0x1FE40] =	vst v21  }
0x30e: {  	v58 =	vld [tilespmem:s7+$0x30]  }
0x30f: {  	v4 =	vmul.f32 v4, v28;
	v55 =	vor.u32 v22, v37;
	v22 =	vor.u32 $0xC50, v60;
	[tilespmem:v1+s3+$0x0] =	vst.idx.add.f32.msk $0xffff, v3  }
0x310: {  	v8 =	vmul.f32 v8, v38;
	v57 =	vor.u32 v21, v37;
	v1 =	vmul.f32 v5, v31;
	[tilespmem:$0x1FE50] =	vst v22  }
0x311: {  	v25 =	vmul.u32 $0x3, v60;
	v38 =	vmul.f32 v9, v39;
	v3 =	vor.u32 v22, v37;
	[tilespmem:v0+s3+$0x0] =	vst.idx.add.f32.msk $0xffff, v4  }
0x312: {  	v40 =	vmul.f32 v10, v40;
	v0 =	vmul.f32 v6, v34;
	v34 =	vor.u32 $0xC60, v60;
	[tilespmem:v53+s3+$0x0] =	vst.idx.add.f32.msk $0xffff, v1  }
0x313: {  	v9 =	vmul.f32 v13, v47;
	v53 =	vmul.f32 v7, v35;
	v4 =	vor.u32 v34, v37;
	[tilespmem:$0x1FE60] =	vst v34  }
0x314: {  	v1 =	vmul.f32 v2, v29;
	v2 =	vmul.f32 v11, v30;
	v34 =	vor.u32 $0xC70, v60;
	[tilespmem:v55+s3+$0x0] =	vst.idx.add.f32.msk $0xffff, v0  }
0x315: {  	v35 =	vadd.s32 $0x1, v25;
	v7 =	vmul.f32 v12, v46;
	v39 =	vor.u32 v34, v37;
	[tilespmem:v57+s3+$0x0] =	vst.idx.add.f32.msk $0xffff, v53  }
0x316: {  	v12 =	vor.u32 v35, v37;
	v55 =	vadd.s32 $0x2, v25;
	v60 =	vmul.f32 v2, v20;
	[tilespmem:v3+s3+$0x0] =	vst.idx.add.f32.msk $0xffff, v8  }
0x317: {  	v13 =	vmul.f32 v19, v1;
	v53 =	vor.u32 v25, v37;
	v57 =	vmul.f32 v18, v1;
	[tilespmem:$0x1FE70] =	vst v34  }
0x318: {  	v10 =	vor.u32 v55, v37;
	v1 =	vmul.f32 v32, v1;
	[tilespmem:v4+s3+$0x0] =	vst.idx.add.f32.msk $0xffff, v38  }
0x319: {  	v32 =	vadd.s32 $0x30, v25;
	v0 =	vadd.f32 v60, v57;
	v38 =	vmul.f32 v2, v36;
	[tilespmem:$0x1FE80] =	vst v35  }
0x31a: {  	v2 =	vmul.f32 v2, v33;
	[tilespmem:v39+s3+$0x0] =	vst.idx.add.f32.msk $0xffff, v40;
	v40 =	vor.u32 v32, v37  }
0x31b: {  	v47 =	vmul.f32 v9, v20;
	v46 =	vmul.f32 v41, v7;
	v39 =	vadd.f32 v13, v38  }
0x31c: {  	v1 =	vadd.f32 v1, v2;
	[tilespmem:v53+s3+$0x0] =	vst.idx.add.f32.msk $0xffff, v0  }
0x31d: {  	v2 =	vadd.f32 v47, v46;
	[tilespmem:v12+s3+$0x0] =	vst.idx.add.f32.msk $0xffff, v39  }
0x31e: {  	v34 =	vadd.s32 $0x31, v25;
	v57 =	vmul.f32 v42, v7;
	v60 =	vmul.f32 v9, v36;
	[tilespmem:v10+s3+$0x0] =	vst.idx.add.f32.msk $0xffff, v1  }
0x31f: {  	v4 =	vmul.f32 v16, v49;
	v49 =	vmul.f32 v15, v51;
	v35 =	vadd.s32 $0x32, v25;
	[tilespmem:v40+s3+$0x0] =	vst.idx.add.f32.msk $0xffff, v2  }
0x320: {  	v31 =	vmovc v55;
	v6 =	vadd.f32 v57, v60;
	v55 =	vor.u32 v35, v37;
	v13 =	vmul.f32 v9, v33;
	v29 =	vld [tilespmem:$0x1FFE0]  }
0x321: {  	v46 =	vmul.f32 v4, v36;
	v47 =	vmul.f32 v17, v50;
	v38 =	vadd.s32 $0x410, v25;
	v30 =	vld [tilespmem:$0x1FFF0]  }
0x322: {  	v50 =	vor.u32 v61, v37;
	v60 =	vmul.f32 v49, v36;
	v3 =	vmul.f32 v49, v33  }
0x323: {  	v0 =	vmul.f32 v14, v48;
	v53 =	vor.u32 v34, v37;
	v51 =	vor.u32 v38, v37  }
0x324: {  	v12 =	vmul.f32 v43, v7;
	v39 =	vadd.s32 $0x411, v25;
	v54 =	vmul.f32 v54, v47  }
0x325: {  	v57 =	vmul.f32 v56, v47;
	v43 =	vmul.f32 v44, v0;
	v14 =	vor.u32 v29, v37  }
0x326: {  	v44 =	vmul.f32 v4, v20;
	v45 =	vmul.f32 v45, v0;
	v16 =	vor.u32 v30, v37  }
0x327: {  	v0 =	vmul.f32 v52, v0;
	v52 =	vor.u32 v39, v37;
	v2 =	vadd.f32 v12, v13  }
0x328: {  	v4 =	vmul.f32 v4, v33;
	v48 =	vadd.f32 v44, v43;
	[tilespmem:v53+s3+$0x0] =	vst.idx.add.f32.msk $0xffff, v6  }
0x329: {  	v5 =	vadd.f32 v45, v46;
	v40 =	vadd.s32 $0x412, v25;
	[tilespmem:v55+s3+$0x0] =	vst.idx.add.f32.msk $0xffff, v2;
	v55 =	vmul.f32 v49, v20  }
0x32a: {  	v0 =	vadd.f32 v0, v4;
	v53 =	vor.u32 v40, v37;
	[tilespmem:v14+s3+$0x0] =	vst.idx.add.f32.msk $0xffff, v48  }
0x32b: {  	v1 =	vmul.f32 v58, v47;
	v7 =	vadd.f32 v55, v54;
	[tilespmem:v16+s3+$0x0] =	vst.idx.add.f32.msk $0xffff, v5  }
0x32c: {  	v4 =	vadd.f32 v57, v60;
	[tilespmem:v50+s3+$0x0] =	vst.idx.add.f32.msk $0xffff, v0  }
0x32d: {  	v61 =	vadd.f32 v1, v3;
	[tilespmem:v51+s3+$0x0] =	vst.idx.add.f32.msk $0xffff, v7  }
0x32e: {  	[tilespmem:v52+s3+$0x0] =	vst.idx.add.f32.msk $0xffff, v4  }
0x32f: {  	[tilespmem:v53+s3+$0x0] =	vst.idx.add.f32.msk $0xffff, v61  }
0x330: {  	v42 =	vld [tilespmem:s2+$0x40]  }
0x331: {  	v44 =	vld [tilespmem:s15+$0x40]  }
0x332: {  	v45 =	vld [tilespmem:s14+$0x40]  }
0x333: {  	v49 =	vld [tilespmem:s15+$0x840]  }
0x334: {  	v43 =	vld [tilespmem:s2+$0x50]  }
0x335: {  	v46 =	vld [tilespmem:s15+$0x50]  }
0x336: {  	v48 =	vld [tilespmem:s14+$0x50]  }
0x337: {  	v50 =	vld [tilespmem:s15+$0x850]  }
0x338: {  	s0 =	simm.s32 $0x1;
	v47 =	vld [tilespmem:s2+$0x60]  }
.LBB2_16:
0x339: {  	v0 =	vld [tilespmem:s15+$0x60]  }
0x33a: {  	v1 =	vld [tilespmem:s14+$0x60]  }
0x33b: {  	v2 =	vld [tilespmem:s15+$0x860]  }
0x33c: {  	v3 =	vld [tilespmem:s2+$0x70]  }
0x33d: {  	v4 =	vld [tilespmem:s15+$0x70]  }
0x33e: {  	v41 =	vmov s0;
	v7 =	vld [tilespmem:s14+$0x70]  }
0x33f: {  	v5 =	vor.u32 $0x440, v25;
	v6 =	vadd.s32 $0x441, v25;
	v8 =	vadd.s32 $0x442, v25;
	v11 =	vld [tilespmem:s15+$0x870]  }
0x340: {  	v9 =	vadd.s32 $0x820, v25;
	v10 =	vadd.s32 $0x821, v25;
	v12 =	vadd.s32 $0x822, v25;
	v15 =	vld [tilespmem:s21+$0x40]  }
0x341: {  	v13 =	vadd.s32 $0x850, v25;
	v14 =	vadd.s32 $0x851, v25;
	v16 =	vadd.s32 $0x852, v25;
	v19 =	vld [tilespmem:s22+$0x40]  }
0x342: {  	v56 =	vld [tilespmem:s7+$0x40];
	v5 =	vor.u32 v5, v37;
	v6 =	vor.u32 v6, v37;
	v17 =	vmul.f32 v44, v42  }
0x343: {  	v57 =	vld [tilespmem:s21+$0x50];
	v8 =	vor.u32 v8, v37;
	v18 =	vmul.f32 v49, v45;
	v43 =	vmul.f32 v46, v43  }
0x344: {  	v58 =	vld [tilespmem:s22+$0x50];
	v9 =	vor.u32 v9, v37;
	v44 =	vmul.f32 v50, v48;
	v0 =	vmul.f32 v0, v47  }
0x345: {  	v51 =	vld [tilespmem:s22+$0x60];
	v10 =	vor.u32 v10, v37;
	v1 =	vmul.f32 v2, v1;
	v3 =	vmul.f32 v4, v3  }
0x346: {  	v53 =	vld [tilespmem:s7+$0x60];
	v12 =	vor.u32 v12, v37;
	v4 =	vmul.f32 v11, v7;
	v60 =	vmul.f32 v15, v17  }
0x347: {  	v55 =	vld [tilespmem:s7+$0x70];
	v13 =	vor.u32 v13, v37;
	v61 =	vmul.f32 v18, v20;
	v19 =	vmul.f32 v19, v17  }
0x348: {  	v21 =	vld [tilespmem:$0x1FE00];
	v14 =	vor.u32 v14, v37;
	v49 =	vmul.f32 v18, v36;
	v17 =	vmul.f32 v56, v17  }
0x349: {  	v24 =	vld [tilespmem:$0x1FE80];
	v16 =	vor.u32 v16, v37;
	v18 =	vmul.f32 v18, v33;
	v46 =	vmul.f32 v57, v43  }
0x34a: {  	v45 =	vor.u32 v62, v37;
	v62 =	vld [tilespmem:s7+$0x50];
	v52 =	vmul.f32 v44, v20;
	v47 =	vmul.f32 v58, v43  }
0x34b: {  	v48 =	vld [tilespmem:s21+$0x70];
	v2 =	vor.u32 v63, v37;
	v54 =	vmul.f32 v44, v36;
	v44 =	vmul.f32 v44, v33  }
0x34c: {  	v7 =	vor.u32 v59, v37;
	v63 =	vld [tilespmem:s21+$0x60];
	v58 =	vmul.f32 v1, v20;
	v56 =	vmul.f32 v4, v36  }
0x34d: {  	v42 =	vld.idx.msk [tilespmem:v41+s4+$0x0], $0xffff;
	v11 =	vadd.f32 v61, v60;
	v19 =	vadd.f32 v19, v49;
	v60 =	vmul.f32 v51, v0  }
0x34e: {  	v59 =	vld [tilespmem:s22+$0x70];
	v61 =	vmul.f32 v1, v36;
	v17 =	vadd.f32 v17, v18;
	v1 =	vmul.f32 v1, v33  }
0x34f: {  	v43 =	vmul.f32 v62, v43;
	v62 =	vadd.f32 v52, v46;
	[tilespmem:v5+s3+$0x0] =	vst.idx.add.f32.msk $0xffff, v11  }
0x350: {  	v46 =	vmul.f32 v48, v3;
	v48 =	vmul.f32 v4, v20;
	[tilespmem:v6+s3+$0x0] =	vst.idx.add.f32.msk $0xffff, v19  }
0x351: {  	v57 =	vmul.f32 v63, v0;
	v63 =	vadd.f32 v47, v54;
	[tilespmem:v8+s3+$0x0] =	vst.idx.add.f32.msk $0xffff, v17  }
0x352: {  	v4 =	vmul.f32 v4, v33;
	v47 =	vadd.f32 v43, v44;
	[tilespmem:v45+s3+$0x0] =	vst.idx.add.f32.msk $0xffff, v62  }
0x353: {  	v0 =	vmul.f32 v53, v0;
	v52 =	vadd.f32 v58, v57;
	[tilespmem:v2+s3+$0x0] =	vst.idx.add.f32.msk $0xffff, v63  }
0x354: {  	v54 =	vadd.f32 v60, v61;
	v63 =	vshll.u32 v42, $0x9;
	v42 =	vshll.u32 v42, $0x7;
	[tilespmem:v7+s3+$0x0] =	vst.idx.add.f32.msk $0xffff, v47  }
0x355: {  	v53 =	vmul.f32 v59, v3;
	v37 =	vand.u32 $0xFFFFF000, v63;
	v42 =	vand.u32 $0x380, v42;
	[tilespmem:v9+s3+$0x0] =	vst.idx.add.f32.msk $0xffff, v52  }
0x356: {  	v0 =	vadd.f32 v0, v1;
	v37 =	vor.u32 v37, v42;
	[tilespmem:v10+s3+$0x0] =	vst.idx.add.f32.msk $0xffff, v54  }
0x357: {  	v57 =	vmul.f32 v55, v3;
	v58 =	vadd.f32 v48, v46;
	v55 =	vor.u32 v21, v37;
	v21 =	vld [tilespmem:$0x1FE10]  }
0x358: {  	v59 =	vadd.f32 v53, v56;
	[tilespmem:v12+s3+$0x0] =	vst.idx.add.f32.msk $0xffff, v0  }
0x359: {  	s15 =	sshll.u32 s0, $0x9;
	s8 =	sadd.s32 $0x80, s8;
	v60 =	vadd.f32 v57, v4;
	[tilespmem:v13+s3+$0x0] =	vst.idx.add.f32.msk $0xffff, v58  }
0x35a: {  	s2 =	sand.u32 $0x3FFFF000, s15;
	s21 =	sand.u32 $0x380, s8;
	[tilespmem:v14+s3+$0x0] =	vst.idx.add.f32.msk $0xffff, v59  }
0x35b: {  	s2 =	sor.u32 s21, s2;
	[tilespmem:v16+s3+$0x0] =	vst.idx.add.f32.msk $0xffff, v60  }
0x35c: {  	s15 =	sadd.s32 $0x1D000, s2;
	v0 =	vld [tilespmem:s2+$0x1D000]  }
0x35d: {  	v1 =	vld [tilespmem:s15+$0x400]  }
0x35e: {  	v2 =	vld [tilespmem:s15+$0x410]  }
0x35f: {  	v3 =	vld [tilespmem:s15+$0x420]  }
0x360: {  	v4 =	vld [tilespmem:s15+$0x430]  }
0x361: {  	v5 =	vld [tilespmem:s15+$0x440]  }
0x362: {  	v6 =	vld [tilespmem:s15+$0x450]  }
0x363: {  	v7 =	vld [tilespmem:s15+$0x460]  }
0x364: {  	v8 =	vld [tilespmem:s15+$0x470]  }
0x365: {  	v9 =	vld [tilespmem:s15+$0x800]  }
0x366: {  	v10 =	vld [tilespmem:s15+$0x10]  }
0x367: {  	v11 =	vld [tilespmem:s15+$0x810]  }
0x368: {  	s22 =	sshrl.u32 s0, $0x3;
	v12 =	vld [tilespmem:s15+$0x20]  }
0x369: {  	v61 =	vshll.u32 v41, $0x9;
	v62 =	vshll.u32 v41, $0x7;
	s2 =	smul.u32 $0x6000, s22;
	v15 =	vld [tilespmem:s15+$0x820]  }
0x36a: {  	v13 =	vand.u32 $0x1000, v61;
	v14 =	vand.u32 $0x380, v62;
	v16 =	vld [tilespmem:s15+$0x30]  }
0x36b: {  	v13 =	vor.u32 v14, v13;
	v14 =	vld [tilespmem:s15+$0x830];
	s2 =	sshra.s32 s2, $0x2  }
0x36c: {  	v56 =	vor.u32 v21, v37;
	v21 =	vld [tilespmem:$0x1FE20];
	s14 =	sor.u32 s21, s2  }
0x36d: {  	v13 =	vor.u32 $0xC00, v13;
	v17 =	vld [tilespmem:s14+$0x18C00]  }
0x36e: {  	v18 =	vld [tilespmem:s14+$0x19000]  }
0x36f: {  	v19 =	vld [tilespmem:s14+$0x19400]  }
0x370: {  	v33 =	vld [tilespmem:s14+$0x18000]  }
0x371: {  	v36 =	vld [tilespmem:s14+$0x18800]  }
0x372: {  	s2 =	sadd.s32 $0x18000, s14;
	v20 =	vld.idx.msk [tilespmem:v13+s12+$0x0], $0xffff  }
0x373: {  	v41 =	vld [tilespmem:s2+$0x400]  }
0x374: {  	v43 =	vld [tilespmem:s2+$0x410]  }
0x375: {  	v44 =	vld [tilespmem:s2+$0x420]  }
0x376: {  	v45 =	vld [tilespmem:s2+$0x430]  }
0x377: {  	v46 =	vld [tilespmem:s2+$0x440]  }
0x378: {  	v47 =	vld [tilespmem:s2+$0x450]  }
0x379: {  	v48 =	vld [tilespmem:s2+$0x460]  }
0x37a: {  	s21 =	sadd.s32 $0x18C00, s14;
	v49 =	vld [tilespmem:s2+$0x470]  }
0x37b: {  	s22 =	sadd.s32 $0x19000, s14;
	v50 =	vld [tilespmem:s21+$0x10]  }
0x37c: {  	s7 =	sadd.s32 $0x19400, s14;
	v51 =	vld [tilespmem:s22+$0x10]  }
0x37d: {  	v52 =	vld [tilespmem:s7+$0x10]  }
0x37e: {  	v58 =	vor.u32 v21, v37;
	v21 =	vld [tilespmem:$0x1FE30]  }
0x37f: {  	v54 =	vld [tilespmem:s21+$0x20]  }
0x380: {  	v42 =	vld [tilespmem:s22+$0x20]  }
0x381: {  	v53 =	vor.u32 $0x1, v13;
	s14 =	sadd.s32 $0x18800, s14;
	v57 =	vld [tilespmem:s2+$0x10]  }
0x382: {  	v61 =	vld [tilespmem:s14+$0x10]  }
0x383: {  	v59 =	vor.u32 v21, v37;
	v21 =	vld [tilespmem:$0x1FE40]  }
0x384: {  	v22 =	vld [tilespmem:s2+$0x20]  }
0x385: {  	v13 =	vor.u32 $0x2, v13;
	v27 =	vld [tilespmem:s14+$0x20]  }
0x386: {  	v9 =	vmul.f32 v9, v36;
	v36 =	vld.idx.msk [tilespmem:v53+s12+$0x0], $0xffff  }
0x387: {  	v1 =	vmul.f32 v1, v41;
	v41 =	vld [tilespmem:s2+$0x30]  }
0x388: {  	v60 =	vor.u32 v21, v37;
	v21 =	vld [tilespmem:$0x1FE50]  }
0x389: {  	v3 =	vmul.f32 v3, v44;
	v44 =	vld [tilespmem:s14+$0x30]  }
0x38a: {  	v0 =	vmul.f32 v0, v33;
	v33 =	vld.idx.msk [tilespmem:v13+s12+$0x0], $0xffff  }
0x38b: {  	v23 =	vor.u32 v25, v37;
	v11 =	vmul.f32 v11, v61;
	v61 =	vld [tilespmem:$0x1FFA0]  }
0x38c: {  	v24 =	vor.u32 v24, v37;
	v26 =	vor.u32 v31, v37;
	v6 =	vmul.f32 v6, v47;
	v47 =	vld [tilespmem:s7+$0x20]  }
0x38d: {  	v28 =	vor.u32 v32, v37;
	v53 =	vor.u32 v40, v37;
	v62 =	vor.u32 v21, v37;
	v21 =	vld [tilespmem:$0x1FE60]  }
0x38e: {  	v2 =	vmul.f32 v2, v43;
	v43 =	vor.u32 v34, v37;
	v12 =	vmul.f32 v12, v22;
	v22 =	vld [tilespmem:s21+$0x30]  }
0x38f: {  	v4 =	vmul.f32 v4, v45;
	v45 =	vor.u32 v35, v37;
	v8 =	vmul.f32 v8, v49;
	v49 =	vld [tilespmem:s7+$0x30]  }
0x390: {  	v5 =	vmul.f32 v5, v46;
	v46 =	vor.u32 v29, v37;
	v16 =	vmul.f32 v16, v41;
	v41 =	vld [tilespmem:s22+$0x30]  }
0x391: {  	v7 =	vmul.f32 v7, v48;
	v13 =	vor.u32 v30, v37;
	[tilespmem:v55+s3+$0x0] =	vst.idx.add.f32.msk $0xffff, v1  }
0x392: {  	v10 =	vmul.f32 v10, v57;
	v15 =	vmul.f32 v15, v27;
	v63 =	vor.u32 v21, v37;
	v21 =	vld [tilespmem:$0x1FE70]  }
0x393: {  	v17 =	vmul.f32 v17, v0;
	v18 =	vmul.f32 v18, v0;
	[tilespmem:v56+s3+$0x0] =	vst.idx.add.f32.msk $0xffff, v2  }
0x394: {  	v57 =	vmul.f32 v9, v20;
	v0 =	vmul.f32 v19, v0;
	[tilespmem:v58+s3+$0x0] =	vst.idx.add.f32.msk $0xffff, v3  }
0x395: {  	v50 =	vmul.f32 v50, v10;
	v19 =	vmul.f32 v51, v10;
	[tilespmem:v59+s3+$0x0] =	vst.idx.add.f32.msk $0xffff, v4  }
0x396: {  	v27 =	vor.u32 v38, v37;
	v52 =	vmul.f32 v52, v10;
	v54 =	vmul.f32 v54, v12;
	v59 =	vld [tilespmem:$0x1FFD0]  }
0x397: {  	v57 =	vadd.f32 v57, v17;
	[tilespmem:v60+s3+$0x0] =	vst.idx.add.f32.msk $0xffff, v5;
	v21 =	vor.u32 v21, v37  }
0x398: {  	v14 =	vmul.f32 v14, v44;
	v1 =	vmul.f32 v9, v36;
	[tilespmem:v62+s3+$0x0] =	vst.idx.add.f32.msk $0xffff, v6  }
0x399: {  	v48 =	vor.u32 v61, v37;
	v9 =	vmul.f32 v9, v33;
	v55 =	vmul.f32 v42, v12;
	v62 =	vld [tilespmem:$0x1FFB0]  }
0x39a: {  	v12 =	vmul.f32 v47, v12;
	v47 =	vmul.f32 v15, v36;
	[tilespmem:v63+s3+$0x0] =	vst.idx.add.f32.msk $0xffff, v7  }
0x39b: {  	v44 =	vor.u32 v39, v37;
	v56 =	vmul.f32 v22, v16;
	v58 =	vmul.f32 v11, v20;
	v63 =	vld [tilespmem:$0x1FFC0]  }
0x39c: {  	v1 =	vadd.f32 v18, v1;
	v0 =	vadd.f32 v0, v9;
	[tilespmem:v21+s3+$0x0] =	vst.idx.add.f32.msk $0xffff, v8  }
0x39d: {  	v2 =	vadd.f32 v58, v50;
	v60 =	vmul.f32 v11, v36;
	[tilespmem:v23+s3+$0x0] =	vst.idx.add.f32.msk $0xffff, v57  }
0x39e: {  	v22 =	vmul.f32 v41, v16;
	v11 =	vmul.f32 v11, v33;
	[tilespmem:v24+s3+$0x0] =	vst.idx.add.f32.msk $0xffff, v1  }
0x39f: {  	v41 =	vmul.f32 v15, v20;
	v17 =	vadd.f32 v19, v60;
	[tilespmem:v26+s3+$0x0] =	vst.idx.add.f32.msk $0xffff, v0  }
0x3a0: {  	v50 =	vmul.f32 v15, v33;
	v42 =	vadd.f32 v52, v11;
	[tilespmem:v28+s3+$0x0] =	vst.idx.add.f32.msk $0xffff, v2  }
0x3a1: {  	v16 =	vmul.f32 v49, v16;
	v49 =	vadd.f32 v41, v54;
	[tilespmem:v43+s3+$0x0] =	vst.idx.add.f32.msk $0xffff, v17  }
0x3a2: {  	v51 =	vadd.f32 v55, v47;
	v52 =	vmul.f32 v14, v20;
	[tilespmem:v45+s3+$0x0] =	vst.idx.add.f32.msk $0xffff, v42  }
0x3a3: {  	v55 =	vmul.f32 v14, v36;
	v54 =	vadd.f32 v12, v50;
	[tilespmem:v46+s3+$0x0] =	vst.idx.add.f32.msk $0xffff, v49  }
0x3a4: {  	v56 =	vadd.f32 v52, v56;
	v57 =	vmul.f32 v14, v33;
	[tilespmem:v13+s3+$0x0] =	vst.idx.add.f32.msk $0xffff, v51  }
0x3a5: {  	v58 =	vadd.f32 v22, v55;
	[tilespmem:v48+s3+$0x0] =	vst.idx.add.f32.msk $0xffff, v54  }
0x3a6: {  	v60 =	vadd.f32 v16, v57;
	[tilespmem:v27+s3+$0x0] =	vst.idx.add.f32.msk $0xffff, v56  }
0x3a7: {  	[tilespmem:v44+s3+$0x0] =	vst.idx.add.f32.msk $0xffff, v58  }
0x3a8: {  	[tilespmem:v53+s3+$0x0] =	vst.idx.add.f32.msk $0xffff, v60  }
0x3a9: {  	v42 =	vld [tilespmem:s2+$0x40]  }
0x3aa: {  	v44 =	vld [tilespmem:s15+$0x40]  }
0x3ab: {  	v45 =	vld [tilespmem:s14+$0x40]  }
0x3ac: {  	p0 =	sne.s32 s0, $0xF;
	v49 =	vld [tilespmem:s15+$0x840]  }
.Ltmp14:
0x3ad: {  	v43 =	vld [tilespmem:s2+$0x50];
	(pc) =	sbr.rel @p0 .LBB2_16-.Ltmp14, $4  }
0x3ae: {  	v46 =	vld [tilespmem:s15+$0x50]  }
0x3af: {  	v48 =	vld [tilespmem:s14+$0x50]  }
0x3b0: {  	v50 =	vld [tilespmem:s15+$0x850]  }
0x3b1: {  	s0 =	sadd.s32 $0x1, s0;
	v47 =	vld [tilespmem:s2+$0x60]  }
0x3b2: {  	v0 =	vld [tilespmem:s15+$0x60]  }
0x3b3: {  	v1 =	vld [tilespmem:s14+$0x60]  }
0x3b4: {  	v2 =	vld [tilespmem:s15+$0x860]  }
0x3b5: {  	v3 =	vld [tilespmem:s2+$0x70]  }
0x3b6: {  	v4 =	vld [tilespmem:s15+$0x70];
	v5 =	vor.u32 $0x440, v25;
	v6 =	vadd.s32 $0x441, v25  }
0x3b7: {  	v7 =	vld [tilespmem:s14+$0x70];
	v8 =	vadd.s32 $0x442, v25;
	v9 =	vadd.s32 $0x820, v25;
	v10 =	vadd.s32 $0x821, v25  }
0x3b8: {  	v11 =	vld [tilespmem:s15+$0x870];
	v12 =	vadd.s32 $0x822, v25;
	v13 =	vadd.s32 $0x850, v25;
	v14 =	vadd.s32 $0x851, v25  }
0x3b9: {  	v15 =	vld [tilespmem:s21+$0x40];
	v16 =	vadd.s32 $0x852, v25;
	v17 =	vmul.f32 v44, v42;
	v18 =	vmul.f32 v49, v45  }
0x3ba: {  	v19 =	vld [tilespmem:s22+$0x40];
	v24 =	vor.u32 v62, v37;
	v5 =	vor.u32 v5, v37;
	v6 =	vor.u32 v6, v37  }
0x3bb: {  	v21 =	vld [tilespmem:s7+$0x40];
	v8 =	vor.u32 v8, v37;
	v22 =	vmul.f32 v46, v43;
	v49 =	vmul.f32 v18, v20  }
0x3bc: {  	v26 =	vld [tilespmem:s22+$0x50];
	v9 =	vor.u32 v9, v37;
	v28 =	vmul.f32 v18, v36;
	v18 =	vmul.f32 v18, v33  }
0x3bd: {  	v27 =	vld [tilespmem:s7+$0x50];
	v10 =	vor.u32 v10, v37;
	v23 =	vmul.f32 v50, v48;
	v0 =	vmul.f32 v0, v47  }
0x3be: {  	v46 =	vld [tilespmem:s21+$0x50];
	v12 =	vor.u32 v12, v37;
	v1 =	vmul.f32 v2, v1;
	v3 =	vmul.f32 v4, v3  }
0x3bf: {  	v29 =	vld [tilespmem:s21+$0x60];
	v13 =	vor.u32 v13, v37;
	v4 =	vmul.f32 v11, v7;
	v11 =	vmul.f32 v15, v17  }
0x3c0: {  	v14 =	vor.u32 v14, v37;
	v19 =	vmul.f32 v19, v17;
	v17 =	vmul.f32 v21, v17  }
0x3c1: {  	v31 =	vld [tilespmem:s7+$0x60];
	v16 =	vor.u32 v16, v37;
	v30 =	vmul.f32 v23, v20;
	v26 =	vmul.f32 v26, v22  }
0x3c2: {  	v34 =	vld [tilespmem:s22+$0x70];
	v48 =	vor.u32 v63, v37;
	v32 =	vmul.f32 v23, v36;
	v23 =	vmul.f32 v23, v33  }
0x3c3: {  	v35 =	vld [tilespmem:s7+$0x70];
	v7 =	vor.u32 v59, v37;
	v25 =	vmul.f32 v46, v22;
	v22 =	vmul.f32 v27, v22  }
0x3c4: {  	v50 =	vld [tilespmem:s22+$0x60];
	v11 =	vadd.f32 v49, v11;
	v52 =	vmul.f32 v29, v0;
	v29 =	vmul.f32 v1, v20  }
0x3c5: {  	v51 =	vld [tilespmem:s21+$0x70];
	v19 =	vadd.f32 v19, v28;
	v28 =	vmul.f32 v1, v36;
	v17 =	vadd.f32 v17, v18  }
0x3c6: {  	v1 =	vmul.f32 v1, v33;
	v53 =	vmul.f32 v4, v20;
	[tilespmem:v5+s3+$0x0] =	vst.idx.add.f32.msk $0xffff, v11  }
0x3c7: {  	v54 =	vmul.f32 v34, v3;
	v5 =	vadd.f32 v30, v25;
	[tilespmem:v6+s3+$0x0] =	vst.idx.add.f32.msk $0xffff, v19  }
0x3c8: {  	v56 =	vmul.f32 v35, v3;
	v6 =	vadd.f32 v26, v32;
	[tilespmem:v8+s3+$0x0] =	vst.idx.add.f32.msk $0xffff, v17  }
0x3c9: {  	v21 =	vmul.f32 v50, v0;
	v8 =	vadd.f32 v22, v23;
	[tilespmem:v24+s3+$0x0] =	vst.idx.add.f32.msk $0xffff, v5  }
0x3ca: {  	v0 =	vmul.f32 v31, v0;
	v5 =	vadd.f32 v29, v52;
	[tilespmem:v48+s3+$0x0] =	vst.idx.add.f32.msk $0xffff, v6  }
0x3cb: {  	v11 =	vmul.f32 v51, v3;
	v55 =	vadd.f32 v21, v28;
	[tilespmem:v7+s3+$0x0] =	vst.idx.add.f32.msk $0xffff, v8  }
0x3cc: {  	v0 =	vadd.f32 v0, v1;
	v6 =	vmul.f32 v4, v36;
	[tilespmem:v9+s3+$0x0] =	vst.idx.add.f32.msk $0xffff, v5  }
0x3cd: {  	v57 =	vadd.f32 v53, v11;
	v4 =	vmul.f32 v4, v33;
	[tilespmem:v10+s3+$0x0] =	vst.idx.add.f32.msk $0xffff, v55  }
0x3ce: {  	v58 =	vadd.f32 v54, v6;
	[tilespmem:v12+s3+$0x0] =	vst.idx.add.f32.msk $0xffff, v0  }
0x3cf: {  	v60 =	vadd.f32 v56, v4;
	[tilespmem:v13+s3+$0x0] =	vst.idx.add.f32.msk $0xffff, v57  }
0x3d0: {  	[tilespmem:v14+s3+$0x0] =	vst.idx.add.f32.msk $0xffff, v58  }
0x3d1: {  	[tilespmem:v16+s3+$0x0] =	vst.idx.add.f32.msk $0xffff, v60  }
.Ltmp15:
0x3d2: {  	v10 =	vld [tilespmem:$0x1FF20];
	(pc) =	sbr.rel .LBB2_18-.Ltmp15, $3  }
0x3d3: {  	_ =	sdelay $0x1  }
0x3d4: {  	v31 =	vimm.f32 $0.0e+00;
	v11 =	vld [tilespmem:$0x1FF30]  }
0x3d5: {  	v32 =	vimm.s32 $0x0;
	v9 =	vimm.f32 $1.000000000e+00;
	v60 =	vlaneseq.u32;
	v7 =	vld [tilespmem:$0x1FF10]  }
.LBB2_19:
0x3d6: {  	_ =	swait.ge [sflag:s13], $0xFA0  }
0x3d7: {  	[sflag:s13] =	ssyncset.done $0x0  }
0x3d8: {  	s0 =	smin.u32 s18, $0x25;
	[sflag:s13] =	ssyncadd.s32 $0xFFFFF060  }
0x3d9: {  	s0 =	smul.u32 $0xFA0, s0;
	_ =	swait.ge [sflag:s13], $0xFA0  }
0x3da: {  	[sflag:s13] =	ssyncset.done $0x0  }
0x3db: {  	s0 =	sshrl.u32 s0, $0x3;
	[sflag:s13] =	ssyncadd.s32 $0xFFFFF060  }
0x3dc: {  	s2 =	sadd.s32 $0x3E8, s0;
	s20 =	rddreg [dreg:$0x1]  }
0x3dd: {  	s0 =	simm.s32 $0x0;
	s21 =	rddreg [dreg:$0x2];
	s7 =	sadd.s32 s20, s2  }
0x3de: {  	[tilespmem:s23], [sflag:$0x4] =	stream.linear.gather [hbm4b:s7+s0], $0xFA0, $0x38;
	[tilespmem:$0x1F300] =	vst v63  }
0x3df: {  	s22 =	simm.s32 $0x12020;
	s2 =	sadd.s32 s21, s2  }
0x3e0: {  	[tilespmem:s24], [sflag:$0x4] =	stream.linear.gather [hbm4b:s2+s0], $0xFA0, $0x38;
	[tilespmem:$0x1F300] =	vst v63  }
0x3e1: {  	v0 =	vld [tilespmem:s22+$0x10]  }
0x3e2: {  	v1 =	vld [tilespmem:s22+$0xFFFFFFE0];
	_ =	sdelay $0x2  }
0x3e3: {  	v2 =	vld [tilespmem:s22+$0x0]  }
0x3e4: {  	s2 =	simm.s32 $0x12060;
	v3 =	vld [tilespmem:s22+$0xFFFFFFF0];
	vm1 =	vge.s32 v0, v10;
	vm2 =	vlt.s32 v0, v11  }
0x3e5: {  	v54 =	vld [tilespmem:s2+$0x10];
	vm4 =	vge.s32 v1, v10;
	vm5 =	vlt.s32 v1, v11;
	vm3 =	vmand vm1, vm2  }
0x3e6: {  	v8 =	vld [tilespmem:s2+$0xFFFFFFF0];
	vm4 =	vmand vm4, vm5;
	v47 =	vsel vm3, $0x1, v32  }
0x3e7: {  	v51 =	vimm.s32 $0x0;
	v25 =	vld [tilespmem:s2+$0x0];
	v48 =	vsel vm4, $0x1, v32;
	(xrf0) =	vadd.scan.msk.s32 $0xffff, v47  }
0x3e8: {  	v22 =	vor.u32 s0, v60;
	vm1 =	vlt.s32 v2, v11;
	vm2 =	vge.s32 v2, v10;
	(xrf0) =	vadd.scan.msk.s32 $0xffff, v48  }
0x3e9: {  	v53 =	vld [tilespmem:s2+$0xFFFFFFE0];
	vm6 =	vge.s32 v3, v10;
	vm5 =	vlt.s32 v3, v11;
	vm1 =	vmand vm2, vm1  }
0x3ea: {  	vm7 =	vlt.s32 v54, v11;
	vm2 =	vmand vm6, vm5;
	v50 =	vsel vm1, $0x1, v32  }
0x3eb: {  	vm8 =	vge.s32 v8, v10;
	v49 =	vmpcnt.ones.xlane vm4;
	v52 =	vsel vm2, $0x1, v32;
	(xrf0) =	vadd.scan.msk.s32 $0xffff, v50  }
0x3ec: {  	vm9 =	vlt.s32 v25, v11;
	v6 =	vmpcnt.ones.xlane vm3;
	v4 =	vmpcnt.ones.xlane vm2;
	(xrf0) =	vadd.scan.msk.s32 $0xffff, v52  }
0x3ed: {  	vm6 =	vmmov vm4;
	v5 =	vmpcnt.ones.xlane vm1;
	v0 =	vadd.s32 v51, v49;
	v7, _, _ =	vpop (xrf0)  }
0x3ee: {  	vm5 =	vmmov vm3;
	vm3 =	vge.s32 v53, v10;
	v4 =	vadd.s32 v0, v4;
	v55, _, _ =	vpop (xrf0)  }
0x3ef: {  	vm4 =	vlt.s32 v53, v11;
	v5 =	vadd.s32 v4, v5;
	v2 =	vadd.s32 v55, v51  }
0x3f0: {  	vm2 =	vmmov vm2;
	v7 =	vadd.s32 v7, v5;
	v24 =	vadd.s32 $0xFFFFFFFF, v2  }
0x3f1: {  	vm4 =	vmand vm3, vm4;
	vm3 =	vge.s32 v54, v10;
	v20 =	vadd.s32 $0xFFFFFFFF, v7;
	v56, _, _ =	vpop (xrf0)  }
0x3f2: {  	vm1 =	vmmov vm1;
	v26 =	vmpcnt.ones.xlane vm4;
	vm3 =	vmand vm3, vm7;
	v57, _, _ =	vpop (xrf0)  }
0x3f3: {  	s14 =	simm.s32 $0x4;
	v58 =	vsel vm3, $0x1, v32;
	v19 =	vadd.s32 v5, v6;
	v0 =	vadd.s32 v57, v0  }
0x3f4: {  	s8 =	simm.s32 $0x10;
	s15 =	simm.s32 $0x30;
	s7 =	simm.s32 $0x20;
	vm7 =	vlt.s32 v8, v11;
	v21 =	vmovc v19;
	(xrf0) =	vadd.scan.msk.s32 $0xffff, v58;
	v27 =	vadd.s32 v56, v4;
	v23 =	vadd.s32 $0xFFFFFFFF, v0  }
.LBB2_20:
0x3f5: {  	s14 =	sadd.s32 $0x4, s14;
	v0 =	vsel vm4, $0x1, v32;
	vm10 =	vge.s32 v25, v10;
	[tilespmem:v24+s29+$0x0] =	vst.idx.msk vm6, v22;
	v1 =	vor.u32 s15, v60;
	s0 =	sadd.s32 $0x40, s0  }
0x3f6: {  	p0 =	slt.u32 s14, $0xF4;
	s15 =	sadd.s32 $0x10, s0;
	s18 =	sadd.s32 $0x20, s0;
	vm6 =	vmand vm10, vm9;
	(xrf0) =	vadd.scan.msk.s32 $0xffff, v0;
	v0 =	vadd.s32 $0xFFFFFFFF, v27;
	[tilespmem:v20+s29+$0x0] =	vst.idx.msk vm5, v1  }
0x3f7: {  	v2 =	vor.u32 s7, v60;
	vm5 =	vmand vm8, vm7;
	v1 =	vsel vm6, $0x1, v32;
	s7 =	smov.u32 s18  }
0x3f8: {  	s2 =	sadd.s32 $0x40, s2;
	v3 =	vsel vm5, $0x1, v32;
	v4 =	vmpcnt.ones.xlane vm5;
	(xrf0) =	vadd.scan.msk.s32 $0xffff, v1;
	v1 =	vor.u32 s8, v60;
	s8 =	smov.u32 s15  }
0x3f9: {  	v6 =	vadd.s32 v19, v26;
	v7 =	vmpcnt.ones.xlane vm6;
	v5 =	vld [tilespmem:s2+$0xFFFFFFE0];
	(xrf0) =	vadd.scan.msk.s32 $0xffff, v3;
	[tilespmem:v23+s29+$0x0] =	vst.idx.msk vm2, v1  }
0x3fa: {  	v12 =	vmpcnt.ones.xlane vm3;
	v3 =	vadd.s32 v6, v4;
	vm2 =	vmmov vm5;
	v1 =	vld [tilespmem:s2+$0x10];
	v8, _, _ =	vpop (xrf0)  }
0x3fb: {  	v7 =	vadd.s32 v3, v7;
	v25 =	vld [tilespmem:s2+$0x0];
	[tilespmem:v0+s29+$0x0] =	vst.idx.msk vm1, v2;
	vm1 =	vmmov vm6;
	vm6 =	vmmov vm4  }
0x3fc: {  	vm5 =	vmmov vm3;
	v8 =	vadd.s32 v8, v7;
	v19 =	vadd.s32 v7, v12;
	v0 =	vld [tilespmem:s2+$0xFFFFFFF0];
	v4, _, _ =	vpop (xrf0)  }
0x3fd: {  	v22 =	vor.u32 s0, v60;
	v20 =	vadd.s32 $0xFFFFFFFF, v8;
	v4 =	vadd.s32 v4, v21;
	v21 =	vmovc v19  }
.Ltmp16:
0x3fe: {  	vm3 =	vge.s32 v5, v10;
	vm4 =	vlt.s32 v5, v11;
	v24 =	vadd.s32 $0xFFFFFFFF, v4;
	v2, _, _ =	vpop (xrf0);
	(pc) =	sbr.rel @p0 .LBB2_20-.Ltmp16, $4  }
0x3ff: {  	vm4 =	vmand vm3, vm4;
	vm3 =	vge.s32 v1, v10;
	vm7 =	vlt.s32 v1, v11;
	v1, _, _ =	vpop (xrf0)  }
0x400: {  	v26 =	vmpcnt.ones.xlane vm4;
	vm3 =	vmand vm3, vm7;
	v1 =	vadd.s32 v1, v6  }
0x401: {  	v27 =	vadd.s32 v2, v3;
	vm7 =	vlt.s32 v0, v11;
	v4 =	vsel vm3, $0x1, v32  }
0x402: {  	s15 =	sadd.s32 $0x30, s0;
	vm9 =	vlt.s32 v25, v11;
	vm8 =	vge.s32 v0, v10;
	v23 =	vadd.s32 $0xFFFFFFFF, v1;
	(xrf0) =	vadd.scan.msk.s32 $0xffff, v4  }
0x403: {  	vm10 =	vge.s32 v25, v10  }
0x404: {  	v0 =	vsel vm4, $0x1, v32;
	vm9 =	vmand vm10, vm9  }
0x405: {  	vm7 =	vmand vm8, vm7;
	(xrf0) =	vadd.scan.msk.s32 $0xffff, v0;
	v48 =	vsel vm9, $0x1, v32  }
0x406: {  	v1 =	vsel vm7, $0x1, v32;
	(xrf0) =	vadd.scan.msk.s32 $0xffff, v48  }
0x407: {  	v2 =	vmpcnt.ones.xlane vm7;
	(xrf0) =	vadd.scan.msk.s32 $0xffff, v1  }
0x408: {  	v4 =	vadd.s32 v19, v26;
	v5 =	vmpcnt.ones.xlane vm9  }
0x409: {  	v2 =	vadd.s32 v4, v2  }
0x40a: {  	v5 =	vadd.s32 v2, v5;
	v49, _, _ =	vpop (xrf0)  }
0x40b: {  	v7 =	vadd.s32 $0xFFFFFFFF, v27;
	v0 =	vadd.s32 v49, v5;
	v50, _, _ =	vpop (xrf0)  }
0x40c: {  	vm12 =	vmmov vm4;
	v0 =	vadd.s32 $0xFFFFFFFF, v0;
	v1 =	vadd.s32 v50, v21;
	v3, _, _ =	vpop (xrf0)  }
0x40d: {  	v51 =	vor.u32 s15, v60;
	[tilespmem:v24+s29+$0x0] =	vst.idx.msk vm6, v22;
	v1 =	vadd.s32 $0xFFFFFFFF, v1;
	v6, _, _ =	vpop (xrf0);
	v2 =	vadd.s32 v3, v2  }
0x40e: {  	v8 =	vor.u32 s8, v60;
	s0 =	sadd.s32 $0x40, s0;
	[tilespmem:v20+s29+$0x0] =	vst.idx.msk vm5, v51;
	v4 =	vadd.s32 v6, v4;
	v2 =	vadd.s32 $0xFFFFFFFF, v2  }
0x40f: {  	v53 =	vor.u32 s7, v60;
	[tilespmem:v23+s29+$0x0] =	vst.idx.msk vm2, v8;
	s2 =	sadd.s32 $0x30, s0;
	v52 =	vadd.s32 $0xFFFFFFFF, v4  }
0x410: {  	v55 =	vor.u32 s2, v60;
	[tilespmem:v7+s29+$0x0] =	vst.idx.msk vm1, v53  }
0x411: {  	v54 =	vor.u32 s0, v60;
	s22 =	sadd.s32 $0x10, s0;
	s0 =	sadd.s32 $0x20, s0;
	[tilespmem:v0+s29+$0x0] =	vst.idx.msk vm3, v55  }
0x412: {  	v56 =	vmpcnt.ones.xlane vm3;
	v58 =	vor.u32 s0, v60;
	[tilespmem:v1+s29+$0x0] =	vst.idx.msk vm12, v54  }
0x413: {  	vm13 =	vmmov vm3;
	v57 =	vor.u32 s22, v60;
	[tilespmem:v2+s29+$0x0] =	vst.idx.msk vm9, v58  }
0x414: {  	vm14 =	vmmov vm7;
	vm15 =	vmmov vm9;
	s0 =	simm.s32 $0x12F80;
	s2 =	simm.s32 $0xF80;
	v19 =	vadd.s32 v5, v56;
	[tilespmem:v52+s29+$0x0] =	vst.idx.msk vm7, v57  }
.LBB2_22:
0x415: {  	v0 =	vld [tilespmem:s0+$0x0];
	_ =	sdelay $0x4  }
0x416: {  	vm1 =	vge.s32 v0, v10;
	vm2 =	vlt.s32 v0, v11  }
0x417: {  	vm1 =	vmand vm1, vm2  }
0x418: {  	v58 =	vsel vm1, $0x1, v32  }
0x419: {  	(xrf0) =	vadd.scan.msk.s32 $0xffff, v58;
	_ =	sdelay $0x5  }
0x41a: {  	v0, _, _ =	vpop (xrf0)  }
0x41b: {  	v0 =	vadd.s32 v0, v19  }
0x41c: {  	p0 =	sne.s32 s2, $0xF90;
	v0 =	vadd.s32 $0xFFFFFFFF, v0  }
.Ltmp17:
0x41d: {  	_ = 	snop;
	(pc) =	sbr.rel @p0 .LBB2_22-.Ltmp17, $4  }
0x41e: {  	_ = 	snop  }
0x41f: {  	v1 =	vmpcnt.ones.xlane vm1  }
0x420: {  	v2 =	vor.u32 s2, v60  }
0x421: {  	s0 =	sadd.s32 $0x10, s0;
	s2 =	sadd.s32 $0x10, s2;
	v19 =	vadd.s32 v19, v1;
	[tilespmem:v0+s29+$0x0] =	vst.idx.msk vm1, v2  }
0x422: {  	v1 =	vld [tilespmem:$0x1FF70]  }
0x423: {  	v2 =	vld [tilespmem:$0x1FF80]  }
0x424: {  	v3 =	vld [tilespmem:$0x1FF90];
	_ =	sdelay $0x1  }
0x425: {  	v0 =	vadd.s32 v60, v19  }
0x426: {  	v1 =	vadd.s32 v1, v19  }
0x427: {  	v2 =	vadd.s32 v2, v19  }
0x428: {  	v3 =	vadd.s32 v3, v19  }
0x429: {  	v4 =	vimm.s32 $0xFFFFFFFF  }
0x42a: {  	[tilespmem:v0+s29+$0x0] =	vst.idx.msk $0xffff, v4  }
0x42b: {  	[tilespmem:v1+s29+$0x0] =	vst.idx.msk $0xffff, v4  }
0x42c: {  	[tilespmem:v2+s29+$0x0] =	vst.idx.msk $0xffff, v4  }
0x42d: {  	[tilespmem:v3+s29+$0x0] =	vst.idx.msk $0xffff, v4  }
0x42e: {  	v0 =	vld [tilespmem:$0x1F000];
	_ =	sdelay $0x4  }
0x42f: {  	vm1 =	veq.s32 v0, $0x70  }
0x430: {  	v0 =	vsel vm1, $0x0, v9  }
0x431: {  	(xrf0) =	vmax.scan.msk.f32 $0xffff, v0;
	_ =	sdelay $0x5  }
0x432: {  	v0, _, _ =	vpop (xrf0)  }
0x433: {  	(v2sf) =	vpush v0, $0xF;
	_ =	sdelay $0xe  }
0x434: {  	s0 =	spop (v2sf)  }
0x435: {  	p0 =	sgt.f32 s0, $0.0e+00;
	_ =	sdelay $0x1  }
0x436: {  	s0 =	simm.s32 @p0 $0x1  }
0x437: {  	_ =	swait.ge @p0 [sflag:s0], $0x3000  }
0x438: {  	[sflag:s0] =	ssyncset.done @p0 $0x0  }
0x439: {  	[sflag:s0] =	ssyncadd.s32 @p0 $0xFFFFD000  }
0x43a: {  	_ =	swait.ge @p0 [sflag:s0], $0x2000  }
0x43b: {  	[sflag:s0] =	ssyncset.done @p0 $0x0  }
0x43c: {  	[sflag:s0] =	ssyncadd.s32 @p0 $0xFFFFE000  }
0x43d: {  	v54 =	vld [tilespmem:$0x14000];
	_ =	sdelay $0x4  }
0x43e: {  	vm1 =	vgt.s32 v54, $0xFFFFFFFF  }
0x43f: {  	v55 =	vsel vm1, $0x3F800000, v31  }
0x440: {  	(xrf0) =	vmax.scan.msk.f32 $0xffff, v55;
	_ =	sdelay $0x5  }
0x441: {  	v1, _, _ =	vpop (xrf0)  }
0x442: {  	(v2sf) =	vpush v1, $0xF;
	_ =	sdelay $0x5  }
0x443: {  	vm2 =	vgt.s32 v54, $0x0  }
0x444: {  	v0 =	vnsel vm2, $0x0, v54;
	_ =	sdelay $0x4  }
0x445: {  	v56 =	vld.idx.msk [tilespmem:v0+s28+$0x0], $0xffff;
	_ =	sdelay $0x2  }
0x446: {  	s21 =	spop (v2sf)  }
0x447: {  	p0 =	sgt.f32 s21, $0.0e+00  }
0x448: {  	v57 =	vld.idx.msk [tilespmem:v0+s26+$0x0], $0xffff;
	[tilespmem:$0x1F100] =	vst v56  }
0x449: {  	v1 =	vld @p0 [tilespmem:$0x1F100];
	_ =	sdelay $0x4  }
0x44a: {  	v3 =	vshrl.u32 @p0 v1, $0x3  }
0x44b: {  	v3 =	vmul.u32 @p0 $0x30, v3  }
0x44c: {  	v4 =	vlaneseq.u32 @p0;
	v1 =	vand.u32 @p0 $0x7, v1  }
0x44d: {  	v5 =	vshrl.u32 @p0 v4, $0x3;
	v1 =	vor.u32 @p0 v1, v3;
	v3 =	vand.u32 @p0 $0x7, v4  }
0x44e: {  	v5 =	vmul.u32 @p0 $0x8, v5;
	v6 =	vperm.xlane @p0 v1, v3;
	_ =	sdelay $0x1  }
0x44f: {  	s22 =	smul.u32 $0xFA0, s17;
	v6 =	vadd.s32 @p0 v5, v6;
	_ =	sdelay $0x1  }
0x450: {  	v0 =	vadd.s32 s22, v0;
	v2 =	vsub.s32 v57, v10  }
0x451: {  	[tilespmem:$0x1F200] =	vst v0;
	v58 =	vnsel vm1, $0x70, v2;
	v2 =	vor.u32 @p0 $0x8, v4  }
0x452: {  	[tilespmem:$0x1F000] =	vst v58;
	vm1 =	vmmov @p0 $0xffff;
	s2 =	simm.s32 @p0 $0x0;
	s7 =	simm.s32 @p0 $0x15000;
	v0 =	vperm.xlane @p0 v1, v2  }
0x453: {  	[tilespmem:s7], [sflag:$0x1] =	stream.indirect_vreg.gather @p0 [hbm4b:s5+s2], $0x80, v6, vm1, $0xb8;
	[tilespmem:$0x1F300] =	vst v63  }
0x454: {  	v0 =	vadd.s32 @p0 v5, v0;
	s7 =	simm.s32 @p0 $0x15800  }
0x455: {  	[tilespmem:s7], [sflag:$0x1] =	stream.indirect_vreg.gather @p0 [hbm4b:s9+s2], $0x80, v6, vm1, $0xb8;
	[tilespmem:$0x1F300] =	vst v63  }
0x456: {  	s7 =	simm.s32 @p0 $0x16000  }
0x457: {  	[tilespmem:s7], [sflag:$0x1] =	stream.indirect_vreg.gather @p0 [hbm4b:s10+s2], $0x80, v6, vm1, $0xb8;
	[tilespmem:$0x1F300] =	vst v63  }
0x458: {  	s7 =	simm.s32 @p0 $0x16800  }
0x459: {  	[tilespmem:s7], [sflag:$0x1] =	stream.indirect_vreg.gather @p0 [hbm4b:s5+s2], $0x80, v0, vm1, $0xb8;
	[tilespmem:$0x1F300] =	vst v63  }
0x45a: {  	s7 =	simm.s32 @p0 $0x17000  }
0x45b: {  	[tilespmem:s7], [sflag:$0x1] =	stream.indirect_vreg.gather @p0 [hbm4b:s9+s2], $0x80, v0, vm1, $0xb8;
	[tilespmem:$0x1F300] =	vst v63  }
0x45c: {  	s7 =	simm.s32 @p0 $0x17800  }
0x45d: {  	[tilespmem:s7], [sflag:$0x1] =	stream.indirect_vreg.gather @p0 [hbm4b:s10+s2], $0x80, v0, vm1, $0xb8;
	[tilespmem:$0x1F300] =	vst v63  }
0x45e: {  	v0 =	vld @p0 [tilespmem:$0x1F200];
	_ =	sdelay $0x4  }
0x45f: {  	v1 =	vshll.u32 @p0 v0, $0x2  }
0x460: {  	v0 =	vand.u32 @p0 $0x7, v0;
	v1 =	vand.u32 @p0 $0xFFFFFFE0, v1  }
0x461: {  	v0 =	vor.u32 @p0 v0, v1  }
0x462: {  	v1 =	vperm.xlane @p0 v0, v3;
	_ =	sdelay $0x1  }
0x463: {  	v1 =	vadd.s32 @p0 v5, v1;
	_ =	sdelay $0x2  }
0x464: {  	v0 =	vperm.xlane @p0 v0, v2  }
0x465: {  	s7 =	simm.s32 @p0 $0x1B000  }
0x466: {  	v0 =	vadd.s32 @p0 v5, v0;
	[tilespmem:s7], [sflag:$0x1] =	stream.indirect_vreg.gather @p0 [hbm4b:s6+s2], $0x80, v1, vm1, $0xb8;
	[tilespmem:$0x1F300] =	vst v63  }
0x467: {  	s7 =	simm.s32 @p0 $0x1B800  }
0x468: {  	[tilespmem:s7], [sflag:$0x1] =	stream.indirect_vreg.gather @p0 [hbm4b:s11+s2], $0x80, v1, vm1, $0xb8;
	[tilespmem:$0x1F300] =	vst v63  }
.Ltmp18:
0x469: {  	_ = 	snop;
	(pc) =	sbr.rel .LBB2_24-.Ltmp18, $4  }
0x46a: {  	s7 =	simm.s32 @p0 $0x1C000  }
0x46b: {  	v7 =	vmov s22;
	[tilespmem:s7], [sflag:$0x1] =	stream.indirect_vreg.gather @p0 [hbm4b:s6+s2], $0x80, v0, vm1, $0xb8;
	[tilespmem:$0x1F300] =	vst v63  }
0x46c: {  	s17 =	simm.s32 $0x0;
	[tilespmem:$0x1FDF0] =	vst v7;
	s7 =	simm.s32 @p0 $0x1C800  }
0x46d: {  	[tilespmem:s7], [sflag:$0x1] =	stream.indirect_vreg.gather @p0 [hbm4b:s11+s2], $0x80, v0, vm1, $0xb8;
	[tilespmem:$0x1F300] =	vst v63  }
.LBB2_32:
0x46e: {  	s0 =	sadd.s32 $0x20, s17  }
0x46f: {  	v0 =	vld [tilespmem:s0+$0x14000];
	_ =	sdelay $0x1  }
0x470: {  	v1 =	vld [tilespmem:s17+$0x14030];
	_ =	sdelay $0x2  }
0x471: {  	vm1 =	vgt.s32 v0, $0xFFFFFFFF  }
0x472: {  	v0 =	vsel vm1, $0x3F800000, v31  }
0x473: {  	vm1 =	vgt.s32 v1, $0xFFFFFFFF;
	(xrf0) =	vmax.scan.msk.f32 $0xffff, v0  }
0x474: {  	v56 =	vsel vm1, $0x3F800000, v31  }
0x475: {  	(xrf0) =	vmax.scan.msk.f32 $0xffff, v56;
	_ =	sdelay $0x3  }
0x476: {  	v57, _, _ =	vpop (xrf0)  }
0x477: {  	(v2sf) =	vpush v57, $0xF  }
0x478: {  	v58, _, _ =	vpop (xrf0)  }
0x479: {  	(v2sf) =	vpush v58, $0xF;
	_ =	sdelay $0xc  }
0x47a: {  	s2 =	spop (v2sf)  }
0x47b: {  	p0 =	sgt.f32 s2, $0.0e+00  }
0x47c: {  	s2 =	spop (v2sf)  }
0x47d: {  	p1 =	sgt.f32 @!p0 s2, $0.0e+00;
	_ =	sdelay $0x1  }
0x47e: {  	p1 =	por p0, p1  }
.Ltmp19:
0x47f: {  	_ = 	snop;
	(pc) =	sbr.rel @!p1 .LBB2_33-.Ltmp19, $3  }
0x480: {  	_ =	sdelay $0x1  }
0x481: {  	s0 =	smov.u32 @p0 s0  }
0x482: {  	s17 =	smov.u32 s0  }
.LBB2_24:
0x483: {  	v0 =	vld [tilespmem:s17+$0x14010];
	_ =	sdelay $0x4  }
0x484: {  	vm1 =	vgt.s32 v0, $0xFFFFFFFF  }
0x485: {  	v1 =	vsel vm1, $0x3F800000, v31  }
0x486: {  	(xrf0) =	vmax.scan.msk.f32 $0xffff, v1;
	_ =	sdelay $0x5  }
0x487: {  	v1, _, _ =	vpop (xrf0)  }
0x488: {  	(v2sf) =	vpush v1, $0xF;
	_ =	sdelay $0x5  }
0x489: {  	vm2 =	vgt.s32 v0, $0x0  }
0x48a: {  	v0 =	vnsel vm2, $0x0, v0;
	_ =	sdelay $0x4  }
0x48b: {  	v57 =	vld.idx.msk [tilespmem:v0+s28+$0x0], $0xffff;
	_ =	sdelay $0x2  }
0x48c: {  	s0 =	spop (v2sf)  }
0x48d: {  	p0 =	sgt.f32 s0, $0.0e+00  }
0x48e: {  	v2 =	vld.idx.msk [tilespmem:v0+s26+$0x0], $0xffff;
	[tilespmem:$0x1F180] =	vst v57  }
0x48f: {  	v1 =	vld @p0 [tilespmem:$0x1F180];
	_ =	sdelay $0x4  }
0x490: {  	v3 =	vshrl.u32 @p0 v1, $0x3  }
0x491: {  	v3 =	vmul.u32 @p0 $0x30, v3  }
0x492: {  	v4 =	vlaneseq.u32 @p0;
	v1 =	vand.u32 @p0 $0x7, v1  }
0x493: {  	v5 =	vshrl.u32 @p0 v4, $0x3;
	v1 =	vor.u32 @p0 v1, v3;
	v3 =	vand.u32 @p0 $0x7, v4  }
0x494: {  	v5 =	vmul.u32 @p0 $0x8, v5;
	v6 =	vperm.xlane @p0 v1, v3;
	_ =	sdelay $0x1  }
0x495: {  	v6 =	vadd.s32 @p0 v5, v6;
	_ =	sdelay $0x1  }
0x496: {  	v0 =	vadd.s32 v7, v0;
	v2 =	vsub.s32 v2, v10  }
0x497: {  	[tilespmem:$0x1F280] =	vst v0;
	v58 =	vnsel vm1, $0x70, v2;
	v2 =	vor.u32 @p0 $0x8, v4  }
0x498: {  	[tilespmem:$0x1F080] =	vst v58;
	vm1 =	vmmov @p0 $0xffff;
	s0 =	simm.s32 @p0 $0x0;
	s2 =	simm.s32 @p0 $0x18000;
	v0 =	vperm.xlane @p0 v1, v2  }
0x499: {  	[tilespmem:s2], [sflag:$0x2] =	stream.indirect_vreg.gather @p0 [hbm4b:s5+s0], $0x80, v6, vm1, $0xb8;
	[tilespmem:$0x1F300] =	vst v63  }
0x49a: {  	v0 =	vadd.s32 @p0 v5, v0;
	s2 =	simm.s32 @p0 $0x18800  }
0x49b: {  	[tilespmem:s2], [sflag:$0x2] =	stream.indirect_vreg.gather @p0 [hbm4b:s9+s0], $0x80, v6, vm1, $0xb8;
	[tilespmem:$0x1F300] =	vst v63  }
0x49c: {  	s2 =	simm.s32 @p0 $0x19000  }
0x49d: {  	[tilespmem:s2], [sflag:$0x2] =	stream.indirect_vreg.gather @p0 [hbm4b:s10+s0], $0x80, v6, vm1, $0xb8;
	[tilespmem:$0x1F300] =	vst v63  }
0x49e: {  	s2 =	simm.s32 @p0 $0x19800  }
0x49f: {  	[tilespmem:s2], [sflag:$0x2] =	stream.indirect_vreg.gather @p0 [hbm4b:s5+s0], $0x80, v0, vm1, $0xb8;
	[tilespmem:$0x1F300] =	vst v63  }
0x4a0: {  	s2 =	simm.s32 @p0 $0x1A000  }
0x4a1: {  	[tilespmem:s2], [sflag:$0x2] =	stream.indirect_vreg.gather @p0 [hbm4b:s9+s0], $0x80, v0, vm1, $0xb8;
	[tilespmem:$0x1F300] =	vst v63  }
0x4a2: {  	s2 =	simm.s32 @p0 $0x1A800  }
0x4a3: {  	[tilespmem:s2], [sflag:$0x2] =	stream.indirect_vreg.gather @p0 [hbm4b:s10+s0], $0x80, v0, vm1, $0xb8;
	[tilespmem:$0x1F300] =	vst v63  }
0x4a4: {  	v0 =	vld @p0 [tilespmem:$0x1F280];
	_ =	sdelay $0x4  }
0x4a5: {  	v1 =	vshll.u32 @p0 v0, $0x2  }
0x4a6: {  	v0 =	vand.u32 @p0 $0x7, v0;
	v1 =	vand.u32 @p0 $0xFFFFFFE0, v1  }
0x4a7: {  	v0 =	vor.u32 @p0 v0, v1  }
0x4a8: {  	v1 =	vperm.xlane @p0 v0, v3;
	_ =	sdelay $0x1  }
0x4a9: {  	v1 =	vadd.s32 @p0 v5, v1;
	_ =	sdelay $0x1  }
0x4aa: {  	v0 =	vperm.xlane @p0 v0, v2;
	_ =	sdelay $0x1  }
0x4ab: {  	s2 =	simm.s32 @p0 $0x1D000;
	v0 =	vadd.s32 @p0 v5, v0  }
0x4ac: {  	[tilespmem:s2], [sflag:$0x2] =	stream.indirect_vreg.gather @p0 [hbm4b:s6+s0], $0x80, v1, vm1, $0xb8;
	[tilespmem:$0x1F300] =	vst v63  }
0x4ad: {  	s2 =	simm.s32 @p0 $0x1D800  }
0x4ae: {  	[tilespmem:s2], [sflag:$0x2] =	stream.indirect_vreg.gather @p0 [hbm4b:s11+s0], $0x80, v1, vm1, $0xb8;
	[tilespmem:$0x1F300] =	vst v63  }
0x4af: {  	s2 =	simm.s32 @p0 $0x1E000  }
0x4b0: {  	[tilespmem:s2], [sflag:$0x2] =	stream.indirect_vreg.gather @p0 [hbm4b:s6+s0], $0x80, v0, vm1, $0xb8;
	[tilespmem:$0x1F300] =	vst v63  }
0x4b1: {  	s2 =	simm.s32 @p0 $0x1E800  }
0x4b2: {  	[tilespmem:s2], [sflag:$0x2] =	stream.indirect_vreg.gather @p0 [hbm4b:s11+s0], $0x80, v0, vm1, $0xb8;
	[tilespmem:$0x1F300] =	vst v63  }
0x4b3: {  	v0 =	vld [tilespmem:$0x1F000];
	_ =	sdelay $0x4  }
0x4b4: {  	vm1 =	veq.s32 v0, $0x70  }
0x4b5: {  	v0 =	vsel vm1, $0x0, v9  }
0x4b6: {  	(xrf0) =	vmax.scan.msk.f32 $0xffff, v0;
	_ =	sdelay $0x5  }
0x4b7: {  	v0, _, _ =	vpop (xrf0)  }
0x4b8: {  	(v2sf) =	vpush v0, $0xF;
	_ =	sdelay $0xe  }
0x4b9: {  	s22 =	spop (v2sf)  }
0x4ba: {  	p0 =	sgt.f32 s22, $0.0e+00  }
.Ltmp20:
0x4bb: {  	_ = 	snop;
	(pc) =	sbr.rel @!p0 .LBB2_28-.Ltmp20, $1  }
0x4bc: {  	_ =	sdelay $0x3  }
0x4bd: {  	_ =	swait.ge [sflag:s30], $0x3000;
	s8 =	simm.s32 $0x0  }
0x4be: {  	[sflag:s30] =	ssyncset.done $0x0;
	v0 =	vmov s8  }
0x4bf: {  	[sflag:s30] =	ssyncadd.s32 $0xFFFFD000  }
0x4c0: {  	_ =	swait.ge [sflag:s30], $0x2000  }
0x4c1: {  	s0 =	simm.s32 $0x0;
	[sflag:s30] =	ssyncset.done $0x0  }
0x4c2: {  	s2 =	sand.u32 $0x380, s8;
	s0 =	sand.u32 $0x3FFFF000, s0;
	[sflag:s30] =	ssyncadd.s32 $0xFFFFE000  }
0x4c3: {  	s0 =	sor.u32 s2, s0;
	v1 =	vld.idx.msk [tilespmem:v0+s31+$0x0], $0xffff  }
0x4c4: {  	s15 =	sadd.s32 $0x1B000, s0;
	v2 =	vld [tilespmem:s0+$0x1B000]  }
0x4c5: {  	v3 =	vld [tilespmem:s15+$0x400]  }
0x4c6: {  	v4 =	vld [tilespmem:s15+$0x410]  }
0x4c7: {  	v5 =	vld [tilespmem:s15+$0x420]  }
0x4c8: {  	v6 =	vld [tilespmem:s15+$0x430]  }
0x4c9: {  	v7 =	vld [tilespmem:s15+$0x440]  }
0x4ca: {  	v8 =	vld [tilespmem:s15+$0x450]  }
0x4cb: {  	v9 =	vld [tilespmem:s15+$0x460]  }
0x4cc: {  	v10 =	vld [tilespmem:s15+$0x470]  }
0x4cd: {  	v11 =	vld [tilespmem:s15+$0x800]  }
0x4ce: {  	v12 =	vld [tilespmem:s15+$0x10]  }
0x4cf: {  	s22 =	simm.s32 $0x0;
	v13 =	vld [tilespmem:s15+$0x810]  }
0x4d0: {  	s0 =	smul.u32 $0x6000, s22;
	v14 =	vld [tilespmem:s15+$0x20]  }
0x4d1: {  	v15 =	vshll.u32 v0, $0x9;
	v0 =	vshll.u32 v0, $0x7;
	v16 =	vld [tilespmem:s15+$0x820]  }
0x4d2: {  	v15 =	vand.u32 $0x1000, v15;
	v17 =	vld [tilespmem:s15+$0x30];
	v0 =	vand.u32 $0x380, v0;
	s0 =	sshra.s32 s0, $0x2  }
0x4d3: {  	v0 =	vor.u32 v0, v15;
	v15 =	vld [tilespmem:s15+$0x830];
	s0 =	sor.u32 s2, s0  }
0x4d4: {  	v18 =	vld [tilespmem:s0+$0x15C00]  }
0x4d5: {  	v32 =	vld [tilespmem:s0+$0x16000]  }
0x4d6: {  	v34 =	vld [tilespmem:s0+$0x16400]  }
0x4d7: {  	v29 =	vld [tilespmem:s0+$0x15000]  }
0x4d8: {  	v30 =	vld [tilespmem:s0+$0x15800];
	s2 =	sadd.s32 $0x15000, s0  }
0x4d9: {  	v25 =	vld [tilespmem:s2+$0x400]  }
0x4da: {  	v28 =	vld [tilespmem:s2+$0x410]  }
0x4db: {  	v31 =	vld [tilespmem:s2+$0x420]  }
0x4dc: {  	v35 =	vld [tilespmem:s2+$0x430]  }
0x4dd: {  	v38 =	vld [tilespmem:s2+$0x440]  }
0x4de: {  	v39 =	vld [tilespmem:s2+$0x450]  }
0x4df: {  	v40 =	vld [tilespmem:s2+$0x460]  }
0x4e0: {  	s20 =	sadd.s32 $0x15C00, s0;
	v41 =	vld [tilespmem:s2+$0x470]  }
0x4e1: {  	s18 =	sadd.s32 $0x16000, s0;
	v42 =	vld [tilespmem:s20+$0x10]  }
0x4e2: {  	s7 =	sadd.s32 $0x16400, s0;
	v43 =	vld [tilespmem:s18+$0x10]  }
0x4e3: {  	v44 =	vld [tilespmem:s7+$0x10]  }
0x4e4: {  	v0 =	vor.u32 $0xC00, v0;
	v45 =	vld [tilespmem:s20+$0x20]  }
0x4e5: {  	v46 =	vld [tilespmem:s18+$0x20]  }
0x4e6: {  	s14 =	sadd.s32 $0x15800, s0;
	v47 =	vld [tilespmem:s2+$0x10]  }
0x4e7: {  	v48 =	vld [tilespmem:s14+$0x10]  }
0x4e8: {  	v22 =	vor.u32 $0x1, v0;
	v49 =	vld [tilespmem:s2+$0x20]  }
0x4e9: {  	v20 =	vld.idx.msk [tilespmem:v0+s19+$0x0], $0xffff;
	v0 =	vor.u32 $0x2, v0  }
0x4ea: {  	v50 =	vld [tilespmem:s14+$0x20]  }
0x4eb: {  	v21 =	vshll.u32 v1, $0x9;
	v1 =	vshll.u32 v1, $0x7;
	v51 =	vld [tilespmem:s2+$0x30]  }
0x4ec: {  	v19 =	vor.u32 $0xC00, v60;
	v52 =	vld [tilespmem:s14+$0x30];
	v23 =	vand.u32 $0xFFFFF000, v21;
	v1 =	vand.u32 $0x380, v1  }
0x4ed: {  	v21 =	vor.u32 $0xC10, v60;
	v37 =	vor.u32 v23, v1;
	v36 =	vld.idx.msk [tilespmem:v22+s19+$0x0], $0xffff;
	[tilespmem:$0x1FD60] =	vst v19  }
0x4ee: {  	v1 =	vor.u32 v19, v37;
	v19 =	vor.u32 $0xC20, v60;
	v33 =	vld.idx.msk [tilespmem:v0+s19+$0x0], $0xffff;
	[tilespmem:$0x1FD70] =	vst v21  }
0x4ef: {  	v0 =	vor.u32 v21, v37;
	v21 =	vor.u32 $0xC30, v60;
	v53 =	vld [tilespmem:s7+$0x20];
	[tilespmem:$0x1FD80] =	vst v19  }
0x4f0: {  	v54 =	vor.u32 v19, v37;
	v19 =	vor.u32 $0xC40, v60;
	v55 =	vld [tilespmem:s20+$0x30];
	[tilespmem:$0x1FD90] =	vst v21  }
0x4f1: {  	v3 =	vmul.f32 v3, v25;
	v57 =	vld [tilespmem:s18+$0x30];
	[tilespmem:$0x1FDA0] =	vst v19  }
0x4f2: {  	v4 =	vmul.f32 v4, v28;
	v38 =	vmul.f32 v7, v38;
	v59 =	vld [tilespmem:s7+$0x30]  }
0x4f3: {  	v39 =	vmul.f32 v8, v39;
	v56 =	vor.u32 v21, v37;
	v21 =	vor.u32 $0xC50, v60;
	[tilespmem:v1+s3+$0x0] =	vst.idx.add.f32.msk $0xffff, v3  }
0x4f4: {  	v7 =	vmul.f32 v12, v47;
	v58 =	vor.u32 v19, v37;
	v1 =	vmul.f32 v5, v31;
	[tilespmem:$0x1FDB0] =	vst v21  }
0x4f5: {  	v3 =	vor.u32 v21, v37;
	[tilespmem:v0+s3+$0x0] =	vst.idx.add.f32.msk $0xffff, v4;
	v0 =	vmul.f32 v6, v35;
	v35 =	vor.u32 $0xC60, v60  }
0x4f6: {  	v48 =	vmul.f32 v13, v48;
	[tilespmem:v54+s3+$0x0] =	vst.idx.add.f32.msk $0xffff, v1;
	v4 =	vor.u32 v35, v37  }
0x4f7: {  	v1 =	vmul.f32 v2, v29;
	v2 =	vmul.f32 v11, v30;
	v54 =	vor.u32 $0xC70, v60;
	[tilespmem:$0x1FDC0] =	vst v35  }
0x4f8: {  	v25 =	vmul.u32 $0x3, v60;
	v60 =	vor.u32 v54, v37;
	v35 =	vmul.f32 v10, v41;
	[tilespmem:v56+s3+$0x0] =	vst.idx.add.f32.msk $0xffff, v0  }
0x4f9: {  	v41 =	vmul.f32 v2, v20;
	v12 =	vmul.f32 v32, v1;
	[tilespmem:v58+s3+$0x0] =	vst.idx.add.f32.msk $0xffff, v38  }
0x4fa: {  	v56 =	vadd.s32 $0x1, v25;
	v58 =	vmul.f32 v9, v40;
	v38 =	vor.u32 v25, v37;
	[tilespmem:v3+s3+$0x0] =	vst.idx.add.f32.msk $0xffff, v39  }
0x4fb: {  	v13 =	vmul.f32 v2, v36;
	v32 =	vadd.s32 $0x30, v25;
	v40 =	vmul.f32 v18, v1;
	[tilespmem:$0x1FDD0] =	vst v54  }
0x4fc: {  	v2 =	vmul.f32 v2, v33;
	v47 =	vor.u32 v56, v37;
	v39 =	vadd.s32 $0x2, v25;
	[tilespmem:v4+s3+$0x0] =	vst.idx.add.f32.msk $0xffff, v58  }
0x4fd: {  	v1 =	vmul.f32 v34, v1;
	v10 =	vor.u32 v39, v37;
	v0 =	vadd.f32 v41, v40;
	[tilespmem:$0x1FDE0] =	vst v56  }
0x4fe: {  	v31 =	vmov v39;
	v39 =	vor.u32 v32, v37;
	v40 =	vmul.f32 v42, v7;
	[tilespmem:v60+s3+$0x0] =	vst.idx.add.f32.msk $0xffff, v35  }
0x4ff: {  	v41 =	vmul.f32 v48, v20;
	[tilespmem:v38+s3+$0x0] =	vst.idx.add.f32.msk $0xffff, v0;
	v38 =	vadd.f32 v12, v13  }
0x500: {  	v1 =	vadd.f32 v1, v2  }
0x501: {  	v2 =	vadd.f32 v41, v40;
	[tilespmem:v47+s3+$0x0] =	vst.idx.add.f32.msk $0xffff, v38  }
0x502: {  	v42 =	vmul.f32 v14, v49;
	v4 =	vmul.f32 v16, v50;
	[tilespmem:v10+s3+$0x0] =	vst.idx.add.f32.msk $0xffff, v1  }
0x503: {  	v34 =	vadd.s32 $0x31, v25;
	v58 =	vmul.f32 v43, v7;
	v50 =	vmul.f32 v15, v52;
	[tilespmem:v39+s3+$0x0] =	vst.idx.add.f32.msk $0xffff, v2  }
0x504: {  	v54 =	vor.u32 v34, v37;
	v46 =	vmul.f32 v46, v42;
	v60 =	vmul.f32 v48, v36;
	v29 =	vld [tilespmem:$0x1FFE0]  }
0x505: {  	v35 =	vadd.s32 $0x32, v25;
	v3 =	vmul.f32 v50, v33;
	v12 =	vmul.f32 v44, v7;
	v30 =	vld [tilespmem:$0x1FFF0]  }
0x506: {  	v56 =	vor.u32 v35, v37;
	v13 =	vmul.f32 v48, v33;
	v44 =	vmul.f32 v45, v42  }
0x507: {  	v45 =	vmul.f32 v4, v20;
	v48 =	vmul.f32 v17, v51;
	v51 =	vor.u32 v61, v37  }
0x508: {  	v0 =	vmul.f32 v53, v42;
	v6 =	vadd.f32 v58, v60;
	v60 =	vmul.f32 v50, v36  }
0x509: {  	v47 =	vmul.f32 v4, v36;
	v49 =	vadd.f32 v45, v44;
	v14 =	vor.u32 v29, v37  }
0x50a: {  	v38 =	vadd.s32 $0x410, v25;
	v4 =	vmul.f32 v4, v33;
	v16 =	vor.u32 v30, v37  }
0x50b: {  	v55 =	vmul.f32 v55, v48;
	v58 =	vmul.f32 v57, v48;
	v2 =	vadd.f32 v12, v13  }
0x50c: {  	v52 =	vor.u32 v38, v37;
	v5 =	vadd.f32 v46, v47;
	v39 =	vadd.s32 $0x411, v25;
	[tilespmem:v54+s3+$0x0] =	vst.idx.add.f32.msk $0xffff, v6  }
0x50d: {  	v40 =	vadd.s32 $0x412, v25;
	v53 =	vor.u32 v39, v37;
	[tilespmem:v56+s3+$0x0] =	vst.idx.add.f32.msk $0xffff, v2;
	v56 =	vmul.f32 v50, v20  }
0x50e: {  	v0 =	vadd.f32 v0, v4;
	v54 =	vor.u32 v40, v37;
	[tilespmem:v14+s3+$0x0] =	vst.idx.add.f32.msk $0xffff, v49  }
0x50f: {  	v1 =	vmul.f32 v59, v48;
	v7 =	vadd.f32 v56, v55;
	[tilespmem:v16+s3+$0x0] =	vst.idx.add.f32.msk $0xffff, v5  }
0x510: {  	v4 =	vadd.f32 v58, v60;
	[tilespmem:v51+s3+$0x0] =	vst.idx.add.f32.msk $0xffff, v0  }
0x511: {  	v61 =	vadd.f32 v1, v3;
	[tilespmem:v52+s3+$0x0] =	vst.idx.add.f32.msk $0xffff, v7  }
0x512: {  	[tilespmem:v53+s3+$0x0] =	vst.idx.add.f32.msk $0xffff, v4  }
0x513: {  	[tilespmem:v54+s3+$0x0] =	vst.idx.add.f32.msk $0xffff, v61  }
0x514: {  	v42 =	vld [tilespmem:s2+$0x40]  }
0x515: {  	v44 =	vld [tilespmem:s15+$0x40]  }
0x516: {  	v45 =	vld [tilespmem:s14+$0x40]  }
0x517: {  	v49 =	vld [tilespmem:s15+$0x840]  }
0x518: {  	v43 =	vld [tilespmem:s2+$0x50]  }
0x519: {  	v46 =	vld [tilespmem:s15+$0x50]  }
0x51a: {  	v48 =	vld [tilespmem:s14+$0x50]  }
0x51b: {  	v50 =	vld [tilespmem:s15+$0x850]  }
0x51c: {  	s0 =	simm.s32 $0x1;
	v47 =	vld [tilespmem:s2+$0x60]  }
.LBB2_26:
0x51d: {  	v0 =	vld [tilespmem:s15+$0x60]  }
0x51e: {  	v1 =	vld [tilespmem:s14+$0x60]  }
0x51f: {  	v2 =	vld [tilespmem:s15+$0x860]  }
0x520: {  	v3 =	vld [tilespmem:s2+$0x70]  }
0x521: {  	v4 =	vld [tilespmem:s15+$0x70]  }
0x522: {  	v7 =	vld [tilespmem:s14+$0x70]  }
0x523: {  	v11 =	vld [tilespmem:s15+$0x870]  }
0x524: {  	v15 =	vld [tilespmem:s20+$0x40]  }
0x525: {  	v41 =	vmov s0;
	v5 =	vor.u32 $0x440, v25;
	v55 =	vld [tilespmem:s18+$0x40]  }
0x526: {  	v6 =	vadd.s32 $0x441, v25;
	v8 =	vadd.s32 $0x442, v25;
	v9 =	vadd.s32 $0x820, v25;
	v56 =	vld [tilespmem:s20+$0x50]  }
0x527: {  	v10 =	vadd.s32 $0x821, v25;
	v12 =	vadd.s32 $0x822, v25;
	v13 =	vadd.s32 $0x850, v25;
	v57 =	vld [tilespmem:$0x1FFD0]  }
0x528: {  	v14 =	vadd.s32 $0x851, v25;
	v16 =	vadd.s32 $0x852, v25;
	v60 =	vld [tilespmem:s7+$0x50];
	v5 =	vor.u32 v5, v37  }
0x529: {  	v52 =	vld [tilespmem:s20+$0x60];
	v6 =	vor.u32 v6, v37;
	v8 =	vor.u32 v8, v37;
	v17 =	vmul.f32 v44, v42  }
0x52a: {  	v54 =	vld [tilespmem:s7+$0x60];
	v9 =	vor.u32 v9, v37;
	v18 =	vmul.f32 v49, v45;
	v43 =	vmul.f32 v46, v43  }
0x52b: {  	v19 =	vld [tilespmem:$0x1FD60];
	v10 =	vor.u32 v10, v37;
	v45 =	vmul.f32 v50, v48;
	v0 =	vmul.f32 v0, v47  }
0x52c: {  	v21 =	vld [tilespmem:$0x1FDD0];
	v12 =	vor.u32 v12, v37;
	v1 =	vmul.f32 v2, v1;
	v3 =	vmul.f32 v4, v3  }
0x52d: {  	v13 =	vor.u32 v13, v37;
	v44 =	vld [tilespmem:s7+$0x40];
	v4 =	vmul.f32 v11, v7;
	v58 =	vmul.f32 v15, v17  }
0x52e: {  	v46 =	vor.u32 v62, v37;
	v62 =	vld [tilespmem:s18+$0x60];
	v59 =	vmul.f32 v18, v20;
	v61 =	vmul.f32 v55, v17  }
0x52f: {  	v2 =	vor.u32 v63, v37;
	v63 =	vld [tilespmem:s18+$0x50];
	v51 =	vmul.f32 v18, v36;
	v18 =	vmul.f32 v18, v33  }
0x530: {  	v24 =	vld [tilespmem:$0x1FDE0];
	v14 =	vor.u32 v14, v37;
	v48 =	vmul.f32 v56, v43;
	v53 =	vmul.f32 v45, v20  }
0x531: {  	v16 =	vor.u32 v16, v37;
	v42 =	vld.idx.msk [tilespmem:v41+s31+$0x0], $0xffff;
	v55 =	vmul.f32 v45, v36;
	v45 =	vmul.f32 v45, v33  }
0x532: {  	v7 =	vor.u32 v57, v37;
	v56 =	vld [tilespmem:s7+$0x70];
	v15 =	vmul.f32 v52, v0;
	v37 =	vmul.f32 v1, v20  }
0x533: {  	v52 =	vld [tilespmem:s18+$0x70];
	v11 =	vadd.f32 v59, v58;
	v50 =	vadd.f32 v61, v51;
	v17 =	vmul.f32 v44, v17  }
0x534: {  	v61 =	vadd.f32 v53, v48;
	v44 =	vmul.f32 v62, v0;
	v47 =	vmul.f32 v63, v43;
	v63 =	vld [tilespmem:s20+$0x70]  }
0x535: {  	v0 =	vmul.f32 v54, v0;
	[tilespmem:v5+s3+$0x0] =	vst.idx.add.f32.msk $0xffff, v11;
	v17 =	vadd.f32 v17, v18  }
0x536: {  	v43 =	vmul.f32 v60, v43;
	v60 =	vmul.f32 v1, v36;
	[tilespmem:v6+s3+$0x0] =	vst.idx.add.f32.msk $0xffff, v50  }
0x537: {  	v1 =	vmul.f32 v1, v33;
	v62 =	vadd.f32 v47, v55;
	[tilespmem:v8+s3+$0x0] =	vst.idx.add.f32.msk $0xffff, v17  }
0x538: {  	v50 =	vmul.f32 v4, v36;
	v43 =	vadd.f32 v43, v45;
	[tilespmem:v46+s3+$0x0] =	vst.idx.add.f32.msk $0xffff, v61  }
0x539: {  	v45 =	vmul.f32 v4, v20;
	v47 =	vadd.f32 v37, v15;
	[tilespmem:v2+s3+$0x0] =	vst.idx.add.f32.msk $0xffff, v62  }
0x53a: {  	v49 =	vadd.f32 v44, v60;
	v63 =	vmul.f32 v63, v3;
	[tilespmem:v7+s3+$0x0] =	vst.idx.add.f32.msk $0xffff, v43  }
0x53b: {  	v48 =	vmul.f32 v52, v3;
	v0 =	vadd.f32 v0, v1;
	[tilespmem:v9+s3+$0x0] =	vst.idx.add.f32.msk $0xffff, v47  }
0x53c: {  	v57 =	vshll.u32 v42, $0x9;
	v51 =	vmul.f32 v56, v3;
	v52 =	vadd.f32 v45, v63;
	[tilespmem:v10+s3+$0x0] =	vst.idx.add.f32.msk $0xffff, v49  }
0x53d: {  	v42 =	vshll.u32 v42, $0x7;
	v4 =	vmul.f32 v4, v33;
	v53 =	vadd.f32 v48, v50;
	[tilespmem:v12+s3+$0x0] =	vst.idx.add.f32.msk $0xffff, v0  }
0x53e: {  	v42 =	vand.u32 $0x380, v42;
	v37 =	vand.u32 $0xFFFFF000, v57;
	[tilespmem:v13+s3+$0x0] =	vst.idx.add.f32.msk $0xffff, v52  }
0x53f: {  	s8 =	sadd.s32 $0x80, s8;
	s18 =	sshll.u32 s0, $0x9;
	v56 =	vshll.u32 v41, $0x7;
	v37 =	vor.u32 v37, v42;
	v54 =	vadd.f32 v51, v4;
	[tilespmem:v14+s3+$0x0] =	vst.idx.add.f32.msk $0xffff, v53  }
0x540: {  	s2 =	sand.u32 $0x3FFFF000, s18;
	s20 =	sand.u32 $0x380, s8;
	v14 =	vand.u32 $0x380, v56;
	v56 =	vor.u32 v19, v37;
	v19 =	vld [tilespmem:$0x1FD70]  }
0x541: {  	s2 =	sor.u32 s20, s2;
	[tilespmem:v16+s3+$0x0] =	vst.idx.add.f32.msk $0xffff, v54  }
0x542: {  	s15 =	sadd.s32 $0x1B000, s2;
	v0 =	vld [tilespmem:s2+$0x1B000]  }
0x543: {  	v1 =	vld [tilespmem:s15+$0x400]  }
0x544: {  	v2 =	vld [tilespmem:s15+$0x410]  }
0x545: {  	v3 =	vld [tilespmem:s15+$0x420]  }
0x546: {  	v4 =	vld [tilespmem:s15+$0x430]  }
0x547: {  	v5 =	vld [tilespmem:s15+$0x440]  }
0x548: {  	v6 =	vld [tilespmem:s15+$0x450]  }
0x549: {  	v7 =	vld [tilespmem:s15+$0x460]  }
0x54a: {  	v8 =	vld [tilespmem:s15+$0x470]  }
0x54b: {  	v9 =	vld [tilespmem:s15+$0x800]  }
0x54c: {  	v10 =	vld [tilespmem:s15+$0x10]  }
0x54d: {  	v11 =	vld [tilespmem:s15+$0x810]  }
0x54e: {  	s21 =	sshrl.u32 s0, $0x3;
	v12 =	vld [tilespmem:s15+$0x20]  }
0x54f: {  	v55 =	vshll.u32 v41, $0x9;
	s2 =	smul.u32 $0x6000, s21;
	v15 =	vld [tilespmem:s15+$0x820]  }
0x550: {  	v13 =	vand.u32 $0x1000, v55;
	v16 =	vld [tilespmem:s15+$0x30]  }
0x551: {  	v13 =	vor.u32 v14, v13;
	v14 =	vld [tilespmem:s15+$0x830];
	s2 =	sshra.s32 s2, $0x2  }
0x552: {  	s22 =	sor.u32 s20, s2;
	v57 =	vor.u32 v19, v37;
	v19 =	vld [tilespmem:$0x1FD80]  }
0x553: {  	v13 =	vor.u32 $0xC00, v13;
	v17 =	vld [tilespmem:s22+$0x15C00]  }
0x554: {  	v18 =	vld [tilespmem:s22+$0x16000]  }
0x555: {  	v41 =	vld [tilespmem:s22+$0x16400]  }
0x556: {  	v33 =	vld [tilespmem:s22+$0x15000]  }
0x557: {  	v36 =	vld [tilespmem:s22+$0x15800]  }
0x558: {  	s2 =	sadd.s32 $0x15000, s22;
	v20 =	vld.idx.msk [tilespmem:v13+s19+$0x0], $0xffff  }
0x559: {  	v43 =	vld [tilespmem:s2+$0x400]  }
0x55a: {  	v44 =	vld [tilespmem:s2+$0x410]  }
0x55b: {  	v45 =	vld [tilespmem:s2+$0x420]  }
0x55c: {  	v46 =	vld [tilespmem:s2+$0x430]  }
0x55d: {  	v47 =	vld [tilespmem:s2+$0x440]  }
0x55e: {  	v48 =	vld [tilespmem:s2+$0x450]  }
0x55f: {  	v49 =	vld [tilespmem:s2+$0x460]  }
0x560: {  	s20 =	sadd.s32 $0x15C00, s22;
	v50 =	vld [tilespmem:s2+$0x470]  }
0x561: {  	s18 =	sadd.s32 $0x16000, s22;
	v51 =	vld [tilespmem:s20+$0x10]  }
0x562: {  	s7 =	sadd.s32 $0x16400, s22;
	v52 =	vld [tilespmem:s18+$0x10]  }
0x563: {  	v53 =	vld [tilespmem:s7+$0x10]  }
0x564: {  	v55 =	vld [tilespmem:s20+$0x20]  }
0x565: {  	v42 =	vld [tilespmem:s18+$0x20]  }
0x566: {  	v59 =	vor.u32 v19, v37;
	v19 =	vld [tilespmem:$0x1FD90]  }
0x567: {  	v54 =	vor.u32 $0x1, v13;
	s14 =	sadd.s32 $0x15800, s22;
	v58 =	vld [tilespmem:s2+$0x10]  }
0x568: {  	v62 =	vld [tilespmem:s14+$0x10]  }
0x569: {  	v22 =	vld [tilespmem:s2+$0x20]  }
0x56a: {  	v13 =	vor.u32 $0x2, v13;
	v27 =	vld [tilespmem:s14+$0x20]  }
0x56b: {  	v60 =	vor.u32 v19, v37;
	v19 =	vld [tilespmem:$0x1FDA0]  }
0x56c: {  	v9 =	vmul.f32 v9, v36;
	v36 =	vld.idx.msk [tilespmem:v54+s19+$0x0], $0xffff  }
0x56d: {  	v1 =	vmul.f32 v1, v43;
	v43 =	vld [tilespmem:s2+$0x30]  }
0x56e: {  	v21 =	vor.u32 v21, v37;
	v3 =	vmul.f32 v3, v45;
	v45 =	vld [tilespmem:s14+$0x30]  }
0x56f: {  	v23 =	vor.u32 v25, v37;
	v24 =	vor.u32 v24, v37;
	v0 =	vmul.f32 v0, v33;
	v33 =	vld.idx.msk [tilespmem:v13+s19+$0x0], $0xffff  }
0x570: {  	v26 =	vor.u32 v31, v37;
	v28 =	vor.u32 v32, v37;
	v61 =	vor.u32 v19, v37;
	v19 =	vld [tilespmem:$0x1FDB0]  }
0x571: {  	v54 =	vor.u32 v40, v37;
	v2 =	vmul.f32 v2, v44;
	v11 =	vmul.f32 v11, v62;
	v62 =	vld [tilespmem:$0x1FFB0]  }
0x572: {  	v44 =	vor.u32 v34, v37;
	v4 =	vmul.f32 v4, v46;
	v6 =	vmul.f32 v6, v48;
	v48 =	vld [tilespmem:s7+$0x20]  }
0x573: {  	v46 =	vor.u32 v35, v37;
	v5 =	vmul.f32 v5, v47;
	v10 =	vmul.f32 v10, v58;
	v58 =	vld [tilespmem:$0x1FFA0]  }
0x574: {  	v47 =	vor.u32 v29, v37;
	v7 =	vmul.f32 v7, v49;
	v12 =	vmul.f32 v12, v22;
	v22 =	vld [tilespmem:s20+$0x30]  }
0x575: {  	v8 =	vmul.f32 v8, v50;
	v15 =	vmul.f32 v15, v27;
	v63 =	vor.u32 v19, v37;
	v19 =	vld [tilespmem:$0x1FDC0]  }
0x576: {  	v13 =	vor.u32 v30, v37;
	v50 =	vld [tilespmem:s7+$0x30];
	v17 =	vmul.f32 v17, v0;
	v18 =	vmul.f32 v18, v0  }
0x577: {  	v27 =	vor.u32 v38, v37;
	v0 =	vmul.f32 v41, v0;
	v16 =	vmul.f32 v16, v43;
	v43 =	vld [tilespmem:s18+$0x30]  }
0x578: {  	v51 =	vmul.f32 v51, v10;
	v52 =	vmul.f32 v52, v10;
	[tilespmem:v56+s3+$0x0] =	vst.idx.add.f32.msk $0xffff, v1  }
0x579: {  	v53 =	vmul.f32 v53, v10;
	v49 =	vor.u32 v58, v37;
	[tilespmem:v57+s3+$0x0] =	vst.idx.add.f32.msk $0xffff, v2  }
0x57a: {  	v14 =	vmul.f32 v14, v45;
	[tilespmem:v59+s3+$0x0] =	vst.idx.add.f32.msk $0xffff, v3;
	v19 =	vor.u32 v19, v37  }
0x57b: {  	v45 =	vor.u32 v39, v37;
	v58 =	vmul.f32 v9, v20;
	[tilespmem:v60+s3+$0x0] =	vst.idx.add.f32.msk $0xffff, v4  }
0x57c: {  	v1 =	vmul.f32 v9, v36;
	v9 =	vmul.f32 v9, v33;
	[tilespmem:v61+s3+$0x0] =	vst.idx.add.f32.msk $0xffff, v5  }
0x57d: {  	v56 =	vmul.f32 v55, v12;
	v57 =	vmul.f32 v42, v12;
	[tilespmem:v63+s3+$0x0] =	vst.idx.add.f32.msk $0xffff, v6  }
0x57e: {  	v12 =	vmul.f32 v48, v12;
	v59 =	vadd.f32 v58, v17;
	v17 =	vmul.f32 v11, v33;
	v63 =	vld [tilespmem:$0x1FFC0]  }
0x57f: {  	v1 =	vadd.f32 v18, v1;
	v60 =	vmul.f32 v11, v20;
	[tilespmem:v19+s3+$0x0] =	vst.idx.add.f32.msk $0xffff, v7  }
0x580: {  	v0 =	vadd.f32 v0, v9;
	v48 =	vadd.f32 v53, v17;
	[tilespmem:v21+s3+$0x0] =	vst.idx.add.f32.msk $0xffff, v8  }
0x581: {  	v2 =	vadd.f32 v60, v51;
	v61 =	vmul.f32 v11, v36;
	[tilespmem:v23+s3+$0x0] =	vst.idx.add.f32.msk $0xffff, v59  }
0x582: {  	v5 =	vmul.f32 v22, v16;
	v22 =	vmul.f32 v43, v16;
	[tilespmem:v24+s3+$0x0] =	vst.idx.add.f32.msk $0xffff, v1  }
0x583: {  	v43 =	vmul.f32 v15, v20;
	v42 =	vadd.f32 v52, v61;
	[tilespmem:v26+s3+$0x0] =	vst.idx.add.f32.msk $0xffff, v0  }
0x584: {  	v16 =	vmul.f32 v50, v16;
	v50 =	vmul.f32 v15, v36;
	[tilespmem:v28+s3+$0x0] =	vst.idx.add.f32.msk $0xffff, v2  }
0x585: {  	v51 =	vadd.f32 v43, v56;
	v52 =	vmul.f32 v15, v33;
	[tilespmem:v44+s3+$0x0] =	vst.idx.add.f32.msk $0xffff, v42  }
0x586: {  	v55 =	vmul.f32 v14, v20;
	v53 =	vadd.f32 v57, v50;
	[tilespmem:v46+s3+$0x0] =	vst.idx.add.f32.msk $0xffff, v48  }
0x587: {  	v57 =	vmul.f32 v14, v36;
	v56 =	vadd.f32 v12, v52;
	[tilespmem:v47+s3+$0x0] =	vst.idx.add.f32.msk $0xffff, v51  }
0x588: {  	v58 =	vadd.f32 v55, v5;
	v59 =	vmul.f32 v14, v33;
	[tilespmem:v13+s3+$0x0] =	vst.idx.add.f32.msk $0xffff, v53  }
0x589: {  	v60 =	vadd.f32 v22, v57;
	[tilespmem:v49+s3+$0x0] =	vst.idx.add.f32.msk $0xffff, v56  }
0x58a: {  	v61 =	vadd.f32 v16, v59;
	[tilespmem:v27+s3+$0x0] =	vst.idx.add.f32.msk $0xffff, v58  }
0x58b: {  	[tilespmem:v45+s3+$0x0] =	vst.idx.add.f32.msk $0xffff, v60  }
0x58c: {  	[tilespmem:v54+s3+$0x0] =	vst.idx.add.f32.msk $0xffff, v61  }
0x58d: {  	v42 =	vld [tilespmem:s2+$0x40]  }
0x58e: {  	v44 =	vld [tilespmem:s15+$0x40]  }
0x58f: {  	v45 =	vld [tilespmem:s14+$0x40]  }
0x590: {  	p0 =	sne.s32 s0, $0xF;
	v49 =	vld [tilespmem:s15+$0x840]  }
.Ltmp21:
0x591: {  	v43 =	vld [tilespmem:s2+$0x50];
	(pc) =	sbr.rel @p0 .LBB2_26-.Ltmp21, $4  }
0x592: {  	v46 =	vld [tilespmem:s15+$0x50]  }
0x593: {  	v48 =	vld [tilespmem:s14+$0x50]  }
0x594: {  	v50 =	vld [tilespmem:s15+$0x850]  }
0x595: {  	s0 =	sadd.s32 $0x1, s0;
	v47 =	vld [tilespmem:s2+$0x60]  }
0x596: {  	v0 =	vld [tilespmem:s15+$0x60]  }
0x597: {  	v1 =	vld [tilespmem:s14+$0x60]  }
0x598: {  	v2 =	vld [tilespmem:s15+$0x860]  }
0x599: {  	v3 =	vld [tilespmem:s2+$0x70]  }
0x59a: {  	v4 =	vld [tilespmem:s15+$0x70];
	v5 =	vor.u32 $0x440, v25;
	v6 =	vadd.s32 $0x441, v25  }
0x59b: {  	v7 =	vld [tilespmem:s14+$0x70];
	v8 =	vadd.s32 $0x442, v25;
	v9 =	vadd.s32 $0x820, v25;
	v10 =	vadd.s32 $0x821, v25  }
0x59c: {  	v11 =	vld [tilespmem:s15+$0x870];
	v12 =	vadd.s32 $0x822, v25;
	v13 =	vadd.s32 $0x850, v25;
	v14 =	vadd.s32 $0x851, v25  }
0x59d: {  	v15 =	vld [tilespmem:s20+$0x40];
	v16 =	vadd.s32 $0x852, v25;
	v17 =	vmul.f32 v44, v42;
	v18 =	vmul.f32 v49, v45  }
0x59e: {  	v19 =	vld [tilespmem:s18+$0x40];
	v24 =	vor.u32 v62, v37;
	v49 =	vor.u32 v63, v37;
	v5 =	vor.u32 v5, v37  }
0x59f: {  	v21 =	vld [tilespmem:s7+$0x40];
	v6 =	vor.u32 v6, v37;
	v8 =	vor.u32 v8, v37;
	v22 =	vmul.f32 v46, v43  }
0x5a0: {  	v26 =	vld [tilespmem:s18+$0x50];
	v9 =	vor.u32 v9, v37;
	v28 =	vmul.f32 v18, v36;
	v23 =	vmul.f32 v50, v48  }
0x5a1: {  	v59 =	vld [tilespmem:$0x1FFD0];
	v10 =	vor.u32 v10, v37;
	v50 =	vmul.f32 v18, v20;
	v18 =	vmul.f32 v18, v33  }
0x5a2: {  	v29 =	vld [tilespmem:s20+$0x60];
	v12 =	vor.u32 v12, v37;
	v0 =	vmul.f32 v0, v47;
	v1 =	vmul.f32 v2, v1  }
0x5a3: {  	v51 =	vld [tilespmem:s18+$0x60];
	v13 =	vor.u32 v13, v37;
	v3 =	vmul.f32 v4, v3;
	v4 =	vmul.f32 v11, v7  }
0x5a4: {  	v14 =	vor.u32 v14, v37;
	v48 =	vld [tilespmem:s20+$0x50];
	v11 =	vmul.f32 v15, v17;
	v19 =	vmul.f32 v19, v17  }
0x5a5: {  	v31 =	vld [tilespmem:s7+$0x60];
	v16 =	vor.u32 v16, v37;
	v17 =	vmul.f32 v21, v17;
	v30 =	vmul.f32 v23, v20  }
0x5a6: {  	v27 =	vld [tilespmem:s7+$0x50];
	v7 =	vor.u32 v59, v37;
	v26 =	vmul.f32 v26, v22;
	v32 =	vmul.f32 v23, v36  }
0x5a7: {  	v52 =	vld [tilespmem:s20+$0x70];
	v23 =	vmul.f32 v23, v33;
	v11 =	vadd.f32 v50, v11;
	v53 =	vmul.f32 v29, v0  }
0x5a8: {  	v34 =	vld [tilespmem:s18+$0x70];
	v29 =	vmul.f32 v1, v20;
	v19 =	vadd.f32 v19, v28;
	v21 =	vmul.f32 v51, v0  }
0x5a9: {  	v35 =	vld [tilespmem:s7+$0x70];
	v28 =	vmul.f32 v1, v36;
	v17 =	vadd.f32 v17, v18;
	v25 =	vmul.f32 v48, v22  }
0x5aa: {  	v0 =	vmul.f32 v31, v0;
	v1 =	vmul.f32 v1, v33;
	[tilespmem:v5+s3+$0x0] =	vst.idx.add.f32.msk $0xffff, v11  }
0x5ab: {  	v22 =	vmul.f32 v27, v22;
	v5 =	vadd.f32 v30, v25;
	[tilespmem:v6+s3+$0x0] =	vst.idx.add.f32.msk $0xffff, v19  }
0x5ac: {  	v54 =	vmul.f32 v4, v20;
	v6 =	vadd.f32 v26, v32;
	[tilespmem:v8+s3+$0x0] =	vst.idx.add.f32.msk $0xffff, v17  }
0x5ad: {  	v55 =	vmul.f32 v34, v3;
	v8 =	vadd.f32 v22, v23;
	[tilespmem:v24+s3+$0x0] =	vst.idx.add.f32.msk $0xffff, v5  }
0x5ae: {  	v57 =	vmul.f32 v35, v3;
	v5 =	vadd.f32 v29, v53;
	[tilespmem:v49+s3+$0x0] =	vst.idx.add.f32.msk $0xffff, v6  }
0x5af: {  	v11 =	vmul.f32 v52, v3;
	v56 =	vadd.f32 v21, v28;
	[tilespmem:v7+s3+$0x0] =	vst.idx.add.f32.msk $0xffff, v8  }
0x5b0: {  	v0 =	vadd.f32 v0, v1;
	v6 =	vmul.f32 v4, v36;
	[tilespmem:v9+s3+$0x0] =	vst.idx.add.f32.msk $0xffff, v5  }
0x5b1: {  	v58 =	vadd.f32 v54, v11;
	v4 =	vmul.f32 v4, v33;
	[tilespmem:v10+s3+$0x0] =	vst.idx.add.f32.msk $0xffff, v56  }
0x5b2: {  	v60 =	vadd.f32 v55, v6;
	[tilespmem:v12+s3+$0x0] =	vst.idx.add.f32.msk $0xffff, v0  }
0x5b3: {  	v61 =	vadd.f32 v57, v4;
	[tilespmem:v13+s3+$0x0] =	vst.idx.add.f32.msk $0xffff, v58  }
0x5b4: {  	[tilespmem:v14+s3+$0x0] =	vst.idx.add.f32.msk $0xffff, v60  }
0x5b5: {  	[tilespmem:v16+s3+$0x0] =	vst.idx.add.f32.msk $0xffff, v61  }
0x5b6: {  	v10 =	vld [tilespmem:$0x1FF20];
	_ =	sdelay $0x1  }
0x5b7: {  	v61 =	vld [tilespmem:$0x1FFA0]  }
0x5b8: {  	v31 =	vimm.f32 $0.0e+00;
	v11 =	vld [tilespmem:$0x1FF30]  }
0x5b9: {  	v32 =	vimm.s32 $0x0;
	v9 =	vimm.f32 $1.000000000e+00;
	v60 =	vlaneseq.u32;
	v7 =	vld [tilespmem:$0x1FDF0]  }
.LBB2_28:
0x5ba: {  	v0 =	vld [tilespmem:s17+$0x14020];
	_ =	sdelay $0x4  }
0x5bb: {  	vm1 =	vgt.s32 v0, $0xFFFFFFFF  }
0x5bc: {  	v1 =	vsel vm1, $0x3F800000, v31  }
0x5bd: {  	(xrf0) =	vmax.scan.msk.f32 $0xffff, v1;
	_ =	sdelay $0x5  }
0x5be: {  	v1, _, _ =	vpop (xrf0)  }
0x5bf: {  	(v2sf) =	vpush v1, $0xF;
	_ =	sdelay $0x5  }
0x5c0: {  	vm2 =	vgt.s32 v0, $0x0  }
0x5c1: {  	v0 =	vnsel vm2, $0x0, v0;
	_ =	sdelay $0x4  }
0x5c2: {  	v57 =	vld.idx.msk [tilespmem:v0+s28+$0x0], $0xffff;
	_ =	sdelay $0x2  }
0x5c3: {  	s0 =	spop (v2sf)  }
0x5c4: {  	p0 =	sgt.f32 s0, $0.0e+00  }
0x5c5: {  	v2 =	vld.idx.msk [tilespmem:v0+s26+$0x0], $0xffff;
	[tilespmem:$0x1F100] =	vst v57  }
0x5c6: {  	v1 =	vld @p0 [tilespmem:$0x1F100];
	_ =	sdelay $0x4  }
0x5c7: {  	v3 =	vshrl.u32 @p0 v1, $0x3  }
0x5c8: {  	v3 =	vmul.u32 @p0 $0x30, v3  }
0x5c9: {  	v4 =	vlaneseq.u32 @p0;
	v1 =	vand.u32 @p0 $0x7, v1  }
0x5ca: {  	v5 =	vshrl.u32 @p0 v4, $0x3;
	v1 =	vor.u32 @p0 v1, v3;
	v3 =	vand.u32 @p0 $0x7, v4  }
0x5cb: {  	v5 =	vmul.u32 @p0 $0x8, v5;
	v6 =	vperm.xlane @p0 v1, v3;
	_ =	sdelay $0x1  }
0x5cc: {  	v6 =	vadd.s32 @p0 v5, v6;
	_ =	sdelay $0x1  }
0x5cd: {  	v0 =	vadd.s32 v7, v0;
	v2 =	vsub.s32 v2, v10  }
0x5ce: {  	[tilespmem:$0x1F200] =	vst v0;
	v58 =	vnsel vm1, $0x70, v2;
	v2 =	vor.u32 @p0 $0x8, v4  }
0x5cf: {  	[tilespmem:$0x1F000] =	vst v58;
	vm1 =	vmmov @p0 $0xffff;
	s0 =	simm.s32 @p0 $0x0;
	s2 =	simm.s32 @p0 $0x15000;
	v0 =	vperm.xlane @p0 v1, v2  }
0x5d0: {  	[tilespmem:s2], [sflag:$0x1] =	stream.indirect_vreg.gather @p0 [hbm4b:s5+s0], $0x80, v6, vm1, $0xb8;
	[tilespmem:$0x1F300] =	vst v63  }
0x5d1: {  	v0 =	vadd.s32 @p0 v5, v0;
	s2 =	simm.s32 @p0 $0x15800  }
0x5d2: {  	[tilespmem:s2], [sflag:$0x1] =	stream.indirect_vreg.gather @p0 [hbm4b:s9+s0], $0x80, v6, vm1, $0xb8;
	[tilespmem:$0x1F300] =	vst v63  }
0x5d3: {  	s2 =	simm.s32 @p0 $0x16000  }
0x5d4: {  	[tilespmem:s2], [sflag:$0x1] =	stream.indirect_vreg.gather @p0 [hbm4b:s10+s0], $0x80, v6, vm1, $0xb8;
	[tilespmem:$0x1F300] =	vst v63  }
0x5d5: {  	s2 =	simm.s32 @p0 $0x16800  }
0x5d6: {  	[tilespmem:s2], [sflag:$0x1] =	stream.indirect_vreg.gather @p0 [hbm4b:s5+s0], $0x80, v0, vm1, $0xb8;
	[tilespmem:$0x1F300] =	vst v63  }
0x5d7: {  	s2 =	simm.s32 @p0 $0x17000  }
0x5d8: {  	[tilespmem:s2], [sflag:$0x1] =	stream.indirect_vreg.gather @p0 [hbm4b:s9+s0], $0x80, v0, vm1, $0xb8;
	[tilespmem:$0x1F300] =	vst v63  }
0x5d9: {  	s2 =	simm.s32 @p0 $0x17800  }
0x5da: {  	[tilespmem:s2], [sflag:$0x1] =	stream.indirect_vreg.gather @p0 [hbm4b:s10+s0], $0x80, v0, vm1, $0xb8;
	[tilespmem:$0x1F300] =	vst v63  }
0x5db: {  	v0 =	vld @p0 [tilespmem:$0x1F200];
	_ =	sdelay $0x4  }
0x5dc: {  	v1 =	vshll.u32 @p0 v0, $0x2  }
0x5dd: {  	v0 =	vand.u32 @p0 $0x7, v0;
	v1 =	vand.u32 @p0 $0xFFFFFFE0, v1  }
0x5de: {  	v0 =	vor.u32 @p0 v0, v1  }
0x5df: {  	v1 =	vperm.xlane @p0 v0, v3;
	_ =	sdelay $0x1  }
0x5e0: {  	v1 =	vadd.s32 @p0 v5, v1;
	_ =	sdelay $0x1  }
0x5e1: {  	v0 =	vperm.xlane @p0 v0, v2;
	_ =	sdelay $0x1  }
0x5e2: {  	s2 =	simm.s32 @p0 $0x1B000;
	v0 =	vadd.s32 @p0 v5, v0  }
0x5e3: {  	[tilespmem:s2], [sflag:$0x1] =	stream.indirect_vreg.gather @p0 [hbm4b:s6+s0], $0x80, v1, vm1, $0xb8;
	[tilespmem:$0x1F300] =	vst v63  }
0x5e4: {  	s2 =	simm.s32 @p0 $0x1B800  }
0x5e5: {  	[tilespmem:s2], [sflag:$0x1] =	stream.indirect_vreg.gather @p0 [hbm4b:s11+s0], $0x80, v1, vm1, $0xb8;
	[tilespmem:$0x1F300] =	vst v63  }
0x5e6: {  	s2 =	simm.s32 @p0 $0x1C000  }
0x5e7: {  	[tilespmem:s2], [sflag:$0x1] =	stream.indirect_vreg.gather @p0 [hbm4b:s6+s0], $0x80, v0, vm1, $0xb8;
	[tilespmem:$0x1F300] =	vst v63  }
0x5e8: {  	s2 =	simm.s32 @p0 $0x1C800  }
0x5e9: {  	[tilespmem:s2], [sflag:$0x1] =	stream.indirect_vreg.gather @p0 [hbm4b:s11+s0], $0x80, v0, vm1, $0xb8;
	[tilespmem:$0x1F300] =	vst v63  }
0x5ea: {  	v0 =	vld [tilespmem:$0x1F080];
	_ =	sdelay $0x4  }
0x5eb: {  	vm1 =	veq.s32 v0, $0x70  }
0x5ec: {  	v0 =	vsel vm1, $0x0, v9  }
0x5ed: {  	(xrf0) =	vmax.scan.msk.f32 $0xffff, v0;
	_ =	sdelay $0x5  }
0x5ee: {  	v0, _, _ =	vpop (xrf0)  }
0x5ef: {  	(v2sf) =	vpush v0, $0xF;
	_ =	sdelay $0xe  }
0x5f0: {  	s22 =	spop (v2sf)  }
0x5f1: {  	p0 =	sgt.f32 s22, $0.0e+00  }
.Ltmp22:
0x5f2: {  	_ = 	snop;
	(pc) =	sbr.rel @!p0 .LBB2_32-.Ltmp22, $1  }
0x5f3: {  	_ =	sdelay $0x3  }
0x5f4: {  	_ =	swait.ge [sflag:s1], $0x3000;
	s8 =	simm.s32 $0x0  }
0x5f5: {  	[sflag:s1] =	ssyncset.done $0x0;
	v0 =	vmov s8  }
0x5f6: {  	[sflag:s1] =	ssyncadd.s32 $0xFFFFD000  }
0x5f7: {  	_ =	swait.ge [sflag:s1], $0x2000  }
0x5f8: {  	s0 =	simm.s32 $0x0;
	[sflag:s1] =	ssyncset.done $0x0  }
0x5f9: {  	s2 =	sand.u32 $0x380, s8;
	s0 =	sand.u32 $0x3FFFF000, s0;
	[sflag:s1] =	ssyncadd.s32 $0xFFFFE000  }
0x5fa: {  	s0 =	sor.u32 s2, s0;
	v1 =	vld.idx.msk [tilespmem:v0+s4+$0x0], $0xffff  }
0x5fb: {  	s15 =	sadd.s32 $0x1D000, s0;
	v2 =	vld [tilespmem:s0+$0x1D000]  }
0x5fc: {  	v3 =	vld [tilespmem:s15+$0x400]  }
0x5fd: {  	v4 =	vld [tilespmem:s15+$0x410]  }
0x5fe: {  	v5 =	vld [tilespmem:s15+$0x420]  }
0x5ff: {  	v6 =	vld [tilespmem:s15+$0x430]  }
0x600: {  	v7 =	vld [tilespmem:s15+$0x440]  }
0x601: {  	v8 =	vld [tilespmem:s15+$0x450]  }
0x602: {  	v9 =	vld [tilespmem:s15+$0x460]  }
0x603: {  	v10 =	vld [tilespmem:s15+$0x470]  }
0x604: {  	v11 =	vld [tilespmem:s15+$0x800]  }
0x605: {  	v12 =	vld [tilespmem:s15+$0x10]  }
0x606: {  	s22 =	simm.s32 $0x0;
	v13 =	vld [tilespmem:s15+$0x810]  }
0x607: {  	s0 =	smul.u32 $0x6000, s22;
	v14 =	vld [tilespmem:s15+$0x20]  }
0x608: {  	v15 =	vshll.u32 v0, $0x9;
	v0 =	vshll.u32 v0, $0x7;
	v16 =	vld [tilespmem:s15+$0x820]  }
0x609: {  	v15 =	vand.u32 $0x1000, v15;
	v17 =	vld [tilespmem:s15+$0x30];
	v0 =	vand.u32 $0x380, v0;
	s0 =	sshra.s32 s0, $0x2  }
0x60a: {  	v0 =	vor.u32 v0, v15;
	v15 =	vld [tilespmem:s15+$0x830];
	s0 =	sor.u32 s2, s0  }
0x60b: {  	v18 =	vld [tilespmem:s0+$0x18C00]  }
0x60c: {  	v19 =	vld [tilespmem:s0+$0x19000]  }
0x60d: {  	v32 =	vld [tilespmem:s0+$0x19400]  }
0x60e: {  	v29 =	vld [tilespmem:s0+$0x18000]  }
0x60f: {  	v30 =	vld [tilespmem:s0+$0x18800];
	s2 =	sadd.s32 $0x18000, s0  }
0x610: {  	v25 =	vld [tilespmem:s2+$0x400]  }
0x611: {  	v28 =	vld [tilespmem:s2+$0x410]  }
0x612: {  	v31 =	vld [tilespmem:s2+$0x420]  }
0x613: {  	v34 =	vld [tilespmem:s2+$0x430]  }
0x614: {  	v35 =	vld [tilespmem:s2+$0x440]  }
0x615: {  	v38 =	vld [tilespmem:s2+$0x450]  }
0x616: {  	v39 =	vld [tilespmem:s2+$0x460]  }
0x617: {  	s20 =	sadd.s32 $0x18C00, s0;
	v40 =	vld [tilespmem:s2+$0x470]  }
0x618: {  	s18 =	sadd.s32 $0x19000, s0;
	v41 =	vld [tilespmem:s20+$0x10]  }
0x619: {  	s7 =	sadd.s32 $0x19400, s0;
	v42 =	vld [tilespmem:s18+$0x10]  }
0x61a: {  	v43 =	vld [tilespmem:s7+$0x10]  }
0x61b: {  	v0 =	vor.u32 $0xC00, v0;
	v44 =	vld [tilespmem:s20+$0x20]  }
0x61c: {  	v45 =	vld [tilespmem:s18+$0x20]  }
0x61d: {  	s14 =	sadd.s32 $0x18800, s0;
	v46 =	vld [tilespmem:s2+$0x10]  }
0x61e: {  	v47 =	vld [tilespmem:s14+$0x10]  }
0x61f: {  	v22 =	vor.u32 $0x1, v0;
	v48 =	vld [tilespmem:s2+$0x20]  }
0x620: {  	v20 =	vld.idx.msk [tilespmem:v0+s12+$0x0], $0xffff;
	v0 =	vor.u32 $0x2, v0  }
0x621: {  	v49 =	vld [tilespmem:s14+$0x20]  }
0x622: {  	v21 =	vshll.u32 v1, $0x9;
	v1 =	vshll.u32 v1, $0x7;
	v50 =	vld [tilespmem:s2+$0x30]  }
0x623: {  	v51 =	vld [tilespmem:s14+$0x30];
	v23 =	vand.u32 $0xFFFFF000, v21;
	v1 =	vand.u32 $0x380, v1;
	v21 =	vor.u32 $0xC00, v60  }
0x624: {  	v37 =	vor.u32 v23, v1;
	v36 =	vld.idx.msk [tilespmem:v22+s12+$0x0], $0xffff;
	v22 =	vor.u32 $0xC10, v60;
	[tilespmem:$0x1FCD0] =	vst v21  }
0x625: {  	v1 =	vor.u32 v21, v37;
	v21 =	vor.u32 $0xC20, v60;
	v33 =	vld.idx.msk [tilespmem:v0+s12+$0x0], $0xffff;
	[tilespmem:$0x1FCE0] =	vst v22  }
0x626: {  	v0 =	vor.u32 v22, v37;
	v22 =	vor.u32 $0xC30, v60;
	v52 =	vld [tilespmem:s7+$0x20];
	[tilespmem:$0x1FCF0] =	vst v21  }
0x627: {  	v53 =	vor.u32 v21, v37;
	v21 =	vor.u32 $0xC40, v60;
	v54 =	vld [tilespmem:s20+$0x30];
	[tilespmem:$0x1FD00] =	vst v22  }
0x628: {  	v3 =	vmul.f32 v3, v25;
	v56 =	vld [tilespmem:s18+$0x30];
	[tilespmem:$0x1FD10] =	vst v21  }
0x629: {  	v58 =	vld [tilespmem:s7+$0x30]  }
0x62a: {  	v4 =	vmul.f32 v4, v28;
	v55 =	vor.u32 v22, v37;
	v22 =	vor.u32 $0xC50, v60;
	[tilespmem:v1+s3+$0x0] =	vst.idx.add.f32.msk $0xffff, v3  }
0x62b: {  	v8 =	vmul.f32 v8, v38;
	v57 =	vor.u32 v21, v37;
	v1 =	vmul.f32 v5, v31;
	[tilespmem:$0x1FD20] =	vst v22  }
0x62c: {  	v25 =	vmul.u32 $0x3, v60;
	v38 =	vmul.f32 v9, v39;
	v3 =	vor.u32 v22, v37;
	[tilespmem:v0+s3+$0x0] =	vst.idx.add.f32.msk $0xffff, v4  }
0x62d: {  	v40 =	vmul.f32 v10, v40;
	v0 =	vmul.f32 v6, v34;
	v34 =	vor.u32 $0xC60, v60;
	[tilespmem:v53+s3+$0x0] =	vst.idx.add.f32.msk $0xffff, v1  }
0x62e: {  	v9 =	vmul.f32 v13, v47;
	v53 =	vmul.f32 v7, v35;
	v4 =	vor.u32 v34, v37;
	[tilespmem:$0x1FD30] =	vst v34  }
0x62f: {  	v1 =	vmul.f32 v2, v29;
	v2 =	vmul.f32 v11, v30;
	v34 =	vor.u32 $0xC70, v60;
	[tilespmem:v55+s3+$0x0] =	vst.idx.add.f32.msk $0xffff, v0  }
0x630: {  	v35 =	vadd.s32 $0x1, v25;
	v7 =	vmul.f32 v12, v46;
	v39 =	vor.u32 v34, v37;
	[tilespmem:v57+s3+$0x0] =	vst.idx.add.f32.msk $0xffff, v53  }
0x631: {  	v12 =	vor.u32 v35, v37;
	v55 =	vadd.s32 $0x2, v25;
	v60 =	vmul.f32 v2, v20;
	[tilespmem:v3+s3+$0x0] =	vst.idx.add.f32.msk $0xffff, v8  }
0x632: {  	v13 =	vmul.f32 v19, v1;
	v53 =	vor.u32 v25, v37;
	v57 =	vmul.f32 v18, v1;
	[tilespmem:$0x1FD40] =	vst v34  }
0x633: {  	v10 =	vor.u32 v55, v37;
	v1 =	vmul.f32 v32, v1;
	[tilespmem:v4+s3+$0x0] =	vst.idx.add.f32.msk $0xffff, v38  }
0x634: {  	v32 =	vadd.s32 $0x30, v25;
	v0 =	vadd.f32 v60, v57;
	v38 =	vmul.f32 v2, v36;
	[tilespmem:$0x1FD50] =	vst v35  }
0x635: {  	v2 =	vmul.f32 v2, v33;
	[tilespmem:v39+s3+$0x0] =	vst.idx.add.f32.msk $0xffff, v40;
	v40 =	vor.u32 v32, v37  }
0x636: {  	v47 =	vmul.f32 v9, v20;
	v46 =	vmul.f32 v41, v7;
	v39 =	vadd.f32 v13, v38  }
0x637: {  	v1 =	vadd.f32 v1, v2;
	[tilespmem:v53+s3+$0x0] =	vst.idx.add.f32.msk $0xffff, v0  }
0x638: {  	v2 =	vadd.f32 v47, v46;
	[tilespmem:v12+s3+$0x0] =	vst.idx.add.f32.msk $0xffff, v39  }
0x639: {  	v34 =	vadd.s32 $0x31, v25;
	v57 =	vmul.f32 v42, v7;
	v60 =	vmul.f32 v9, v36;
	[tilespmem:v10+s3+$0x0] =	vst.idx.add.f32.msk $0xffff, v1  }
0x63a: {  	v4 =	vmul.f32 v16, v49;
	v49 =	vmul.f32 v15, v51;
	v35 =	vadd.s32 $0x32, v25;
	[tilespmem:v40+s3+$0x0] =	vst.idx.add.f32.msk $0xffff, v2  }
0x63b: {  	v31 =	vmovc v55;
	v6 =	vadd.f32 v57, v60;
	v55 =	vor.u32 v35, v37;
	v13 =	vmul.f32 v9, v33;
	v29 =	vld [tilespmem:$0x1FFE0]  }
0x63c: {  	v46 =	vmul.f32 v4, v36;
	v47 =	vmul.f32 v17, v50;
	v38 =	vadd.s32 $0x410, v25;
	v30 =	vld [tilespmem:$0x1FFF0]  }
0x63d: {  	v50 =	vor.u32 v61, v37;
	v60 =	vmul.f32 v49, v36;
	v3 =	vmul.f32 v49, v33  }
0x63e: {  	v0 =	vmul.f32 v14, v48;
	v53 =	vor.u32 v34, v37;
	v51 =	vor.u32 v38, v37  }
0x63f: {  	v12 =	vmul.f32 v43, v7;
	v39 =	vadd.s32 $0x411, v25;
	v54 =	vmul.f32 v54, v47  }
0x640: {  	v57 =	vmul.f32 v56, v47;
	v43 =	vmul.f32 v44, v0;
	v14 =	vor.u32 v29, v37  }
0x641: {  	v44 =	vmul.f32 v4, v20;
	v45 =	vmul.f32 v45, v0;
	v16 =	vor.u32 v30, v37  }
0x642: {  	v0 =	vmul.f32 v52, v0;
	v52 =	vor.u32 v39, v37;
	v2 =	vadd.f32 v12, v13  }
0x643: {  	v4 =	vmul.f32 v4, v33;
	v48 =	vadd.f32 v44, v43;
	[tilespmem:v53+s3+$0x0] =	vst.idx.add.f32.msk $0xffff, v6  }
0x644: {  	v5 =	vadd.f32 v45, v46;
	v40 =	vadd.s32 $0x412, v25;
	[tilespmem:v55+s3+$0x0] =	vst.idx.add.f32.msk $0xffff, v2;
	v55 =	vmul.f32 v49, v20  }
0x645: {  	v0 =	vadd.f32 v0, v4;
	v53 =	vor.u32 v40, v37;
	[tilespmem:v14+s3+$0x0] =	vst.idx.add.f32.msk $0xffff, v48  }
0x646: {  	v1 =	vmul.f32 v58, v47;
	v7 =	vadd.f32 v55, v54;
	[tilespmem:v16+s3+$0x0] =	vst.idx.add.f32.msk $0xffff, v5  }
0x647: {  	v4 =	vadd.f32 v57, v60;
	[tilespmem:v50+s3+$0x0] =	vst.idx.add.f32.msk $0xffff, v0  }
0x648: {  	v61 =	vadd.f32 v1, v3;
	[tilespmem:v51+s3+$0x0] =	vst.idx.add.f32.msk $0xffff, v7  }
0x649: {  	[tilespmem:v52+s3+$0x0] =	vst.idx.add.f32.msk $0xffff, v4  }
0x64a: {  	[tilespmem:v53+s3+$0x0] =	vst.idx.add.f32.msk $0xffff, v61  }
0x64b: {  	v42 =	vld [tilespmem:s2+$0x40]  }
0x64c: {  	v44 =	vld [tilespmem:s15+$0x40]  }
0x64d: {  	v45 =	vld [tilespmem:s14+$0x40]  }
0x64e: {  	v49 =	vld [tilespmem:s15+$0x840]  }
0x64f: {  	v43 =	vld [tilespmem:s2+$0x50]  }
0x650: {  	v46 =	vld [tilespmem:s15+$0x50]  }
0x651: {  	v48 =	vld [tilespmem:s14+$0x50]  }
0x652: {  	v50 =	vld [tilespmem:s15+$0x850]  }
0x653: {  	s0 =	simm.s32 $0x1;
	v47 =	vld [tilespmem:s2+$0x60]  }
.LBB2_30:
0x654: {  	v0 =	vld [tilespmem:s15+$0x60]  }
0x655: {  	v1 =	vld [tilespmem:s14+$0x60]  }
0x656: {  	v2 =	vld [tilespmem:s15+$0x860]  }
0x657: {  	v3 =	vld [tilespmem:s2+$0x70]  }
0x658: {  	v4 =	vld [tilespmem:s15+$0x70]  }
0x659: {  	v41 =	vmov s0;
	v7 =	vld [tilespmem:s14+$0x70]  }
0x65a: {  	v5 =	vor.u32 $0x440, v25;
	v6 =	vadd.s32 $0x441, v25;
	v8 =	vadd.s32 $0x442, v25;
	v11 =	vld [tilespmem:s15+$0x870]  }
0x65b: {  	v9 =	vadd.s32 $0x820, v25;
	v10 =	vadd.s32 $0x821, v25;
	v12 =	vadd.s32 $0x822, v25;
	v15 =	vld [tilespmem:s20+$0x40]  }
0x65c: {  	v13 =	vadd.s32 $0x850, v25;
	v14 =	vadd.s32 $0x851, v25;
	v16 =	vadd.s32 $0x852, v25;
	v19 =	vld [tilespmem:s18+$0x40]  }
0x65d: {  	v56 =	vld [tilespmem:s7+$0x40];
	v5 =	vor.u32 v5, v37;
	v6 =	vor.u32 v6, v37;
	v17 =	vmul.f32 v44, v42  }
0x65e: {  	v57 =	vld [tilespmem:s20+$0x50];
	v8 =	vor.u32 v8, v37;
	v18 =	vmul.f32 v49, v45;
	v43 =	vmul.f32 v46, v43  }
0x65f: {  	v58 =	vld [tilespmem:s18+$0x50];
	v9 =	vor.u32 v9, v37;
	v44 =	vmul.f32 v50, v48;
	v0 =	vmul.f32 v0, v47  }
0x660: {  	v51 =	vld [tilespmem:s18+$0x60];
	v10 =	vor.u32 v10, v37;
	v1 =	vmul.f32 v2, v1;
	v3 =	vmul.f32 v4, v3  }
0x661: {  	v53 =	vld [tilespmem:s7+$0x60];
	v12 =	vor.u32 v12, v37;
	v4 =	vmul.f32 v11, v7;
	v60 =	vmul.f32 v15, v17  }
0x662: {  	v55 =	vld [tilespmem:s7+$0x70];
	v13 =	vor.u32 v13, v37;
	v61 =	vmul.f32 v18, v20;
	v19 =	vmul.f32 v19, v17  }
0x663: {  	v21 =	vld [tilespmem:$0x1FCD0];
	v14 =	vor.u32 v14, v37;
	v49 =	vmul.f32 v18, v36;
	v17 =	vmul.f32 v56, v17  }
0x664: {  	v24 =	vld [tilespmem:$0x1FD50];
	v16 =	vor.u32 v16, v37;
	v18 =	vmul.f32 v18, v33;
	v46 =	vmul.f32 v57, v43  }
0x665: {  	v45 =	vor.u32 v62, v37;
	v62 =	vld [tilespmem:s7+$0x50];
	v52 =	vmul.f32 v44, v20;
	v47 =	vmul.f32 v58, v43  }
0x666: {  	v48 =	vld [tilespmem:s20+$0x70];
	v2 =	vor.u32 v63, v37;
	v54 =	vmul.f32 v44, v36;
	v44 =	vmul.f32 v44, v33  }
0x667: {  	v7 =	vor.u32 v59, v37;
	v63 =	vld [tilespmem:s20+$0x60];
	v58 =	vmul.f32 v1, v20;
	v56 =	vmul.f32 v4, v36  }
0x668: {  	v42 =	vld.idx.msk [tilespmem:v41+s4+$0x0], $0xffff;
	v11 =	vadd.f32 v61, v60;
	v19 =	vadd.f32 v19, v49;
	v60 =	vmul.f32 v51, v0  }
0x669: {  	v59 =	vld [tilespmem:s18+$0x70];
	v61 =	vmul.f32 v1, v36;
	v17 =	vadd.f32 v17, v18;
	v1 =	vmul.f32 v1, v33  }
0x66a: {  	v43 =	vmul.f32 v62, v43;
	v62 =	vadd.f32 v52, v46;
	[tilespmem:v5+s3+$0x0] =	vst.idx.add.f32.msk $0xffff, v11  }
0x66b: {  	v46 =	vmul.f32 v48, v3;
	v48 =	vmul.f32 v4, v20;
	[tilespmem:v6+s3+$0x0] =	vst.idx.add.f32.msk $0xffff, v19  }
0x66c: {  	v57 =	vmul.f32 v63, v0;
	v63 =	vadd.f32 v47, v54;
	[tilespmem:v8+s3+$0x0] =	vst.idx.add.f32.msk $0xffff, v17  }
0x66d: {  	v4 =	vmul.f32 v4, v33;
	v47 =	vadd.f32 v43, v44;
	[tilespmem:v45+s3+$0x0] =	vst.idx.add.f32.msk $0xffff, v62  }
0x66e: {  	v0 =	vmul.f32 v53, v0;
	v52 =	vadd.f32 v58, v57;
	[tilespmem:v2+s3+$0x0] =	vst.idx.add.f32.msk $0xffff, v63  }
0x66f: {  	v54 =	vadd.f32 v60, v61;
	v63 =	vshll.u32 v42, $0x9;
	v42 =	vshll.u32 v42, $0x7;
	[tilespmem:v7+s3+$0x0] =	vst.idx.add.f32.msk $0xffff, v47  }
0x670: {  	v53 =	vmul.f32 v59, v3;
	v37 =	vand.u32 $0xFFFFF000, v63;
	v42 =	vand.u32 $0x380, v42;
	[tilespmem:v9+s3+$0x0] =	vst.idx.add.f32.msk $0xffff, v52  }
0x671: {  	v0 =	vadd.f32 v0, v1;
	v37 =	vor.u32 v37, v42;
	[tilespmem:v10+s3+$0x0] =	vst.idx.add.f32.msk $0xffff, v54  }
0x672: {  	v57 =	vmul.f32 v55, v3;
	v58 =	vadd.f32 v48, v46;
	v55 =	vor.u32 v21, v37;
	v21 =	vld [tilespmem:$0x1FCE0]  }
0x673: {  	v59 =	vadd.f32 v53, v56;
	[tilespmem:v12+s3+$0x0] =	vst.idx.add.f32.msk $0xffff, v0  }
0x674: {  	s8 =	sadd.s32 $0x80, s8;
	s18 =	sshll.u32 s0, $0x9;
	v60 =	vadd.f32 v57, v4;
	[tilespmem:v13+s3+$0x0] =	vst.idx.add.f32.msk $0xffff, v58  }
0x675: {  	s20 =	sand.u32 $0x380, s8;
	s2 =	sand.u32 $0x3FFFF000, s18;
	[tilespmem:v14+s3+$0x0] =	vst.idx.add.f32.msk $0xffff, v59  }
0x676: {  	s2 =	sor.u32 s20, s2;
	[tilespmem:v16+s3+$0x0] =	vst.idx.add.f32.msk $0xffff, v60  }
0x677: {  	s15 =	sadd.s32 $0x1D000, s2;
	v0 =	vld [tilespmem:s2+$0x1D000]  }
0x678: {  	v1 =	vld [tilespmem:s15+$0x400]  }
0x679: {  	v2 =	vld [tilespmem:s15+$0x410]  }
0x67a: {  	v3 =	vld [tilespmem:s15+$0x420]  }
0x67b: {  	v4 =	vld [tilespmem:s15+$0x430]  }
0x67c: {  	v5 =	vld [tilespmem:s15+$0x440]  }
0x67d: {  	v6 =	vld [tilespmem:s15+$0x450]  }
0x67e: {  	v7 =	vld [tilespmem:s15+$0x460]  }
0x67f: {  	v8 =	vld [tilespmem:s15+$0x470]  }
0x680: {  	v9 =	vld [tilespmem:s15+$0x800]  }
0x681: {  	v10 =	vld [tilespmem:s15+$0x10]  }
0x682: {  	v11 =	vld [tilespmem:s15+$0x810]  }
0x683: {  	s21 =	sshrl.u32 s0, $0x3;
	v12 =	vld [tilespmem:s15+$0x20]  }
0x684: {  	v61 =	vshll.u32 v41, $0x9;
	v62 =	vshll.u32 v41, $0x7;
	s2 =	smul.u32 $0x6000, s21;
	v15 =	vld [tilespmem:s15+$0x820]  }
0x685: {  	v13 =	vand.u32 $0x1000, v61;
	v14 =	vand.u32 $0x380, v62;
	v16 =	vld [tilespmem:s15+$0x30]  }
0x686: {  	v13 =	vor.u32 v14, v13;
	v14 =	vld [tilespmem:s15+$0x830];
	s2 =	sshra.s32 s2, $0x2  }
0x687: {  	v56 =	vor.u32 v21, v37;
	v21 =	vld [tilespmem:$0x1FCF0];
	s22 =	sor.u32 s20, s2  }
0x688: {  	v13 =	vor.u32 $0xC00, v13;
	v17 =	vld [tilespmem:s22+$0x18C00]  }
0x689: {  	v18 =	vld [tilespmem:s22+$0x19000]  }
0x68a: {  	v19 =	vld [tilespmem:s22+$0x19400]  }
0x68b: {  	v33 =	vld [tilespmem:s22+$0x18000]  }
0x68c: {  	v36 =	vld [tilespmem:s22+$0x18800]  }
0x68d: {  	s2 =	sadd.s32 $0x18000, s22;
	v20 =	vld.idx.msk [tilespmem:v13+s12+$0x0], $0xffff  }
0x68e: {  	v41 =	vld [tilespmem:s2+$0x400]  }
0x68f: {  	v43 =	vld [tilespmem:s2+$0x410]  }
0x690: {  	v44 =	vld [tilespmem:s2+$0x420]  }
0x691: {  	v45 =	vld [tilespmem:s2+$0x430]  }
0x692: {  	v46 =	vld [tilespmem:s2+$0x440]  }
0x693: {  	v47 =	vld [tilespmem:s2+$0x450]  }
0x694: {  	v48 =	vld [tilespmem:s2+$0x460]  }
0x695: {  	s20 =	sadd.s32 $0x18C00, s22;
	v49 =	vld [tilespmem:s2+$0x470]  }
0x696: {  	s18 =	sadd.s32 $0x19000, s22;
	v50 =	vld [tilespmem:s20+$0x10]  }
0x697: {  	s7 =	sadd.s32 $0x19400, s22;
	v51 =	vld [tilespmem:s18+$0x10]  }
0x698: {  	v52 =	vld [tilespmem:s7+$0x10]  }
0x699: {  	v58 =	vor.u32 v21, v37;
	v21 =	vld [tilespmem:$0x1FD00]  }
0x69a: {  	v54 =	vld [tilespmem:s20+$0x20]  }
0x69b: {  	v42 =	vld [tilespmem:s18+$0x20]  }
0x69c: {  	v53 =	vor.u32 $0x1, v13;
	s14 =	sadd.s32 $0x18800, s22;
	v57 =	vld [tilespmem:s2+$0x10]  }
0x69d: {  	v61 =	vld [tilespmem:s14+$0x10]  }
0x69e: {  	v59 =	vor.u32 v21, v37;
	v21 =	vld [tilespmem:$0x1FD10]  }
0x69f: {  	v22 =	vld [tilespmem:s2+$0x20]  }
0x6a0: {  	v13 =	vor.u32 $0x2, v13;
	v27 =	vld [tilespmem:s14+$0x20]  }
0x6a1: {  	v9 =	vmul.f32 v9, v36;
	v36 =	vld.idx.msk [tilespmem:v53+s12+$0x0], $0xffff  }
0x6a2: {  	v1 =	vmul.f32 v1, v41;
	v41 =	vld [tilespmem:s2+$0x30]  }
0x6a3: {  	v60 =	vor.u32 v21, v37;
	v21 =	vld [tilespmem:$0x1FD20]  }
0x6a4: {  	v3 =	vmul.f32 v3, v44;
	v44 =	vld [tilespmem:s14+$0x30]  }
0x6a5: {  	v0 =	vmul.f32 v0, v33;
	v33 =	vld.idx.msk [tilespmem:v13+s12+$0x0], $0xffff  }
0x6a6: {  	v23 =	vor.u32 v25, v37;
	v11 =	vmul.f32 v11, v61;
	v61 =	vld [tilespmem:$0x1FFA0]  }
0x6a7: {  	v24 =	vor.u32 v24, v37;
	v26 =	vor.u32 v31, v37;
	v6 =	vmul.f32 v6, v47;
	v47 =	vld [tilespmem:s7+$0x20]  }
0x6a8: {  	v28 =	vor.u32 v32, v37;
	v53 =	vor.u32 v40, v37;
	v62 =	vor.u32 v21, v37;
	v21 =	vld [tilespmem:$0x1FD30]  }
0x6a9: {  	v2 =	vmul.f32 v2, v43;
	v43 =	vor.u32 v34, v37;
	v12 =	vmul.f32 v12, v22;
	v22 =	vld [tilespmem:s20+$0x30]  }
0x6aa: {  	v4 =	vmul.f32 v4, v45;
	v45 =	vor.u32 v35, v37;
	v8 =	vmul.f32 v8, v49;
	v49 =	vld [tilespmem:s7+$0x30]  }
0x6ab: {  	v5 =	vmul.f32 v5, v46;
	v46 =	vor.u32 v29, v37;
	v16 =	vmul.f32 v16, v41;
	v41 =	vld [tilespmem:s18+$0x30]  }
0x6ac: {  	v7 =	vmul.f32 v7, v48;
	v13 =	vor.u32 v30, v37;
	[tilespmem:v55+s3+$0x0] =	vst.idx.add.f32.msk $0xffff, v1  }
0x6ad: {  	v10 =	vmul.f32 v10, v57;
	v15 =	vmul.f32 v15, v27;
	v63 =	vor.u32 v21, v37;
	v21 =	vld [tilespmem:$0x1FD40]  }
0x6ae: {  	v17 =	vmul.f32 v17, v0;
	v18 =	vmul.f32 v18, v0;
	[tilespmem:v56+s3+$0x0] =	vst.idx.add.f32.msk $0xffff, v2  }
0x6af: {  	v57 =	vmul.f32 v9, v20;
	v0 =	vmul.f32 v19, v0;
	[tilespmem:v58+s3+$0x0] =	vst.idx.add.f32.msk $0xffff, v3  }
0x6b0: {  	v50 =	vmul.f32 v50, v10;
	v19 =	vmul.f32 v51, v10;
	[tilespmem:v59+s3+$0x0] =	vst.idx.add.f32.msk $0xffff, v4  }
0x6b1: {  	v27 =	vor.u32 v38, v37;
	v52 =	vmul.f32 v52, v10;
	v54 =	vmul.f32 v54, v12;
	v59 =	vld [tilespmem:$0x1FFD0]  }
0x6b2: {  	v57 =	vadd.f32 v57, v17;
	[tilespmem:v60+s3+$0x0] =	vst.idx.add.f32.msk $0xffff, v5;
	v21 =	vor.u32 v21, v37  }
0x6b3: {  	v14 =	vmul.f32 v14, v44;
	v1 =	vmul.f32 v9, v36;
	[tilespmem:v62+s3+$0x0] =	vst.idx.add.f32.msk $0xffff, v6  }
0x6b4: {  	v48 =	vor.u32 v61, v37;
	v9 =	vmul.f32 v9, v33;
	v55 =	vmul.f32 v42, v12;
	v62 =	vld [tilespmem:$0x1FFB0]  }
0x6b5: {  	v12 =	vmul.f32 v47, v12;
	v47 =	vmul.f32 v15, v36;
	[tilespmem:v63+s3+$0x0] =	vst.idx.add.f32.msk $0xffff, v7  }
0x6b6: {  	v44 =	vor.u32 v39, v37;
	v56 =	vmul.f32 v22, v16;
	v58 =	vmul.f32 v11, v20;
	v63 =	vld [tilespmem:$0x1FFC0]  }
0x6b7: {  	v1 =	vadd.f32 v18, v1;
	v0 =	vadd.f32 v0, v9;
	[tilespmem:v21+s3+$0x0] =	vst.idx.add.f32.msk $0xffff, v8  }
0x6b8: {  	v2 =	vadd.f32 v58, v50;
	v60 =	vmul.f32 v11, v36;
	[tilespmem:v23+s3+$0x0] =	vst.idx.add.f32.msk $0xffff, v57  }
0x6b9: {  	v22 =	vmul.f32 v41, v16;
	v11 =	vmul.f32 v11, v33;
	[tilespmem:v24+s3+$0x0] =	vst.idx.add.f32.msk $0xffff, v1  }
0x6ba: {  	v41 =	vmul.f32 v15, v20;
	v17 =	vadd.f32 v19, v60;
	[tilespmem:v26+s3+$0x0] =	vst.idx.add.f32.msk $0xffff, v0  }
0x6bb: {  	v50 =	vmul.f32 v15, v33;
	v42 =	vadd.f32 v52, v11;
	[tilespmem:v28+s3+$0x0] =	vst.idx.add.f32.msk $0xffff, v2  }
0x6bc: {  	v16 =	vmul.f32 v49, v16;
	v49 =	vadd.f32 v41, v54;
	[tilespmem:v43+s3+$0x0] =	vst.idx.add.f32.msk $0xffff, v17  }
0x6bd: {  	v51 =	vadd.f32 v55, v47;
	v52 =	vmul.f32 v14, v20;
	[tilespmem:v45+s3+$0x0] =	vst.idx.add.f32.msk $0xffff, v42  }
0x6be: {  	v55 =	vmul.f32 v14, v36;
	v54 =	vadd.f32 v12, v50;
	[tilespmem:v46+s3+$0x0] =	vst.idx.add.f32.msk $0xffff, v49  }
0x6bf: {  	v56 =	vadd.f32 v52, v56;
	v57 =	vmul.f32 v14, v33;
	[tilespmem:v13+s3+$0x0] =	vst.idx.add.f32.msk $0xffff, v51  }
0x6c0: {  	v58 =	vadd.f32 v22, v55;
	[tilespmem:v48+s3+$0x0] =	vst.idx.add.f32.msk $0xffff, v54  }
0x6c1: {  	v60 =	vadd.f32 v16, v57;
	[tilespmem:v27+s3+$0x0] =	vst.idx.add.f32.msk $0xffff, v56  }
0x6c2: {  	[tilespmem:v44+s3+$0x0] =	vst.idx.add.f32.msk $0xffff, v58  }
0x6c3: {  	[tilespmem:v53+s3+$0x0] =	vst.idx.add.f32.msk $0xffff, v60  }
0x6c4: {  	v42 =	vld [tilespmem:s2+$0x40]  }
0x6c5: {  	v44 =	vld [tilespmem:s15+$0x40]  }
0x6c6: {  	v45 =	vld [tilespmem:s14+$0x40]  }
0x6c7: {  	p0 =	sne.s32 s0, $0xF;
	v49 =	vld [tilespmem:s15+$0x840]  }
.Ltmp23:
0x6c8: {  	v43 =	vld [tilespmem:s2+$0x50];
	(pc) =	sbr.rel @p0 .LBB2_30-.Ltmp23, $4  }
0x6c9: {  	v46 =	vld [tilespmem:s15+$0x50]  }
0x6ca: {  	v48 =	vld [tilespmem:s14+$0x50]  }
0x6cb: {  	v50 =	vld [tilespmem:s15+$0x850]  }
0x6cc: {  	s0 =	sadd.s32 $0x1, s0;
	v47 =	vld [tilespmem:s2+$0x60]  }
0x6cd: {  	v0 =	vld [tilespmem:s15+$0x60]  }
0x6ce: {  	v1 =	vld [tilespmem:s14+$0x60]  }
0x6cf: {  	v2 =	vld [tilespmem:s15+$0x860]  }
0x6d0: {  	v3 =	vld [tilespmem:s2+$0x70]  }
0x6d1: {  	v4 =	vld [tilespmem:s15+$0x70];
	v5 =	vor.u32 $0x440, v25;
	v6 =	vadd.s32 $0x441, v25  }
0x6d2: {  	v7 =	vld [tilespmem:s14+$0x70];
	v8 =	vadd.s32 $0x442, v25;
	v9 =	vadd.s32 $0x820, v25;
	v10 =	vadd.s32 $0x821, v25  }
0x6d3: {  	v11 =	vld [tilespmem:s15+$0x870];
	v12 =	vadd.s32 $0x822, v25;
	v13 =	vadd.s32 $0x850, v25;
	v14 =	vadd.s32 $0x851, v25  }
0x6d4: {  	v15 =	vld [tilespmem:s20+$0x40];
	v16 =	vadd.s32 $0x852, v25;
	v17 =	vmul.f32 v44, v42;
	v18 =	vmul.f32 v49, v45  }
0x6d5: {  	v19 =	vld [tilespmem:s18+$0x40];
	v24 =	vor.u32 v62, v37;
	v5 =	vor.u32 v5, v37;
	v6 =	vor.u32 v6, v37  }
0x6d6: {  	v21 =	vld [tilespmem:s7+$0x40];
	v8 =	vor.u32 v8, v37;
	v22 =	vmul.f32 v46, v43;
	v49 =	vmul.f32 v18, v20  }
0x6d7: {  	v26 =	vld [tilespmem:s18+$0x50];
	v9 =	vor.u32 v9, v37;
	v28 =	vmul.f32 v18, v36;
	v18 =	vmul.f32 v18, v33  }
0x6d8: {  	v27 =	vld [tilespmem:s7+$0x50];
	v10 =	vor.u32 v10, v37;
	v23 =	vmul.f32 v50, v48;
	v0 =	vmul.f32 v0, v47  }
0x6d9: {  	v46 =	vld [tilespmem:s20+$0x50];
	v12 =	vor.u32 v12, v37;
	v1 =	vmul.f32 v2, v1;
	v3 =	vmul.f32 v4, v3  }
0x6da: {  	v29 =	vld [tilespmem:s20+$0x60];
	v13 =	vor.u32 v13, v37;
	v4 =	vmul.f32 v11, v7;
	v11 =	vmul.f32 v15, v17  }
0x6db: {  	v14 =	vor.u32 v14, v37;
	v19 =	vmul.f32 v19, v17;
	v17 =	vmul.f32 v21, v17  }
0x6dc: {  	v31 =	vld [tilespmem:s7+$0x60];
	v16 =	vor.u32 v16, v37;
	v30 =	vmul.f32 v23, v20;
	v26 =	vmul.f32 v26, v22  }
0x6dd: {  	v34 =	vld [tilespmem:s18+$0x70];
	v48 =	vor.u32 v63, v37;
	v32 =	vmul.f32 v23, v36;
	v23 =	vmul.f32 v23, v33  }
0x6de: {  	v35 =	vld [tilespmem:s7+$0x70];
	v7 =	vor.u32 v59, v37;
	v25 =	vmul.f32 v46, v22;
	v22 =	vmul.f32 v27, v22  }
0x6df: {  	v50 =	vld [tilespmem:s18+$0x60];
	v11 =	vadd.f32 v49, v11;
	v52 =	vmul.f32 v29, v0;
	v29 =	vmul.f32 v1, v20  }
0x6e0: {  	v51 =	vld [tilespmem:s20+$0x70];
	v19 =	vadd.f32 v19, v28;
	v28 =	vmul.f32 v1, v36;
	v17 =	vadd.f32 v17, v18  }
0x6e1: {  	v1 =	vmul.f32 v1, v33;
	v53 =	vmul.f32 v4, v20;
	[tilespmem:v5+s3+$0x0] =	vst.idx.add.f32.msk $0xffff, v11  }
0x6e2: {  	v54 =	vmul.f32 v34, v3;
	v5 =	vadd.f32 v30, v25;
	[tilespmem:v6+s3+$0x0] =	vst.idx.add.f32.msk $0xffff, v19  }
0x6e3: {  	v56 =	vmul.f32 v35, v3;
	v6 =	vadd.f32 v26, v32;
	[tilespmem:v8+s3+$0x0] =	vst.idx.add.f32.msk $0xffff, v17  }
0x6e4: {  	v21 =	vmul.f32 v50, v0;
	v8 =	vadd.f32 v22, v23;
	[tilespmem:v24+s3+$0x0] =	vst.idx.add.f32.msk $0xffff, v5  }
0x6e5: {  	v0 =	vmul.f32 v31, v0;
	v5 =	vadd.f32 v29, v52;
	[tilespmem:v48+s3+$0x0] =	vst.idx.add.f32.msk $0xffff, v6  }
0x6e6: {  	v11 =	vmul.f32 v51, v3;
	v55 =	vadd.f32 v21, v28;
	[tilespmem:v7+s3+$0x0] =	vst.idx.add.f32.msk $0xffff, v8  }
0x6e7: {  	v0 =	vadd.f32 v0, v1;
	v6 =	vmul.f32 v4, v36;
	[tilespmem:v9+s3+$0x0] =	vst.idx.add.f32.msk $0xffff, v5  }
0x6e8: {  	v57 =	vadd.f32 v53, v11;
	v4 =	vmul.f32 v4, v33;
	[tilespmem:v10+s3+$0x0] =	vst.idx.add.f32.msk $0xffff, v55  }
0x6e9: {  	v58 =	vadd.f32 v54, v6;
	[tilespmem:v12+s3+$0x0] =	vst.idx.add.f32.msk $0xffff, v0  }
0x6ea: {  	v60 =	vadd.f32 v56, v4;
	[tilespmem:v13+s3+$0x0] =	vst.idx.add.f32.msk $0xffff, v57  }
0x6eb: {  	[tilespmem:v14+s3+$0x0] =	vst.idx.add.f32.msk $0xffff, v58  }
0x6ec: {  	[tilespmem:v16+s3+$0x0] =	vst.idx.add.f32.msk $0xffff, v60  }
.Ltmp24:
0x6ed: {  	v10 =	vld [tilespmem:$0x1FF20];
	(pc) =	sbr.rel .LBB2_32-.Ltmp24, $3  }
0x6ee: {  	_ =	sdelay $0x1  }
0x6ef: {  	v31 =	vimm.f32 $0.0e+00;
	v11 =	vld [tilespmem:$0x1FF30]  }
0x6f0: {  	v32 =	vimm.s32 $0x0;
	v9 =	vimm.f32 $1.000000000e+00;
	v60 =	vlaneseq.u32;
	v7 =	vld [tilespmem:$0x1FDF0]  }
.LBB2_36:
0x6f1: {  	_ =	sfence.sel $0x180000  }
0x6f2: {  	[bflag:$0x0] =	sbarrier.arrive $0xFFFF  }
0x6f3: {  	_ =	strace $0x90000047  }
0x6f4: {  	s0 =	stileid.u32;
	[bflag:$0x2] =	sbarrier.arrive $0xFFFF  }
0x6f5: {  	p0 =	sne.s32 s0, $0x0;
	s0 =	rddreg [dreg:$0x3]  }
0x6f6: {  	s0 =	sadd.s32 @!p0 $0x100000, s0  }
0x6f7: {  	[sflag:s0] =	ssyncadd.tile.s32 @!p0 $0x1;
	_ =	shalt  }
.Lfunc_end2:
_tile_overlayer_lowered:
.L_overlay_start_2:
0x6f8: {  	(tag) =	ssettag $0x2  }
0x6f9: {  	s0 =	rddreg [dreg:$0x0];
	s2 =	stileid.u32  }
0x6fa: {  	s1 =	rddreg [dreg:$0x1];
	p0 =	sne.s32 s2, $0x0  }
0x6fb: {  	s3 =	rddreg [dreg:$0x2];
	[bflag:$0x3] =	sbarrier.arrive $0xFFFF;
	s2 =	simm.s32 @!p0 $0x1C06  }
0x6fc: {  	[timem:s3], [sflag:s2] =	dma.local @!p0 [hbm:s0], s1  }
0x6fd: {  	s0 =	simm.s32 @!p0 $0x6  }
0x6fe: {  	_ =	swait.ge @!p0 [sflag:s0], s1  }
0x6ff: {  	s1 =	ssub.s32 @!p0 $0x0, s1;
	[sflag:s0] =	ssyncset.done @!p0 $0x0  }
0x700: {  	[sflag:s0] =	ssyncadd.s32 @!p0 s1  }
0x701: {  	[bflag:$0x3] =	sbarrier.arrive $0xFFFF  }
0x702: {  	_ =	shalt  }

</sc_bundles>
